<compile_context>
chip_gen: v7x
topology: tpu7x:2x2x1
jax: 0.10.2.dev20260603
libtpu: 0.0.44.dev20260713+nightly
codegen_flags: <defaults>
</compile_context>

<pallas_src>
import functools

import jax
import jax.numpy as jnp
from jax import lax
from jax.experimental import pallas as pl
from jax.experimental.pallas import tpu as pltpu
from jax.experimental.pallas import tpu_sc as plsc

BATCH = 16384
EMBED_DIM = 128
NC = 2
NS = 16
NW = NC * NS
TOK_PER_W = BATCH // NW
CHUNK = 64
NCHUNK = TOK_PER_W // CHUNK
GROUPS = CHUNK // 16
KV = EMBED_DIM // 16
NBUF = 3


def _dot_chunk(u_rows, i_rows, out_v, j, lanes):
    def group_body(g, _):
        t0 = g * 16

        def tok_body(tt, vec):
            t = t0 + tt
            prods = [u_rows[t, pl.ds(k * 16, 16)] * i_rows[t, pl.ds(k * 16, 16)]
                     for k in range(KV)]
            while len(prods) > 1:
                prods = [prods[p] + prods[p + 1]
                         for p in range(0, len(prods) - 1, 2)] + (
                            [prods[-1]] if len(prods) % 2 else [])
            s = jnp.sum(prods[0])
            return jnp.where(lanes == tt, s, vec)

        vec = lax.fori_loop(0, 16, tok_body, jnp.zeros((16,), jnp.float32),
                            unroll=2)
        out_v[pl.ds(j * CHUNK + t0, 16)] = vec
        return 0

    lax.fori_loop(0, GROUPS, group_body, 0)


@functools.partial(
    pl.kernel,
    mesh=plsc.VectorSubcoreMesh(core_axis_name="c", subcore_axis_name="s"),
    out_type=jax.ShapeDtypeStruct((BATCH,), jnp.float32),
    compiler_params=pltpu.CompilerParams(needs_layout_passes=False),
    scratch_types=[
        pltpu.VMEM((TOK_PER_W,), jnp.int32),
        pltpu.VMEM((TOK_PER_W,), jnp.int32),
        pltpu.VMEM((NBUF, CHUNK, EMBED_DIM), jnp.float32),
        pltpu.VMEM((NBUF, CHUNK, EMBED_DIM), jnp.float32),
        pltpu.VMEM((TOK_PER_W,), jnp.float32),
        pltpu.SemaphoreType.DMA,
        pltpu.SemaphoreType.DMA,
        pltpu.SemaphoreType.DMA,
    ],
)
def _sc_dot(u_idx_hbm, i_idx_hbm, u_tab, i_tab, out_hbm,
            u_idx_v, i_idx_v, u_rows3, i_rows3, out_v, sem0, sem1, sem2):
    c = lax.axis_index("c")
    s = lax.axis_index("s")
    wid = s * NC + c
    sems = (sem0, sem1, sem2)

    cu_idx = pltpu.async_copy(
        u_idx_hbm.at[pl.ds(wid * TOK_PER_W, TOK_PER_W)], u_idx_v, sem0)
    ci_idx = pltpu.async_copy(
        i_idx_hbm.at[pl.ds(wid * TOK_PER_W, TOK_PER_W)], i_idx_v, sem1)
    cu_idx.wait()
    ci_idx.wait()

    def start(j):
        b = j % NBUF
        cu = pltpu.async_copy(
            u_tab.at[u_idx_v.at[pl.ds(j * CHUNK, CHUNK)]],
            u_rows3.at[b], sems[b])
        ci = pltpu.async_copy(
            i_tab.at[i_idx_v.at[pl.ds(j * CHUNK, CHUNK)]],
            i_rows3.at[b], sems[b])
        return cu, ci

    lanes = lax.iota(jnp.int32, 16)
    pend = {0: start(0), 1: start(1)}
    for j in range(NCHUNK):
        if j + 2 < NCHUNK:
            pend[j + 2] = start(j + 2)
        cu, ci = pend.pop(j)
        cu.wait()
        ci.wait()
        b = j % NBUF
        _dot_chunk(u_rows3.at[b], i_rows3.at[b], out_v, j, lanes)

    pltpu.sync_copy(out_v, out_hbm.at[pl.ds(wid * TOK_PER_W, TOK_PER_W)])


def kernel(users, items, users_embedding, items_embedding):
    return _sc_dot(users, items, users_embedding, items_embedding)

# --- scband reference (transcript-rebuilt; emitter-appended) ---
"""Pipeline reference for scband-matrix-factorization-10617159155954 (READ-ONLY COPY).

The authoritative reference and input builder live on the scoring server;
editing this copy changes nothing except your own understanding.
"""

import jax, jax.numpy as jnp
import numpy as np

N_USERS = 100000
N_ITEMS = 100000
EMBED_DIM = 128
BATCH = 16384

def setup_inputs(seed: int = 0) -> dict:
    key = jax.random.key(seed)
    k1, k2, k3, k4 = jax.random.split(key, 4)
    users = jax.random.randint(k1, (BATCH,), 0, N_USERS, dtype=jnp.int64 if jax.config.jax_enable_x64 else jnp.int32).astype(jnp.int32)
    items = jax.random.randint(k2, (BATCH,), 0, N_ITEMS, dtype=jnp.int64 if jax.config.jax_enable_x64 else jnp.int32).astype(jnp.int32)
    # Learned parameters: embedding tables initialized uniform(0, 0.05) as in torch module
    users_embedding = jax.random.uniform(k3, (N_USERS, EMBED_DIM), dtype=jnp.float32, minval=0.0, maxval=0.05)
    items_embedding = jax.random.uniform(k4, (N_ITEMS, EMBED_DIM), dtype=jnp.float32, minval=0.0, maxval=0.05)
    return {"users": users, "items": items, "users_embedding": users_embedding, "items_embedding": items_embedding}

def reference(users, items, users_embedding, items_embedding):
    users_vector = jnp.take(users_embedding, users, axis=0)
    items_vector = jnp.take(items_embedding, items, axis=0)
    ratings = (users_vector * items_vector).sum(axis=1)
    return ratings

if __name__ == "__main__":
    import jax
    _d = setup_inputs()
    print(jax.jit(kernel)(*tuple(_d.values())))

</pallas_src>

<mosaic_0001>
#map = affine_map<(d0, d1) -> (0)>
#map1 = affine_map<(d0, d1) -> (0, 0)>
module attributes {stable_mosaic.version = 14 : i64} {
  func.func @_sc_dot(%arg0: i32, %arg1: i32, %arg2: memref<16384xi32, #tpu.memory_space<hbm>>, %arg3: memref<16384xi32, #tpu.memory_space<hbm>>, %arg4: memref<100000x128xf32, #tpu.memory_space<hbm>>, %arg5: memref<100000x128xf32, #tpu.memory_space<hbm>>, %arg6: memref<16384xf32, #tpu.memory_space<hbm>>, %arg7: memref<512xi32, #tpu.memory_space<vmem>>, %arg8: memref<512xi32, #tpu.memory_space<vmem>>, %arg9: memref<3x64x128xf32, #tpu.memory_space<vmem>>, %arg10: memref<3x64x128xf32, #tpu.memory_space<vmem>>, %arg11: memref<512xf32, #tpu.memory_space<vmem>>, %arg12: memref<!tpu.dma_semaphore, #tpu.memory_space<semaphore_mem>>, %arg13: memref<!tpu.dma_semaphore, #tpu.memory_space<semaphore_mem>>, %arg14: memref<!tpu.dma_semaphore, #tpu.memory_space<semaphore_mem>>) attributes {dimension_semantics = [#tpu.dimension_semantics<core_parallel>, #tpu.dimension_semantics<subcore_parallel>], iteration_bounds = array<i64: 2, 16>, scalar_prefetch = 0 : i64, scratch_operands = 8 : i64, tpu.core_type = #tpu.core_type<sc_vector_subcore>, window_params = [{transform_indices = #map}, {transform_indices = #map}, {transform_indices = #map1}, {transform_indices = #map1}, {transform_indices = #map}]} {
    %mul3A = arith.constant 2 : i32
    %mul3A_0 = arith.muli %arg1, %mul3A : i32
    %add3A = arith.addi %mul3A_0, %arg0 : i32
    %mul3A_1 = arith.constant 512 : i32
    %mul3A_2 = arith.muli %add3A, %mul3A_1 : i32
    %dma_start3A = tpu.memref_slice %arg2[%mul3A_2] : memref<16384xi32, #tpu.memory_space<hbm>> -> memref<512xi32, #tpu.memory_space<hbm>>
    %dma_start3A_3 = tpu.memref_slice %arg2[%mul3A_2] : memref<16384xi32, #tpu.memory_space<hbm>> -> memref<512xi32, #tpu.memory_space<hbm>>
    tpu.enqueue_dma source(%dma_start3A_3 : memref<512xi32, #tpu.memory_space<hbm>>) target(%arg7 : memref<512xi32, #tpu.memory_space<vmem>>) target_semaphore(%arg12 : memref<!tpu.dma_semaphore, #tpu.memory_space<semaphore_mem>>)
    %mul3A_4 = arith.constant 512 : i32
    %mul3A_5 = arith.muli %add3A, %mul3A_4 : i32
    %dma_start3A_6 = tpu.memref_slice %arg3[%mul3A_5] : memref<16384xi32, #tpu.memory_space<hbm>> -> memref<512xi32, #tpu.memory_space<hbm>>
    %dma_start3A_7 = tpu.memref_slice %arg3[%mul3A_5] : memref<16384xi32, #tpu.memory_space<hbm>> -> memref<512xi32, #tpu.memory_space<hbm>>
    tpu.enqueue_dma source(%dma_start3A_7 : memref<512xi32, #tpu.memory_space<hbm>>) target(%arg8 : memref<512xi32, #tpu.memory_space<vmem>>) target_semaphore(%arg13 : memref<!tpu.dma_semaphore, #tpu.memory_space<semaphore_mem>>)
    %dma_wait3A = tpu.memref_slice %arg2[%mul3A_2] : memref<16384xi32, #tpu.memory_space<hbm>> -> memref<512xi32, #tpu.memory_space<hbm>>
    %dma_wait3A_8 = tpu.memref_slice %arg2[%mul3A_2] : memref<16384xi32, #tpu.memory_space<hbm>> -> memref<512xi32, #tpu.memory_space<hbm>>
    tpu.wait_dma2 semaphore(%arg12 : memref<!tpu.dma_semaphore, #tpu.memory_space<semaphore_mem>>) src(%dma_wait3A_8 : memref<512xi32, #tpu.memory_space<hbm>>) dst(%arg7 : memref<512xi32, #tpu.memory_space<vmem>>)
    %dma_wait3A_9 = tpu.memref_slice %arg3[%mul3A_5] : memref<16384xi32, #tpu.memory_space<hbm>> -> memref<512xi32, #tpu.memory_space<hbm>>
    %dma_wait3A_10 = tpu.memref_slice %arg3[%mul3A_5] : memref<16384xi32, #tpu.memory_space<hbm>> -> memref<512xi32, #tpu.memory_space<hbm>>
    tpu.wait_dma2 semaphore(%arg13 : memref<!tpu.dma_semaphore, #tpu.memory_space<semaphore_mem>>) src(%dma_wait3A_10 : memref<512xi32, #tpu.memory_space<hbm>>) dst(%arg8 : memref<512xi32, #tpu.memory_space<vmem>>)
    %iota3A = tpu.iota {dimensions = array<i32: 0>} : vector<16xi32>
    %dma_start3A_11 = arith.constant 0 : i32
    %dma_start3A_12 = arith.constant 0 : i32
    %dma_start3A_13 = arith.constant 0 : i32
    %dma_start3A_14 = tpu.memref_slice %arg9[%dma_start3A_11, %dma_start3A_12, %dma_start3A_13] : memref<3x64x128xf32, #tpu.memory_space<vmem>> -> memref<1x64x128xf32, #tpu.memory_space<vmem>>
    %dma_start3A_15 = tpu.memref_squeeze %dma_start3A_14 : memref<1x64x128xf32, #tpu.memory_space<vmem>> -> memref<64x128xf32, #tpu.memory_space<vmem>>
    %dma_start3A_16 = arith.constant 0 : i32
    %dma_start3A_17 = tpu.memref_slice %arg7[%dma_start3A_16] : memref<512xi32, #tpu.memory_space<vmem>> -> memref<64xi32, #tpu.memory_space<vmem>>
    %dma_start3A_18 = arith.constant 0 : i32
    %dma_start3A_19 = arith.constant 0 : i32
    %dma_start3A_20 = tpu.memref_slice %arg4[%dma_start3A_18, %dma_start3A_19] : memref<100000x128xf32, #tpu.memory_space<hbm>> -> memref<100000x128xf32, #tpu.memory_space<hbm>>
    tpu.enqueue_indirect_dma source(%dma_start3A_20 : memref<100000x128xf32, #tpu.memory_space<hbm>>) target(%dma_start3A_15 : memref<64x128xf32, #tpu.memory_space<vmem>>) offsets(%dma_start3A_17 : memref<64xi32, #tpu.memory_space<vmem>>) semaphore(%arg12 : memref<!tpu.dma_semaphore, #tpu.memory_space<semaphore_mem>>)
    %dma_start3A_21 = arith.constant 0 : i32
    %dma_start3A_22 = arith.constant 0 : i32
    %dma_start3A_23 = arith.constant 0 : i32
    %dma_start3A_24 = tpu.memref_slice %arg10[%dma_start3A_21, %dma_start3A_22, %dma_start3A_23] : memref<3x64x128xf32, #tpu.memory_space<vmem>> -> memref<1x64x128xf32, #tpu.memory_space<vmem>>
    %dma_start3A_25 = tpu.memref_squeeze %dma_start3A_24 : memref<1x64x128xf32, #tpu.memory_space<vmem>> -> memref<64x128xf32, #tpu.memory_space<vmem>>
    %dma_start3A_26 = arith.constant 0 : i32
    %dma_start3A_27 = tpu.memref_slice %arg8[%dma_start3A_26] : memref<512xi32, #tpu.memory_space<vmem>> -> memref<64xi32, #tpu.memory_space<vmem>>
    %dma_start3A_28 = arith.constant 0 : i32
    %dma_start3A_29 = arith.constant 0 : i32
    %dma_start3A_30 = tpu.memref_slice %arg5[%dma_start3A_28, %dma_start3A_29] : memref<100000x128xf32, #tpu.memory_space<hbm>> -> memref<100000x128xf32, #tpu.memory_space<hbm>>
    tpu.enqueue_indirect_dma source(%dma_start3A_30 : memref<100000x128xf32, #tpu.memory_space<hbm>>) target(%dma_start3A_25 : memref<64x128xf32, #tpu.memory_space<vmem>>) offsets(%dma_start3A_27 : memref<64xi32, #tpu.memory_space<vmem>>) semaphore(%arg12 : memref<!tpu.dma_semaphore, #tpu.memory_space<semaphore_mem>>)
    %dma_start3A_31 = arith.constant 1 : i32
    %dma_start3A_32 = arith.constant 0 : i32
    %dma_start3A_33 = arith.constant 0 : i32
    %dma_start3A_34 = tpu.memref_slice %arg9[%dma_start3A_31, %dma_start3A_32, %dma_start3A_33] : memref<3x64x128xf32, #tpu.memory_space<vmem>> -> memref<1x64x128xf32, #tpu.memory_space<vmem>>
    %dma_start3A_35 = tpu.memref_squeeze %dma_start3A_34 : memref<1x64x128xf32, #tpu.memory_space<vmem>> -> memref<64x128xf32, #tpu.memory_space<vmem>>
    %dma_start3A_36 = arith.constant 64 : i32
    %dma_start3A_37 = tpu.memref_slice %arg7[%dma_start3A_36] : memref<512xi32, #tpu.memory_space<vmem>> -> memref<64xi32, #tpu.memory_space<vmem>>
    %dma_start3A_38 = arith.constant 0 : i32
    %dma_start3A_39 = arith.constant 0 : i32
    %dma_start3A_40 = tpu.memref_slice %arg4[%dma_start3A_38, %dma_start3A_39] : memref<100000x128xf32, #tpu.memory_space<hbm>> -> memref<100000x128xf32, #tpu.memory_space<hbm>>
    tpu.enqueue_indirect_dma source(%dma_start3A_40 : memref<100000x128xf32, #tpu.memory_space<hbm>>) target(%dma_start3A_35 : memref<64x128xf32, #tpu.memory_space<vmem>>) offsets(%dma_start3A_37 : memref<64xi32, #tpu.memory_space<vmem>>) semaphore(%arg13 : memref<!tpu.dma_semaphore, #tpu.memory_space<semaphore_mem>>)
    %dma_start3A_41 = arith.constant 1 : i32
    %dma_start3A_42 = arith.constant 0 : i32
    %dma_start3A_43 = arith.constant 0 : i32
    %dma_start3A_44 = tpu.memref_slice %arg10[%dma_start3A_41, %dma_start3A_42, %dma_start3A_43] : memref<3x64x128xf32, #tpu.memory_space<vmem>> -> memref<1x64x128xf32, #tpu.memory_space<vmem>>
    %dma_start3A_45 = tpu.memref_squeeze %dma_start3A_44 : memref<1x64x128xf32, #tpu.memory_space<vmem>> -> memref<64x128xf32, #tpu.memory_space<vmem>>
    %dma_start3A_46 = arith.constant 64 : i32
    %dma_start3A_47 = tpu.memref_slice %arg8[%dma_start3A_46] : memref<512xi32, #tpu.memory_space<vmem>> -> memref<64xi32, #tpu.memory_space<vmem>>
    %dma_start3A_48 = arith.constant 0 : i32
    %dma_start3A_49 = arith.constant 0 : i32
    %dma_start3A_50 = tpu.memref_slice %arg5[%dma_start3A_48, %dma_start3A_49] : memref<100000x128xf32, #tpu.memory_space<hbm>> -> memref<100000x128xf32, #tpu.memory_space<hbm>>
    tpu.enqueue_indirect_dma source(%dma_start3A_50 : memref<100000x128xf32, #tpu.memory_space<hbm>>) target(%dma_start3A_45 : memref<64x128xf32, #tpu.memory_space<vmem>>) offsets(%dma_start3A_47 : memref<64xi32, #tpu.memory_space<vmem>>) semaphore(%arg13 : memref<!tpu.dma_semaphore, #tpu.memory_space<semaphore_mem>>)
    %dma_start3A_51 = arith.constant 2 : i32
    %dma_start3A_52 = arith.constant 0 : i32
    %dma_start3A_53 = arith.constant 0 : i32
    %dma_start3A_54 = tpu.memref_slice %arg9[%dma_start3A_51, %dma_start3A_52, %dma_start3A_53] : memref<3x64x128xf32, #tpu.memory_space<vmem>> -> memref<1x64x128xf32, #tpu.memory_space<vmem>>
    %dma_start3A_55 = tpu.memref_squeeze %dma_start3A_54 : memref<1x64x128xf32, #tpu.memory_space<vmem>> -> memref<64x128xf32, #tpu.memory_space<vmem>>
    %dma_start3A_56 = arith.constant 128 : i32
    %dma_start3A_57 = tpu.memref_slice %arg7[%dma_start3A_56] : memref<512xi32, #tpu.memory_space<vmem>> -> memref<64xi32, #tpu.memory_space<vmem>>
    %dma_start3A_58 = arith.constant 0 : i32
    %dma_start3A_59 = arith.constant 0 : i32
    %dma_start3A_60 = tpu.memref_slice %arg4[%dma_start3A_58, %dma_start3A_59] : memref<100000x128xf32, #tpu.memory_space<hbm>> -> memref<100000x128xf32, #tpu.memory_space<hbm>>
    tpu.enqueue_indirect_dma source(%dma_start3A_60 : memref<100000x128xf32, #tpu.memory_space<hbm>>) target(%dma_start3A_55 : memref<64x128xf32, #tpu.memory_space<vmem>>) offsets(%dma_start3A_57 : memref<64xi32, #tpu.memory_space<vmem>>) semaphore(%arg14 : memref<!tpu.dma_semaphore, #tpu.memory_space<semaphore_mem>>)
    %dma_start3A_61 = arith.constant 2 : i32
    %dma_start3A_62 = arith.constant 0 : i32
    %dma_start3A_63 = arith.constant 0 : i32
    %dma_start3A_64 = tpu.memref_slice %arg10[%dma_start3A_61, %dma_start3A_62, %dma_start3A_63] : memref<3x64x128xf32, #tpu.memory_space<vmem>> -> memref<1x64x128xf32, #tpu.memory_space<vmem>>
    %dma_start3A_65 = tpu.memref_squeeze %dma_start3A_64 : memref<1x64x128xf32, #tpu.memory_space<vmem>> -> memref<64x128xf32, #tpu.memory_space<vmem>>
    %dma_start3A_66 = arith.constant 128 : i32
    %dma_start3A_67 = tpu.memref_slice %arg8[%dma_start3A_66] : memref<512xi32, #tpu.memory_space<vmem>> -> memref<64xi32, #tpu.memory_space<vmem>>
    %dma_start3A_68 = arith.constant 0 : i32
    %dma_start3A_69 = arith.constant 0 : i32
    %dma_start3A_70 = tpu.memref_slice %arg5[%dma_start3A_68, %dma_start3A_69] : memref<100000x128xf32, #tpu.memory_space<hbm>> -> memref<100000x128xf32, #tpu.memory_space<hbm>>
    tpu.enqueue_indirect_dma source(%dma_start3A_70 : memref<100000x128xf32, #tpu.memory_space<hbm>>) target(%dma_start3A_65 : memref<64x128xf32, #tpu.memory_space<vmem>>) offsets(%dma_start3A_67 : memref<64xi32, #tpu.memory_space<vmem>>) semaphore(%arg14 : memref<!tpu.dma_semaphore, #tpu.memory_space<semaphore_mem>>)
    %dma_wait3A_71 = arith.constant 0 : i32
    %dma_wait3A_72 = arith.constant 0 : i32
    %dma_wait3A_73 = arith.constant 0 : i32
    %dma_wait3A_74 = tpu.memref_slice %arg9[%dma_wait3A_71, %dma_wait3A_72, %dma_wait3A_73] : memref<3x64x128xf32, #tpu.memory_space<vmem>> -> memref<1x64x128xf32, #tpu.memory_space<vmem>>
    %dma_wait3A_75 = tpu.memref_squeeze %dma_wait3A_74 : memref<1x64x128xf32, #tpu.memory_space<vmem>> -> memref<64x128xf32, #tpu.memory_space<vmem>>
    %dma_wait3A_76 = arith.constant 0 : i32
    %dma_wait3A_77 = tpu.memref_slice %arg7[%dma_wait3A_76] : memref<512xi32, #tpu.memory_space<vmem>> -> memref<64xi32, #tpu.memory_space<vmem>>
    %dma_wait3A_78 = arith.constant 0 : i32
    %dma_wait3A_79 = arith.constant 0 : i32
    %dma_wait3A_80 = tpu.memref_slice %arg4[%dma_wait3A_78, %dma_wait3A_79] : memref<100000x128xf32, #tpu.memory_space<hbm>> -> memref<100000x128xf32, #tpu.memory_space<hbm>>
    tpu.wait_indirect_dma semaphore(%arg12 : memref<!tpu.dma_semaphore, #tpu.memory_space<semaphore_mem>>) src(%dma_wait3A_80 : memref<100000x128xf32, #tpu.memory_space<hbm>>) dst(%dma_wait3A_75 : memref<64x128xf32, #tpu.memory_space<vmem>>)
    %dma_wait3A_81 = arith.constant 0 : i32
    %dma_wait3A_82 = arith.constant 0 : i32
    %dma_wait3A_83 = arith.constant 0 : i32
    %dma_wait3A_84 = tpu.memref_slice %arg10[%dma_wait3A_81, %dma_wait3A_82, %dma_wait3A_83] : memref<3x64x128xf32, #tpu.memory_space<vmem>> -> memref<1x64x128xf32, #tpu.memory_space<vmem>>
    %dma_wait3A_85 = tpu.memref_squeeze %dma_wait3A_84 : memref<1x64x128xf32, #tpu.memory_space<vmem>> -> memref<64x128xf32, #tpu.memory_space<vmem>>
    %dma_wait3A_86 = arith.constant 0 : i32
    %dma_wait3A_87 = tpu.memref_slice %arg8[%dma_wait3A_86] : memref<512xi32, #tpu.memory_space<vmem>> -> memref<64xi32, #tpu.memory_space<vmem>>
    %dma_wait3A_88 = arith.constant 0 : i32
    %dma_wait3A_89 = arith.constant 0 : i32
    %dma_wait3A_90 = tpu.memref_slice %arg5[%dma_wait3A_88, %dma_wait3A_89] : memref<100000x128xf32, #tpu.memory_space<hbm>> -> memref<100000x128xf32, #tpu.memory_space<hbm>>
    tpu.wait_indirect_dma semaphore(%arg12 : memref<!tpu.dma_semaphore, #tpu.memory_space<semaphore_mem>>) src(%dma_wait3A_90 : memref<100000x128xf32, #tpu.memory_space<hbm>>) dst(%dma_wait3A_85 : memref<64x128xf32, #tpu.memory_space<vmem>>)
    %scan3A = arith.constant 0 : i32
    %scan3A_91 = arith.constant 0 : i32
    %scan3A_92 = arith.constant 0 : i32
    %scan3A_93 = arith.constant 0 : i32
    %scan3A_94 = arith.constant 4 : i32
    %scan3A_95 = arith.addi %scan3A_93, %scan3A_94 : i32
    %scan3A_96 = arith.constant 1 : i32
    %scan3A_97 = scf.for %scan3A_404 = %scan3A_93 to %scan3A_95 step %scan3A_96 iter_args(%scan3A_405 = %scan3A_92) -> (i32)  : i32 {
      %mul3A_406 = arith.constant 16 : i32
      %mul3A_407 = arith.muli %scan3A_404, %mul3A_406 : i32
      %broadcast_in_dim3A = arith.constant 0.000000e+00 : f32
      %broadcast_in_dim3A_408 = vector.broadcast %broadcast_in_dim3A : f32 to vector<16xf32>
      %scan3A_409 = arith.constant 0 : i32
      %scan3A_410 = arith.constant 16 : i32
      %scan3A_411 = arith.addi %scan3A_409, %scan3A_410 : i32
      %scan3A_412 = arith.constant 2 : i32
      %scan3A_413 = scf.for %scan3A_419 = %scan3A_409 to %scan3A_411 step %scan3A_412 iter_args(%scan3A_420 = %broadcast_in_dim3A_408) -> (vector<16xf32>)  : i32 {
        %add3A_421 = arith.addi %mul3A_407, %scan3A_419 : i32
        %get3A = arith.constant 0 : i32
        %get3A_422 = arith.constant 0 : i32
        %get3A_423 = tpu.memref_slice %arg9[%scan3A, %get3A, %get3A_422] : memref<3x64x128xf32, #tpu.memory_space<vmem>> -> memref<1x64x128xf32, #tpu.memory_space<vmem>>
        %get3A_424 = tpu.memref_squeeze %get3A_423 : memref<1x64x128xf32, #tpu.memory_space<vmem>> -> memref<64x128xf32, #tpu.memory_space<vmem>>
        %get3A_425 = arith.index_cast %add3A_421 : i32 to index
        %get3A_426 = arith.constant 0 : index
        %get3A_427 = tpu.vector_load %get3A_424[%get3A_425, %get3A_426] {strides = array<i32>} : memref<64x128xf32, #tpu.memory_space<vmem>>, vector<16xf32>,
        %get3A_428 = arith.constant 0 : i32
        %get3A_429 = arith.constant 0 : i32
        %get3A_430 = tpu.memref_slice %arg10[%scan3A_91, %get3A_428, %get3A_429] : memref<3x64x128xf32, #tpu.memory_space<vmem>> -> memref<1x64x128xf32, #tpu.memory_space<vmem>>
        %get3A_431 = tpu.memref_squeeze %get3A_430 : memref<1x64x128xf32, #tpu.memory_space<vmem>> -> memref<64x128xf32, #tpu.memory_space<vmem>>
        %get3A_432 = arith.index_cast %add3A_421 : i32 to index
        %get3A_433 = arith.constant 0 : index
        %get3A_434 = tpu.vector_load %get3A_431[%get3A_432, %get3A_433] {strides = array<i32>} : memref<64x128xf32, #tpu.memory_space<vmem>>, vector<16xf32>,
        %mul3A_435 = arith.mulf %get3A_427, %get3A_434 : vector<16xf32>
        %get3A_436 = arith.constant 0 : i32
        %get3A_437 = arith.constant 0 : i32
        %get3A_438 = tpu.memref_slice %arg9[%scan3A, %get3A_436, %get3A_437] : memref<3x64x128xf32, #tpu.memory_space<vmem>> -> memref<1x64x128xf32, #tpu.memory_space<vmem>>
        %get3A_439 = tpu.memref_squeeze %get3A_438 : memref<1x64x128xf32, #tpu.memory_space<vmem>> -> memref<64x128xf32, #tpu.memory_space<vmem>>
        %get3A_440 = arith.index_cast %add3A_421 : i32 to index
        %get3A_441 = arith.constant 16 : index
        %get3A_442 = tpu.vector_load %get3A_439[%get3A_440, %get3A_441] {strides = array<i32>} : memref<64x128xf32, #tpu.memory_space<vmem>>, vector<16xf32>,
        %get3A_443 = arith.constant 0 : i32
        %get3A_444 = arith.constant 0 : i32
        %get3A_445 = tpu.memref_slice %arg10[%scan3A_91, %get3A_443, %get3A_444] : memref<3x64x128xf32, #tpu.memory_space<vmem>> -> memref<1x64x128xf32, #tpu.memory_space<vmem>>
        %get3A_446 = tpu.memref_squeeze %get3A_445 : memref<1x64x128xf32, #tpu.memory_space<vmem>> -> memref<64x128xf32, #tpu.memory_space<vmem>>
        %get3A_447 = arith.index_cast %add3A_421 : i32 to index
        %get3A_448 = arith.constant 16 : index
        %get3A_449 = tpu.vector_load %get3A_446[%get3A_447, %get3A_448] {strides = array<i32>} : memref<64x128xf32, #tpu.memory_space<vmem>>, vector<16xf32>,
        %mul3A_450 = arith.mulf %get3A_442, %get3A_449 : vector<16xf32>
        %get3A_451 = arith.constant 0 : i32
        %get3A_452 = arith.constant 0 : i32
        %get3A_453 = tpu.memref_slice %arg9[%scan3A, %get3A_451, %get3A_452] : memref<3x64x128xf32, #tpu.memory_space<vmem>> -> memref<1x64x128xf32, #tpu.memory_space<vmem>>
        %get3A_454 = tpu.memref_squeeze %get3A_453 : memref<1x64x128xf32, #tpu.memory_space<vmem>> -> memref<64x128xf32, #tpu.memory_space<vmem>>
        %get3A_455 = arith.index_cast %add3A_421 : i32 to index
        %get3A_456 = arith.constant 32 : index
        %get3A_457 = tpu.vector_load %get3A_454[%get3A_455, %get3A_456] {strides = array<i32>} : memref<64x128xf32, #tpu.memory_space<vmem>>, vector<16xf32>,
        %get3A_458 = arith.constant 0 : i32
        %get3A_459 = arith.constant 0 : i32
        %get3A_460 = tpu.memref_slice %arg10[%scan3A_91, %get3A_458, %get3A_459] : memref<3x64x128xf32, #tpu.memory_space<vmem>> -> memref<1x64x128xf32, #tpu.memory_space<vmem>>
        %get3A_461 = tpu.memref_squeeze %get3A_460 : memref<1x64x128xf32, #tpu.memory_space<vmem>> -> memref<64x128xf32, #tpu.memory_space<vmem>>
        %get3A_462 = arith.index_cast %add3A_421 : i32 to index
        %get3A_463 = arith.constant 32 : index
        %get3A_464 = tpu.vector_load %get3A_461[%get3A_462, %get3A_463] {strides = array<i32>} : memref<64x128xf32, #tpu.memory_space<vmem>>, vector<16xf32>,
        %mul3A_465 = arith.mulf %get3A_457, %get3A_464 : vector<16xf32>
        %get3A_466 = arith.constant 0 : i32
        %get3A_467 = arith.constant 0 : i32
        %get3A_468 = tpu.memref_slice %arg9[%scan3A, %get3A_466, %get3A_467] : memref<3x64x128xf32, #tpu.memory_space<vmem>> -> memref<1x64x128xf32, #tpu.memory_space<vmem>>
        %get3A_469 = tpu.memref_squeeze %get3A_468 : memref<1x64x128xf32, #tpu.memory_space<vmem>> -> memref<64x128xf32, #tpu.memory_space<vmem>>
        %get3A_470 = arith.index_cast %add3A_421 : i32 to index
        %get3A_471 = arith.constant 48 : index
        %get3A_472 = tpu.vector_load %get3A_469[%get3A_470, %get3A_471] {strides = array<i32>} : memref<64x128xf32, #tpu.memory_space<vmem>>, vector<16xf32>,
        %get3A_473 = arith.constant 0 : i32
        %get3A_474 = arith.constant 0 : i32
        %get3A_475 = tpu.memref_slice %arg10[%scan3A_91, %get3A_473, %get3A_474] : memref<3x64x128xf32, #tpu.memory_space<vmem>> -> memref<1x64x128xf32, #tpu.memory_space<vmem>>
        %get3A_476 = tpu.memref_squeeze %get3A_475 : memref<1x64x128xf32, #tpu.memory_space<vmem>> -> memref<64x128xf32, #tpu.memory_space<vmem>>
        %get3A_477 = arith.index_cast %add3A_421 : i32 to index
        %get3A_478 = arith.constant 48 : index
        %get3A_479 = tpu.vector_load %get3A_476[%get3A_477, %get3A_478] {strides = array<i32>} : memref<64x128xf32, #tpu.memory_space<vmem>>, vector<16xf32>,
        %mul3A_480 = arith.mulf %get3A_472, %get3A_479 : vector<16xf32>
        %get3A_481 = arith.constant 0 : i32
        %get3A_482 = arith.constant 0 : i32
        %get3A_483 = tpu.memref_slice %arg9[%scan3A, %get3A_481, %get3A_482] : memref<3x64x128xf32, #tpu.memory_space<vmem>> -> memref<1x64x128xf32, #tpu.memory_space<vmem>>
        %get3A_484 = tpu.memref_squeeze %get3A_483 : memref<1x64x128xf32, #tpu.memory_space<vmem>> -> memref<64x128xf32, #tpu.memory_space<vmem>>
        %get3A_485 = arith.index_cast %add3A_421 : i32 to index
        %get3A_486 = arith.constant 64 : index
        %get3A_487 = tpu.vector_load %get3A_484[%get3A_485, %get3A_486] {strides = array<i32>} : memref<64x128xf32, #tpu.memory_space<vmem>>, vector<16xf32>,
        %get3A_488 = arith.constant 0 : i32
        %get3A_489 = arith.constant 0 : i32
        %get3A_490 = tpu.memref_slice %arg10[%scan3A_91, %get3A_488, %get3A_489] : memref<3x64x128xf32, #tpu.memory_space<vmem>> -> memref<1x64x128xf32, #tpu.memory_space<vmem>>
        %get3A_491 = tpu.memref_squeeze %get3A_490 : memref<1x64x128xf32, #tpu.memory_space<vmem>> -> memref<64x128xf32, #tpu.memory_space<vmem>>
        %get3A_492 = arith.index_cast %add3A_421 : i32 to index
        %get3A_493 = arith.constant 64 : index
        %get3A_494 = tpu.vector_load %get3A_491[%get3A_492, %get3A_493] {strides = array<i32>} : memref<64x128xf32, #tpu.memory_space<vmem>>, vector<16xf32>,
        %mul3A_495 = arith.mulf %get3A_487, %get3A_494 : vector<16xf32>
        %get3A_496 = arith.constant 0 : i32
        %get3A_497 = arith.constant 0 : i32
        %get3A_498 = tpu.memref_slice %arg9[%scan3A, %get3A_496, %get3A_497] : memref<3x64x128xf32, #tpu.memory_space<vmem>> -> memref<1x64x128xf32, #tpu.memory_space<vmem>>
        %get3A_499 = tpu.memref_squeeze %get3A_498 : memref<1x64x128xf32, #tpu.memory_space<vmem>> -> memref<64x128xf32, #tpu.memory_space<vmem>>
        %get3A_500 = arith.index_cast %add3A_421 : i32 to index
        %get3A_501 = arith.constant 80 : index
        %get3A_502 = tpu.vector_load %get3A_499[%get3A_500, %get3A_501] {strides = array<i32>} : memref<64x128xf32, #tpu.memory_space<vmem>>, vector<16xf32>,
        %get3A_503 = arith.constant 0 : i32
        %get3A_504 = arith.constant 0 : i32
        %get3A_505 = tpu.memref_slice %arg10[%scan3A_91, %get3A_503, %get3A_504] : memref<3x64x128xf32, #tpu.memory_space<vmem>> -> memref<1x64x128xf32, #tpu.memory_space<vmem>>
        %get3A_506 = tpu.memref_squeeze %get3A_505 : memref<1x64x128xf32, #tpu.memory_space<vmem>> -> memref<64x128xf32, #tpu.memory_space<vmem>>
        %get3A_507 = arith.index_cast %add3A_421 : i32 to index
        %get3A_508 = arith.constant 80 : index
        %get3A_509 = tpu.vector_load %get3A_506[%get3A_507, %get3A_508] {strides = array<i32>} : memref<64x128xf32, #tpu.memory_space<vmem>>, vector<16xf32>,
        %mul3A_510 = arith.mulf %get3A_502, %get3A_509 : vector<16xf32>
        %get3A_511 = arith.constant 0 : i32
        %get3A_512 = arith.constant 0 : i32
        %get3A_513 = tpu.memref_slice %arg9[%scan3A, %get3A_511, %get3A_512] : memref<3x64x128xf32, #tpu.memory_space<vmem>> -> memref<1x64x128xf32, #tpu.memory_space<vmem>>
        %get3A_514 = tpu.memref_squeeze %get3A_513 : memref<1x64x128xf32, #tpu.memory_space<vmem>> -> memref<64x128xf32, #tpu.memory_space<vmem>>
        %get3A_515 = arith.index_cast %add3A_421 : i32 to index
        %get3A_516 = arith.constant 96 : index
        %get3A_517 = tpu.vector_load %get3A_514[%get3A_515, %get3A_516] {strides = array<i32>} : memref<64x128xf32, #tpu.memory_space<vmem>>, vector<16xf32>,
        %get3A_518 = arith.constant 0 : i32
        %get3A_519 = arith.constant 0 : i32
        %get3A_520 = tpu.memref_slice %arg10[%scan3A_91, %get3A_518, %get3A_519] : memref<3x64x128xf32, #tpu.memory_space<vmem>> -> memref<1x64x128xf32, #tpu.memory_space<vmem>>
        %get3A_521 = tpu.memref_squeeze %get3A_520 : memref<1x64x128xf32, #tpu.memory_space<vmem>> -> memref<64x128xf32, #tpu.memory_space<vmem>>
        %get3A_522 = arith.index_cast %add3A_421 : i32 to index
        %get3A_523 = arith.constant 96 : index
        %get3A_524 = tpu.vector_load %get3A_521[%get3A_522, %get3A_523] {strides = array<i32>} : memref<64x128xf32, #tpu.memory_space<vmem>>, vector<16xf32>,
        %mul3A_525 = arith.mulf %get3A_517, %get3A_524 : vector<16xf32>
        %get3A_526 = arith.constant 0 : i32
        %get3A_527 = arith.constant 0 : i32
        %get3A_528 = tpu.memref_slice %arg9[%scan3A, %get3A_526, %get3A_527] : memref<3x64x128xf32, #tpu.memory_space<vmem>> -> memref<1x64x128xf32, #tpu.memory_space<vmem>>
        %get3A_529 = tpu.memref_squeeze %get3A_528 : memref<1x64x128xf32, #tpu.memory_space<vmem>> -> memref<64x128xf32, #tpu.memory_space<vmem>>
        %get3A_530 = arith.index_cast %add3A_421 : i32 to index
        %get3A_531 = arith.constant 112 : index
        %get3A_532 = tpu.vector_load %get3A_529[%get3A_530, %get3A_531] {strides = array<i32>} : memref<64x128xf32, #tpu.memory_space<vmem>>, vector<16xf32>,
        %get3A_533 = arith.constant 0 : i32
        %get3A_534 = arith.constant 0 : i32
        %get3A_535 = tpu.memref_slice %arg10[%scan3A_91, %get3A_533, %get3A_534] : memref<3x64x128xf32, #tpu.memory_space<vmem>> -> memref<1x64x128xf32, #tpu.memory_space<vmem>>
        %get3A_536 = tpu.memref_squeeze %get3A_535 : memref<1x64x128xf32, #tpu.memory_space<vmem>> -> memref<64x128xf32, #tpu.memory_space<vmem>>
        %get3A_537 = arith.index_cast %add3A_421 : i32 to index
        %get3A_538 = arith.constant 112 : index
        %get3A_539 = tpu.vector_load %get3A_536[%get3A_537, %get3A_538] {strides = array<i32>} : memref<64x128xf32, #tpu.memory_space<vmem>>, vector<16xf32>,
        %mul3A_540 = arith.mulf %get3A_532, %get3A_539 : vector<16xf32>
        %add3A_541 = arith.addf %mul3A_435, %mul3A_450 : vector<16xf32>
        %add3A_542 = arith.addf %mul3A_465, %mul3A_480 : vector<16xf32>
        %add3A_543 = arith.addf %mul3A_495, %mul3A_510 : vector<16xf32>
        %add3A_544 = arith.addf %mul3A_525, %mul3A_540 : vector<16xf32>
        %add3A_545 = arith.addf %add3A_541, %add3A_542 : vector<16xf32>
        %add3A_546 = arith.addf %add3A_543, %add3A_544 : vector<16xf32>
        %add3A_547 = arith.addf %add3A_545, %add3A_546 : vector<16xf32>
        %reduce_sum3A = arith.constant true
        %reduce_sum3A_548 = vector.broadcast %reduce_sum3A : i1 to vector<16xi1>
        %reduce_sum3A_549 = tpu.scan <sum>, %add3A_547 masked %reduce_sum3A_548 : vector<16xf32>, vector<16xi1> -> vector<16xf32>
        %reduce_sum3A_550 = vector.extract %reduce_sum3A_549[15] : f32 from vector<16xf32>
        %eq3A = vector.broadcast %scan3A_419 : i32 to vector<16xi32>
        %eq3A_551 = arith.cmpi eq, %iota3A, %eq3A : vector<16xi32>
        %broadcast_in_dim3A_552 = vector.broadcast %reduce_sum3A_550 : f32 to vector<16xf32>
        %select_n3A = arith.select %eq3A_551, %broadcast_in_dim3A_552, %scan3A_420 : vector<16xi1>, vector<16xf32>
        %scan3A_553 = arith.constant 1 : i32
        %scan3A_554 = arith.addi %scan3A_419, %scan3A_553 : i32
        %add3A_555 = arith.addi %mul3A_407, %scan3A_554 : i32
        %get3A_556 = arith.constant 0 : i32
        %get3A_557 = arith.constant 0 : i32
        %get3A_558 = tpu.memref_slice %arg9[%scan3A, %get3A_556, %get3A_557] : memref<3x64x128xf32, #tpu.memory_space<vmem>> -> memref<1x64x128xf32, #tpu.memory_space<vmem>>
        %get3A_559 = tpu.memref_squeeze %get3A_558 : memref<1x64x128xf32, #tpu.memory_space<vmem>> -> memref<64x128xf32, #tpu.memory_space<vmem>>
        %get3A_560 = arith.index_cast %add3A_555 : i32 to index
        %get3A_561 = arith.constant 0 : index
        %get3A_562 = tpu.vector_load %get3A_559[%get3A_560, %get3A_561] {strides = array<i32>} : memref<64x128xf32, #tpu.memory_space<vmem>>, vector<16xf32>,
        %get3A_563 = arith.constant 0 : i32
        %get3A_564 = arith.constant 0 : i32
        %get3A_565 = tpu.memref_slice %arg10[%scan3A_91, %get3A_563, %get3A_564] : memref<3x64x128xf32, #tpu.memory_space<vmem>> -> memref<1x64x128xf32, #tpu.memory_space<vmem>>
        %get3A_566 = tpu.memref_squeeze %get3A_565 : memref<1x64x128xf32, #tpu.memory_space<vmem>> -> memref<64x128xf32, #tpu.memory_space<vmem>>
        %get3A_567 = arith.index_cast %add3A_555 : i32 to index
        %get3A_568 = arith.constant 0 : index
        %get3A_569 = tpu.vector_load %get3A_566[%get3A_567, %get3A_568] {strides = array<i32>} : memref<64x128xf32, #tpu.memory_space<vmem>>, vector<16xf32>,
        %mul3A_570 = arith.mulf %get3A_562, %get3A_569 : vector<16xf32>
        %get3A_571 = arith.constant 0 : i32
        %get3A_572 = arith.constant 0 : i32
        %get3A_573 = tpu.memref_slice %arg9[%scan3A, %get3A_571, %get3A_572] : memref<3x64x128xf32, #tpu.memory_space<vmem>> -> memref<1x64x128xf32, #tpu.memory_space<vmem>>
        %get3A_574 = tpu.memref_squeeze %get3A_573 : memref<1x64x128xf32, #tpu.memory_space<vmem>> -> memref<64x128xf32, #tpu.memory_space<vmem>>
        %get3A_575 = arith.index_cast %add3A_555 : i32 to index
        %get3A_576 = arith.constant 16 : index
        %get3A_577 = tpu.vector_load %get3A_574[%get3A_575, %get3A_576] {strides = array<i32>} : memref<64x128xf32, #tpu.memory_space<vmem>>, vector<16xf32>,
        %get3A_578 = arith.constant 0 : i32
        %get3A_579 = arith.constant 0 : i32
        %get3A_580 = tpu.memref_slice %arg10[%scan3A_91, %get3A_578, %get3A_579] : memref<3x64x128xf32, #tpu.memory_space<vmem>> -> memref<1x64x128xf32, #tpu.memory_space<vmem>>
        %get3A_581 = tpu.memref_squeeze %get3A_580 : memref<1x64x128xf32, #tpu.memory_space<vmem>> -> memref<64x128xf32, #tpu.memory_space<vmem>>
        %get3A_582 = arith.index_cast %add3A_555 : i32 to index
        %get3A_583 = arith.constant 16 : index
        %get3A_584 = tpu.vector_load %get3A_581[%get3A_582, %get3A_583] {strides = array<i32>} : memref<64x128xf32, #tpu.memory_space<vmem>>, vector<16xf32>,
        %mul3A_585 = arith.mulf %get3A_577, %get3A_584 : vector<16xf32>
        %get3A_586 = arith.constant 0 : i32
        %get3A_587 = arith.constant 0 : i32
        %get3A_588 = tpu.memref_slice %arg9[%scan3A, %get3A_586, %get3A_587] : memref<3x64x128xf32, #tpu.memory_space<vmem>> -> memref<1x64x128xf32, #tpu.memory_space<vmem>>
        %get3A_589 = tpu.memref_squeeze %get3A_588 : memref<1x64x128xf32, #tpu.memory_space<vmem>> -> memref<64x128xf32, #tpu.memory_space<vmem>>
        %get3A_590 = arith.index_cast %add3A_555 : i32 to index
        %get3A_591 = arith.constant 32 : index
        %get3A_592 = tpu.vector_load %get3A_589[%get3A_590, %get3A_591] {strides = array<i32>} : memref<64x128xf32, #tpu.memory_space<vmem>>, vector<16xf32>,
        %get3A_593 = arith.constant 0 : i32
        %get3A_594 = arith.constant 0 : i32
        %get3A_595 = tpu.memref_slice %arg10[%scan3A_91, %get3A_593, %get3A_594] : memref<3x64x128xf32, #tpu.memory_space<vmem>> -> memref<1x64x128xf32, #tpu.memory_space<vmem>>
        %get3A_596 = tpu.memref_squeeze %get3A_595 : memref<1x64x128xf32, #tpu.memory_space<vmem>> -> memref<64x128xf32, #tpu.memory_space<vmem>>
        %get3A_597 = arith.index_cast %add3A_555 : i32 to index
        %get3A_598 = arith.constant 32 : index
        %get3A_599 = tpu.vector_load %get3A_596[%get3A_597, %get3A_598] {strides = array<i32>} : memref<64x128xf32, #tpu.memory_space<vmem>>, vector<16xf32>,
        %mul3A_600 = arith.mulf %get3A_592, %get3A_599 : vector<16xf32>
        %get3A_601 = arith.constant 0 : i32
        %get3A_602 = arith.constant 0 : i32
        %get3A_603 = tpu.memref_slice %arg9[%scan3A, %get3A_601, %get3A_602] : memref<3x64x128xf32, #tpu.memory_space<vmem>> -> memref<1x64x128xf32, #tpu.memory_space<vmem>>
        %get3A_604 = tpu.memref_squeeze %get3A_603 : memref<1x64x128xf32, #tpu.memory_space<vmem>> -> memref<64x128xf32, #tpu.memory_space<vmem>>
        %get3A_605 = arith.index_cast %add3A_555 : i32 to index
        %get3A_606 = arith.constant 48 : index
        %get3A_607 = tpu.vector_load %get3A_604[%get3A_605, %get3A_606] {strides = array<i32>} : memref<64x128xf32, #tpu.memory_space<vmem>>, vector<16xf32>,
        %get3A_608 = arith.constant 0 : i32
        %get3A_609 = arith.constant 0 : i32
        %get3A_610 = tpu.memref_slice %arg10[%scan3A_91, %get3A_608, %get3A_609] : memref<3x64x128xf32, #tpu.memory_space<vmem>> -> memref<1x64x128xf32, #tpu.memory_space<vmem>>
        %get3A_611 = tpu.memref_squeeze %get3A_610 : memref<1x64x128xf32, #tpu.memory_space<vmem>> -> memref<64x128xf32, #tpu.memory_space<vmem>>
        %get3A_612 = arith.index_cast %add3A_555 : i32 to index
        %get3A_613 = arith.constant 48 : index
        %get3A_614 = tpu.vector_load %get3A_611[%get3A_612, %get3A_613] {strides = array<i32>} : memref<64x128xf32, #tpu.memory_space<vmem>>, vector<16xf32>,
        %mul3A_615 = arith.mulf %get3A_607, %get3A_614 : vector<16xf32>
        %get3A_616 = arith.constant 0 : i32
        %get3A_617 = arith.constant 0 : i32
        %get3A_618 = tpu.memref_slice %arg9[%scan3A, %get3A_616, %get3A_617] : memref<3x64x128xf32, #tpu.memory_space<vmem>> -> memref<1x64x128xf32, #tpu.memory_space<vmem>>
        %get3A_619 = tpu.memref_squeeze %get3A_618 : memref<1x64x128xf32, #tpu.memory_space<vmem>> -> memref<64x128xf32, #tpu.memory_space<vmem>>
        %get3A_620 = arith.index_cast %add3A_555 : i32 to index
        %get3A_621 = arith.constant 64 : index
        %get3A_622 = tpu.vector_load %get3A_619[%get3A_620, %get3A_621] {strides = array<i32>} : memref<64x128xf32, #tpu.memory_space<vmem>>, vector<16xf32>,
        %get3A_623 = arith.constant 0 : i32
        %get3A_624 = arith.constant 0 : i32
        %get3A_625 = tpu.memref_slice %arg10[%scan3A_91, %get3A_623, %get3A_624] : memref<3x64x128xf32, #tpu.memory_space<vmem>> -> memref<1x64x128xf32, #tpu.memory_space<vmem>>
        %get3A_626 = tpu.memref_squeeze %get3A_625 : memref<1x64x128xf32, #tpu.memory_space<vmem>> -> memref<64x128xf32, #tpu.memory_space<vmem>>
        %get3A_627 = arith.index_cast %add3A_555 : i32 to index
        %get3A_628 = arith.constant 64 : index
        %get3A_629 = tpu.vector_load %get3A_626[%get3A_627, %get3A_628] {strides = array<i32>} : memref<64x128xf32, #tpu.memory_space<vmem>>, vector<16xf32>,
        %mul3A_630 = arith.mulf %get3A_622, %get3A_629 : vector<16xf32>
        %get3A_631 = arith.constant 0 : i32
        %get3A_632 = arith.constant 0 : i32
        %get3A_633 = tpu.memref_slice %arg9[%scan3A, %get3A_631, %get3A_632] : memref<3x64x128xf32, #tpu.memory_space<vmem>> -> memref<1x64x128xf32, #tpu.memory_space<vmem>>
        %get3A_634 = tpu.memref_squeeze %get3A_633 : memref<1x64x128xf32, #tpu.memory_space<vmem>> -> memref<64x128xf32, #tpu.memory_space<vmem>>
        %get3A_635 = arith.index_cast %add3A_555 : i32 to index
        %get3A_636 = arith.constant 80 : index
        %get3A_637 = tpu.vector_load %get3A_634[%get3A_635, %get3A_636] {strides = array<i32>} : memref<64x128xf32, #tpu.memory_space<vmem>>, vector<16xf32>,
        %get3A_638 = arith.constant 0 : i32
        %get3A_639 = arith.constant 0 : i32
        %get3A_640 = tpu.memref_slice %arg10[%scan3A_91, %get3A_638, %get3A_639] : memref<3x64x128xf32, #tpu.memory_space<vmem>> -> memref<1x64x128xf32, #tpu.memory_space<vmem>>
        %get3A_641 = tpu.memref_squeeze %get3A_640 : memref<1x64x128xf32, #tpu.memory_space<vmem>> -> memref<64x128xf32, #tpu.memory_space<vmem>>
        %get3A_642 = arith.index_cast %add3A_555 : i32 to index
        %get3A_643 = arith.constant 80 : index
        %get3A_644 = tpu.vector_load %get3A_641[%get3A_642, %get3A_643] {strides = array<i32>} : memref<64x128xf32, #tpu.memory_space<vmem>>, vector<16xf32>,
        %mul3A_645 = arith.mulf %get3A_637, %get3A_644 : vector<16xf32>
        %get3A_646 = arith.constant 0 : i32
        %get3A_647 = arith.constant 0 : i32
        %get3A_648 = tpu.memref_slice %arg9[%scan3A, %get3A_646, %get3A_647] : memref<3x64x128xf32, #tpu.memory_space<vmem>> -> memref<1x64x128xf32, #tpu.memory_space<vmem>>
        %get3A_649 = tpu.memref_squeeze %get3A_648 : memref<1x64x128xf32, #tpu.memory_space<vmem>> -> memref<64x128xf32, #tpu.memory_space<vmem>>
        %get3A_650 = arith.index_cast %add3A_555 : i32 to index
        %get3A_651 = arith.constant 96 : index
        %get3A_652 = tpu.vector_load %get3A_649[%get3A_650, %get3A_651] {strides = array<i32>} : memref<64x128xf32, #tpu.memory_space<vmem>>, vector<16xf32>,
        %get3A_653 = arith.constant 0 : i32
        %get3A_654 = arith.constant 0 : i32
        %get3A_655 = tpu.memref_slice %arg10[%scan3A_91, %get3A_653, %get3A_654] : memref<3x64x128xf32, #tpu.memory_space<vmem>> -> memref<1x64x128xf32, #tpu.memory_space<vmem>>
        %get3A_656 = tpu.memref_squeeze %get3A_655 : memref<1x64x128xf32, #tpu.memory_space<vmem>> -> memref<64x128xf32, #tpu.memory_space<vmem>>
        %get3A_657 = arith.index_cast %add3A_555 : i32 to index
        %get3A_658 = arith.constant 96 : index
        %get3A_659 = tpu.vector_load %get3A_656[%get3A_657, %get3A_658] {strides = array<i32>} : memref<64x128xf32, #tpu.memory_space<vmem>>, vector<16xf32>,
        %mul3A_660 = arith.mulf %get3A_652, %get3A_659 : vector<16xf32>
        %get3A_661 = arith.constant 0 : i32
        %get3A_662 = arith.constant 0 : i32
        %get3A_663 = tpu.memref_slice %arg9[%scan3A, %get3A_661, %get3A_662] : memref<3x64x128xf32, #tpu.memory_space<vmem>> -> memref<1x64x128xf32, #tpu.memory_space<vmem>>
        %get3A_664 = tpu.memref_squeeze %get3A_663 : memref<1x64x128xf32, #tpu.memory_space<vmem>> -> memref<64x128xf32, #tpu.memory_space<vmem>>
        %get3A_665 = arith.index_cast %add3A_555 : i32 to index
        %get3A_666 = arith.constant 112 : index
        %get3A_667 = tpu.vector_load %get3A_664[%get3A_665, %get3A_666] {strides = array<i32>} : memref<64x128xf32, #tpu.memory_space<vmem>>, vector<16xf32>,
        %get3A_668 = arith.constant 0 : i32
        %get3A_669 = arith.constant 0 : i32
        %get3A_670 = tpu.memref_slice %arg10[%scan3A_91, %get3A_668, %get3A_669] : memref<3x64x128xf32, #tpu.memory_space<vmem>> -> memref<1x64x128xf32, #tpu.memory_space<vmem>>
        %get3A_671 = tpu.memref_squeeze %get3A_670 : memref<1x64x128xf32, #tpu.memory_space<vmem>> -> memref<64x128xf32, #tpu.memory_space<vmem>>
        %get3A_672 = arith.index_cast %add3A_555 : i32 to index
        %get3A_673 = arith.constant 112 : index
        %get3A_674 = tpu.vector_load %get3A_671[%get3A_672, %get3A_673] {strides = array<i32>} : memref<64x128xf32, #tpu.memory_space<vmem>>, vector<16xf32>,
        %mul3A_675 = arith.mulf %get3A_667, %get3A_674 : vector<16xf32>
        %add3A_676 = arith.addf %mul3A_570, %mul3A_585 : vector<16xf32>
        %add3A_677 = arith.addf %mul3A_600, %mul3A_615 : vector<16xf32>
        %add3A_678 = arith.addf %mul3A_630, %mul3A_645 : vector<16xf32>
        %add3A_679 = arith.addf %mul3A_660, %mul3A_675 : vector<16xf32>
        %add3A_680 = arith.addf %add3A_676, %add3A_677 : vector<16xf32>
        %add3A_681 = arith.addf %add3A_678, %add3A_679 : vector<16xf32>
        %add3A_682 = arith.addf %add3A_680, %add3A_681 : vector<16xf32>
        %reduce_sum3A_683 = arith.constant true
        %reduce_sum3A_684 = vector.broadcast %reduce_sum3A_683 : i1 to vector<16xi1>
        %reduce_sum3A_685 = tpu.scan <sum>, %add3A_682 masked %reduce_sum3A_684 : vector<16xf32>, vector<16xi1> -> vector<16xf32>
        %reduce_sum3A_686 = vector.extract %reduce_sum3A_685[15] : f32 from vector<16xf32>
        %eq3A_687 = vector.broadcast %scan3A_554 : i32 to vector<16xi32>
        %eq3A_688 = arith.cmpi eq, %iota3A, %eq3A_687 : vector<16xi32>
        %broadcast_in_dim3A_689 = vector.broadcast %reduce_sum3A_686 : f32 to vector<16xf32>
        %select_n3A_690 = arith.select %eq3A_688, %broadcast_in_dim3A_689, %select_n3A : vector<16xi1>, vector<16xf32>
        scf.yield %select_n3A_690 : vector<16xf32>
      }
      %scan3A_414 = arith.constant 16 : i32
      %add3A_415 = arith.constant 0 : i32
      %add3A_416 = arith.addi %add3A_415, %mul3A_407 : i32
      %swap3A = arith.index_cast %add3A_416 : i32 to index
      %swap3A_417 = tpu.vector_load %arg11[%swap3A] {strides = array<i32>} : memref<512xf32, #tpu.memory_space<vmem>>, vector<16xf32>,
      tpu.vector_store %arg11[%swap3A], %scan3A_413 {strides = array<i32>} : memref<512xf32, #tpu.memory_space<vmem>>, vector<16xf32>,
      %scan3A_418 = arith.constant 0 : i32
      scf.yield %scan3A_418 : i32
    }
    %scan3A_98 = arith.constant 4 : i32
    %dma_start3A_99 = arith.constant 0 : i32
    %dma_start3A_100 = arith.constant 0 : i32
    %dma_start3A_101 = arith.constant 0 : i32
    %dma_start3A_102 = tpu.memref_slice %arg9[%dma_start3A_99, %dma_start3A_100, %dma_start3A_101] : memref<3x64x128xf32, #tpu.memory_space<vmem>> -> memref<1x64x128xf32, #tpu.memory_space<vmem>>
    %dma_start3A_103 = tpu.memref_squeeze %dma_start3A_102 : memref<1x64x128xf32, #tpu.memory_space<vmem>> -> memref<64x128xf32, #tpu.memory_space<vmem>>
    %dma_start3A_104 = arith.constant 192 : i32
    %dma_start3A_105 = tpu.memref_slice %arg7[%dma_start3A_104] : memref<512xi32, #tpu.memory_space<vmem>> -> memref<64xi32, #tpu.memory_space<vmem>>
    %dma_start3A_106 = arith.constant 0 : i32
    %dma_start3A_107 = arith.constant 0 : i32
    %dma_start3A_108 = tpu.memref_slice %arg4[%dma_start3A_106, %dma_start3A_107] : memref<100000x128xf32, #tpu.memory_space<hbm>> -> memref<100000x128xf32, #tpu.memory_space<hbm>>
    tpu.enqueue_indirect_dma source(%dma_start3A_108 : memref<100000x128xf32, #tpu.memory_space<hbm>>) target(%dma_start3A_103 : memref<64x128xf32, #tpu.memory_space<vmem>>) offsets(%dma_start3A_105 : memref<64xi32, #tpu.memory_space<vmem>>) semaphore(%arg12 : memref<!tpu.dma_semaphore, #tpu.memory_space<semaphore_mem>>)
    %dma_start3A_109 = arith.constant 0 : i32
    %dma_start3A_110 = arith.constant 0 : i32
    %dma_start3A_111 = arith.constant 0 : i32
    %dma_start3A_112 = tpu.memref_slice %arg10[%dma_start3A_109, %dma_start3A_110, %dma_start3A_111] : memref<3x64x128xf32, #tpu.memory_space<vmem>> -> memref<1x64x128xf32, #tpu.memory_space<vmem>>
    %dma_start3A_113 = tpu.memref_squeeze %dma_start3A_112 : memref<1x64x128xf32, #tpu.memory_space<vmem>> -> memref<64x128xf32, #tpu.memory_space<vmem>>
    %dma_start3A_114 = arith.constant 192 : i32
    %dma_start3A_115 = tpu.memref_slice %arg8[%dma_start3A_114] : memref<512xi32, #tpu.memory_space<vmem>> -> memref<64xi32, #tpu.memory_space<vmem>>
    %dma_start3A_116 = arith.constant 0 : i32
    %dma_start3A_117 = arith.constant 0 : i32
    %dma_start3A_118 = tpu.memref_slice %arg5[%dma_start3A_116, %dma_start3A_117] : memref<100000x128xf32, #tpu.memory_space<hbm>> -> memref<100000x128xf32, #tpu.memory_space<hbm>>
    tpu.enqueue_indirect_dma source(%dma_start3A_118 : memref<100000x128xf32, #tpu.memory_space<hbm>>) target(%dma_start3A_113 : memref<64x128xf32, #tpu.memory_space<vmem>>) offsets(%dma_start3A_115 : memref<64xi32, #tpu.memory_space<vmem>>) semaphore(%arg12 : memref<!tpu.dma_semaphore, #tpu.memory_space<semaphore_mem>>)
    %dma_wait3A_119 = arith.constant 1 : i32
    %dma_wait3A_120 = arith.constant 0 : i32
    %dma_wait3A_121 = arith.constant 0 : i32
    %dma_wait3A_122 = tpu.memref_slice %arg9[%dma_wait3A_119, %dma_wait3A_120, %dma_wait3A_121] : memref<3x64x128xf32, #tpu.memory_space<vmem>> -> memref<1x64x128xf32, #tpu.memory_space<vmem>>
    %dma_wait3A_123 = tpu.memref_squeeze %dma_wait3A_122 : memref<1x64x128xf32, #tpu.memory_space<vmem>> -> memref<64x128xf32, #tpu.memory_space<vmem>>
    %dma_wait3A_124 = arith.constant 64 : i32
    %dma_wait3A_125 = tpu.memref_slice %arg7[%dma_wait3A_124] : memref<512xi32, #tpu.memory_space<vmem>> -> memref<64xi32, #tpu.memory_space<vmem>>
    %dma_wait3A_126 = arith.constant 0 : i32
    %dma_wait3A_127 = arith.constant 0 : i32
    %dma_wait3A_128 = tpu.memref_slice %arg4[%dma_wait3A_126, %dma_wait3A_127] : memref<100000x128xf32, #tpu.memory_space<hbm>> -> memref<100000x128xf32, #tpu.memory_space<hbm>>
    tpu.wait_indirect_dma semaphore(%arg13 : memref<!tpu.dma_semaphore, #tpu.memory_space<semaphore_mem>>) src(%dma_wait3A_128 : memref<100000x128xf32, #tpu.memory_space<hbm>>) dst(%dma_wait3A_123 : memref<64x128xf32, #tpu.memory_space<vmem>>)
    %dma_wait3A_129 = arith.constant 1 : i32
    %dma_wait3A_130 = arith.constant 0 : i32
    %dma_wait3A_131 = arith.constant 0 : i32
    %dma_wait3A_132 = tpu.memref_slice %arg10[%dma_wait3A_129, %dma_wait3A_130, %dma_wait3A_131] : memref<3x64x128xf32, #tpu.memory_space<vmem>> -> memref<1x64x128xf32, #tpu.memory_space<vmem>>
    %dma_wait3A_133 = tpu.memref_squeeze %dma_wait3A_132 : memref<1x64x128xf32, #tpu.memory_space<vmem>> -> memref<64x128xf32, #tpu.memory_space<vmem>>
    %dma_wait3A_134 = arith.constant 64 : i32
    %dma_wait3A_135 = tpu.memref_slice %arg8[%dma_wait3A_134] : memref<512xi32, #tpu.memory_space<vmem>> -> memref<64xi32, #tpu.memory_space<vmem>>
    %dma_wait3A_136 = arith.constant 0 : i32
    %dma_wait3A_137 = arith.constant 0 : i32
    %dma_wait3A_138 = tpu.memref_slice %arg5[%dma_wait3A_136, %dma_wait3A_137] : memref<100000x128xf32, #tpu.memory_space<hbm>> -> memref<100000x128xf32, #tpu.memory_space<hbm>>
    tpu.wait_indirect_dma semaphore(%arg13 : memref<!tpu.dma_semaphore, #tpu.memory_space<semaphore_mem>>) src(%dma_wait3A_138 : memref<100000x128xf32, #tpu.memory_space<hbm>>) dst(%dma_wait3A_133 : memref<64x128xf32, #tpu.memory_space<vmem>>)
    %scan3A_139 = arith.constant 1 : i32
    %scan3A_140 = arith.constant 1 : i32
    %scan3A_141 = arith.constant 0 : i32
    %scan3A_142 = arith.constant 0 : i32
    %scan3A_143 = arith.constant 4 : i32
    %scan3A_144 = arith.addi %scan3A_142, %scan3A_143 : i32
    %scan3A_145 = arith.constant 1 : i32
    %scan3A_146 = scf.for %scan3A_404 = %scan3A_142 to %scan3A_144 step %scan3A_145 iter_args(%scan3A_405 = %scan3A_141) -> (i32)  : i32 {
      %mul3A_406 = arith.constant 16 : i32
      %mul3A_407 = arith.muli %scan3A_404, %mul3A_406 : i32
      %broadcast_in_dim3A = arith.constant 0.000000e+00 : f32
      %broadcast_in_dim3A_408 = vector.broadcast %broadcast_in_dim3A : f32 to vector<16xf32>
      %scan3A_409 = arith.constant 0 : i32
      %scan3A_410 = arith.constant 16 : i32
      %scan3A_411 = arith.addi %scan3A_409, %scan3A_410 : i32
      %scan3A_412 = arith.constant 2 : i32
      %scan3A_413 = scf.for %scan3A_419 = %scan3A_409 to %scan3A_411 step %scan3A_412 iter_args(%scan3A_420 = %broadcast_in_dim3A_408) -> (vector<16xf32>)  : i32 {
        %add3A_421 = arith.addi %mul3A_407, %scan3A_419 : i32
        %get3A = arith.constant 0 : i32
        %get3A_422 = arith.constant 0 : i32
        %get3A_423 = tpu.memref_slice %arg9[%scan3A_139, %get3A, %get3A_422] : memref<3x64x128xf32, #tpu.memory_space<vmem>> -> memref<1x64x128xf32, #tpu.memory_space<vmem>>
        %get3A_424 = tpu.memref_squeeze %get3A_423 : memref<1x64x128xf32, #tpu.memory_space<vmem>> -> memref<64x128xf32, #tpu.memory_space<vmem>>
        %get3A_425 = arith.index_cast %add3A_421 : i32 to index
        %get3A_426 = arith.constant 0 : index
        %get3A_427 = tpu.vector_load %get3A_424[%get3A_425, %get3A_426] {strides = array<i32>} : memref<64x128xf32, #tpu.memory_space<vmem>>, vector<16xf32>,
        %get3A_428 = arith.constant 0 : i32
        %get3A_429 = arith.constant 0 : i32
        %get3A_430 = tpu.memref_slice %arg10[%scan3A_140, %get3A_428, %get3A_429] : memref<3x64x128xf32, #tpu.memory_space<vmem>> -> memref<1x64x128xf32, #tpu.memory_space<vmem>>
        %get3A_431 = tpu.memref_squeeze %get3A_430 : memref<1x64x128xf32, #tpu.memory_space<vmem>> -> memref<64x128xf32, #tpu.memory_space<vmem>>
        %get3A_432 = arith.index_cast %add3A_421 : i32 to index
        %get3A_433 = arith.constant 0 : index
        %get3A_434 = tpu.vector_load %get3A_431[%get3A_432, %get3A_433] {strides = array<i32>} : memref<64x128xf32, #tpu.memory_space<vmem>>, vector<16xf32>,
        %mul3A_435 = arith.mulf %get3A_427, %get3A_434 : vector<16xf32>
        %get3A_436 = arith.constant 0 : i32
        %get3A_437 = arith.constant 0 : i32
        %get3A_438 = tpu.memref_slice %arg9[%scan3A_139, %get3A_436, %get3A_437] : memref<3x64x128xf32, #tpu.memory_space<vmem>> -> memref<1x64x128xf32, #tpu.memory_space<vmem>>
        %get3A_439 = tpu.memref_squeeze %get3A_438 : memref<1x64x128xf32, #tpu.memory_space<vmem>> -> memref<64x128xf32, #tpu.memory_space<vmem>>
        %get3A_440 = arith.index_cast %add3A_421 : i32 to index
        %get3A_441 = arith.constant 16 : index
        %get3A_442 = tpu.vector_load %get3A_439[%get3A_440, %get3A_441] {strides = array<i32>} : memref<64x128xf32, #tpu.memory_space<vmem>>, vector<16xf32>,
        %get3A_443 = arith.constant 0 : i32
        %get3A_444 = arith.constant 0 : i32
        %get3A_445 = tpu.memref_slice %arg10[%scan3A_140, %get3A_443, %get3A_444] : memref<3x64x128xf32, #tpu.memory_space<vmem>> -> memref<1x64x128xf32, #tpu.memory_space<vmem>>
        %get3A_446 = tpu.memref_squeeze %get3A_445 : memref<1x64x128xf32, #tpu.memory_space<vmem>> -> memref<64x128xf32, #tpu.memory_space<vmem>>
        %get3A_447 = arith.index_cast %add3A_421 : i32 to index
        %get3A_448 = arith.constant 16 : index
        %get3A_449 = tpu.vector_load %get3A_446[%get3A_447, %get3A_448] {strides = array<i32>} : memref<64x128xf32, #tpu.memory_space<vmem>>, vector<16xf32>,
        %mul3A_450 = arith.mulf %get3A_442, %get3A_449 : vector<16xf32>
        %get3A_451 = arith.constant 0 : i32
        %get3A_452 = arith.constant 0 : i32
        %get3A_453 = tpu.memref_slice %arg9[%scan3A_139, %get3A_451, %get3A_452] : memref<3x64x128xf32, #tpu.memory_space<vmem>> -> memref<1x64x128xf32, #tpu.memory_space<vmem>>
        %get3A_454 = tpu.memref_squeeze %get3A_453 : memref<1x64x128xf32, #tpu.memory_space<vmem>> -> memref<64x128xf32, #tpu.memory_space<vmem>>
        %get3A_455 = arith.index_cast %add3A_421 : i32 to index
        %get3A_456 = arith.constant 32 : index
        %get3A_457 = tpu.vector_load %get3A_454[%get3A_455, %get3A_456] {strides = array<i32>} : memref<64x128xf32, #tpu.memory_space<vmem>>, vector<16xf32>,
        %get3A_458 = arith.constant 0 : i32
        %get3A_459 = arith.constant 0 : i32
        %get3A_460 = tpu.memref_slice %arg10[%scan3A_140, %get3A_458, %get3A_459] : memref<3x64x128xf32, #tpu.memory_space<vmem>> -> memref<1x64x128xf32, #tpu.memory_space<vmem>>
        %get3A_461 = tpu.memref_squeeze %get3A_460 : memref<1x64x128xf32, #tpu.memory_space<vmem>> -> memref<64x128xf32, #tpu.memory_space<vmem>>
        %get3A_462 = arith.index_cast %add3A_421 : i32 to index
        %get3A_463 = arith.constant 32 : index
        %get3A_464 = tpu.vector_load %get3A_461[%get3A_462, %get3A_463] {strides = array<i32>} : memref<64x128xf32, #tpu.memory_space<vmem>>, vector<16xf32>,
        %mul3A_465 = arith.mulf %get3A_457, %get3A_464 : vector<16xf32>
        %get3A_466 = arith.constant 0 : i32
        %get3A_467 = arith.constant 0 : i32
        %get3A_468 = tpu.memref_slice %arg9[%scan3A_139, %get3A_466, %get3A_467] : memref<3x64x128xf32, #tpu.memory_space<vmem>> -> memref<1x64x128xf32, #tpu.memory_space<vmem>>
        %get3A_469 = tpu.memref_squeeze %get3A_468 : memref<1x64x128xf32, #tpu.memory_space<vmem>> -> memref<64x128xf32, #tpu.memory_space<vmem>>
        %get3A_470 = arith.index_cast %add3A_421 : i32 to index
        %get3A_471 = arith.constant 48 : index
        %get3A_472 = tpu.vector_load %get3A_469[%get3A_470, %get3A_471] {strides = array<i32>} : memref<64x128xf32, #tpu.memory_space<vmem>>, vector<16xf32>,
        %get3A_473 = arith.constant 0 : i32
        %get3A_474 = arith.constant 0 : i32
        %get3A_475 = tpu.memref_slice %arg10[%scan3A_140, %get3A_473, %get3A_474] : memref<3x64x128xf32, #tpu.memory_space<vmem>> -> memref<1x64x128xf32, #tpu.memory_space<vmem>>
        %get3A_476 = tpu.memref_squeeze %get3A_475 : memref<1x64x128xf32, #tpu.memory_space<vmem>> -> memref<64x128xf32, #tpu.memory_space<vmem>>
        %get3A_477 = arith.index_cast %add3A_421 : i32 to index
        %get3A_478 = arith.constant 48 : index
        %get3A_479 = tpu.vector_load %get3A_476[%get3A_477, %get3A_478] {strides = array<i32>} : memref<64x128xf32, #tpu.memory_space<vmem>>, vector<16xf32>,
        %mul3A_480 = arith.mulf %get3A_472, %get3A_479 : vector<16xf32>
        %get3A_481 = arith.constant 0 : i32
        %get3A_482 = arith.constant 0 : i32
        %get3A_483 = tpu.memref_slice %arg9[%scan3A_139, %get3A_481, %get3A_482] : memref<3x64x128xf32, #tpu.memory_space<vmem>> -> memref<1x64x128xf32, #tpu.memory_space<vmem>>
        %get3A_484 = tpu.memref_squeeze %get3A_483 : memref<1x64x128xf32, #tpu.memory_space<vmem>> -> memref<64x128xf32, #tpu.memory_space<vmem>>
        %get3A_485 = arith.index_cast %add3A_421 : i32 to index
        %get3A_486 = arith.constant 64 : index
        %get3A_487 = tpu.vector_load %get3A_484[%get3A_485, %get3A_486] {strides = array<i32>} : memref<64x128xf32, #tpu.memory_space<vmem>>, vector<16xf32>,
        %get3A_488 = arith.constant 0 : i32
        %get3A_489 = arith.constant 0 : i32
        %get3A_490 = tpu.memref_slice %arg10[%scan3A_140, %get3A_488, %get3A_489] : memref<3x64x128xf32, #tpu.memory_space<vmem>> -> memref<1x64x128xf32, #tpu.memory_space<vmem>>
        %get3A_491 = tpu.memref_squeeze %get3A_490 : memref<1x64x128xf32, #tpu.memory_space<vmem>> -> memref<64x128xf32, #tpu.memory_space<vmem>>
        %get3A_492 = arith.index_cast %add3A_421 : i32 to index
        %get3A_493 = arith.constant 64 : index
        %get3A_494 = tpu.vector_load %get3A_491[%get3A_492, %get3A_493] {strides = array<i32>} : memref<64x128xf32, #tpu.memory_space<vmem>>, vector<16xf32>,
        %mul3A_495 = arith.mulf %get3A_487, %get3A_494 : vector<16xf32>
        %get3A_496 = arith.constant 0 : i32
        %get3A_497 = arith.constant 0 : i32
        %get3A_498 = tpu.memref_slice %arg9[%scan3A_139, %get3A_496, %get3A_497] : memref<3x64x128xf32, #tpu.memory_space<vmem>> -> memref<1x64x128xf32, #tpu.memory_space<vmem>>
        %get3A_499 = tpu.memref_squeeze %get3A_498 : memref<1x64x128xf32, #tpu.memory_space<vmem>> -> memref<64x128xf32, #tpu.memory_space<vmem>>
        %get3A_500 = arith.index_cast %add3A_421 : i32 to index
        %get3A_501 = arith.constant 80 : index
        %get3A_502 = tpu.vector_load %get3A_499[%get3A_500, %get3A_501] {strides = array<i32>} : memref<64x128xf32, #tpu.memory_space<vmem>>, vector<16xf32>,
        %get3A_503 = arith.constant 0 : i32
        %get3A_504 = arith.constant 0 : i32
        %get3A_505 = tpu.memref_slice %arg10[%scan3A_140, %get3A_503, %get3A_504] : memref<3x64x128xf32, #tpu.memory_space<vmem>> -> memref<1x64x128xf32, #tpu.memory_space<vmem>>
        %get3A_506 = tpu.memref_squeeze %get3A_505 : memref<1x64x128xf32, #tpu.memory_space<vmem>> -> memref<64x128xf32, #tpu.memory_space<vmem>>
        %get3A_507 = arith.index_cast %add3A_421 : i32 to index
        %get3A_508 = arith.constant 80 : index
        %get3A_509 = tpu.vector_load %get3A_506[%get3A_507, %get3A_508] {strides = array<i32>} : memref<64x128xf32, #tpu.memory_space<vmem>>, vector<16xf32>,
        %mul3A_510 = arith.mulf %get3A_502, %get3A_509 : vector<16xf32>
        %get3A_511 = arith.constant 0 : i32
        %get3A_512 = arith.constant 0 : i32
        %get3A_513 = tpu.memref_slice %arg9[%scan3A_139, %get3A_511, %get3A_512] : memref<3x64x128xf32, #tpu.memory_space<vmem>> -> memref<1x64x128xf32, #tpu.memory_space<vmem>>
        %get3A_514 = tpu.memref_squeeze %get3A_513 : memref<1x64x128xf32, #tpu.memory_space<vmem>> -> memref<64x128xf32, #tpu.memory_space<vmem>>
        %get3A_515 = arith.index_cast %add3A_421 : i32 to index
        %get3A_516 = arith.constant 96 : index
        %get3A_517 = tpu.vector_load %get3A_514[%get3A_515, %get3A_516] {strides = array<i32>} : memref<64x128xf32, #tpu.memory_space<vmem>>, vector<16xf32>,
        %get3A_518 = arith.constant 0 : i32
        %get3A_519 = arith.constant 0 : i32
        %get3A_520 = tpu.memref_slice %arg10[%scan3A_140, %get3A_518, %get3A_519] : memref<3x64x128xf32, #tpu.memory_space<vmem>> -> memref<1x64x128xf32, #tpu.memory_space<vmem>>
        %get3A_521 = tpu.memref_squeeze %get3A_520 : memref<1x64x128xf32, #tpu.memory_space<vmem>> -> memref<64x128xf32, #tpu.memory_space<vmem>>
        %get3A_522 = arith.index_cast %add3A_421 : i32 to index
        %get3A_523 = arith.constant 96 : index
        %get3A_524 = tpu.vector_load %get3A_521[%get3A_522, %get3A_523] {strides = array<i32>} : memref<64x128xf32, #tpu.memory_space<vmem>>, vector<16xf32>,
        %mul3A_525 = arith.mulf %get3A_517, %get3A_524 : vector<16xf32>
        %get3A_526 = arith.constant 0 : i32
        %get3A_527 = arith.constant 0 : i32
        %get3A_528 = tpu.memref_slice %arg9[%scan3A_139, %get3A_526, %get3A_527] : memref<3x64x128xf32, #tpu.memory_space<vmem>> -> memref<1x64x128xf32, #tpu.memory_space<vmem>>
        %get3A_529 = tpu.memref_squeeze %get3A_528 : memref<1x64x128xf32, #tpu.memory_space<vmem>> -> memref<64x128xf32, #tpu.memory_space<vmem>>
        %get3A_530 = arith.index_cast %add3A_421 : i32 to index
        %get3A_531 = arith.constant 112 : index
        %get3A_532 = tpu.vector_load %get3A_529[%get3A_530, %get3A_531] {strides = array<i32>} : memref<64x128xf32, #tpu.memory_space<vmem>>, vector<16xf32>,
        %get3A_533 = arith.constant 0 : i32
        %get3A_534 = arith.constant 0 : i32
        %get3A_535 = tpu.memref_slice %arg10[%scan3A_140, %get3A_533, %get3A_534] : memref<3x64x128xf32, #tpu.memory_space<vmem>> -> memref<1x64x128xf32, #tpu.memory_space<vmem>>
        %get3A_536 = tpu.memref_squeeze %get3A_535 : memref<1x64x128xf32, #tpu.memory_space<vmem>> -> memref<64x128xf32, #tpu.memory_space<vmem>>
        %get3A_537 = arith.index_cast %add3A_421 : i32 to index
        %get3A_538 = arith.constant 112 : index
        %get3A_539 = tpu.vector_load %get3A_536[%get3A_537, %get3A_538] {strides = array<i32>} : memref<64x128xf32, #tpu.memory_space<vmem>>, vector<16xf32>,
        %mul3A_540 = arith.mulf %get3A_532, %get3A_539 : vector<16xf32>
        %add3A_541 = arith.addf %mul3A_435, %mul3A_450 : vector<16xf32>
        %add3A_542 = arith.addf %mul3A_465, %mul3A_480 : vector<16xf32>
        %add3A_543 = arith.addf %mul3A_495, %mul3A_510 : vector<16xf32>
        %add3A_544 = arith.addf %mul3A_525, %mul3A_540 : vector<16xf32>
        %add3A_545 = arith.addf %add3A_541, %add3A_542 : vector<16xf32>
        %add3A_546 = arith.addf %add3A_543, %add3A_544 : vector<16xf32>
        %add3A_547 = arith.addf %add3A_545, %add3A_546 : vector<16xf32>
        %reduce_sum3A = arith.constant true
        %reduce_sum3A_548 = vector.broadcast %reduce_sum3A : i1 to vector<16xi1>
        %reduce_sum3A_549 = tpu.scan <sum>, %add3A_547 masked %reduce_sum3A_548 : vector<16xf32>, vector<16xi1> -> vector<16xf32>
        %reduce_sum3A_550 = vector.extract %reduce_sum3A_549[15] : f32 from vector<16xf32>
        %eq3A = vector.broadcast %scan3A_419 : i32 to vector<16xi32>
        %eq3A_551 = arith.cmpi eq, %iota3A, %eq3A : vector<16xi32>
        %broadcast_in_dim3A_552 = vector.broadcast %reduce_sum3A_550 : f32 to vector<16xf32>
        %select_n3A = arith.select %eq3A_551, %broadcast_in_dim3A_552, %scan3A_420 : vector<16xi1>, vector<16xf32>
        %scan3A_553 = arith.constant 1 : i32
        %scan3A_554 = arith.addi %scan3A_419, %scan3A_553 : i32
        %add3A_555 = arith.addi %mul3A_407, %scan3A_554 : i32
        %get3A_556 = arith.constant 0 : i32
        %get3A_557 = arith.constant 0 : i32
        %get3A_558 = tpu.memref_slice %arg9[%scan3A_139, %get3A_556, %get3A_557] : memref<3x64x128xf32, #tpu.memory_space<vmem>> -> memref<1x64x128xf32, #tpu.memory_space<vmem>>
        %get3A_559 = tpu.memref_squeeze %get3A_558 : memref<1x64x128xf32, #tpu.memory_space<vmem>> -> memref<64x128xf32, #tpu.memory_space<vmem>>
        %get3A_560 = arith.index_cast %add3A_555 : i32 to index
        %get3A_561 = arith.constant 0 : index
        %get3A_562 = tpu.vector_load %get3A_559[%get3A_560, %get3A_561] {strides = array<i32>} : memref<64x128xf32, #tpu.memory_space<vmem>>, vector<16xf32>,
        %get3A_563 = arith.constant 0 : i32
        %get3A_564 = arith.constant 0 : i32
        %get3A_565 = tpu.memref_slice %arg10[%scan3A_140, %get3A_563, %get3A_564] : memref<3x64x128xf32, #tpu.memory_space<vmem>> -> memref<1x64x128xf32, #tpu.memory_space<vmem>>
        %get3A_566 = tpu.memref_squeeze %get3A_565 : memref<1x64x128xf32, #tpu.memory_space<vmem>> -> memref<64x128xf32, #tpu.memory_space<vmem>>
        %get3A_567 = arith.index_cast %add3A_555 : i32 to index
        %get3A_568 = arith.constant 0 : index
        %get3A_569 = tpu.vector_load %get3A_566[%get3A_567, %get3A_568] {strides = array<i32>} : memref<64x128xf32, #tpu.memory_space<vmem>>, vector<16xf32>,
        %mul3A_570 = arith.mulf %get3A_562, %get3A_569 : vector<16xf32>
        %get3A_571 = arith.constant 0 : i32
        %get3A_572 = arith.constant 0 : i32
        %get3A_573 = tpu.memref_slice %arg9[%scan3A_139, %get3A_571, %get3A_572] : memref<3x64x128xf32, #tpu.memory_space<vmem>> -> memref<1x64x128xf32, #tpu.memory_space<vmem>>
        %get3A_574 = tpu.memref_squeeze %get3A_573 : memref<1x64x128xf32, #tpu.memory_space<vmem>> -> memref<64x128xf32, #tpu.memory_space<vmem>>
        %get3A_575 = arith.index_cast %add3A_555 : i32 to index
        %get3A_576 = arith.constant 16 : index
        %get3A_577 = tpu.vector_load %get3A_574[%get3A_575, %get3A_576] {strides = array<i32>} : memref<64x128xf32, #tpu.memory_space<vmem>>, vector<16xf32>,
        %get3A_578 = arith.constant 0 : i32
        %get3A_579 = arith.constant 0 : i32
        %get3A_580 = tpu.memref_slice %arg10[%scan3A_140, %get3A_578, %get3A_579] : memref<3x64x128xf32, #tpu.memory_space<vmem>> -> memref<1x64x128xf32, #tpu.memory_space<vmem>>
        %get3A_581 = tpu.memref_squeeze %get3A_580 : memref<1x64x128xf32, #tpu.memory_space<vmem>> -> memref<64x128xf32, #tpu.memory_space<vmem>>
        %get3A_582 = arith.index_cast %add3A_555 : i32 to index
        %get3A_583 = arith.constant 16 : index
        %get3A_584 = tpu.vector_load %get3A_581[%get3A_582, %get3A_583] {strides = array<i32>} : memref<64x128xf32, #tpu.memory_space<vmem>>, vector<16xf32>,
        %mul3A_585 = arith.mulf %get3A_577, %get3A_584 : vector<16xf32>
        %get3A_586 = arith.constant 0 : i32
        %get3A_587 = arith.constant 0 : i32
        %get3A_588 = tpu.memref_slice %arg9[%scan3A_139, %get3A_586, %get3A_587] : memref<3x64x128xf32, #tpu.memory_space<vmem>> -> memref<1x64x128xf32, #tpu.memory_space<vmem>>
        %get3A_589 = tpu.memref_squeeze %get3A_588 : memref<1x64x128xf32, #tpu.memory_space<vmem>> -> memref<64x128xf32, #tpu.memory_space<vmem>>
        %get3A_590 = arith.index_cast %add3A_555 : i32 to index
        %get3A_591 = arith.constant 32 : index
        %get3A_592 = tpu.vector_load %get3A_589[%get3A_590, %get3A_591] {strides = array<i32>} : memref<64x128xf32, #tpu.memory_space<vmem>>, vector<16xf32>,
        %get3A_593 = arith.constant 0 : i32
        %get3A_594 = arith.constant 0 : i32
        %get3A_595 = tpu.memref_slice %arg10[%scan3A_140, %get3A_593, %get3A_594] : memref<3x64x128xf32, #tpu.memory_space<vmem>> -> memref<1x64x128xf32, #tpu.memory_space<vmem>>
        %get3A_596 = tpu.memref_squeeze %get3A_595 : memref<1x64x128xf32, #tpu.memory_space<vmem>> -> memref<64x128xf32, #tpu.memory_space<vmem>>
        %get3A_597 = arith.index_cast %add3A_555 : i32 to index
        %get3A_598 = arith.constant 32 : index
        %get3A_599 = tpu.vector_load %get3A_596[%get3A_597, %get3A_598] {strides = array<i32>} : memref<64x128xf32, #tpu.memory_space<vmem>>, vector<16xf32>,
        %mul3A_600 = arith.mulf %get3A_592, %get3A_599 : vector<16xf32>
        %get3A_601 = arith.constant 0 : i32
        %get3A_602 = arith.constant 0 : i32
        %get3A_603 = tpu.memref_slice %arg9[%scan3A_139, %get3A_601, %get3A_602] : memref<3x64x128xf32, #tpu.memory_space<vmem>> -> memref<1x64x128xf32, #tpu.memory_space<vmem>>
        %get3A_604 = tpu.memref_squeeze %get3A_603 : memref<1x64x128xf32, #tpu.memory_space<vmem>> -> memref<64x128xf32, #tpu.memory_space<vmem>>
        %get3A_605 = arith.index_cast %add3A_555 : i32 to index
        %get3A_606 = arith.constant 48 : index
        %get3A_607 = tpu.vector_load %get3A_604[%get3A_605, %get3A_606] {strides = array<i32>} : memref<64x128xf32, #tpu.memory_space<vmem>>, vector<16xf32>,
        %get3A_608 = arith.constant 0 : i32
        %get3A_609 = arith.constant 0 : i32
        %get3A_610 = tpu.memref_slice %arg10[%scan3A_140, %get3A_608, %get3A_609] : memref<3x64x128xf32, #tpu.memory_space<vmem>> -> memref<1x64x128xf32, #tpu.memory_space<vmem>>
        %get3A_611 = tpu.memref_squeeze %get3A_610 : memref<1x64x128xf32, #tpu.memory_space<vmem>> -> memref<64x128xf32, #tpu.memory_space<vmem>>
        %get3A_612 = arith.index_cast %add3A_555 : i32 to index
        %get3A_613 = arith.constant 48 : index
        %get3A_614 = tpu.vector_load %get3A_611[%get3A_612, %get3A_613] {strides = array<i32>} : memref<64x128xf32, #tpu.memory_space<vmem>>, vector<16xf32>,
        %mul3A_615 = arith.mulf %get3A_607, %get3A_614 : vector<16xf32>
        %get3A_616 = arith.constant 0 : i32
        %get3A_617 = arith.constant 0 : i32
        %get3A_618 = tpu.memref_slice %arg9[%scan3A_139, %get3A_616, %get3A_617] : memref<3x64x128xf32, #tpu.memory_space<vmem>> -> memref<1x64x128xf32, #tpu.memory_space<vmem>>
        %get3A_619 = tpu.memref_squeeze %get3A_618 : memref<1x64x128xf32, #tpu.memory_space<vmem>> -> memref<64x128xf32, #tpu.memory_space<vmem>>
        %get3A_620 = arith.index_cast %add3A_555 : i32 to index
        %get3A_621 = arith.constant 64 : index
        %get3A_622 = tpu.vector_load %get3A_619[%get3A_620, %get3A_621] {strides = array<i32>} : memref<64x128xf32, #tpu.memory_space<vmem>>, vector<16xf32>,
        %get3A_623 = arith.constant 0 : i32
        %get3A_624 = arith.constant 0 : i32
        %get3A_625 = tpu.memref_slice %arg10[%scan3A_140, %get3A_623, %get3A_624] : memref<3x64x128xf32, #tpu.memory_space<vmem>> -> memref<1x64x128xf32, #tpu.memory_space<vmem>>
        %get3A_626 = tpu.memref_squeeze %get3A_625 : memref<1x64x128xf32, #tpu.memory_space<vmem>> -> memref<64x128xf32, #tpu.memory_space<vmem>>
        %get3A_627 = arith.index_cast %add3A_555 : i32 to index
        %get3A_628 = arith.constant 64 : index
        %get3A_629 = tpu.vector_load %get3A_626[%get3A_627, %get3A_628] {strides = array<i32>} : memref<64x128xf32, #tpu.memory_space<vmem>>, vector<16xf32>,
        %mul3A_630 = arith.mulf %get3A_622, %get3A_629 : vector<16xf32>
        %get3A_631 = arith.constant 0 : i32
        %get3A_632 = arith.constant 0 : i32
        %get3A_633 = tpu.memref_slice %arg9[%scan3A_139, %get3A_631, %get3A_632] : memref<3x64x128xf32, #tpu.memory_space<vmem>> -> memref<1x64x128xf32, #tpu.memory_space<vmem>>
        %get3A_634 = tpu.memref_squeeze %get3A_633 : memref<1x64x128xf32, #tpu.memory_space<vmem>> -> memref<64x128xf32, #tpu.memory_space<vmem>>
        %get3A_635 = arith.index_cast %add3A_555 : i32 to index
        %get3A_636 = arith.constant 80 : index
        %get3A_637 = tpu.vector_load %get3A_634[%get3A_635, %get3A_636] {strides = array<i32>} : memref<64x128xf32, #tpu.memory_space<vmem>>, vector<16xf32>,
        %get3A_638 = arith.constant 0 : i32
        %get3A_639 = arith.constant 0 : i32
        %get3A_640 = tpu.memref_slice %arg10[%scan3A_140, %get3A_638, %get3A_639] : memref<3x64x128xf32, #tpu.memory_space<vmem>> -> memref<1x64x128xf32, #tpu.memory_space<vmem>>
        %get3A_641 = tpu.memref_squeeze %get3A_640 : memref<1x64x128xf32, #tpu.memory_space<vmem>> -> memref<64x128xf32, #tpu.memory_space<vmem>>
        %get3A_642 = arith.index_cast %add3A_555 : i32 to index
        %get3A_643 = arith.constant 80 : index
        %get3A_644 = tpu.vector_load %get3A_641[%get3A_642, %get3A_643] {strides = array<i32>} : memref<64x128xf32, #tpu.memory_space<vmem>>, vector<16xf32>,
        %mul3A_645 = arith.mulf %get3A_637, %get3A_644 : vector<16xf32>
        %get3A_646 = arith.constant 0 : i32
        %get3A_647 = arith.constant 0 : i32
        %get3A_648 = tpu.memref_slice %arg9[%scan3A_139, %get3A_646, %get3A_647] : memref<3x64x128xf32, #tpu.memory_space<vmem>> -> memref<1x64x128xf32, #tpu.memory_space<vmem>>
        %get3A_649 = tpu.memref_squeeze %get3A_648 : memref<1x64x128xf32, #tpu.memory_space<vmem>> -> memref<64x128xf32, #tpu.memory_space<vmem>>
        %get3A_650 = arith.index_cast %add3A_555 : i32 to index
        %get3A_651 = arith.constant 96 : index
        %get3A_652 = tpu.vector_load %get3A_649[%get3A_650, %get3A_651] {strides = array<i32>} : memref<64x128xf32, #tpu.memory_space<vmem>>, vector<16xf32>,
        %get3A_653 = arith.constant 0 : i32
        %get3A_654 = arith.constant 0 : i32
        %get3A_655 = tpu.memref_slice %arg10[%scan3A_140, %get3A_653, %get3A_654] : memref<3x64x128xf32, #tpu.memory_space<vmem>> -> memref<1x64x128xf32, #tpu.memory_space<vmem>>
        %get3A_656 = tpu.memref_squeeze %get3A_655 : memref<1x64x128xf32, #tpu.memory_space<vmem>> -> memref<64x128xf32, #tpu.memory_space<vmem>>
        %get3A_657 = arith.index_cast %add3A_555 : i32 to index
        %get3A_658 = arith.constant 96 : index
        %get3A_659 = tpu.vector_load %get3A_656[%get3A_657, %get3A_658] {strides = array<i32>} : memref<64x128xf32, #tpu.memory_space<vmem>>, vector<16xf32>,
        %mul3A_660 = arith.mulf %get3A_652, %get3A_659 : vector<16xf32>
        %get3A_661 = arith.constant 0 : i32
        %get3A_662 = arith.constant 0 : i32
        %get3A_663 = tpu.memref_slice %arg9[%scan3A_139, %get3A_661, %get3A_662] : memref<3x64x128xf32, #tpu.memory_space<vmem>> -> memref<1x64x128xf32, #tpu.memory_space<vmem>>
        %get3A_664 = tpu.memref_squeeze %get3A_663 : memref<1x64x128xf32, #tpu.memory_space<vmem>> -> memref<64x128xf32, #tpu.memory_space<vmem>>
        %get3A_665 = arith.index_cast %add3A_555 : i32 to index
        %get3A_666 = arith.constant 112 : index
        %get3A_667 = tpu.vector_load %get3A_664[%get3A_665, %get3A_666] {strides = array<i32>} : memref<64x128xf32, #tpu.memory_space<vmem>>, vector<16xf32>,
        %get3A_668 = arith.constant 0 : i32
        %get3A_669 = arith.constant 0 : i32
        %get3A_670 = tpu.memref_slice %arg10[%scan3A_140, %get3A_668, %get3A_669] : memref<3x64x128xf32, #tpu.memory_space<vmem>> -> memref<1x64x128xf32, #tpu.memory_space<vmem>>
        %get3A_671 = tpu.memref_squeeze %get3A_670 : memref<1x64x128xf32, #tpu.memory_space<vmem>> -> memref<64x128xf32, #tpu.memory_space<vmem>>
        %get3A_672 = arith.index_cast %add3A_555 : i32 to index
        %get3A_673 = arith.constant 112 : index
        %get3A_674 = tpu.vector_load %get3A_671[%get3A_672, %get3A_673] {strides = array<i32>} : memref<64x128xf32, #tpu.memory_space<vmem>>, vector<16xf32>,
        %mul3A_675 = arith.mulf %get3A_667, %get3A_674 : vector<16xf32>
        %add3A_676 = arith.addf %mul3A_570, %mul3A_585 : vector<16xf32>
        %add3A_677 = arith.addf %mul3A_600, %mul3A_615 : vector<16xf32>
        %add3A_678 = arith.addf %mul3A_630, %mul3A_645 : vector<16xf32>
        %add3A_679 = arith.addf %mul3A_660, %mul3A_675 : vector<16xf32>
        %add3A_680 = arith.addf %add3A_676, %add3A_677 : vector<16xf32>
        %add3A_681 = arith.addf %add3A_678, %add3A_679 : vector<16xf32>
        %add3A_682 = arith.addf %add3A_680, %add3A_681 : vector<16xf32>
        %reduce_sum3A_683 = arith.constant true
        %reduce_sum3A_684 = vector.broadcast %reduce_sum3A_683 : i1 to vector<16xi1>
        %reduce_sum3A_685 = tpu.scan <sum>, %add3A_682 masked %reduce_sum3A_684 : vector<16xf32>, vector<16xi1> -> vector<16xf32>
        %reduce_sum3A_686 = vector.extract %reduce_sum3A_685[15] : f32 from vector<16xf32>
        %eq3A_687 = vector.broadcast %scan3A_554 : i32 to vector<16xi32>
        %eq3A_688 = arith.cmpi eq, %iota3A, %eq3A_687 : vector<16xi32>
        %broadcast_in_dim3A_689 = vector.broadcast %reduce_sum3A_686 : f32 to vector<16xf32>
        %select_n3A_690 = arith.select %eq3A_688, %broadcast_in_dim3A_689, %select_n3A : vector<16xi1>, vector<16xf32>
        scf.yield %select_n3A_690 : vector<16xf32>
      }
      %scan3A_414 = arith.constant 16 : i32
      %add3A_415 = arith.constant 64 : i32
      %add3A_416 = arith.addi %add3A_415, %mul3A_407 : i32
      %swap3A = arith.index_cast %add3A_416 : i32 to index
      %swap3A_417 = tpu.vector_load %arg11[%swap3A] {strides = array<i32>} : memref<512xf32, #tpu.memory_space<vmem>>, vector<16xf32>,
      tpu.vector_store %arg11[%swap3A], %scan3A_413 {strides = array<i32>} : memref<512xf32, #tpu.memory_space<vmem>>, vector<16xf32>,
      %scan3A_418 = arith.constant 0 : i32
      scf.yield %scan3A_418 : i32
    }
    %scan3A_147 = arith.constant 4 : i32
    %dma_start3A_148 = arith.constant 1 : i32
    %dma_start3A_149 = arith.constant 0 : i32
    %dma_start3A_150 = arith.constant 0 : i32
    %dma_start3A_151 = tpu.memref_slice %arg9[%dma_start3A_148, %dma_start3A_149, %dma_start3A_150] : memref<3x64x128xf32, #tpu.memory_space<vmem>> -> memref<1x64x128xf32, #tpu.memory_space<vmem>>
    %dma_start3A_152 = tpu.memref_squeeze %dma_start3A_151 : memref<1x64x128xf32, #tpu.memory_space<vmem>> -> memref<64x128xf32, #tpu.memory_space<vmem>>
    %dma_start3A_153 = arith.constant 256 : i32
    %dma_start3A_154 = tpu.memref_slice %arg7[%dma_start3A_153] : memref<512xi32, #tpu.memory_space<vmem>> -> memref<64xi32, #tpu.memory_space<vmem>>
    %dma_start3A_155 = arith.constant 0 : i32
    %dma_start3A_156 = arith.constant 0 : i32
    %dma_start3A_157 = tpu.memref_slice %arg4[%dma_start3A_155, %dma_start3A_156] : memref<100000x128xf32, #tpu.memory_space<hbm>> -> memref<100000x128xf32, #tpu.memory_space<hbm>>
    tpu.enqueue_indirect_dma source(%dma_start3A_157 : memref<100000x128xf32, #tpu.memory_space<hbm>>) target(%dma_start3A_152 : memref<64x128xf32, #tpu.memory_space<vmem>>) offsets(%dma_start3A_154 : memref<64xi32, #tpu.memory_space<vmem>>) semaphore(%arg13 : memref<!tpu.dma_semaphore, #tpu.memory_space<semaphore_mem>>)
    %dma_start3A_158 = arith.constant 1 : i32
    %dma_start3A_159 = arith.constant 0 : i32
    %dma_start3A_160 = arith.constant 0 : i32
    %dma_start3A_161 = tpu.memref_slice %arg10[%dma_start3A_158, %dma_start3A_159, %dma_start3A_160] : memref<3x64x128xf32, #tpu.memory_space<vmem>> -> memref<1x64x128xf32, #tpu.memory_space<vmem>>
    %dma_start3A_162 = tpu.memref_squeeze %dma_start3A_161 : memref<1x64x128xf32, #tpu.memory_space<vmem>> -> memref<64x128xf32, #tpu.memory_space<vmem>>
    %dma_start3A_163 = arith.constant 256 : i32
    %dma_start3A_164 = tpu.memref_slice %arg8[%dma_start3A_163] : memref<512xi32, #tpu.memory_space<vmem>> -> memref<64xi32, #tpu.memory_space<vmem>>
    %dma_start3A_165 = arith.constant 0 : i32
    %dma_start3A_166 = arith.constant 0 : i32
    %dma_start3A_167 = tpu.memref_slice %arg5[%dma_start3A_165, %dma_start3A_166] : memref<100000x128xf32, #tpu.memory_space<hbm>> -> memref<100000x128xf32, #tpu.memory_space<hbm>>
    tpu.enqueue_indirect_dma source(%dma_start3A_167 : memref<100000x128xf32, #tpu.memory_space<hbm>>) target(%dma_start3A_162 : memref<64x128xf32, #tpu.memory_space<vmem>>) offsets(%dma_start3A_164 : memref<64xi32, #tpu.memory_space<vmem>>) semaphore(%arg13 : memref<!tpu.dma_semaphore, #tpu.memory_space<semaphore_mem>>)
    %dma_wait3A_168 = arith.constant 2 : i32
    %dma_wait3A_169 = arith.constant 0 : i32
    %dma_wait3A_170 = arith.constant 0 : i32
    %dma_wait3A_171 = tpu.memref_slice %arg9[%dma_wait3A_168, %dma_wait3A_169, %dma_wait3A_170] : memref<3x64x128xf32, #tpu.memory_space<vmem>> -> memref<1x64x128xf32, #tpu.memory_space<vmem>>
    %dma_wait3A_172 = tpu.memref_squeeze %dma_wait3A_171 : memref<1x64x128xf32, #tpu.memory_space<vmem>> -> memref<64x128xf32, #tpu.memory_space<vmem>>
    %dma_wait3A_173 = arith.constant 128 : i32
    %dma_wait3A_174 = tpu.memref_slice %arg7[%dma_wait3A_173] : memref<512xi32, #tpu.memory_space<vmem>> -> memref<64xi32, #tpu.memory_space<vmem>>
    %dma_wait3A_175 = arith.constant 0 : i32
    %dma_wait3A_176 = arith.constant 0 : i32
    %dma_wait3A_177 = tpu.memref_slice %arg4[%dma_wait3A_175, %dma_wait3A_176] : memref<100000x128xf32, #tpu.memory_space<hbm>> -> memref<100000x128xf32, #tpu.memory_space<hbm>>
    tpu.wait_indirect_dma semaphore(%arg14 : memref<!tpu.dma_semaphore, #tpu.memory_space<semaphore_mem>>) src(%dma_wait3A_177 : memref<100000x128xf32, #tpu.memory_space<hbm>>) dst(%dma_wait3A_172 : memref<64x128xf32, #tpu.memory_space<vmem>>)
    %dma_wait3A_178 = arith.constant 2 : i32
    %dma_wait3A_179 = arith.constant 0 : i32
    %dma_wait3A_180 = arith.constant 0 : i32
    %dma_wait3A_181 = tpu.memref_slice %arg10[%dma_wait3A_178, %dma_wait3A_179, %dma_wait3A_180] : memref<3x64x128xf32, #tpu.memory_space<vmem>> -> memref<1x64x128xf32, #tpu.memory_space<vmem>>
    %dma_wait3A_182 = tpu.memref_squeeze %dma_wait3A_181 : memref<1x64x128xf32, #tpu.memory_space<vmem>> -> memref<64x128xf32, #tpu.memory_space<vmem>>
    %dma_wait3A_183 = arith.constant 128 : i32
    %dma_wait3A_184 = tpu.memref_slice %arg8[%dma_wait3A_183] : memref<512xi32, #tpu.memory_space<vmem>> -> memref<64xi32, #tpu.memory_space<vmem>>
    %dma_wait3A_185 = arith.constant 0 : i32
    %dma_wait3A_186 = arith.constant 0 : i32
    %dma_wait3A_187 = tpu.memref_slice %arg5[%dma_wait3A_185, %dma_wait3A_186] : memref<100000x128xf32, #tpu.memory_space<hbm>> -> memref<100000x128xf32, #tpu.memory_space<hbm>>
    tpu.wait_indirect_dma semaphore(%arg14 : memref<!tpu.dma_semaphore, #tpu.memory_space<semaphore_mem>>) src(%dma_wait3A_187 : memref<100000x128xf32, #tpu.memory_space<hbm>>) dst(%dma_wait3A_182 : memref<64x128xf32, #tpu.memory_space<vmem>>)
    %scan3A_188 = arith.constant 2 : i32
    %scan3A_189 = arith.constant 2 : i32
    %scan3A_190 = arith.constant 0 : i32
    %scan3A_191 = arith.constant 0 : i32
    %scan3A_192 = arith.constant 4 : i32
    %scan3A_193 = arith.addi %scan3A_191, %scan3A_192 : i32
    %scan3A_194 = arith.constant 1 : i32
    %scan3A_195 = scf.for %scan3A_404 = %scan3A_191 to %scan3A_193 step %scan3A_194 iter_args(%scan3A_405 = %scan3A_190) -> (i32)  : i32 {
      %mul3A_406 = arith.constant 16 : i32
      %mul3A_407 = arith.muli %scan3A_404, %mul3A_406 : i32
      %broadcast_in_dim3A = arith.constant 0.000000e+00 : f32
      %broadcast_in_dim3A_408 = vector.broadcast %broadcast_in_dim3A : f32 to vector<16xf32>
      %scan3A_409 = arith.constant 0 : i32
      %scan3A_410 = arith.constant 16 : i32
      %scan3A_411 = arith.addi %scan3A_409, %scan3A_410 : i32
      %scan3A_412 = arith.constant 2 : i32
      %scan3A_413 = scf.for %scan3A_419 = %scan3A_409 to %scan3A_411 step %scan3A_412 iter_args(%scan3A_420 = %broadcast_in_dim3A_408) -> (vector<16xf32>)  : i32 {
        %add3A_421 = arith.addi %mul3A_407, %scan3A_419 : i32
        %get3A = arith.constant 0 : i32
        %get3A_422 = arith.constant 0 : i32
        %get3A_423 = tpu.memref_slice %arg9[%scan3A_188, %get3A, %get3A_422] : memref<3x64x128xf32, #tpu.memory_space<vmem>> -> memref<1x64x128xf32, #tpu.memory_space<vmem>>
        %get3A_424 = tpu.memref_squeeze %get3A_423 : memref<1x64x128xf32, #tpu.memory_space<vmem>> -> memref<64x128xf32, #tpu.memory_space<vmem>>
        %get3A_425 = arith.index_cast %add3A_421 : i32 to index
        %get3A_426 = arith.constant 0 : index
        %get3A_427 = tpu.vector_load %get3A_424[%get3A_425, %get3A_426] {strides = array<i32>} : memref<64x128xf32, #tpu.memory_space<vmem>>, vector<16xf32>,
        %get3A_428 = arith.constant 0 : i32
        %get3A_429 = arith.constant 0 : i32
        %get3A_430 = tpu.memref_slice %arg10[%scan3A_189, %get3A_428, %get3A_429] : memref<3x64x128xf32, #tpu.memory_space<vmem>> -> memref<1x64x128xf32, #tpu.memory_space<vmem>>
        %get3A_431 = tpu.memref_squeeze %get3A_430 : memref<1x64x128xf32, #tpu.memory_space<vmem>> -> memref<64x128xf32, #tpu.memory_space<vmem>>
        %get3A_432 = arith.index_cast %add3A_421 : i32 to index
        %get3A_433 = arith.constant 0 : index
        %get3A_434 = tpu.vector_load %get3A_431[%get3A_432, %get3A_433] {strides = array<i32>} : memref<64x128xf32, #tpu.memory_space<vmem>>, vector<16xf32>,
        %mul3A_435 = arith.mulf %get3A_427, %get3A_434 : vector<16xf32>
        %get3A_436 = arith.constant 0 : i32
        %get3A_437 = arith.constant 0 : i32
        %get3A_438 = tpu.memref_slice %arg9[%scan3A_188, %get3A_436, %get3A_437] : memref<3x64x128xf32, #tpu.memory_space<vmem>> -> memref<1x64x128xf32, #tpu.memory_space<vmem>>
        %get3A_439 = tpu.memref_squeeze %get3A_438 : memref<1x64x128xf32, #tpu.memory_space<vmem>> -> memref<64x128xf32, #tpu.memory_space<vmem>>
        %get3A_440 = arith.index_cast %add3A_421 : i32 to index
        %get3A_441 = arith.constant 16 : index
        %get3A_442 = tpu.vector_load %get3A_439[%get3A_440, %get3A_441] {strides = array<i32>} : memref<64x128xf32, #tpu.memory_space<vmem>>, vector<16xf32>,
        %get3A_443 = arith.constant 0 : i32
        %get3A_444 = arith.constant 0 : i32
        %get3A_445 = tpu.memref_slice %arg10[%scan3A_189, %get3A_443, %get3A_444] : memref<3x64x128xf32, #tpu.memory_space<vmem>> -> memref<1x64x128xf32, #tpu.memory_space<vmem>>
        %get3A_446 = tpu.memref_squeeze %get3A_445 : memref<1x64x128xf32, #tpu.memory_space<vmem>> -> memref<64x128xf32, #tpu.memory_space<vmem>>
        %get3A_447 = arith.index_cast %add3A_421 : i32 to index
        %get3A_448 = arith.constant 16 : index
        %get3A_449 = tpu.vector_load %get3A_446[%get3A_447, %get3A_448] {strides = array<i32>} : memref<64x128xf32, #tpu.memory_space<vmem>>, vector<16xf32>,
        %mul3A_450 = arith.mulf %get3A_442, %get3A_449 : vector<16xf32>
        %get3A_451 = arith.constant 0 : i32
        %get3A_452 = arith.constant 0 : i32
        %get3A_453 = tpu.memref_slice %arg9[%scan3A_188, %get3A_451, %get3A_452] : memref<3x64x128xf32, #tpu.memory_space<vmem>> -> memref<1x64x128xf32, #tpu.memory_space<vmem>>
        %get3A_454 = tpu.memref_squeeze %get3A_453 : memref<1x64x128xf32, #tpu.memory_space<vmem>> -> memref<64x128xf32, #tpu.memory_space<vmem>>
        %get3A_455 = arith.index_cast %add3A_421 : i32 to index
        %get3A_456 = arith.constant 32 : index
        %get3A_457 = tpu.vector_load %get3A_454[%get3A_455, %get3A_456] {strides = array<i32>} : memref<64x128xf32, #tpu.memory_space<vmem>>, vector<16xf32>,
        %get3A_458 = arith.constant 0 : i32
        %get3A_459 = arith.constant 0 : i32
        %get3A_460 = tpu.memref_slice %arg10[%scan3A_189, %get3A_458, %get3A_459] : memref<3x64x128xf32, #tpu.memory_space<vmem>> -> memref<1x64x128xf32, #tpu.memory_space<vmem>>
        %get3A_461 = tpu.memref_squeeze %get3A_460 : memref<1x64x128xf32, #tpu.memory_space<vmem>> -> memref<64x128xf32, #tpu.memory_space<vmem>>
        %get3A_462 = arith.index_cast %add3A_421 : i32 to index
        %get3A_463 = arith.constant 32 : index
        %get3A_464 = tpu.vector_load %get3A_461[%get3A_462, %get3A_463] {strides = array<i32>} : memref<64x128xf32, #tpu.memory_space<vmem>>, vector<16xf32>,
        %mul3A_465 = arith.mulf %get3A_457, %get3A_464 : vector<16xf32>
        %get3A_466 = arith.constant 0 : i32
        %get3A_467 = arith.constant 0 : i32
        %get3A_468 = tpu.memref_slice %arg9[%scan3A_188, %get3A_466, %get3A_467] : memref<3x64x128xf32, #tpu.memory_space<vmem>> -> memref<1x64x128xf32, #tpu.memory_space<vmem>>
        %get3A_469 = tpu.memref_squeeze %get3A_468 : memref<1x64x128xf32, #tpu.memory_space<vmem>> -> memref<64x128xf32, #tpu.memory_space<vmem>>
        %get3A_470 = arith.index_cast %add3A_421 : i32 to index
        %get3A_471 = arith.constant 48 : index
        %get3A_472 = tpu.vector_load %get3A_469[%get3A_470, %get3A_471] {strides = array<i32>} : memref<64x128xf32, #tpu.memory_space<vmem>>, vector<16xf32>,
        %get3A_473 = arith.constant 0 : i32
        %get3A_474 = arith.constant 0 : i32
        %get3A_475 = tpu.memref_slice %arg10[%scan3A_189, %get3A_473, %get3A_474] : memref<3x64x128xf32, #tpu.memory_space<vmem>> -> memref<1x64x128xf32, #tpu.memory_space<vmem>>
        %get3A_476 = tpu.memref_squeeze %get3A_475 : memref<1x64x128xf32, #tpu.memory_space<vmem>> -> memref<64x128xf32, #tpu.memory_space<vmem>>
        %get3A_477 = arith.index_cast %add3A_421 : i32 to index
        %get3A_478 = arith.constant 48 : index
        %get3A_479 = tpu.vector_load %get3A_476[%get3A_477, %get3A_478] {strides = array<i32>} : memref<64x128xf32, #tpu.memory_space<vmem>>, vector<16xf32>,
        %mul3A_480 = arith.mulf %get3A_472, %get3A_479 : vector<16xf32>
        %get3A_481 = arith.constant 0 : i32
        %get3A_482 = arith.constant 0 : i32
        %get3A_483 = tpu.memref_slice %arg9[%scan3A_188, %get3A_481, %get3A_482] : memref<3x64x128xf32, #tpu.memory_space<vmem>> -> memref<1x64x128xf32, #tpu.memory_space<vmem>>
        %get3A_484 = tpu.memref_squeeze %get3A_483 : memref<1x64x128xf32, #tpu.memory_space<vmem>> -> memref<64x128xf32, #tpu.memory_space<vmem>>
        %get3A_485 = arith.index_cast %add3A_421 : i32 to index
        %get3A_486 = arith.constant 64 : index
        %get3A_487 = tpu.vector_load %get3A_484[%get3A_485, %get3A_486] {strides = array<i32>} : memref<64x128xf32, #tpu.memory_space<vmem>>, vector<16xf32>,
        %get3A_488 = arith.constant 0 : i32
        %get3A_489 = arith.constant 0 : i32
        %get3A_490 = tpu.memref_slice %arg10[%scan3A_189, %get3A_488, %get3A_489] : memref<3x64x128xf32, #tpu.memory_space<vmem>> -> memref<1x64x128xf32, #tpu.memory_space<vmem>>
        %get3A_491 = tpu.memref_squeeze %get3A_490 : memref<1x64x128xf32, #tpu.memory_space<vmem>> -> memref<64x128xf32, #tpu.memory_space<vmem>>
        %get3A_492 = arith.index_cast %add3A_421 : i32 to index
        %get3A_493 = arith.constant 64 : index
        %get3A_494 = tpu.vector_load %get3A_491[%get3A_492, %get3A_493] {strides = array<i32>} : memref<64x128xf32, #tpu.memory_space<vmem>>, vector<16xf32>,
        %mul3A_495 = arith.mulf %get3A_487, %get3A_494 : vector<16xf32>
        %get3A_496 = arith.constant 0 : i32
        %get3A_497 = arith.constant 0 : i32
        %get3A_498 = tpu.memref_slice %arg9[%scan3A_188, %get3A_496, %get3A_497] : memref<3x64x128xf32, #tpu.memory_space<vmem>> -> memref<1x64x128xf32, #tpu.memory_space<vmem>>
        %get3A_499 = tpu.memref_squeeze %get3A_498 : memref<1x64x128xf32, #tpu.memory_space<vmem>> -> memref<64x128xf32, #tpu.memory_space<vmem>>
        %get3A_500 = arith.index_cast %add3A_421 : i32 to index
        %get3A_501 = arith.constant 80 : index
        %get3A_502 = tpu.vector_load %get3A_499[%get3A_500, %get3A_501] {strides = array<i32>} : memref<64x128xf32, #tpu.memory_space<vmem>>, vector<16xf32>,
        %get3A_503 = arith.constant 0 : i32
        %get3A_504 = arith.constant 0 : i32
        %get3A_505 = tpu.memref_slice %arg10[%scan3A_189, %get3A_503, %get3A_504] : memref<3x64x128xf32, #tpu.memory_space<vmem>> -> memref<1x64x128xf32, #tpu.memory_space<vmem>>
        %get3A_506 = tpu.memref_squeeze %get3A_505 : memref<1x64x128xf32, #tpu.memory_space<vmem>> -> memref<64x128xf32, #tpu.memory_space<vmem>>
        %get3A_507 = arith.index_cast %add3A_421 : i32 to index
        %get3A_508 = arith.constant 80 : index
        %get3A_509 = tpu.vector_load %get3A_506[%get3A_507, %get3A_508] {strides = array<i32>} : memref<64x128xf32, #tpu.memory_space<vmem>>, vector<16xf32>,
        %mul3A_510 = arith.mulf %get3A_502, %get3A_509 : vector<16xf32>
        %get3A_511 = arith.constant 0 : i32
        %get3A_512 = arith.constant 0 : i32
        %get3A_513 = tpu.memref_slice %arg9[%scan3A_188, %get3A_511, %get3A_512] : memref<3x64x128xf32, #tpu.memory_space<vmem>> -> memref<1x64x128xf32, #tpu.memory_space<vmem>>
        %get3A_514 = tpu.memref_squeeze %get3A_513 : memref<1x64x128xf32, #tpu.memory_space<vmem>> -> memref<64x128xf32, #tpu.memory_space<vmem>>
        %get3A_515 = arith.index_cast %add3A_421 : i32 to index
        %get3A_516 = arith.constant 96 : index
        %get3A_517 = tpu.vector_load %get3A_514[%get3A_515, %get3A_516] {strides = array<i32>} : memref<64x128xf32, #tpu.memory_space<vmem>>, vector<16xf32>,
        %get3A_518 = arith.constant 0 : i32
        %get3A_519 = arith.constant 0 : i32
        %get3A_520 = tpu.memref_slice %arg10[%scan3A_189, %get3A_518, %get3A_519] : memref<3x64x128xf32, #tpu.memory_space<vmem>> -> memref<1x64x128xf32, #tpu.memory_space<vmem>>
        %get3A_521 = tpu.memref_squeeze %get3A_520 : memref<1x64x128xf32, #tpu.memory_space<vmem>> -> memref<64x128xf32, #tpu.memory_space<vmem>>
        %get3A_522 = arith.index_cast %add3A_421 : i32 to index
        %get3A_523 = arith.constant 96 : index
        %get3A_524 = tpu.vector_load %get3A_521[%get3A_522, %get3A_523] {strides = array<i32>} : memref<64x128xf32, #tpu.memory_space<vmem>>, vector<16xf32>,
        %mul3A_525 = arith.mulf %get3A_517, %get3A_524 : vector<16xf32>
        %get3A_526 = arith.constant 0 : i32
        %get3A_527 = arith.constant 0 : i32
        %get3A_528 = tpu.memref_slice %arg9[%scan3A_188, %get3A_526, %get3A_527] : memref<3x64x128xf32, #tpu.memory_space<vmem>> -> memref<1x64x128xf32, #tpu.memory_space<vmem>>
        %get3A_529 = tpu.memref_squeeze %get3A_528 : memref<1x64x128xf32, #tpu.memory_space<vmem>> -> memref<64x128xf32, #tpu.memory_space<vmem>>
        %get3A_530 = arith.index_cast %add3A_421 : i32 to index
        %get3A_531 = arith.constant 112 : index
        %get3A_532 = tpu.vector_load %get3A_529[%get3A_530, %get3A_531] {strides = array<i32>} : memref<64x128xf32, #tpu.memory_space<vmem>>, vector<16xf32>,
        %get3A_533 = arith.constant 0 : i32
        %get3A_534 = arith.constant 0 : i32
        %get3A_535 = tpu.memref_slice %arg10[%scan3A_189, %get3A_533, %get3A_534] : memref<3x64x128xf32, #tpu.memory_space<vmem>> -> memref<1x64x128xf32, #tpu.memory_space<vmem>>
        %get3A_536 = tpu.memref_squeeze %get3A_535 : memref<1x64x128xf32, #tpu.memory_space<vmem>> -> memref<64x128xf32, #tpu.memory_space<vmem>>
        %get3A_537 = arith.index_cast %add3A_421 : i32 to index
        %get3A_538 = arith.constant 112 : index
        %get3A_539 = tpu.vector_load %get3A_536[%get3A_537, %get3A_538] {strides = array<i32>} : memref<64x128xf32, #tpu.memory_space<vmem>>, vector<16xf32>,
        %mul3A_540 = arith.mulf %get3A_532, %get3A_539 : vector<16xf32>
        %add3A_541 = arith.addf %mul3A_435, %mul3A_450 : vector<16xf32>
        %add3A_542 = arith.addf %mul3A_465, %mul3A_480 : vector<16xf32>
        %add3A_543 = arith.addf %mul3A_495, %mul3A_510 : vector<16xf32>
        %add3A_544 = arith.addf %mul3A_525, %mul3A_540 : vector<16xf32>
        %add3A_545 = arith.addf %add3A_541, %add3A_542 : vector<16xf32>
        %add3A_546 = arith.addf %add3A_543, %add3A_544 : vector<16xf32>
        %add3A_547 = arith.addf %add3A_545, %add3A_546 : vector<16xf32>
        %reduce_sum3A = arith.constant true
        %reduce_sum3A_548 = vector.broadcast %reduce_sum3A : i1 to vector<16xi1>
        %reduce_sum3A_549 = tpu.scan <sum>, %add3A_547 masked %reduce_sum3A_548 : vector<16xf32>, vector<16xi1> -> vector<16xf32>
        %reduce_sum3A_550 = vector.extract %reduce_sum3A_549[15] : f32 from vector<16xf32>
        %eq3A = vector.broadcast %scan3A_419 : i32 to vector<16xi32>
        %eq3A_551 = arith.cmpi eq, %iota3A, %eq3A : vector<16xi32>
        %broadcast_in_dim3A_552 = vector.broadcast %reduce_sum3A_550 : f32 to vector<16xf32>
        %select_n3A = arith.select %eq3A_551, %broadcast_in_dim3A_552, %scan3A_420 : vector<16xi1>, vector<16xf32>
        %scan3A_553 = arith.constant 1 : i32
        %scan3A_554 = arith.addi %scan3A_419, %scan3A_553 : i32
        %add3A_555 = arith.addi %mul3A_407, %scan3A_554 : i32
        %get3A_556 = arith.constant 0 : i32
        %get3A_557 = arith.constant 0 : i32
        %get3A_558 = tpu.memref_slice %arg9[%scan3A_188, %get3A_556, %get3A_557] : memref<3x64x128xf32, #tpu.memory_space<vmem>> -> memref<1x64x128xf32, #tpu.memory_space<vmem>>
        %get3A_559 = tpu.memref_squeeze %get3A_558 : memref<1x64x128xf32, #tpu.memory_space<vmem>> -> memref<64x128xf32, #tpu.memory_space<vmem>>
        %get3A_560 = arith.index_cast %add3A_555 : i32 to index
        %get3A_561 = arith.constant 0 : index
        %get3A_562 = tpu.vector_load %get3A_559[%get3A_560, %get3A_561] {strides = array<i32>} : memref<64x128xf32, #tpu.memory_space<vmem>>, vector<16xf32>,
        %get3A_563 = arith.constant 0 : i32
        %get3A_564 = arith.constant 0 : i32
        %get3A_565 = tpu.memref_slice %arg10[%scan3A_189, %get3A_563, %get3A_564] : memref<3x64x128xf32, #tpu.memory_space<vmem>> -> memref<1x64x128xf32, #tpu.memory_space<vmem>>
        %get3A_566 = tpu.memref_squeeze %get3A_565 : memref<1x64x128xf32, #tpu.memory_space<vmem>> -> memref<64x128xf32, #tpu.memory_space<vmem>>
        %get3A_567 = arith.index_cast %add3A_555 : i32 to index
        %get3A_568 = arith.constant 0 : index
        %get3A_569 = tpu.vector_load %get3A_566[%get3A_567, %get3A_568] {strides = array<i32>} : memref<64x128xf32, #tpu.memory_space<vmem>>, vector<16xf32>,
        %mul3A_570 = arith.mulf %get3A_562, %get3A_569 : vector<16xf32>
        %get3A_571 = arith.constant 0 : i32
        %get3A_572 = arith.constant 0 : i32
        %get3A_573 = tpu.memref_slice %arg9[%scan3A_188, %get3A_571, %get3A_572] : memref<3x64x128xf32, #tpu.memory_space<vmem>> -> memref<1x64x128xf32, #tpu.memory_space<vmem>>
        %get3A_574 = tpu.memref_squeeze %get3A_573 : memref<1x64x128xf32, #tpu.memory_space<vmem>> -> memref<64x128xf32, #tpu.memory_space<vmem>>
        %get3A_575 = arith.index_cast %add3A_555 : i32 to index
        %get3A_576 = arith.constant 16 : index
        %get3A_577 = tpu.vector_load %get3A_574[%get3A_575, %get3A_576] {strides = array<i32>} : memref<64x128xf32, #tpu.memory_space<vmem>>, vector<16xf32>,
        %get3A_578 = arith.constant 0 : i32
        %get3A_579 = arith.constant 0 : i32
        %get3A_580 = tpu.memref_slice %arg10[%scan3A_189, %get3A_578, %get3A_579] : memref<3x64x128xf32, #tpu.memory_space<vmem>> -> memref<1x64x128xf32, #tpu.memory_space<vmem>>
        %get3A_581 = tpu.memref_squeeze %get3A_580 : memref<1x64x128xf32, #tpu.memory_space<vmem>> -> memref<64x128xf32, #tpu.memory_space<vmem>>
        %get3A_582 = arith.index_cast %add3A_555 : i32 to index
        %get3A_583 = arith.constant 16 : index
        %get3A_584 = tpu.vector_load %get3A_581[%get3A_582, %get3A_583] {strides = array<i32>} : memref<64x128xf32, #tpu.memory_space<vmem>>, vector<16xf32>,
        %mul3A_585 = arith.mulf %get3A_577, %get3A_584 : vector<16xf32>
        %get3A_586 = arith.constant 0 : i32
        %get3A_587 = arith.constant 0 : i32
        %get3A_588 = tpu.memref_slice %arg9[%scan3A_188, %get3A_586, %get3A_587] : memref<3x64x128xf32, #tpu.memory_space<vmem>> -> memref<1x64x128xf32, #tpu.memory_space<vmem>>
        %get3A_589 = tpu.memref_squeeze %get3A_588 : memref<1x64x128xf32, #tpu.memory_space<vmem>> -> memref<64x128xf32, #tpu.memory_space<vmem>>
        %get3A_590 = arith.index_cast %add3A_555 : i32 to index
        %get3A_591 = arith.constant 32 : index
        %get3A_592 = tpu.vector_load %get3A_589[%get3A_590, %get3A_591] {strides = array<i32>} : memref<64x128xf32, #tpu.memory_space<vmem>>, vector<16xf32>,
        %get3A_593 = arith.constant 0 : i32
        %get3A_594 = arith.constant 0 : i32
        %get3A_595 = tpu.memref_slice %arg10[%scan3A_189, %get3A_593, %get3A_594] : memref<3x64x128xf32, #tpu.memory_space<vmem>> -> memref<1x64x128xf32, #tpu.memory_space<vmem>>
        %get3A_596 = tpu.memref_squeeze %get3A_595 : memref<1x64x128xf32, #tpu.memory_space<vmem>> -> memref<64x128xf32, #tpu.memory_space<vmem>>
        %get3A_597 = arith.index_cast %add3A_555 : i32 to index
        %get3A_598 = arith.constant 32 : index
        %get3A_599 = tpu.vector_load %get3A_596[%get3A_597, %get3A_598] {strides = array<i32>} : memref<64x128xf32, #tpu.memory_space<vmem>>, vector<16xf32>,
        %mul3A_600 = arith.mulf %get3A_592, %get3A_599 : vector<16xf32>
        %get3A_601 = arith.constant 0 : i32
        %get3A_602 = arith.constant 0 : i32
        %get3A_603 = tpu.memref_slice %arg9[%scan3A_188, %get3A_601, %get3A_602] : memref<3x64x128xf32, #tpu.memory_space<vmem>> -> memref<1x64x128xf32, #tpu.memory_space<vmem>>
        %get3A_604 = tpu.memref_squeeze %get3A_603 : memref<1x64x128xf32, #tpu.memory_space<vmem>> -> memref<64x128xf32, #tpu.memory_space<vmem>>
        %get3A_605 = arith.index_cast %add3A_555 : i32 to index
        %get3A_606 = arith.constant 48 : index
        %get3A_607 = tpu.vector_load %get3A_604[%get3A_605, %get3A_606] {strides = array<i32>} : memref<64x128xf32, #tpu.memory_space<vmem>>, vector<16xf32>,
        %get3A_608 = arith.constant 0 : i32
        %get3A_609 = arith.constant 0 : i32
        %get3A_610 = tpu.memref_slice %arg10[%scan3A_189, %get3A_608, %get3A_609] : memref<3x64x128xf32, #tpu.memory_space<vmem>> -> memref<1x64x128xf32, #tpu.memory_space<vmem>>
        %get3A_611 = tpu.memref_squeeze %get3A_610 : memref<1x64x128xf32, #tpu.memory_space<vmem>> -> memref<64x128xf32, #tpu.memory_space<vmem>>
        %get3A_612 = arith.index_cast %add3A_555 : i32 to index
        %get3A_613 = arith.constant 48 : index
        %get3A_614 = tpu.vector_load %get3A_611[%get3A_612, %get3A_613] {strides = array<i32>} : memref<64x128xf32, #tpu.memory_space<vmem>>, vector<16xf32>,
        %mul3A_615 = arith.mulf %get3A_607, %get3A_614 : vector<16xf32>
        %get3A_616 = arith.constant 0 : i32
        %get3A_617 = arith.constant 0 : i32
        %get3A_618 = tpu.memref_slice %arg9[%scan3A_188, %get3A_616, %get3A_617] : memref<3x64x128xf32, #tpu.memory_space<vmem>> -> memref<1x64x128xf32, #tpu.memory_space<vmem>>
        %get3A_619 = tpu.memref_squeeze %get3A_618 : memref<1x64x128xf32, #tpu.memory_space<vmem>> -> memref<64x128xf32, #tpu.memory_space<vmem>>
        %get3A_620 = arith.index_cast %add3A_555 : i32 to index
        %get3A_621 = arith.constant 64 : index
        %get3A_622 = tpu.vector_load %get3A_619[%get3A_620, %get3A_621] {strides = array<i32>} : memref<64x128xf32, #tpu.memory_space<vmem>>, vector<16xf32>,
        %get3A_623 = arith.constant 0 : i32
        %get3A_624 = arith.constant 0 : i32
        %get3A_625 = tpu.memref_slice %arg10[%scan3A_189, %get3A_623, %get3A_624] : memref<3x64x128xf32, #tpu.memory_space<vmem>> -> memref<1x64x128xf32, #tpu.memory_space<vmem>>
        %get3A_626 = tpu.memref_squeeze %get3A_625 : memref<1x64x128xf32, #tpu.memory_space<vmem>> -> memref<64x128xf32, #tpu.memory_space<vmem>>
        %get3A_627 = arith.index_cast %add3A_555 : i32 to index
        %get3A_628 = arith.constant 64 : index
        %get3A_629 = tpu.vector_load %get3A_626[%get3A_627, %get3A_628] {strides = array<i32>} : memref<64x128xf32, #tpu.memory_space<vmem>>, vector<16xf32>,
        %mul3A_630 = arith.mulf %get3A_622, %get3A_629 : vector<16xf32>
        %get3A_631 = arith.constant 0 : i32
        %get3A_632 = arith.constant 0 : i32
        %get3A_633 = tpu.memref_slice %arg9[%scan3A_188, %get3A_631, %get3A_632] : memref<3x64x128xf32, #tpu.memory_space<vmem>> -> memref<1x64x128xf32, #tpu.memory_space<vmem>>
        %get3A_634 = tpu.memref_squeeze %get3A_633 : memref<1x64x128xf32, #tpu.memory_space<vmem>> -> memref<64x128xf32, #tpu.memory_space<vmem>>
        %get3A_635 = arith.index_cast %add3A_555 : i32 to index
        %get3A_636 = arith.constant 80 : index
        %get3A_637 = tpu.vector_load %get3A_634[%get3A_635, %get3A_636] {strides = array<i32>} : memref<64x128xf32, #tpu.memory_space<vmem>>, vector<16xf32>,
        %get3A_638 = arith.constant 0 : i32
        %get3A_639 = arith.constant 0 : i32
        %get3A_640 = tpu.memref_slice %arg10[%scan3A_189, %get3A_638, %get3A_639] : memref<3x64x128xf32, #tpu.memory_space<vmem>> -> memref<1x64x128xf32, #tpu.memory_space<vmem>>
        %get3A_641 = tpu.memref_squeeze %get3A_640 : memref<1x64x128xf32, #tpu.memory_space<vmem>> -> memref<64x128xf32, #tpu.memory_space<vmem>>
        %get3A_642 = arith.index_cast %add3A_555 : i32 to index
        %get3A_643 = arith.constant 80 : index
        %get3A_644 = tpu.vector_load %get3A_641[%get3A_642, %get3A_643] {strides = array<i32>} : memref<64x128xf32, #tpu.memory_space<vmem>>, vector<16xf32>,
        %mul3A_645 = arith.mulf %get3A_637, %get3A_644 : vector<16xf32>
        %get3A_646 = arith.constant 0 : i32
        %get3A_647 = arith.constant 0 : i32
        %get3A_648 = tpu.memref_slice %arg9[%scan3A_188, %get3A_646, %get3A_647] : memref<3x64x128xf32, #tpu.memory_space<vmem>> -> memref<1x64x128xf32, #tpu.memory_space<vmem>>
        %get3A_649 = tpu.memref_squeeze %get3A_648 : memref<1x64x128xf32, #tpu.memory_space<vmem>> -> memref<64x128xf32, #tpu.memory_space<vmem>>
        %get3A_650 = arith.index_cast %add3A_555 : i32 to index
        %get3A_651 = arith.constant 96 : index
        %get3A_652 = tpu.vector_load %get3A_649[%get3A_650, %get3A_651] {strides = array<i32>} : memref<64x128xf32, #tpu.memory_space<vmem>>, vector<16xf32>,
        %get3A_653 = arith.constant 0 : i32
        %get3A_654 = arith.constant 0 : i32
        %get3A_655 = tpu.memref_slice %arg10[%scan3A_189, %get3A_653, %get3A_654] : memref<3x64x128xf32, #tpu.memory_space<vmem>> -> memref<1x64x128xf32, #tpu.memory_space<vmem>>
        %get3A_656 = tpu.memref_squeeze %get3A_655 : memref<1x64x128xf32, #tpu.memory_space<vmem>> -> memref<64x128xf32, #tpu.memory_space<vmem>>
        %get3A_657 = arith.index_cast %add3A_555 : i32 to index
        %get3A_658 = arith.constant 96 : index
        %get3A_659 = tpu.vector_load %get3A_656[%get3A_657, %get3A_658] {strides = array<i32>} : memref<64x128xf32, #tpu.memory_space<vmem>>, vector<16xf32>,
        %mul3A_660 = arith.mulf %get3A_652, %get3A_659 : vector<16xf32>
        %get3A_661 = arith.constant 0 : i32
        %get3A_662 = arith.constant 0 : i32
        %get3A_663 = tpu.memref_slice %arg9[%scan3A_188, %get3A_661, %get3A_662] : memref<3x64x128xf32, #tpu.memory_space<vmem>> -> memref<1x64x128xf32, #tpu.memory_space<vmem>>
        %get3A_664 = tpu.memref_squeeze %get3A_663 : memref<1x64x128xf32, #tpu.memory_space<vmem>> -> memref<64x128xf32, #tpu.memory_space<vmem>>
        %get3A_665 = arith.index_cast %add3A_555 : i32 to index
        %get3A_666 = arith.constant 112 : index
        %get3A_667 = tpu.vector_load %get3A_664[%get3A_665, %get3A_666] {strides = array<i32>} : memref<64x128xf32, #tpu.memory_space<vmem>>, vector<16xf32>,
        %get3A_668 = arith.constant 0 : i32
        %get3A_669 = arith.constant 0 : i32
        %get3A_670 = tpu.memref_slice %arg10[%scan3A_189, %get3A_668, %get3A_669] : memref<3x64x128xf32, #tpu.memory_space<vmem>> -> memref<1x64x128xf32, #tpu.memory_space<vmem>>
        %get3A_671 = tpu.memref_squeeze %get3A_670 : memref<1x64x128xf32, #tpu.memory_space<vmem>> -> memref<64x128xf32, #tpu.memory_space<vmem>>
        %get3A_672 = arith.index_cast %add3A_555 : i32 to index
        %get3A_673 = arith.constant 112 : index
        %get3A_674 = tpu.vector_load %get3A_671[%get3A_672, %get3A_673] {strides = array<i32>} : memref<64x128xf32, #tpu.memory_space<vmem>>, vector<16xf32>,
        %mul3A_675 = arith.mulf %get3A_667, %get3A_674 : vector<16xf32>
        %add3A_676 = arith.addf %mul3A_570, %mul3A_585 : vector<16xf32>
        %add3A_677 = arith.addf %mul3A_600, %mul3A_615 : vector<16xf32>
        %add3A_678 = arith.addf %mul3A_630, %mul3A_645 : vector<16xf32>
        %add3A_679 = arith.addf %mul3A_660, %mul3A_675 : vector<16xf32>
        %add3A_680 = arith.addf %add3A_676, %add3A_677 : vector<16xf32>
        %add3A_681 = arith.addf %add3A_678, %add3A_679 : vector<16xf32>
        %add3A_682 = arith.addf %add3A_680, %add3A_681 : vector<16xf32>
        %reduce_sum3A_683 = arith.constant true
        %reduce_sum3A_684 = vector.broadcast %reduce_sum3A_683 : i1 to vector<16xi1>
        %reduce_sum3A_685 = tpu.scan <sum>, %add3A_682 masked %reduce_sum3A_684 : vector<16xf32>, vector<16xi1> -> vector<16xf32>
        %reduce_sum3A_686 = vector.extract %reduce_sum3A_685[15] : f32 from vector<16xf32>
        %eq3A_687 = vector.broadcast %scan3A_554 : i32 to vector<16xi32>
        %eq3A_688 = arith.cmpi eq, %iota3A, %eq3A_687 : vector<16xi32>
        %broadcast_in_dim3A_689 = vector.broadcast %reduce_sum3A_686 : f32 to vector<16xf32>
        %select_n3A_690 = arith.select %eq3A_688, %broadcast_in_dim3A_689, %select_n3A : vector<16xi1>, vector<16xf32>
        scf.yield %select_n3A_690 : vector<16xf32>
      }
      %scan3A_414 = arith.constant 16 : i32
      %add3A_415 = arith.constant 128 : i32
      %add3A_416 = arith.addi %add3A_415, %mul3A_407 : i32
      %swap3A = arith.index_cast %add3A_416 : i32 to index
      %swap3A_417 = tpu.vector_load %arg11[%swap3A] {strides = array<i32>} : memref<512xf32, #tpu.memory_space<vmem>>, vector<16xf32>,
      tpu.vector_store %arg11[%swap3A], %scan3A_413 {strides = array<i32>} : memref<512xf32, #tpu.memory_space<vmem>>, vector<16xf32>,
      %scan3A_418 = arith.constant 0 : i32
      scf.yield %scan3A_418 : i32
    }
    %scan3A_196 = arith.constant 4 : i32
    %dma_start3A_197 = arith.constant 2 : i32
    %dma_start3A_198 = arith.constant 0 : i32
    %dma_start3A_199 = arith.constant 0 : i32
    %dma_start3A_200 = tpu.memref_slice %arg9[%dma_start3A_197, %dma_start3A_198, %dma_start3A_199] : memref<3x64x128xf32, #tpu.memory_space<vmem>> -> memref<1x64x128xf32, #tpu.memory_space<vmem>>
    %dma_start3A_201 = tpu.memref_squeeze %dma_start3A_200 : memref<1x64x128xf32, #tpu.memory_space<vmem>> -> memref<64x128xf32, #tpu.memory_space<vmem>>
    %dma_start3A_202 = arith.constant 320 : i32
    %dma_start3A_203 = tpu.memref_slice %arg7[%dma_start3A_202] : memref<512xi32, #tpu.memory_space<vmem>> -> memref<64xi32, #tpu.memory_space<vmem>>
    %dma_start3A_204 = arith.constant 0 : i32
    %dma_start3A_205 = arith.constant 0 : i32
    %dma_start3A_206 = tpu.memref_slice %arg4[%dma_start3A_204, %dma_start3A_205] : memref<100000x128xf32, #tpu.memory_space<hbm>> -> memref<100000x128xf32, #tpu.memory_space<hbm>>
    tpu.enqueue_indirect_dma source(%dma_start3A_206 : memref<100000x128xf32, #tpu.memory_space<hbm>>) target(%dma_start3A_201 : memref<64x128xf32, #tpu.memory_space<vmem>>) offsets(%dma_start3A_203 : memref<64xi32, #tpu.memory_space<vmem>>) semaphore(%arg14 : memref<!tpu.dma_semaphore, #tpu.memory_space<semaphore_mem>>)
    %dma_start3A_207 = arith.constant 2 : i32
    %dma_start3A_208 = arith.constant 0 : i32
    %dma_start3A_209 = arith.constant 0 : i32
    %dma_start3A_210 = tpu.memref_slice %arg10[%dma_start3A_207, %dma_start3A_208, %dma_start3A_209] : memref<3x64x128xf32, #tpu.memory_space<vmem>> -> memref<1x64x128xf32, #tpu.memory_space<vmem>>
    %dma_start3A_211 = tpu.memref_squeeze %dma_start3A_210 : memref<1x64x128xf32, #tpu.memory_space<vmem>> -> memref<64x128xf32, #tpu.memory_space<vmem>>
    %dma_start3A_212 = arith.constant 320 : i32
    %dma_start3A_213 = tpu.memref_slice %arg8[%dma_start3A_212] : memref<512xi32, #tpu.memory_space<vmem>> -> memref<64xi32, #tpu.memory_space<vmem>>
    %dma_start3A_214 = arith.constant 0 : i32
    %dma_start3A_215 = arith.constant 0 : i32
    %dma_start3A_216 = tpu.memref_slice %arg5[%dma_start3A_214, %dma_start3A_215] : memref<100000x128xf32, #tpu.memory_space<hbm>> -> memref<100000x128xf32, #tpu.memory_space<hbm>>
    tpu.enqueue_indirect_dma source(%dma_start3A_216 : memref<100000x128xf32, #tpu.memory_space<hbm>>) target(%dma_start3A_211 : memref<64x128xf32, #tpu.memory_space<vmem>>) offsets(%dma_start3A_213 : memref<64xi32, #tpu.memory_space<vmem>>) semaphore(%arg14 : memref<!tpu.dma_semaphore, #tpu.memory_space<semaphore_mem>>)
    %dma_wait3A_217 = arith.constant 0 : i32
    %dma_wait3A_218 = arith.constant 0 : i32
    %dma_wait3A_219 = arith.constant 0 : i32
    %dma_wait3A_220 = tpu.memref_slice %arg9[%dma_wait3A_217, %dma_wait3A_218, %dma_wait3A_219] : memref<3x64x128xf32, #tpu.memory_space<vmem>> -> memref<1x64x128xf32, #tpu.memory_space<vmem>>
    %dma_wait3A_221 = tpu.memref_squeeze %dma_wait3A_220 : memref<1x64x128xf32, #tpu.memory_space<vmem>> -> memref<64x128xf32, #tpu.memory_space<vmem>>
    %dma_wait3A_222 = arith.constant 192 : i32
    %dma_wait3A_223 = tpu.memref_slice %arg7[%dma_wait3A_222] : memref<512xi32, #tpu.memory_space<vmem>> -> memref<64xi32, #tpu.memory_space<vmem>>
    %dma_wait3A_224 = arith.constant 0 : i32
    %dma_wait3A_225 = arith.constant 0 : i32
    %dma_wait3A_226 = tpu.memref_slice %arg4[%dma_wait3A_224, %dma_wait3A_225] : memref<100000x128xf32, #tpu.memory_space<hbm>> -> memref<100000x128xf32, #tpu.memory_space<hbm>>
    tpu.wait_indirect_dma semaphore(%arg12 : memref<!tpu.dma_semaphore, #tpu.memory_space<semaphore_mem>>) src(%dma_wait3A_226 : memref<100000x128xf32, #tpu.memory_space<hbm>>) dst(%dma_wait3A_221 : memref<64x128xf32, #tpu.memory_space<vmem>>)
    %dma_wait3A_227 = arith.constant 0 : i32
    %dma_wait3A_228 = arith.constant 0 : i32
    %dma_wait3A_229 = arith.constant 0 : i32
    %dma_wait3A_230 = tpu.memref_slice %arg10[%dma_wait3A_227, %dma_wait3A_228, %dma_wait3A_229] : memref<3x64x128xf32, #tpu.memory_space<vmem>> -> memref<1x64x128xf32, #tpu.memory_space<vmem>>
    %dma_wait3A_231 = tpu.memref_squeeze %dma_wait3A_230 : memref<1x64x128xf32, #tpu.memory_space<vmem>> -> memref<64x128xf32, #tpu.memory_space<vmem>>
    %dma_wait3A_232 = arith.constant 192 : i32
    %dma_wait3A_233 = tpu.memref_slice %arg8[%dma_wait3A_232] : memref<512xi32, #tpu.memory_space<vmem>> -> memref<64xi32, #tpu.memory_space<vmem>>
    %dma_wait3A_234 = arith.constant 0 : i32
    %dma_wait3A_235 = arith.constant 0 : i32
    %dma_wait3A_236 = tpu.memref_slice %arg5[%dma_wait3A_234, %dma_wait3A_235] : memref<100000x128xf32, #tpu.memory_space<hbm>> -> memref<100000x128xf32, #tpu.memory_space<hbm>>
    tpu.wait_indirect_dma semaphore(%arg12 : memref<!tpu.dma_semaphore, #tpu.memory_space<semaphore_mem>>) src(%dma_wait3A_236 : memref<100000x128xf32, #tpu.memory_space<hbm>>) dst(%dma_wait3A_231 : memref<64x128xf32, #tpu.memory_space<vmem>>)
    %scan3A_237 = arith.constant 0 : i32
    %scan3A_238 = arith.constant 0 : i32
    %scan3A_239 = arith.constant 0 : i32
    %scan3A_240 = arith.constant 0 : i32
    %scan3A_241 = arith.constant 4 : i32
    %scan3A_242 = arith.addi %scan3A_240, %scan3A_241 : i32
    %scan3A_243 = arith.constant 1 : i32
    %scan3A_244 = scf.for %scan3A_404 = %scan3A_240 to %scan3A_242 step %scan3A_243 iter_args(%scan3A_405 = %scan3A_239) -> (i32)  : i32 {
      %mul3A_406 = arith.constant 16 : i32
      %mul3A_407 = arith.muli %scan3A_404, %mul3A_406 : i32
      %broadcast_in_dim3A = arith.constant 0.000000e+00 : f32
      %broadcast_in_dim3A_408 = vector.broadcast %broadcast_in_dim3A : f32 to vector<16xf32>
      %scan3A_409 = arith.constant 0 : i32
      %scan3A_410 = arith.constant 16 : i32
      %scan3A_411 = arith.addi %scan3A_409, %scan3A_410 : i32
      %scan3A_412 = arith.constant 2 : i32
      %scan3A_413 = scf.for %scan3A_419 = %scan3A_409 to %scan3A_411 step %scan3A_412 iter_args(%scan3A_420 = %broadcast_in_dim3A_408) -> (vector<16xf32>)  : i32 {
        %add3A_421 = arith.addi %mul3A_407, %scan3A_419 : i32
        %get3A = arith.constant 0 : i32
        %get3A_422 = arith.constant 0 : i32
        %get3A_423 = tpu.memref_slice %arg9[%scan3A_237, %get3A, %get3A_422] : memref<3x64x128xf32, #tpu.memory_space<vmem>> -> memref<1x64x128xf32, #tpu.memory_space<vmem>>
        %get3A_424 = tpu.memref_squeeze %get3A_423 : memref<1x64x128xf32, #tpu.memory_space<vmem>> -> memref<64x128xf32, #tpu.memory_space<vmem>>
        %get3A_425 = arith.index_cast %add3A_421 : i32 to index
        %get3A_426 = arith.constant 0 : index
        %get3A_427 = tpu.vector_load %get3A_424[%get3A_425, %get3A_426] {strides = array<i32>} : memref<64x128xf32, #tpu.memory_space<vmem>>, vector<16xf32>,
        %get3A_428 = arith.constant 0 : i32
        %get3A_429 = arith.constant 0 : i32
        %get3A_430 = tpu.memref_slice %arg10[%scan3A_238, %get3A_428, %get3A_429] : memref<3x64x128xf32, #tpu.memory_space<vmem>> -> memref<1x64x128xf32, #tpu.memory_space<vmem>>
        %get3A_431 = tpu.memref_squeeze %get3A_430 : memref<1x64x128xf32, #tpu.memory_space<vmem>> -> memref<64x128xf32, #tpu.memory_space<vmem>>
        %get3A_432 = arith.index_cast %add3A_421 : i32 to index
        %get3A_433 = arith.constant 0 : index
        %get3A_434 = tpu.vector_load %get3A_431[%get3A_432, %get3A_433] {strides = array<i32>} : memref<64x128xf32, #tpu.memory_space<vmem>>, vector<16xf32>,
        %mul3A_435 = arith.mulf %get3A_427, %get3A_434 : vector<16xf32>
        %get3A_436 = arith.constant 0 : i32
        %get3A_437 = arith.constant 0 : i32
        %get3A_438 = tpu.memref_slice %arg9[%scan3A_237, %get3A_436, %get3A_437] : memref<3x64x128xf32, #tpu.memory_space<vmem>> -> memref<1x64x128xf32, #tpu.memory_space<vmem>>
        %get3A_439 = tpu.memref_squeeze %get3A_438 : memref<1x64x128xf32, #tpu.memory_space<vmem>> -> memref<64x128xf32, #tpu.memory_space<vmem>>
        %get3A_440 = arith.index_cast %add3A_421 : i32 to index
        %get3A_441 = arith.constant 16 : index
        %get3A_442 = tpu.vector_load %get3A_439[%get3A_440, %get3A_441] {strides = array<i32>} : memref<64x128xf32, #tpu.memory_space<vmem>>, vector<16xf32>,
        %get3A_443 = arith.constant 0 : i32
        %get3A_444 = arith.constant 0 : i32
        %get3A_445 = tpu.memref_slice %arg10[%scan3A_238, %get3A_443, %get3A_444] : memref<3x64x128xf32, #tpu.memory_space<vmem>> -> memref<1x64x128xf32, #tpu.memory_space<vmem>>
        %get3A_446 = tpu.memref_squeeze %get3A_445 : memref<1x64x128xf32, #tpu.memory_space<vmem>> -> memref<64x128xf32, #tpu.memory_space<vmem>>
        %get3A_447 = arith.index_cast %add3A_421 : i32 to index
        %get3A_448 = arith.constant 16 : index
        %get3A_449 = tpu.vector_load %get3A_446[%get3A_447, %get3A_448] {strides = array<i32>} : memref<64x128xf32, #tpu.memory_space<vmem>>, vector<16xf32>,
        %mul3A_450 = arith.mulf %get3A_442, %get3A_449 : vector<16xf32>
        %get3A_451 = arith.constant 0 : i32
        %get3A_452 = arith.constant 0 : i32
        %get3A_453 = tpu.memref_slice %arg9[%scan3A_237, %get3A_451, %get3A_452] : memref<3x64x128xf32, #tpu.memory_space<vmem>> -> memref<1x64x128xf32, #tpu.memory_space<vmem>>
        %get3A_454 = tpu.memref_squeeze %get3A_453 : memref<1x64x128xf32, #tpu.memory_space<vmem>> -> memref<64x128xf32, #tpu.memory_space<vmem>>
        %get3A_455 = arith.index_cast %add3A_421 : i32 to index
        %get3A_456 = arith.constant 32 : index
        %get3A_457 = tpu.vector_load %get3A_454[%get3A_455, %get3A_456] {strides = array<i32>} : memref<64x128xf32, #tpu.memory_space<vmem>>, vector<16xf32>,
        %get3A_458 = arith.constant 0 : i32
        %get3A_459 = arith.constant 0 : i32
        %get3A_460 = tpu.memref_slice %arg10[%scan3A_238, %get3A_458, %get3A_459] : memref<3x64x128xf32, #tpu.memory_space<vmem>> -> memref<1x64x128xf32, #tpu.memory_space<vmem>>
        %get3A_461 = tpu.memref_squeeze %get3A_460 : memref<1x64x128xf32, #tpu.memory_space<vmem>> -> memref<64x128xf32, #tpu.memory_space<vmem>>
        %get3A_462 = arith.index_cast %add3A_421 : i32 to index
        %get3A_463 = arith.constant 32 : index
        %get3A_464 = tpu.vector_load %get3A_461[%get3A_462, %get3A_463] {strides = array<i32>} : memref<64x128xf32, #tpu.memory_space<vmem>>, vector<16xf32>,
        %mul3A_465 = arith.mulf %get3A_457, %get3A_464 : vector<16xf32>
        %get3A_466 = arith.constant 0 : i32
        %get3A_467 = arith.constant 0 : i32
        %get3A_468 = tpu.memref_slice %arg9[%scan3A_237, %get3A_466, %get3A_467] : memref<3x64x128xf32, #tpu.memory_space<vmem>> -> memref<1x64x128xf32, #tpu.memory_space<vmem>>
        %get3A_469 = tpu.memref_squeeze %get3A_468 : memref<1x64x128xf32, #tpu.memory_space<vmem>> -> memref<64x128xf32, #tpu.memory_space<vmem>>
        %get3A_470 = arith.index_cast %add3A_421 : i32 to index
        %get3A_471 = arith.constant 48 : index
        %get3A_472 = tpu.vector_load %get3A_469[%get3A_470, %get3A_471] {strides = array<i32>} : memref<64x128xf32, #tpu.memory_space<vmem>>, vector<16xf32>,
        %get3A_473 = arith.constant 0 : i32
        %get3A_474 = arith.constant 0 : i32
        %get3A_475 = tpu.memref_slice %arg10[%scan3A_238, %get3A_473, %get3A_474] : memref<3x64x128xf32, #tpu.memory_space<vmem>> -> memref<1x64x128xf32, #tpu.memory_space<vmem>>
        %get3A_476 = tpu.memref_squeeze %get3A_475 : memref<1x64x128xf32, #tpu.memory_space<vmem>> -> memref<64x128xf32, #tpu.memory_space<vmem>>
        %get3A_477 = arith.index_cast %add3A_421 : i32 to index
        %get3A_478 = arith.constant 48 : index
        %get3A_479 = tpu.vector_load %get3A_476[%get3A_477, %get3A_478] {strides = array<i32>} : memref<64x128xf32, #tpu.memory_space<vmem>>, vector<16xf32>,
        %mul3A_480 = arith.mulf %get3A_472, %get3A_479 : vector<16xf32>
        %get3A_481 = arith.constant 0 : i32
        %get3A_482 = arith.constant 0 : i32
        %get3A_483 = tpu.memref_slice %arg9[%scan3A_237, %get3A_481, %get3A_482] : memref<3x64x128xf32, #tpu.memory_space<vmem>> -> memref<1x64x128xf32, #tpu.memory_space<vmem>>
        %get3A_484 = tpu.memref_squeeze %get3A_483 : memref<1x64x128xf32, #tpu.memory_space<vmem>> -> memref<64x128xf32, #tpu.memory_space<vmem>>
        %get3A_485 = arith.index_cast %add3A_421 : i32 to index
        %get3A_486 = arith.constant 64 : index
        %get3A_487 = tpu.vector_load %get3A_484[%get3A_485, %get3A_486] {strides = array<i32>} : memref<64x128xf32, #tpu.memory_space<vmem>>, vector<16xf32>,
        %get3A_488 = arith.constant 0 : i32
        %get3A_489 = arith.constant 0 : i32
        %get3A_490 = tpu.memref_slice %arg10[%scan3A_238, %get3A_488, %get3A_489] : memref<3x64x128xf32, #tpu.memory_space<vmem>> -> memref<1x64x128xf32, #tpu.memory_space<vmem>>
        %get3A_491 = tpu.memref_squeeze %get3A_490 : memref<1x64x128xf32, #tpu.memory_space<vmem>> -> memref<64x128xf32, #tpu.memory_space<vmem>>
        %get3A_492 = arith.index_cast %add3A_421 : i32 to index
        %get3A_493 = arith.constant 64 : index
        %get3A_494 = tpu.vector_load %get3A_491[%get3A_492, %get3A_493] {strides = array<i32>} : memref<64x128xf32, #tpu.memory_space<vmem>>, vector<16xf32>,
        %mul3A_495 = arith.mulf %get3A_487, %get3A_494 : vector<16xf32>
        %get3A_496 = arith.constant 0 : i32
        %get3A_497 = arith.constant 0 : i32
        %get3A_498 = tpu.memref_slice %arg9[%scan3A_237, %get3A_496, %get3A_497] : memref<3x64x128xf32, #tpu.memory_space<vmem>> -> memref<1x64x128xf32, #tpu.memory_space<vmem>>
        %get3A_499 = tpu.memref_squeeze %get3A_498 : memref<1x64x128xf32, #tpu.memory_space<vmem>> -> memref<64x128xf32, #tpu.memory_space<vmem>>
        %get3A_500 = arith.index_cast %add3A_421 : i32 to index
        %get3A_501 = arith.constant 80 : index
        %get3A_502 = tpu.vector_load %get3A_499[%get3A_500, %get3A_501] {strides = array<i32>} : memref<64x128xf32, #tpu.memory_space<vmem>>, vector<16xf32>,
        %get3A_503 = arith.constant 0 : i32
        %get3A_504 = arith.constant 0 : i32
        %get3A_505 = tpu.memref_slice %arg10[%scan3A_238, %get3A_503, %get3A_504] : memref<3x64x128xf32, #tpu.memory_space<vmem>> -> memref<1x64x128xf32, #tpu.memory_space<vmem>>
        %get3A_506 = tpu.memref_squeeze %get3A_505 : memref<1x64x128xf32, #tpu.memory_space<vmem>> -> memref<64x128xf32, #tpu.memory_space<vmem>>
        %get3A_507 = arith.index_cast %add3A_421 : i32 to index
        %get3A_508 = arith.constant 80 : index
        %get3A_509 = tpu.vector_load %get3A_506[%get3A_507, %get3A_508] {strides = array<i32>} : memref<64x128xf32, #tpu.memory_space<vmem>>, vector<16xf32>,
        %mul3A_510 = arith.mulf %get3A_502, %get3A_509 : vector<16xf32>
        %get3A_511 = arith.constant 0 : i32
        %get3A_512 = arith.constant 0 : i32
        %get3A_513 = tpu.memref_slice %arg9[%scan3A_237, %get3A_511, %get3A_512] : memref<3x64x128xf32, #tpu.memory_space<vmem>> -> memref<1x64x128xf32, #tpu.memory_space<vmem>>
        %get3A_514 = tpu.memref_squeeze %get3A_513 : memref<1x64x128xf32, #tpu.memory_space<vmem>> -> memref<64x128xf32, #tpu.memory_space<vmem>>
        %get3A_515 = arith.index_cast %add3A_421 : i32 to index
        %get3A_516 = arith.constant 96 : index
        %get3A_517 = tpu.vector_load %get3A_514[%get3A_515, %get3A_516] {strides = array<i32>} : memref<64x128xf32, #tpu.memory_space<vmem>>, vector<16xf32>,
        %get3A_518 = arith.constant 0 : i32
        %get3A_519 = arith.constant 0 : i32
        %get3A_520 = tpu.memref_slice %arg10[%scan3A_238, %get3A_518, %get3A_519] : memref<3x64x128xf32, #tpu.memory_space<vmem>> -> memref<1x64x128xf32, #tpu.memory_space<vmem>>
        %get3A_521 = tpu.memref_squeeze %get3A_520 : memref<1x64x128xf32, #tpu.memory_space<vmem>> -> memref<64x128xf32, #tpu.memory_space<vmem>>
        %get3A_522 = arith.index_cast %add3A_421 : i32 to index
        %get3A_523 = arith.constant 96 : index
        %get3A_524 = tpu.vector_load %get3A_521[%get3A_522, %get3A_523] {strides = array<i32>} : memref<64x128xf32, #tpu.memory_space<vmem>>, vector<16xf32>,
        %mul3A_525 = arith.mulf %get3A_517, %get3A_524 : vector<16xf32>
        %get3A_526 = arith.constant 0 : i32
        %get3A_527 = arith.constant 0 : i32
        %get3A_528 = tpu.memref_slice %arg9[%scan3A_237, %get3A_526, %get3A_527] : memref<3x64x128xf32, #tpu.memory_space<vmem>> -> memref<1x64x128xf32, #tpu.memory_space<vmem>>
        %get3A_529 = tpu.memref_squeeze %get3A_528 : memref<1x64x128xf32, #tpu.memory_space<vmem>> -> memref<64x128xf32, #tpu.memory_space<vmem>>
        %get3A_530 = arith.index_cast %add3A_421 : i32 to index
        %get3A_531 = arith.constant 112 : index
        %get3A_532 = tpu.vector_load %get3A_529[%get3A_530, %get3A_531] {strides = array<i32>} : memref<64x128xf32, #tpu.memory_space<vmem>>, vector<16xf32>,
        %get3A_533 = arith.constant 0 : i32
        %get3A_534 = arith.constant 0 : i32
        %get3A_535 = tpu.memref_slice %arg10[%scan3A_238, %get3A_533, %get3A_534] : memref<3x64x128xf32, #tpu.memory_space<vmem>> -> memref<1x64x128xf32, #tpu.memory_space<vmem>>
        %get3A_536 = tpu.memref_squeeze %get3A_535 : memref<1x64x128xf32, #tpu.memory_space<vmem>> -> memref<64x128xf32, #tpu.memory_space<vmem>>
        %get3A_537 = arith.index_cast %add3A_421 : i32 to index
        %get3A_538 = arith.constant 112 : index
        %get3A_539 = tpu.vector_load %get3A_536[%get3A_537, %get3A_538] {strides = array<i32>} : memref<64x128xf32, #tpu.memory_space<vmem>>, vector<16xf32>,
        %mul3A_540 = arith.mulf %get3A_532, %get3A_539 : vector<16xf32>
        %add3A_541 = arith.addf %mul3A_435, %mul3A_450 : vector<16xf32>
        %add3A_542 = arith.addf %mul3A_465, %mul3A_480 : vector<16xf32>
        %add3A_543 = arith.addf %mul3A_495, %mul3A_510 : vector<16xf32>
        %add3A_544 = arith.addf %mul3A_525, %mul3A_540 : vector<16xf32>
        %add3A_545 = arith.addf %add3A_541, %add3A_542 : vector<16xf32>
        %add3A_546 = arith.addf %add3A_543, %add3A_544 : vector<16xf32>
        %add3A_547 = arith.addf %add3A_545, %add3A_546 : vector<16xf32>
        %reduce_sum3A = arith.constant true
        %reduce_sum3A_548 = vector.broadcast %reduce_sum3A : i1 to vector<16xi1>
        %reduce_sum3A_549 = tpu.scan <sum>, %add3A_547 masked %reduce_sum3A_548 : vector<16xf32>, vector<16xi1> -> vector<16xf32>
        %reduce_sum3A_550 = vector.extract %reduce_sum3A_549[15] : f32 from vector<16xf32>
        %eq3A = vector.broadcast %scan3A_419 : i32 to vector<16xi32>
        %eq3A_551 = arith.cmpi eq, %iota3A, %eq3A : vector<16xi32>
        %broadcast_in_dim3A_552 = vector.broadcast %reduce_sum3A_550 : f32 to vector<16xf32>
        %select_n3A = arith.select %eq3A_551, %broadcast_in_dim3A_552, %scan3A_420 : vector<16xi1>, vector<16xf32>
        %scan3A_553 = arith.constant 1 : i32
        %scan3A_554 = arith.addi %scan3A_419, %scan3A_553 : i32
        %add3A_555 = arith.addi %mul3A_407, %scan3A_554 : i32
        %get3A_556 = arith.constant 0 : i32
        %get3A_557 = arith.constant 0 : i32
        %get3A_558 = tpu.memref_slice %arg9[%scan3A_237, %get3A_556, %get3A_557] : memref<3x64x128xf32, #tpu.memory_space<vmem>> -> memref<1x64x128xf32, #tpu.memory_space<vmem>>
        %get3A_559 = tpu.memref_squeeze %get3A_558 : memref<1x64x128xf32, #tpu.memory_space<vmem>> -> memref<64x128xf32, #tpu.memory_space<vmem>>
        %get3A_560 = arith.index_cast %add3A_555 : i32 to index
        %get3A_561 = arith.constant 0 : index
        %get3A_562 = tpu.vector_load %get3A_559[%get3A_560, %get3A_561] {strides = array<i32>} : memref<64x128xf32, #tpu.memory_space<vmem>>, vector<16xf32>,
        %get3A_563 = arith.constant 0 : i32
        %get3A_564 = arith.constant 0 : i32
        %get3A_565 = tpu.memref_slice %arg10[%scan3A_238, %get3A_563, %get3A_564] : memref<3x64x128xf32, #tpu.memory_space<vmem>> -> memref<1x64x128xf32, #tpu.memory_space<vmem>>
        %get3A_566 = tpu.memref_squeeze %get3A_565 : memref<1x64x128xf32, #tpu.memory_space<vmem>> -> memref<64x128xf32, #tpu.memory_space<vmem>>
        %get3A_567 = arith.index_cast %add3A_555 : i32 to index
        %get3A_568 = arith.constant 0 : index
        %get3A_569 = tpu.vector_load %get3A_566[%get3A_567, %get3A_568] {strides = array<i32>} : memref<64x128xf32, #tpu.memory_space<vmem>>, vector<16xf32>,
        %mul3A_570 = arith.mulf %get3A_562, %get3A_569 : vector<16xf32>
        %get3A_571 = arith.constant 0 : i32
        %get3A_572 = arith.constant 0 : i32
        %get3A_573 = tpu.memref_slice %arg9[%scan3A_237, %get3A_571, %get3A_572] : memref<3x64x128xf32, #tpu.memory_space<vmem>> -> memref<1x64x128xf32, #tpu.memory_space<vmem>>
        %get3A_574 = tpu.memref_squeeze %get3A_573 : memref<1x64x128xf32, #tpu.memory_space<vmem>> -> memref<64x128xf32, #tpu.memory_space<vmem>>
        %get3A_575 = arith.index_cast %add3A_555 : i32 to index
        %get3A_576 = arith.constant 16 : index
        %get3A_577 = tpu.vector_load %get3A_574[%get3A_575, %get3A_576] {strides = array<i32>} : memref<64x128xf32, #tpu.memory_space<vmem>>, vector<16xf32>,
        %get3A_578 = arith.constant 0 : i32
        %get3A_579 = arith.constant 0 : i32
        %get3A_580 = tpu.memref_slice %arg10[%scan3A_238, %get3A_578, %get3A_579] : memref<3x64x128xf32, #tpu.memory_space<vmem>> -> memref<1x64x128xf32, #tpu.memory_space<vmem>>
        %get3A_581 = tpu.memref_squeeze %get3A_580 : memref<1x64x128xf32, #tpu.memory_space<vmem>> -> memref<64x128xf32, #tpu.memory_space<vmem>>
        %get3A_582 = arith.index_cast %add3A_555 : i32 to index
        %get3A_583 = arith.constant 16 : index
        %get3A_584 = tpu.vector_load %get3A_581[%get3A_582, %get3A_583] {strides = array<i32>} : memref<64x128xf32, #tpu.memory_space<vmem>>, vector<16xf32>,
        %mul3A_585 = arith.mulf %get3A_577, %get3A_584 : vector<16xf32>
        %get3A_586 = arith.constant 0 : i32
        %get3A_587 = arith.constant 0 : i32
        %get3A_588 = tpu.memref_slice %arg9[%scan3A_237, %get3A_586, %get3A_587] : memref<3x64x128xf32, #tpu.memory_space<vmem>> -> memref<1x64x128xf32, #tpu.memory_space<vmem>>
        %get3A_589 = tpu.memref_squeeze %get3A_588 : memref<1x64x128xf32, #tpu.memory_space<vmem>> -> memref<64x128xf32, #tpu.memory_space<vmem>>
        %get3A_590 = arith.index_cast %add3A_555 : i32 to index
        %get3A_591 = arith.constant 32 : index
        %get3A_592 = tpu.vector_load %get3A_589[%get3A_590, %get3A_591] {strides = array<i32>} : memref<64x128xf32, #tpu.memory_space<vmem>>, vector<16xf32>,
        %get3A_593 = arith.constant 0 : i32
        %get3A_594 = arith.constant 0 : i32
        %get3A_595 = tpu.memref_slice %arg10[%scan3A_238, %get3A_593, %get3A_594] : memref<3x64x128xf32, #tpu.memory_space<vmem>> -> memref<1x64x128xf32, #tpu.memory_space<vmem>>
        %get3A_596 = tpu.memref_squeeze %get3A_595 : memref<1x64x128xf32, #tpu.memory_space<vmem>> -> memref<64x128xf32, #tpu.memory_space<vmem>>
        %get3A_597 = arith.index_cast %add3A_555 : i32 to index
        %get3A_598 = arith.constant 32 : index
        %get3A_599 = tpu.vector_load %get3A_596[%get3A_597, %get3A_598] {strides = array<i32>} : memref<64x128xf32, #tpu.memory_space<vmem>>, vector<16xf32>,
        %mul3A_600 = arith.mulf %get3A_592, %get3A_599 : vector<16xf32>
        %get3A_601 = arith.constant 0 : i32
        %get3A_602 = arith.constant 0 : i32
        %get3A_603 = tpu.memref_slice %arg9[%scan3A_237, %get3A_601, %get3A_602] : memref<3x64x128xf32, #tpu.memory_space<vmem>> -> memref<1x64x128xf32, #tpu.memory_space<vmem>>
        %get3A_604 = tpu.memref_squeeze %get3A_603 : memref<1x64x128xf32, #tpu.memory_space<vmem>> -> memref<64x128xf32, #tpu.memory_space<vmem>>
        %get3A_605 = arith.index_cast %add3A_555 : i32 to index
        %get3A_606 = arith.constant 48 : index
        %get3A_607 = tpu.vector_load %get3A_604[%get3A_605, %get3A_606] {strides = array<i32>} : memref<64x128xf32, #tpu.memory_space<vmem>>, vector<16xf32>,
        %get3A_608 = arith.constant 0 : i32
        %get3A_609 = arith.constant 0 : i32
        %get3A_610 = tpu.memref_slice %arg10[%scan3A_238, %get3A_608, %get3A_609] : memref<3x64x128xf32, #tpu.memory_space<vmem>> -> memref<1x64x128xf32, #tpu.memory_space<vmem>>
        %get3A_611 = tpu.memref_squeeze %get3A_610 : memref<1x64x128xf32, #tpu.memory_space<vmem>> -> memref<64x128xf32, #tpu.memory_space<vmem>>
        %get3A_612 = arith.index_cast %add3A_555 : i32 to index
        %get3A_613 = arith.constant 48 : index
        %get3A_614 = tpu.vector_load %get3A_611[%get3A_612, %get3A_613] {strides = array<i32>} : memref<64x128xf32, #tpu.memory_space<vmem>>, vector<16xf32>,
        %mul3A_615 = arith.mulf %get3A_607, %get3A_614 : vector<16xf32>
        %get3A_616 = arith.constant 0 : i32
        %get3A_617 = arith.constant 0 : i32
        %get3A_618 = tpu.memref_slice %arg9[%scan3A_237, %get3A_616, %get3A_617] : memref<3x64x128xf32, #tpu.memory_space<vmem>> -> memref<1x64x128xf32, #tpu.memory_space<vmem>>
        %get3A_619 = tpu.memref_squeeze %get3A_618 : memref<1x64x128xf32, #tpu.memory_space<vmem>> -> memref<64x128xf32, #tpu.memory_space<vmem>>
        %get3A_620 = arith.index_cast %add3A_555 : i32 to index
        %get3A_621 = arith.constant 64 : index
        %get3A_622 = tpu.vector_load %get3A_619[%get3A_620, %get3A_621] {strides = array<i32>} : memref<64x128xf32, #tpu.memory_space<vmem>>, vector<16xf32>,
        %get3A_623 = arith.constant 0 : i32
        %get3A_624 = arith.constant 0 : i32
        %get3A_625 = tpu.memref_slice %arg10[%scan3A_238, %get3A_623, %get3A_624] : memref<3x64x128xf32, #tpu.memory_space<vmem>> -> memref<1x64x128xf32, #tpu.memory_space<vmem>>
        %get3A_626 = tpu.memref_squeeze %get3A_625 : memref<1x64x128xf32, #tpu.memory_space<vmem>> -> memref<64x128xf32, #tpu.memory_space<vmem>>
        %get3A_627 = arith.index_cast %add3A_555 : i32 to index
        %get3A_628 = arith.constant 64 : index
        %get3A_629 = tpu.vector_load %get3A_626[%get3A_627, %get3A_628] {strides = array<i32>} : memref<64x128xf32, #tpu.memory_space<vmem>>, vector<16xf32>,
        %mul3A_630 = arith.mulf %get3A_622, %get3A_629 : vector<16xf32>
        %get3A_631 = arith.constant 0 : i32
        %get3A_632 = arith.constant 0 : i32
        %get3A_633 = tpu.memref_slice %arg9[%scan3A_237, %get3A_631, %get3A_632] : memref<3x64x128xf32, #tpu.memory_space<vmem>> -> memref<1x64x128xf32, #tpu.memory_space<vmem>>
        %get3A_634 = tpu.memref_squeeze %get3A_633 : memref<1x64x128xf32, #tpu.memory_space<vmem>> -> memref<64x128xf32, #tpu.memory_space<vmem>>
        %get3A_635 = arith.index_cast %add3A_555 : i32 to index
        %get3A_636 = arith.constant 80 : index
        %get3A_637 = tpu.vector_load %get3A_634[%get3A_635, %get3A_636] {strides = array<i32>} : memref<64x128xf32, #tpu.memory_space<vmem>>, vector<16xf32>,
        %get3A_638 = arith.constant 0 : i32
        %get3A_639 = arith.constant 0 : i32
        %get3A_640 = tpu.memref_slice %arg10[%scan3A_238, %get3A_638, %get3A_639] : memref<3x64x128xf32, #tpu.memory_space<vmem>> -> memref<1x64x128xf32, #tpu.memory_space<vmem>>
        %get3A_641 = tpu.memref_squeeze %get3A_640 : memref<1x64x128xf32, #tpu.memory_space<vmem>> -> memref<64x128xf32, #tpu.memory_space<vmem>>
        %get3A_642 = arith.index_cast %add3A_555 : i32 to index
        %get3A_643 = arith.constant 80 : index
        %get3A_644 = tpu.vector_load %get3A_641[%get3A_642, %get3A_643] {strides = array<i32>} : memref<64x128xf32, #tpu.memory_space<vmem>>, vector<16xf32>,
        %mul3A_645 = arith.mulf %get3A_637, %get3A_644 : vector<16xf32>
        %get3A_646 = arith.constant 0 : i32
        %get3A_647 = arith.constant 0 : i32
        %get3A_648 = tpu.memref_slice %arg9[%scan3A_237, %get3A_646, %get3A_647] : memref<3x64x128xf32, #tpu.memory_space<vmem>> -> memref<1x64x128xf32, #tpu.memory_space<vmem>>
        %get3A_649 = tpu.memref_squeeze %get3A_648 : memref<1x64x128xf32, #tpu.memory_space<vmem>> -> memref<64x128xf32, #tpu.memory_space<vmem>>
        %get3A_650 = arith.index_cast %add3A_555 : i32 to index
        %get3A_651 = arith.constant 96 : index
        %get3A_652 = tpu.vector_load %get3A_649[%get3A_650, %get3A_651] {strides = array<i32>} : memref<64x128xf32, #tpu.memory_space<vmem>>, vector<16xf32>,
        %get3A_653 = arith.constant 0 : i32
        %get3A_654 = arith.constant 0 : i32
        %get3A_655 = tpu.memref_slice %arg10[%scan3A_238, %get3A_653, %get3A_654] : memref<3x64x128xf32, #tpu.memory_space<vmem>> -> memref<1x64x128xf32, #tpu.memory_space<vmem>>
        %get3A_656 = tpu.memref_squeeze %get3A_655 : memref<1x64x128xf32, #tpu.memory_space<vmem>> -> memref<64x128xf32, #tpu.memory_space<vmem>>
        %get3A_657 = arith.index_cast %add3A_555 : i32 to index
        %get3A_658 = arith.constant 96 : index
        %get3A_659 = tpu.vector_load %get3A_656[%get3A_657, %get3A_658] {strides = array<i32>} : memref<64x128xf32, #tpu.memory_space<vmem>>, vector<16xf32>,
        %mul3A_660 = arith.mulf %get3A_652, %get3A_659 : vector<16xf32>
        %get3A_661 = arith.constant 0 : i32
        %get3A_662 = arith.constant 0 : i32
        %get3A_663 = tpu.memref_slice %arg9[%scan3A_237, %get3A_661, %get3A_662] : memref<3x64x128xf32, #tpu.memory_space<vmem>> -> memref<1x64x128xf32, #tpu.memory_space<vmem>>
        %get3A_664 = tpu.memref_squeeze %get3A_663 : memref<1x64x128xf32, #tpu.memory_space<vmem>> -> memref<64x128xf32, #tpu.memory_space<vmem>>
        %get3A_665 = arith.index_cast %add3A_555 : i32 to index
        %get3A_666 = arith.constant 112 : index
        %get3A_667 = tpu.vector_load %get3A_664[%get3A_665, %get3A_666] {strides = array<i32>} : memref<64x128xf32, #tpu.memory_space<vmem>>, vector<16xf32>,
        %get3A_668 = arith.constant 0 : i32
        %get3A_669 = arith.constant 0 : i32
        %get3A_670 = tpu.memref_slice %arg10[%scan3A_238, %get3A_668, %get3A_669] : memref<3x64x128xf32, #tpu.memory_space<vmem>> -> memref<1x64x128xf32, #tpu.memory_space<vmem>>
        %get3A_671 = tpu.memref_squeeze %get3A_670 : memref<1x64x128xf32, #tpu.memory_space<vmem>> -> memref<64x128xf32, #tpu.memory_space<vmem>>
        %get3A_672 = arith.index_cast %add3A_555 : i32 to index
        %get3A_673 = arith.constant 112 : index
        %get3A_674 = tpu.vector_load %get3A_671[%get3A_672, %get3A_673] {strides = array<i32>} : memref<64x128xf32, #tpu.memory_space<vmem>>, vector<16xf32>,
        %mul3A_675 = arith.mulf %get3A_667, %get3A_674 : vector<16xf32>
        %add3A_676 = arith.addf %mul3A_570, %mul3A_585 : vector<16xf32>
        %add3A_677 = arith.addf %mul3A_600, %mul3A_615 : vector<16xf32>
        %add3A_678 = arith.addf %mul3A_630, %mul3A_645 : vector<16xf32>
        %add3A_679 = arith.addf %mul3A_660, %mul3A_675 : vector<16xf32>
        %add3A_680 = arith.addf %add3A_676, %add3A_677 : vector<16xf32>
        %add3A_681 = arith.addf %add3A_678, %add3A_679 : vector<16xf32>
        %add3A_682 = arith.addf %add3A_680, %add3A_681 : vector<16xf32>
        %reduce_sum3A_683 = arith.constant true
        %reduce_sum3A_684 = vector.broadcast %reduce_sum3A_683 : i1 to vector<16xi1>
        %reduce_sum3A_685 = tpu.scan <sum>, %add3A_682 masked %reduce_sum3A_684 : vector<16xf32>, vector<16xi1> -> vector<16xf32>
        %reduce_sum3A_686 = vector.extract %reduce_sum3A_685[15] : f32 from vector<16xf32>
        %eq3A_687 = vector.broadcast %scan3A_554 : i32 to vector<16xi32>
        %eq3A_688 = arith.cmpi eq, %iota3A, %eq3A_687 : vector<16xi32>
        %broadcast_in_dim3A_689 = vector.broadcast %reduce_sum3A_686 : f32 to vector<16xf32>
        %select_n3A_690 = arith.select %eq3A_688, %broadcast_in_dim3A_689, %select_n3A : vector<16xi1>, vector<16xf32>
        scf.yield %select_n3A_690 : vector<16xf32>
      }
      %scan3A_414 = arith.constant 16 : i32
      %add3A_415 = arith.constant 192 : i32
      %add3A_416 = arith.addi %add3A_415, %mul3A_407 : i32
      %swap3A = arith.index_cast %add3A_416 : i32 to index
      %swap3A_417 = tpu.vector_load %arg11[%swap3A] {strides = array<i32>} : memref<512xf32, #tpu.memory_space<vmem>>, vector<16xf32>,
      tpu.vector_store %arg11[%swap3A], %scan3A_413 {strides = array<i32>} : memref<512xf32, #tpu.memory_space<vmem>>, vector<16xf32>,
      %scan3A_418 = arith.constant 0 : i32
      scf.yield %scan3A_418 : i32
    }
    %scan3A_245 = arith.constant 4 : i32
    %dma_start3A_246 = arith.constant 0 : i32
    %dma_start3A_247 = arith.constant 0 : i32
    %dma_start3A_248 = arith.constant 0 : i32
    %dma_start3A_249 = tpu.memref_slice %arg9[%dma_start3A_246, %dma_start3A_247, %dma_start3A_248] : memref<3x64x128xf32, #tpu.memory_space<vmem>> -> memref<1x64x128xf32, #tpu.memory_space<vmem>>
    %dma_start3A_250 = tpu.memref_squeeze %dma_start3A_249 : memref<1x64x128xf32, #tpu.memory_space<vmem>> -> memref<64x128xf32, #tpu.memory_space<vmem>>
    %dma_start3A_251 = arith.constant 384 : i32
    %dma_start3A_252 = tpu.memref_slice %arg7[%dma_start3A_251] : memref<512xi32, #tpu.memory_space<vmem>> -> memref<64xi32, #tpu.memory_space<vmem>>
    %dma_start3A_253 = arith.constant 0 : i32
    %dma_start3A_254 = arith.constant 0 : i32
    %dma_start3A_255 = tpu.memref_slice %arg4[%dma_start3A_253, %dma_start3A_254] : memref<100000x128xf32, #tpu.memory_space<hbm>> -> memref<100000x128xf32, #tpu.memory_space<hbm>>
    tpu.enqueue_indirect_dma source(%dma_start3A_255 : memref<100000x128xf32, #tpu.memory_space<hbm>>) target(%dma_start3A_250 : memref<64x128xf32, #tpu.memory_space<vmem>>) offsets(%dma_start3A_252 : memref<64xi32, #tpu.memory_space<vmem>>) semaphore(%arg12 : memref<!tpu.dma_semaphore, #tpu.memory_space<semaphore_mem>>)
    %dma_start3A_256 = arith.constant 0 : i32
    %dma_start3A_257 = arith.constant 0 : i32
    %dma_start3A_258 = arith.constant 0 : i32
    %dma_start3A_259 = tpu.memref_slice %arg10[%dma_start3A_256, %dma_start3A_257, %dma_start3A_258] : memref<3x64x128xf32, #tpu.memory_space<vmem>> -> memref<1x64x128xf32, #tpu.memory_space<vmem>>
    %dma_start3A_260 = tpu.memref_squeeze %dma_start3A_259 : memref<1x64x128xf32, #tpu.memory_space<vmem>> -> memref<64x128xf32, #tpu.memory_space<vmem>>
    %dma_start3A_261 = arith.constant 384 : i32
    %dma_start3A_262 = tpu.memref_slice %arg8[%dma_start3A_261] : memref<512xi32, #tpu.memory_space<vmem>> -> memref<64xi32, #tpu.memory_space<vmem>>
    %dma_start3A_263 = arith.constant 0 : i32
    %dma_start3A_264 = arith.constant 0 : i32
    %dma_start3A_265 = tpu.memref_slice %arg5[%dma_start3A_263, %dma_start3A_264] : memref<100000x128xf32, #tpu.memory_space<hbm>> -> memref<100000x128xf32, #tpu.memory_space<hbm>>
    tpu.enqueue_indirect_dma source(%dma_start3A_265 : memref<100000x128xf32, #tpu.memory_space<hbm>>) target(%dma_start3A_260 : memref<64x128xf32, #tpu.memory_space<vmem>>) offsets(%dma_start3A_262 : memref<64xi32, #tpu.memory_space<vmem>>) semaphore(%arg12 : memref<!tpu.dma_semaphore, #tpu.memory_space<semaphore_mem>>)
    %dma_wait3A_266 = arith.constant 1 : i32
    %dma_wait3A_267 = arith.constant 0 : i32
    %dma_wait3A_268 = arith.constant 0 : i32
    %dma_wait3A_269 = tpu.memref_slice %arg9[%dma_wait3A_266, %dma_wait3A_267, %dma_wait3A_268] : memref<3x64x128xf32, #tpu.memory_space<vmem>> -> memref<1x64x128xf32, #tpu.memory_space<vmem>>
    %dma_wait3A_270 = tpu.memref_squeeze %dma_wait3A_269 : memref<1x64x128xf32, #tpu.memory_space<vmem>> -> memref<64x128xf32, #tpu.memory_space<vmem>>
    %dma_wait3A_271 = arith.constant 256 : i32
    %dma_wait3A_272 = tpu.memref_slice %arg7[%dma_wait3A_271] : memref<512xi32, #tpu.memory_space<vmem>> -> memref<64xi32, #tpu.memory_space<vmem>>
    %dma_wait3A_273 = arith.constant 0 : i32
    %dma_wait3A_274 = arith.constant 0 : i32
    %dma_wait3A_275 = tpu.memref_slice %arg4[%dma_wait3A_273, %dma_wait3A_274] : memref<100000x128xf32, #tpu.memory_space<hbm>> -> memref<100000x128xf32, #tpu.memory_space<hbm>>
    tpu.wait_indirect_dma semaphore(%arg13 : memref<!tpu.dma_semaphore, #tpu.memory_space<semaphore_mem>>) src(%dma_wait3A_275 : memref<100000x128xf32, #tpu.memory_space<hbm>>) dst(%dma_wait3A_270 : memref<64x128xf32, #tpu.memory_space<vmem>>)
    %dma_wait3A_276 = arith.constant 1 : i32
    %dma_wait3A_277 = arith.constant 0 : i32
    %dma_wait3A_278 = arith.constant 0 : i32
    %dma_wait3A_279 = tpu.memref_slice %arg10[%dma_wait3A_276, %dma_wait3A_277, %dma_wait3A_278] : memref<3x64x128xf32, #tpu.memory_space<vmem>> -> memref<1x64x128xf32, #tpu.memory_space<vmem>>
    %dma_wait3A_280 = tpu.memref_squeeze %dma_wait3A_279 : memref<1x64x128xf32, #tpu.memory_space<vmem>> -> memref<64x128xf32, #tpu.memory_space<vmem>>
    %dma_wait3A_281 = arith.constant 256 : i32
    %dma_wait3A_282 = tpu.memref_slice %arg8[%dma_wait3A_281] : memref<512xi32, #tpu.memory_space<vmem>> -> memref<64xi32, #tpu.memory_space<vmem>>
    %dma_wait3A_283 = arith.constant 0 : i32
    %dma_wait3A_284 = arith.constant 0 : i32
    %dma_wait3A_285 = tpu.memref_slice %arg5[%dma_wait3A_283, %dma_wait3A_284] : memref<100000x128xf32, #tpu.memory_space<hbm>> -> memref<100000x128xf32, #tpu.memory_space<hbm>>
    tpu.wait_indirect_dma semaphore(%arg13 : memref<!tpu.dma_semaphore, #tpu.memory_space<semaphore_mem>>) src(%dma_wait3A_285 : memref<100000x128xf32, #tpu.memory_space<hbm>>) dst(%dma_wait3A_280 : memref<64x128xf32, #tpu.memory_space<vmem>>)
    %scan3A_286 = arith.constant 1 : i32
    %scan3A_287 = arith.constant 1 : i32
    %scan3A_288 = arith.constant 0 : i32
    %scan3A_289 = arith.constant 0 : i32
    %scan3A_290 = arith.constant 4 : i32
    %scan3A_291 = arith.addi %scan3A_289, %scan3A_290 : i32
    %scan3A_292 = arith.constant 1 : i32
    %scan3A_293 = scf.for %scan3A_404 = %scan3A_289 to %scan3A_291 step %scan3A_292 iter_args(%scan3A_405 = %scan3A_288) -> (i32)  : i32 {
      %mul3A_406 = arith.constant 16 : i32
      %mul3A_407 = arith.muli %scan3A_404, %mul3A_406 : i32
      %broadcast_in_dim3A = arith.constant 0.000000e+00 : f32
      %broadcast_in_dim3A_408 = vector.broadcast %broadcast_in_dim3A : f32 to vector<16xf32>
      %scan3A_409 = arith.constant 0 : i32
      %scan3A_410 = arith.constant 16 : i32
      %scan3A_411 = arith.addi %scan3A_409, %scan3A_410 : i32
      %scan3A_412 = arith.constant 2 : i32
      %scan3A_413 = scf.for %scan3A_419 = %scan3A_409 to %scan3A_411 step %scan3A_412 iter_args(%scan3A_420 = %broadcast_in_dim3A_408) -> (vector<16xf32>)  : i32 {
        %add3A_421 = arith.addi %mul3A_407, %scan3A_419 : i32
        %get3A = arith.constant 0 : i32
        %get3A_422 = arith.constant 0 : i32
        %get3A_423 = tpu.memref_slice %arg9[%scan3A_286, %get3A, %get3A_422] : memref<3x64x128xf32, #tpu.memory_space<vmem>> -> memref<1x64x128xf32, #tpu.memory_space<vmem>>
        %get3A_424 = tpu.memref_squeeze %get3A_423 : memref<1x64x128xf32, #tpu.memory_space<vmem>> -> memref<64x128xf32, #tpu.memory_space<vmem>>
        %get3A_425 = arith.index_cast %add3A_421 : i32 to index
        %get3A_426 = arith.constant 0 : index
        %get3A_427 = tpu.vector_load %get3A_424[%get3A_425, %get3A_426] {strides = array<i32>} : memref<64x128xf32, #tpu.memory_space<vmem>>, vector<16xf32>,
        %get3A_428 = arith.constant 0 : i32
        %get3A_429 = arith.constant 0 : i32
        %get3A_430 = tpu.memref_slice %arg10[%scan3A_287, %get3A_428, %get3A_429] : memref<3x64x128xf32, #tpu.memory_space<vmem>> -> memref<1x64x128xf32, #tpu.memory_space<vmem>>
        %get3A_431 = tpu.memref_squeeze %get3A_430 : memref<1x64x128xf32, #tpu.memory_space<vmem>> -> memref<64x128xf32, #tpu.memory_space<vmem>>
        %get3A_432 = arith.index_cast %add3A_421 : i32 to index
        %get3A_433 = arith.constant 0 : index
        %get3A_434 = tpu.vector_load %get3A_431[%get3A_432, %get3A_433] {strides = array<i32>} : memref<64x128xf32, #tpu.memory_space<vmem>>, vector<16xf32>,
        %mul3A_435 = arith.mulf %get3A_427, %get3A_434 : vector<16xf32>
        %get3A_436 = arith.constant 0 : i32
        %get3A_437 = arith.constant 0 : i32
        %get3A_438 = tpu.memref_slice %arg9[%scan3A_286, %get3A_436, %get3A_437] : memref<3x64x128xf32, #tpu.memory_space<vmem>> -> memref<1x64x128xf32, #tpu.memory_space<vmem>>
        %get3A_439 = tpu.memref_squeeze %get3A_438 : memref<1x64x128xf32, #tpu.memory_space<vmem>> -> memref<64x128xf32, #tpu.memory_space<vmem>>
        %get3A_440 = arith.index_cast %add3A_421 : i32 to index
        %get3A_441 = arith.constant 16 : index
        %get3A_442 = tpu.vector_load %get3A_439[%get3A_440, %get3A_441] {strides = array<i32>} : memref<64x128xf32, #tpu.memory_space<vmem>>, vector<16xf32>,
        %get3A_443 = arith.constant 0 : i32
        %get3A_444 = arith.constant 0 : i32
        %get3A_445 = tpu.memref_slice %arg10[%scan3A_287, %get3A_443, %get3A_444] : memref<3x64x128xf32, #tpu.memory_space<vmem>> -> memref<1x64x128xf32, #tpu.memory_space<vmem>>
        %get3A_446 = tpu.memref_squeeze %get3A_445 : memref<1x64x128xf32, #tpu.memory_space<vmem>> -> memref<64x128xf32, #tpu.memory_space<vmem>>
        %get3A_447 = arith.index_cast %add3A_421 : i32 to index
        %get3A_448 = arith.constant 16 : index
        %get3A_449 = tpu.vector_load %get3A_446[%get3A_447, %get3A_448] {strides = array<i32>} : memref<64x128xf32, #tpu.memory_space<vmem>>, vector<16xf32>,
        %mul3A_450 = arith.mulf %get3A_442, %get3A_449 : vector<16xf32>
        %get3A_451 = arith.constant 0 : i32
        %get3A_452 = arith.constant 0 : i32
        %get3A_453 = tpu.memref_slice %arg9[%scan3A_286, %get3A_451, %get3A_452] : memref<3x64x128xf32, #tpu.memory_space<vmem>> -> memref<1x64x128xf32, #tpu.memory_space<vmem>>
        %get3A_454 = tpu.memref_squeeze %get3A_453 : memref<1x64x128xf32, #tpu.memory_space<vmem>> -> memref<64x128xf32, #tpu.memory_space<vmem>>
        %get3A_455 = arith.index_cast %add3A_421 : i32 to index
        %get3A_456 = arith.constant 32 : index
        %get3A_457 = tpu.vector_load %get3A_454[%get3A_455, %get3A_456] {strides = array<i32>} : memref<64x128xf32, #tpu.memory_space<vmem>>, vector<16xf32>,
        %get3A_458 = arith.constant 0 : i32
        %get3A_459 = arith.constant 0 : i32
        %get3A_460 = tpu.memref_slice %arg10[%scan3A_287, %get3A_458, %get3A_459] : memref<3x64x128xf32, #tpu.memory_space<vmem>> -> memref<1x64x128xf32, #tpu.memory_space<vmem>>
        %get3A_461 = tpu.memref_squeeze %get3A_460 : memref<1x64x128xf32, #tpu.memory_space<vmem>> -> memref<64x128xf32, #tpu.memory_space<vmem>>
        %get3A_462 = arith.index_cast %add3A_421 : i32 to index
        %get3A_463 = arith.constant 32 : index
        %get3A_464 = tpu.vector_load %get3A_461[%get3A_462, %get3A_463] {strides = array<i32>} : memref<64x128xf32, #tpu.memory_space<vmem>>, vector<16xf32>,
        %mul3A_465 = arith.mulf %get3A_457, %get3A_464 : vector<16xf32>
        %get3A_466 = arith.constant 0 : i32
        %get3A_467 = arith.constant 0 : i32
        %get3A_468 = tpu.memref_slice %arg9[%scan3A_286, %get3A_466, %get3A_467] : memref<3x64x128xf32, #tpu.memory_space<vmem>> -> memref<1x64x128xf32, #tpu.memory_space<vmem>>
        %get3A_469 = tpu.memref_squeeze %get3A_468 : memref<1x64x128xf32, #tpu.memory_space<vmem>> -> memref<64x128xf32, #tpu.memory_space<vmem>>
        %get3A_470 = arith.index_cast %add3A_421 : i32 to index
        %get3A_471 = arith.constant 48 : index
        %get3A_472 = tpu.vector_load %get3A_469[%get3A_470, %get3A_471] {strides = array<i32>} : memref<64x128xf32, #tpu.memory_space<vmem>>, vector<16xf32>,
        %get3A_473 = arith.constant 0 : i32
        %get3A_474 = arith.constant 0 : i32
        %get3A_475 = tpu.memref_slice %arg10[%scan3A_287, %get3A_473, %get3A_474] : memref<3x64x128xf32, #tpu.memory_space<vmem>> -> memref<1x64x128xf32, #tpu.memory_space<vmem>>
        %get3A_476 = tpu.memref_squeeze %get3A_475 : memref<1x64x128xf32, #tpu.memory_space<vmem>> -> memref<64x128xf32, #tpu.memory_space<vmem>>
        %get3A_477 = arith.index_cast %add3A_421 : i32 to index
        %get3A_478 = arith.constant 48 : index
        %get3A_479 = tpu.vector_load %get3A_476[%get3A_477, %get3A_478] {strides = array<i32>} : memref<64x128xf32, #tpu.memory_space<vmem>>, vector<16xf32>,
        %mul3A_480 = arith.mulf %get3A_472, %get3A_479 : vector<16xf32>
        %get3A_481 = arith.constant 0 : i32
        %get3A_482 = arith.constant 0 : i32
        %get3A_483 = tpu.memref_slice %arg9[%scan3A_286, %get3A_481, %get3A_482] : memref<3x64x128xf32, #tpu.memory_space<vmem>> -> memref<1x64x128xf32, #tpu.memory_space<vmem>>
        %get3A_484 = tpu.memref_squeeze %get3A_483 : memref<1x64x128xf32, #tpu.memory_space<vmem>> -> memref<64x128xf32, #tpu.memory_space<vmem>>
        %get3A_485 = arith.index_cast %add3A_421 : i32 to index
        %get3A_486 = arith.constant 64 : index
        %get3A_487 = tpu.vector_load %get3A_484[%get3A_485, %get3A_486] {strides = array<i32>} : memref<64x128xf32, #tpu.memory_space<vmem>>, vector<16xf32>,
        %get3A_488 = arith.constant 0 : i32
        %get3A_489 = arith.constant 0 : i32
        %get3A_490 = tpu.memref_slice %arg10[%scan3A_287, %get3A_488, %get3A_489] : memref<3x64x128xf32, #tpu.memory_space<vmem>> -> memref<1x64x128xf32, #tpu.memory_space<vmem>>
        %get3A_491 = tpu.memref_squeeze %get3A_490 : memref<1x64x128xf32, #tpu.memory_space<vmem>> -> memref<64x128xf32, #tpu.memory_space<vmem>>
        %get3A_492 = arith.index_cast %add3A_421 : i32 to index
        %get3A_493 = arith.constant 64 : index
        %get3A_494 = tpu.vector_load %get3A_491[%get3A_492, %get3A_493] {strides = array<i32>} : memref<64x128xf32, #tpu.memory_space<vmem>>, vector<16xf32>,
        %mul3A_495 = arith.mulf %get3A_487, %get3A_494 : vector<16xf32>
        %get3A_496 = arith.constant 0 : i32
        %get3A_497 = arith.constant 0 : i32
        %get3A_498 = tpu.memref_slice %arg9[%scan3A_286, %get3A_496, %get3A_497] : memref<3x64x128xf32, #tpu.memory_space<vmem>> -> memref<1x64x128xf32, #tpu.memory_space<vmem>>
        %get3A_499 = tpu.memref_squeeze %get3A_498 : memref<1x64x128xf32, #tpu.memory_space<vmem>> -> memref<64x128xf32, #tpu.memory_space<vmem>>
        %get3A_500 = arith.index_cast %add3A_421 : i32 to index
        %get3A_501 = arith.constant 80 : index
        %get3A_502 = tpu.vector_load %get3A_499[%get3A_500, %get3A_501] {strides = array<i32>} : memref<64x128xf32, #tpu.memory_space<vmem>>, vector<16xf32>,
        %get3A_503 = arith.constant 0 : i32
        %get3A_504 = arith.constant 0 : i32
        %get3A_505 = tpu.memref_slice %arg10[%scan3A_287, %get3A_503, %get3A_504] : memref<3x64x128xf32, #tpu.memory_space<vmem>> -> memref<1x64x128xf32, #tpu.memory_space<vmem>>
        %get3A_506 = tpu.memref_squeeze %get3A_505 : memref<1x64x128xf32, #tpu.memory_space<vmem>> -> memref<64x128xf32, #tpu.memory_space<vmem>>
        %get3A_507 = arith.index_cast %add3A_421 : i32 to index
        %get3A_508 = arith.constant 80 : index
        %get3A_509 = tpu.vector_load %get3A_506[%get3A_507, %get3A_508] {strides = array<i32>} : memref<64x128xf32, #tpu.memory_space<vmem>>, vector<16xf32>,
        %mul3A_510 = arith.mulf %get3A_502, %get3A_509 : vector<16xf32>
        %get3A_511 = arith.constant 0 : i32
        %get3A_512 = arith.constant 0 : i32
        %get3A_513 = tpu.memref_slice %arg9[%scan3A_286, %get3A_511, %get3A_512] : memref<3x64x128xf32, #tpu.memory_space<vmem>> -> memref<1x64x128xf32, #tpu.memory_space<vmem>>
        %get3A_514 = tpu.memref_squeeze %get3A_513 : memref<1x64x128xf32, #tpu.memory_space<vmem>> -> memref<64x128xf32, #tpu.memory_space<vmem>>
        %get3A_515 = arith.index_cast %add3A_421 : i32 to index
        %get3A_516 = arith.constant 96 : index
        %get3A_517 = tpu.vector_load %get3A_514[%get3A_515, %get3A_516] {strides = array<i32>} : memref<64x128xf32, #tpu.memory_space<vmem>>, vector<16xf32>,
        %get3A_518 = arith.constant 0 : i32
        %get3A_519 = arith.constant 0 : i32
        %get3A_520 = tpu.memref_slice %arg10[%scan3A_287, %get3A_518, %get3A_519] : memref<3x64x128xf32, #tpu.memory_space<vmem>> -> memref<1x64x128xf32, #tpu.memory_space<vmem>>
        %get3A_521 = tpu.memref_squeeze %get3A_520 : memref<1x64x128xf32, #tpu.memory_space<vmem>> -> memref<64x128xf32, #tpu.memory_space<vmem>>
        %get3A_522 = arith.index_cast %add3A_421 : i32 to index
        %get3A_523 = arith.constant 96 : index
        %get3A_524 = tpu.vector_load %get3A_521[%get3A_522, %get3A_523] {strides = array<i32>} : memref<64x128xf32, #tpu.memory_space<vmem>>, vector<16xf32>,
        %mul3A_525 = arith.mulf %get3A_517, %get3A_524 : vector<16xf32>
        %get3A_526 = arith.constant 0 : i32
        %get3A_527 = arith.constant 0 : i32
        %get3A_528 = tpu.memref_slice %arg9[%scan3A_286, %get3A_526, %get3A_527] : memref<3x64x128xf32, #tpu.memory_space<vmem>> -> memref<1x64x128xf32, #tpu.memory_space<vmem>>
        %get3A_529 = tpu.memref_squeeze %get3A_528 : memref<1x64x128xf32, #tpu.memory_space<vmem>> -> memref<64x128xf32, #tpu.memory_space<vmem>>
        %get3A_530 = arith.index_cast %add3A_421 : i32 to index
        %get3A_531 = arith.constant 112 : index
        %get3A_532 = tpu.vector_load %get3A_529[%get3A_530, %get3A_531] {strides = array<i32>} : memref<64x128xf32, #tpu.memory_space<vmem>>, vector<16xf32>,
        %get3A_533 = arith.constant 0 : i32
        %get3A_534 = arith.constant 0 : i32
        %get3A_535 = tpu.memref_slice %arg10[%scan3A_287, %get3A_533, %get3A_534] : memref<3x64x128xf32, #tpu.memory_space<vmem>> -> memref<1x64x128xf32, #tpu.memory_space<vmem>>
        %get3A_536 = tpu.memref_squeeze %get3A_535 : memref<1x64x128xf32, #tpu.memory_space<vmem>> -> memref<64x128xf32, #tpu.memory_space<vmem>>
        %get3A_537 = arith.index_cast %add3A_421 : i32 to index
        %get3A_538 = arith.constant 112 : index
        %get3A_539 = tpu.vector_load %get3A_536[%get3A_537, %get3A_538] {strides = array<i32>} : memref<64x128xf32, #tpu.memory_space<vmem>>, vector<16xf32>,
        %mul3A_540 = arith.mulf %get3A_532, %get3A_539 : vector<16xf32>
        %add3A_541 = arith.addf %mul3A_435, %mul3A_450 : vector<16xf32>
        %add3A_542 = arith.addf %mul3A_465, %mul3A_480 : vector<16xf32>
        %add3A_543 = arith.addf %mul3A_495, %mul3A_510 : vector<16xf32>
        %add3A_544 = arith.addf %mul3A_525, %mul3A_540 : vector<16xf32>
        %add3A_545 = arith.addf %add3A_541, %add3A_542 : vector<16xf32>
        %add3A_546 = arith.addf %add3A_543, %add3A_544 : vector<16xf32>
        %add3A_547 = arith.addf %add3A_545, %add3A_546 : vector<16xf32>
        %reduce_sum3A = arith.constant true
        %reduce_sum3A_548 = vector.broadcast %reduce_sum3A : i1 to vector<16xi1>
        %reduce_sum3A_549 = tpu.scan <sum>, %add3A_547 masked %reduce_sum3A_548 : vector<16xf32>, vector<16xi1> -> vector<16xf32>
        %reduce_sum3A_550 = vector.extract %reduce_sum3A_549[15] : f32 from vector<16xf32>
        %eq3A = vector.broadcast %scan3A_419 : i32 to vector<16xi32>
        %eq3A_551 = arith.cmpi eq, %iota3A, %eq3A : vector<16xi32>
        %broadcast_in_dim3A_552 = vector.broadcast %reduce_sum3A_550 : f32 to vector<16xf32>
        %select_n3A = arith.select %eq3A_551, %broadcast_in_dim3A_552, %scan3A_420 : vector<16xi1>, vector<16xf32>
        %scan3A_553 = arith.constant 1 : i32
        %scan3A_554 = arith.addi %scan3A_419, %scan3A_553 : i32
        %add3A_555 = arith.addi %mul3A_407, %scan3A_554 : i32
        %get3A_556 = arith.constant 0 : i32
        %get3A_557 = arith.constant 0 : i32
        %get3A_558 = tpu.memref_slice %arg9[%scan3A_286, %get3A_556, %get3A_557] : memref<3x64x128xf32, #tpu.memory_space<vmem>> -> memref<1x64x128xf32, #tpu.memory_space<vmem>>
        %get3A_559 = tpu.memref_squeeze %get3A_558 : memref<1x64x128xf32, #tpu.memory_space<vmem>> -> memref<64x128xf32, #tpu.memory_space<vmem>>
        %get3A_560 = arith.index_cast %add3A_555 : i32 to index
        %get3A_561 = arith.constant 0 : index
        %get3A_562 = tpu.vector_load %get3A_559[%get3A_560, %get3A_561] {strides = array<i32>} : memref<64x128xf32, #tpu.memory_space<vmem>>, vector<16xf32>,
        %get3A_563 = arith.constant 0 : i32
        %get3A_564 = arith.constant 0 : i32
        %get3A_565 = tpu.memref_slice %arg10[%scan3A_287, %get3A_563, %get3A_564] : memref<3x64x128xf32, #tpu.memory_space<vmem>> -> memref<1x64x128xf32, #tpu.memory_space<vmem>>
        %get3A_566 = tpu.memref_squeeze %get3A_565 : memref<1x64x128xf32, #tpu.memory_space<vmem>> -> memref<64x128xf32, #tpu.memory_space<vmem>>
        %get3A_567 = arith.index_cast %add3A_555 : i32 to index
        %get3A_568 = arith.constant 0 : index
        %get3A_569 = tpu.vector_load %get3A_566[%get3A_567, %get3A_568] {strides = array<i32>} : memref<64x128xf32, #tpu.memory_space<vmem>>, vector<16xf32>,
        %mul3A_570 = arith.mulf %get3A_562, %get3A_569 : vector<16xf32>
        %get3A_571 = arith.constant 0 : i32
        %get3A_572 = arith.constant 0 : i32
        %get3A_573 = tpu.memref_slice %arg9[%scan3A_286, %get3A_571, %get3A_572] : memref<3x64x128xf32, #tpu.memory_space<vmem>> -> memref<1x64x128xf32, #tpu.memory_space<vmem>>
        %get3A_574 = tpu.memref_squeeze %get3A_573 : memref<1x64x128xf32, #tpu.memory_space<vmem>> -> memref<64x128xf32, #tpu.memory_space<vmem>>
        %get3A_575 = arith.index_cast %add3A_555 : i32 to index
        %get3A_576 = arith.constant 16 : index
        %get3A_577 = tpu.vector_load %get3A_574[%get3A_575, %get3A_576] {strides = array<i32>} : memref<64x128xf32, #tpu.memory_space<vmem>>, vector<16xf32>,
        %get3A_578 = arith.constant 0 : i32
        %get3A_579 = arith.constant 0 : i32
        %get3A_580 = tpu.memref_slice %arg10[%scan3A_287, %get3A_578, %get3A_579] : memref<3x64x128xf32, #tpu.memory_space<vmem>> -> memref<1x64x128xf32, #tpu.memory_space<vmem>>
        %get3A_581 = tpu.memref_squeeze %get3A_580 : memref<1x64x128xf32, #tpu.memory_space<vmem>> -> memref<64x128xf32, #tpu.memory_space<vmem>>
        %get3A_582 = arith.index_cast %add3A_555 : i32 to index
        %get3A_583 = arith.constant 16 : index
        %get3A_584 = tpu.vector_load %get3A_581[%get3A_582, %get3A_583] {strides = array<i32>} : memref<64x128xf32, #tpu.memory_space<vmem>>, vector<16xf32>,
        %mul3A_585 = arith.mulf %get3A_577, %get3A_584 : vector<16xf32>
        %get3A_586 = arith.constant 0 : i32
        %get3A_587 = arith.constant 0 : i32
        %get3A_588 = tpu.memref_slice %arg9[%scan3A_286, %get3A_586, %get3A_587] : memref<3x64x128xf32, #tpu.memory_space<vmem>> -> memref<1x64x128xf32, #tpu.memory_space<vmem>>
        %get3A_589 = tpu.memref_squeeze %get3A_588 : memref<1x64x128xf32, #tpu.memory_space<vmem>> -> memref<64x128xf32, #tpu.memory_space<vmem>>
        %get3A_590 = arith.index_cast %add3A_555 : i32 to index
        %get3A_591 = arith.constant 32 : index
        %get3A_592 = tpu.vector_load %get3A_589[%get3A_590, %get3A_591] {strides = array<i32>} : memref<64x128xf32, #tpu.memory_space<vmem>>, vector<16xf32>,
        %get3A_593 = arith.constant 0 : i32
        %get3A_594 = arith.constant 0 : i32
        %get3A_595 = tpu.memref_slice %arg10[%scan3A_287, %get3A_593, %get3A_594] : memref<3x64x128xf32, #tpu.memory_space<vmem>> -> memref<1x64x128xf32, #tpu.memory_space<vmem>>
        %get3A_596 = tpu.memref_squeeze %get3A_595 : memref<1x64x128xf32, #tpu.memory_space<vmem>> -> memref<64x128xf32, #tpu.memory_space<vmem>>
        %get3A_597 = arith.index_cast %add3A_555 : i32 to index
        %get3A_598 = arith.constant 32 : index
        %get3A_599 = tpu.vector_load %get3A_596[%get3A_597, %get3A_598] {strides = array<i32>} : memref<64x128xf32, #tpu.memory_space<vmem>>, vector<16xf32>,
        %mul3A_600 = arith.mulf %get3A_592, %get3A_599 : vector<16xf32>
        %get3A_601 = arith.constant 0 : i32
        %get3A_602 = arith.constant 0 : i32
        %get3A_603 = tpu.memref_slice %arg9[%scan3A_286, %get3A_601, %get3A_602] : memref<3x64x128xf32, #tpu.memory_space<vmem>> -> memref<1x64x128xf32, #tpu.memory_space<vmem>>
        %get3A_604 = tpu.memref_squeeze %get3A_603 : memref<1x64x128xf32, #tpu.memory_space<vmem>> -> memref<64x128xf32, #tpu.memory_space<vmem>>
        %get3A_605 = arith.index_cast %add3A_555 : i32 to index
        %get3A_606 = arith.constant 48 : index
        %get3A_607 = tpu.vector_load %get3A_604[%get3A_605, %get3A_606] {strides = array<i32>} : memref<64x128xf32, #tpu.memory_space<vmem>>, vector<16xf32>,
        %get3A_608 = arith.constant 0 : i32
        %get3A_609 = arith.constant 0 : i32
        %get3A_610 = tpu.memref_slice %arg10[%scan3A_287, %get3A_608, %get3A_609] : memref<3x64x128xf32, #tpu.memory_space<vmem>> -> memref<1x64x128xf32, #tpu.memory_space<vmem>>
        %get3A_611 = tpu.memref_squeeze %get3A_610 : memref<1x64x128xf32, #tpu.memory_space<vmem>> -> memref<64x128xf32, #tpu.memory_space<vmem>>
        %get3A_612 = arith.index_cast %add3A_555 : i32 to index
        %get3A_613 = arith.constant 48 : index
        %get3A_614 = tpu.vector_load %get3A_611[%get3A_612, %get3A_613] {strides = array<i32>} : memref<64x128xf32, #tpu.memory_space<vmem>>, vector<16xf32>,
        %mul3A_615 = arith.mulf %get3A_607, %get3A_614 : vector<16xf32>
        %get3A_616 = arith.constant 0 : i32
        %get3A_617 = arith.constant 0 : i32
        %get3A_618 = tpu.memref_slice %arg9[%scan3A_286, %get3A_616, %get3A_617] : memref<3x64x128xf32, #tpu.memory_space<vmem>> -> memref<1x64x128xf32, #tpu.memory_space<vmem>>
        %get3A_619 = tpu.memref_squeeze %get3A_618 : memref<1x64x128xf32, #tpu.memory_space<vmem>> -> memref<64x128xf32, #tpu.memory_space<vmem>>
        %get3A_620 = arith.index_cast %add3A_555 : i32 to index
        %get3A_621 = arith.constant 64 : index
        %get3A_622 = tpu.vector_load %get3A_619[%get3A_620, %get3A_621] {strides = array<i32>} : memref<64x128xf32, #tpu.memory_space<vmem>>, vector<16xf32>,
        %get3A_623 = arith.constant 0 : i32
        %get3A_624 = arith.constant 0 : i32
        %get3A_625 = tpu.memref_slice %arg10[%scan3A_287, %get3A_623, %get3A_624] : memref<3x64x128xf32, #tpu.memory_space<vmem>> -> memref<1x64x128xf32, #tpu.memory_space<vmem>>
        %get3A_626 = tpu.memref_squeeze %get3A_625 : memref<1x64x128xf32, #tpu.memory_space<vmem>> -> memref<64x128xf32, #tpu.memory_space<vmem>>
        %get3A_627 = arith.index_cast %add3A_555 : i32 to index
        %get3A_628 = arith.constant 64 : index
        %get3A_629 = tpu.vector_load %get3A_626[%get3A_627, %get3A_628] {strides = array<i32>} : memref<64x128xf32, #tpu.memory_space<vmem>>, vector<16xf32>,
        %mul3A_630 = arith.mulf %get3A_622, %get3A_629 : vector<16xf32>
        %get3A_631 = arith.constant 0 : i32
        %get3A_632 = arith.constant 0 : i32
        %get3A_633 = tpu.memref_slice %arg9[%scan3A_286, %get3A_631, %get3A_632] : memref<3x64x128xf32, #tpu.memory_space<vmem>> -> memref<1x64x128xf32, #tpu.memory_space<vmem>>
        %get3A_634 = tpu.memref_squeeze %get3A_633 : memref<1x64x128xf32, #tpu.memory_space<vmem>> -> memref<64x128xf32, #tpu.memory_space<vmem>>
        %get3A_635 = arith.index_cast %add3A_555 : i32 to index
        %get3A_636 = arith.constant 80 : index
        %get3A_637 = tpu.vector_load %get3A_634[%get3A_635, %get3A_636] {strides = array<i32>} : memref<64x128xf32, #tpu.memory_space<vmem>>, vector<16xf32>,
        %get3A_638 = arith.constant 0 : i32
        %get3A_639 = arith.constant 0 : i32
        %get3A_640 = tpu.memref_slice %arg10[%scan3A_287, %get3A_638, %get3A_639] : memref<3x64x128xf32, #tpu.memory_space<vmem>> -> memref<1x64x128xf32, #tpu.memory_space<vmem>>
        %get3A_641 = tpu.memref_squeeze %get3A_640 : memref<1x64x128xf32, #tpu.memory_space<vmem>> -> memref<64x128xf32, #tpu.memory_space<vmem>>
        %get3A_642 = arith.index_cast %add3A_555 : i32 to index
        %get3A_643 = arith.constant 80 : index
        %get3A_644 = tpu.vector_load %get3A_641[%get3A_642, %get3A_643] {strides = array<i32>} : memref<64x128xf32, #tpu.memory_space<vmem>>, vector<16xf32>,
        %mul3A_645 = arith.mulf %get3A_637, %get3A_644 : vector<16xf32>
        %get3A_646 = arith.constant 0 : i32
        %get3A_647 = arith.constant 0 : i32
        %get3A_648 = tpu.memref_slice %arg9[%scan3A_286, %get3A_646, %get3A_647] : memref<3x64x128xf32, #tpu.memory_space<vmem>> -> memref<1x64x128xf32, #tpu.memory_space<vmem>>
        %get3A_649 = tpu.memref_squeeze %get3A_648 : memref<1x64x128xf32, #tpu.memory_space<vmem>> -> memref<64x128xf32, #tpu.memory_space<vmem>>
        %get3A_650 = arith.index_cast %add3A_555 : i32 to index
        %get3A_651 = arith.constant 96 : index
        %get3A_652 = tpu.vector_load %get3A_649[%get3A_650, %get3A_651] {strides = array<i32>} : memref<64x128xf32, #tpu.memory_space<vmem>>, vector<16xf32>,
        %get3A_653 = arith.constant 0 : i32
        %get3A_654 = arith.constant 0 : i32
        %get3A_655 = tpu.memref_slice %arg10[%scan3A_287, %get3A_653, %get3A_654] : memref<3x64x128xf32, #tpu.memory_space<vmem>> -> memref<1x64x128xf32, #tpu.memory_space<vmem>>
        %get3A_656 = tpu.memref_squeeze %get3A_655 : memref<1x64x128xf32, #tpu.memory_space<vmem>> -> memref<64x128xf32, #tpu.memory_space<vmem>>
        %get3A_657 = arith.index_cast %add3A_555 : i32 to index
        %get3A_658 = arith.constant 96 : index
        %get3A_659 = tpu.vector_load %get3A_656[%get3A_657, %get3A_658] {strides = array<i32>} : memref<64x128xf32, #tpu.memory_space<vmem>>, vector<16xf32>,
        %mul3A_660 = arith.mulf %get3A_652, %get3A_659 : vector<16xf32>
        %get3A_661 = arith.constant 0 : i32
        %get3A_662 = arith.constant 0 : i32
        %get3A_663 = tpu.memref_slice %arg9[%scan3A_286, %get3A_661, %get3A_662] : memref<3x64x128xf32, #tpu.memory_space<vmem>> -> memref<1x64x128xf32, #tpu.memory_space<vmem>>
        %get3A_664 = tpu.memref_squeeze %get3A_663 : memref<1x64x128xf32, #tpu.memory_space<vmem>> -> memref<64x128xf32, #tpu.memory_space<vmem>>
        %get3A_665 = arith.index_cast %add3A_555 : i32 to index
        %get3A_666 = arith.constant 112 : index
        %get3A_667 = tpu.vector_load %get3A_664[%get3A_665, %get3A_666] {strides = array<i32>} : memref<64x128xf32, #tpu.memory_space<vmem>>, vector<16xf32>,
        %get3A_668 = arith.constant 0 : i32
        %get3A_669 = arith.constant 0 : i32
        %get3A_670 = tpu.memref_slice %arg10[%scan3A_287, %get3A_668, %get3A_669] : memref<3x64x128xf32, #tpu.memory_space<vmem>> -> memref<1x64x128xf32, #tpu.memory_space<vmem>>
        %get3A_671 = tpu.memref_squeeze %get3A_670 : memref<1x64x128xf32, #tpu.memory_space<vmem>> -> memref<64x128xf32, #tpu.memory_space<vmem>>
        %get3A_672 = arith.index_cast %add3A_555 : i32 to index
        %get3A_673 = arith.constant 112 : index
        %get3A_674 = tpu.vector_load %get3A_671[%get3A_672, %get3A_673] {strides = array<i32>} : memref<64x128xf32, #tpu.memory_space<vmem>>, vector<16xf32>,
        %mul3A_675 = arith.mulf %get3A_667, %get3A_674 : vector<16xf32>
        %add3A_676 = arith.addf %mul3A_570, %mul3A_585 : vector<16xf32>
        %add3A_677 = arith.addf %mul3A_600, %mul3A_615 : vector<16xf32>
        %add3A_678 = arith.addf %mul3A_630, %mul3A_645 : vector<16xf32>
        %add3A_679 = arith.addf %mul3A_660, %mul3A_675 : vector<16xf32>
        %add3A_680 = arith.addf %add3A_676, %add3A_677 : vector<16xf32>
        %add3A_681 = arith.addf %add3A_678, %add3A_679 : vector<16xf32>
        %add3A_682 = arith.addf %add3A_680, %add3A_681 : vector<16xf32>
        %reduce_sum3A_683 = arith.constant true
        %reduce_sum3A_684 = vector.broadcast %reduce_sum3A_683 : i1 to vector<16xi1>
        %reduce_sum3A_685 = tpu.scan <sum>, %add3A_682 masked %reduce_sum3A_684 : vector<16xf32>, vector<16xi1> -> vector<16xf32>
        %reduce_sum3A_686 = vector.extract %reduce_sum3A_685[15] : f32 from vector<16xf32>
        %eq3A_687 = vector.broadcast %scan3A_554 : i32 to vector<16xi32>
        %eq3A_688 = arith.cmpi eq, %iota3A, %eq3A_687 : vector<16xi32>
        %broadcast_in_dim3A_689 = vector.broadcast %reduce_sum3A_686 : f32 to vector<16xf32>
        %select_n3A_690 = arith.select %eq3A_688, %broadcast_in_dim3A_689, %select_n3A : vector<16xi1>, vector<16xf32>
        scf.yield %select_n3A_690 : vector<16xf32>
      }
      %scan3A_414 = arith.constant 16 : i32
      %add3A_415 = arith.constant 256 : i32
      %add3A_416 = arith.addi %add3A_415, %mul3A_407 : i32
      %swap3A = arith.index_cast %add3A_416 : i32 to index
      %swap3A_417 = tpu.vector_load %arg11[%swap3A] {strides = array<i32>} : memref<512xf32, #tpu.memory_space<vmem>>, vector<16xf32>,
      tpu.vector_store %arg11[%swap3A], %scan3A_413 {strides = array<i32>} : memref<512xf32, #tpu.memory_space<vmem>>, vector<16xf32>,
      %scan3A_418 = arith.constant 0 : i32
      scf.yield %scan3A_418 : i32
    }
    %scan3A_294 = arith.constant 4 : i32
    %dma_start3A_295 = arith.constant 1 : i32
    %dma_start3A_296 = arith.constant 0 : i32
    %dma_start3A_297 = arith.constant 0 : i32
    %dma_start3A_298 = tpu.memref_slice %arg9[%dma_start3A_295, %dma_start3A_296, %dma_start3A_297] : memref<3x64x128xf32, #tpu.memory_space<vmem>> -> memref<1x64x128xf32, #tpu.memory_space<vmem>>
    %dma_start3A_299 = tpu.memref_squeeze %dma_start3A_298 : memref<1x64x128xf32, #tpu.memory_space<vmem>> -> memref<64x128xf32, #tpu.memory_space<vmem>>
    %dma_start3A_300 = arith.constant 448 : i32
    %dma_start3A_301 = tpu.memref_slice %arg7[%dma_start3A_300] : memref<512xi32, #tpu.memory_space<vmem>> -> memref<64xi32, #tpu.memory_space<vmem>>
    %dma_start3A_302 = arith.constant 0 : i32
    %dma_start3A_303 = arith.constant 0 : i32
    %dma_start3A_304 = tpu.memref_slice %arg4[%dma_start3A_302, %dma_start3A_303] : memref<100000x128xf32, #tpu.memory_space<hbm>> -> memref<100000x128xf32, #tpu.memory_space<hbm>>
    tpu.enqueue_indirect_dma source(%dma_start3A_304 : memref<100000x128xf32, #tpu.memory_space<hbm>>) target(%dma_start3A_299 : memref<64x128xf32, #tpu.memory_space<vmem>>) offsets(%dma_start3A_301 : memref<64xi32, #tpu.memory_space<vmem>>) semaphore(%arg13 : memref<!tpu.dma_semaphore, #tpu.memory_space<semaphore_mem>>)
    %dma_start3A_305 = arith.constant 1 : i32
    %dma_start3A_306 = arith.constant 0 : i32
    %dma_start3A_307 = arith.constant 0 : i32
    %dma_start3A_308 = tpu.memref_slice %arg10[%dma_start3A_305, %dma_start3A_306, %dma_start3A_307] : memref<3x64x128xf32, #tpu.memory_space<vmem>> -> memref<1x64x128xf32, #tpu.memory_space<vmem>>
    %dma_start3A_309 = tpu.memref_squeeze %dma_start3A_308 : memref<1x64x128xf32, #tpu.memory_space<vmem>> -> memref<64x128xf32, #tpu.memory_space<vmem>>
    %dma_start3A_310 = arith.constant 448 : i32
    %dma_start3A_311 = tpu.memref_slice %arg8[%dma_start3A_310] : memref<512xi32, #tpu.memory_space<vmem>> -> memref<64xi32, #tpu.memory_space<vmem>>
    %dma_start3A_312 = arith.constant 0 : i32
    %dma_start3A_313 = arith.constant 0 : i32
    %dma_start3A_314 = tpu.memref_slice %arg5[%dma_start3A_312, %dma_start3A_313] : memref<100000x128xf32, #tpu.memory_space<hbm>> -> memref<100000x128xf32, #tpu.memory_space<hbm>>
    tpu.enqueue_indirect_dma source(%dma_start3A_314 : memref<100000x128xf32, #tpu.memory_space<hbm>>) target(%dma_start3A_309 : memref<64x128xf32, #tpu.memory_space<vmem>>) offsets(%dma_start3A_311 : memref<64xi32, #tpu.memory_space<vmem>>) semaphore(%arg13 : memref<!tpu.dma_semaphore, #tpu.memory_space<semaphore_mem>>)
    %dma_wait3A_315 = arith.constant 2 : i32
    %dma_wait3A_316 = arith.constant 0 : i32
    %dma_wait3A_317 = arith.constant 0 : i32
    %dma_wait3A_318 = tpu.memref_slice %arg9[%dma_wait3A_315, %dma_wait3A_316, %dma_wait3A_317] : memref<3x64x128xf32, #tpu.memory_space<vmem>> -> memref<1x64x128xf32, #tpu.memory_space<vmem>>
    %dma_wait3A_319 = tpu.memref_squeeze %dma_wait3A_318 : memref<1x64x128xf32, #tpu.memory_space<vmem>> -> memref<64x128xf32, #tpu.memory_space<vmem>>
    %dma_wait3A_320 = arith.constant 320 : i32
    %dma_wait3A_321 = tpu.memref_slice %arg7[%dma_wait3A_320] : memref<512xi32, #tpu.memory_space<vmem>> -> memref<64xi32, #tpu.memory_space<vmem>>
    %dma_wait3A_322 = arith.constant 0 : i32
    %dma_wait3A_323 = arith.constant 0 : i32
    %dma_wait3A_324 = tpu.memref_slice %arg4[%dma_wait3A_322, %dma_wait3A_323] : memref<100000x128xf32, #tpu.memory_space<hbm>> -> memref<100000x128xf32, #tpu.memory_space<hbm>>
    tpu.wait_indirect_dma semaphore(%arg14 : memref<!tpu.dma_semaphore, #tpu.memory_space<semaphore_mem>>) src(%dma_wait3A_324 : memref<100000x128xf32, #tpu.memory_space<hbm>>) dst(%dma_wait3A_319 : memref<64x128xf32, #tpu.memory_space<vmem>>)
    %dma_wait3A_325 = arith.constant 2 : i32
    %dma_wait3A_326 = arith.constant 0 : i32
    %dma_wait3A_327 = arith.constant 0 : i32
    %dma_wait3A_328 = tpu.memref_slice %arg10[%dma_wait3A_325, %dma_wait3A_326, %dma_wait3A_327] : memref<3x64x128xf32, #tpu.memory_space<vmem>> -> memref<1x64x128xf32, #tpu.memory_space<vmem>>
    %dma_wait3A_329 = tpu.memref_squeeze %dma_wait3A_328 : memref<1x64x128xf32, #tpu.memory_space<vmem>> -> memref<64x128xf32, #tpu.memory_space<vmem>>
    %dma_wait3A_330 = arith.constant 320 : i32
    %dma_wait3A_331 = tpu.memref_slice %arg8[%dma_wait3A_330] : memref<512xi32, #tpu.memory_space<vmem>> -> memref<64xi32, #tpu.memory_space<vmem>>
    %dma_wait3A_332 = arith.constant 0 : i32
    %dma_wait3A_333 = arith.constant 0 : i32
    %dma_wait3A_334 = tpu.memref_slice %arg5[%dma_wait3A_332, %dma_wait3A_333] : memref<100000x128xf32, #tpu.memory_space<hbm>> -> memref<100000x128xf32, #tpu.memory_space<hbm>>
    tpu.wait_indirect_dma semaphore(%arg14 : memref<!tpu.dma_semaphore, #tpu.memory_space<semaphore_mem>>) src(%dma_wait3A_334 : memref<100000x128xf32, #tpu.memory_space<hbm>>) dst(%dma_wait3A_329 : memref<64x128xf32, #tpu.memory_space<vmem>>)
    %scan3A_335 = arith.constant 2 : i32
    %scan3A_336 = arith.constant 2 : i32
    %scan3A_337 = arith.constant 0 : i32
    %scan3A_338 = arith.constant 0 : i32
    %scan3A_339 = arith.constant 4 : i32
    %scan3A_340 = arith.addi %scan3A_338, %scan3A_339 : i32
    %scan3A_341 = arith.constant 1 : i32
    %scan3A_342 = scf.for %scan3A_404 = %scan3A_338 to %scan3A_340 step %scan3A_341 iter_args(%scan3A_405 = %scan3A_337) -> (i32)  : i32 {
      %mul3A_406 = arith.constant 16 : i32
      %mul3A_407 = arith.muli %scan3A_404, %mul3A_406 : i32
      %broadcast_in_dim3A = arith.constant 0.000000e+00 : f32
      %broadcast_in_dim3A_408 = vector.broadcast %broadcast_in_dim3A : f32 to vector<16xf32>
      %scan3A_409 = arith.constant 0 : i32
      %scan3A_410 = arith.constant 16 : i32
      %scan3A_411 = arith.addi %scan3A_409, %scan3A_410 : i32
      %scan3A_412 = arith.constant 2 : i32
      %scan3A_413 = scf.for %scan3A_419 = %scan3A_409 to %scan3A_411 step %scan3A_412 iter_args(%scan3A_420 = %broadcast_in_dim3A_408) -> (vector<16xf32>)  : i32 {
        %add3A_421 = arith.addi %mul3A_407, %scan3A_419 : i32
        %get3A = arith.constant 0 : i32
        %get3A_422 = arith.constant 0 : i32
        %get3A_423 = tpu.memref_slice %arg9[%scan3A_335, %get3A, %get3A_422] : memref<3x64x128xf32, #tpu.memory_space<vmem>> -> memref<1x64x128xf32, #tpu.memory_space<vmem>>
        %get3A_424 = tpu.memref_squeeze %get3A_423 : memref<1x64x128xf32, #tpu.memory_space<vmem>> -> memref<64x128xf32, #tpu.memory_space<vmem>>
        %get3A_425 = arith.index_cast %add3A_421 : i32 to index
        %get3A_426 = arith.constant 0 : index
        %get3A_427 = tpu.vector_load %get3A_424[%get3A_425, %get3A_426] {strides = array<i32>} : memref<64x128xf32, #tpu.memory_space<vmem>>, vector<16xf32>,
        %get3A_428 = arith.constant 0 : i32
        %get3A_429 = arith.constant 0 : i32
        %get3A_430 = tpu.memref_slice %arg10[%scan3A_336, %get3A_428, %get3A_429] : memref<3x64x128xf32, #tpu.memory_space<vmem>> -> memref<1x64x128xf32, #tpu.memory_space<vmem>>
        %get3A_431 = tpu.memref_squeeze %get3A_430 : memref<1x64x128xf32, #tpu.memory_space<vmem>> -> memref<64x128xf32, #tpu.memory_space<vmem>>
        %get3A_432 = arith.index_cast %add3A_421 : i32 to index
        %get3A_433 = arith.constant 0 : index
        %get3A_434 = tpu.vector_load %get3A_431[%get3A_432, %get3A_433] {strides = array<i32>} : memref<64x128xf32, #tpu.memory_space<vmem>>, vector<16xf32>,
        %mul3A_435 = arith.mulf %get3A_427, %get3A_434 : vector<16xf32>
        %get3A_436 = arith.constant 0 : i32
        %get3A_437 = arith.constant 0 : i32
        %get3A_438 = tpu.memref_slice %arg9[%scan3A_335, %get3A_436, %get3A_437] : memref<3x64x128xf32, #tpu.memory_space<vmem>> -> memref<1x64x128xf32, #tpu.memory_space<vmem>>
        %get3A_439 = tpu.memref_squeeze %get3A_438 : memref<1x64x128xf32, #tpu.memory_space<vmem>> -> memref<64x128xf32, #tpu.memory_space<vmem>>
        %get3A_440 = arith.index_cast %add3A_421 : i32 to index
        %get3A_441 = arith.constant 16 : index
        %get3A_442 = tpu.vector_load %get3A_439[%get3A_440, %get3A_441] {strides = array<i32>} : memref<64x128xf32, #tpu.memory_space<vmem>>, vector<16xf32>,
        %get3A_443 = arith.constant 0 : i32
        %get3A_444 = arith.constant 0 : i32
        %get3A_445 = tpu.memref_slice %arg10[%scan3A_336, %get3A_443, %get3A_444] : memref<3x64x128xf32, #tpu.memory_space<vmem>> -> memref<1x64x128xf32, #tpu.memory_space<vmem>>
        %get3A_446 = tpu.memref_squeeze %get3A_445 : memref<1x64x128xf32, #tpu.memory_space<vmem>> -> memref<64x128xf32, #tpu.memory_space<vmem>>
        %get3A_447 = arith.index_cast %add3A_421 : i32 to index
        %get3A_448 = arith.constant 16 : index
        %get3A_449 = tpu.vector_load %get3A_446[%get3A_447, %get3A_448] {strides = array<i32>} : memref<64x128xf32, #tpu.memory_space<vmem>>, vector<16xf32>,
        %mul3A_450 = arith.mulf %get3A_442, %get3A_449 : vector<16xf32>
        %get3A_451 = arith.constant 0 : i32
        %get3A_452 = arith.constant 0 : i32
        %get3A_453 = tpu.memref_slice %arg9[%scan3A_335, %get3A_451, %get3A_452] : memref<3x64x128xf32, #tpu.memory_space<vmem>> -> memref<1x64x128xf32, #tpu.memory_space<vmem>>
        %get3A_454 = tpu.memref_squeeze %get3A_453 : memref<1x64x128xf32, #tpu.memory_space<vmem>> -> memref<64x128xf32, #tpu.memory_space<vmem>>
        %get3A_455 = arith.index_cast %add3A_421 : i32 to index
        %get3A_456 = arith.constant 32 : index
        %get3A_457 = tpu.vector_load %get3A_454[%get3A_455, %get3A_456] {strides = array<i32>} : memref<64x128xf32, #tpu.memory_space<vmem>>, vector<16xf32>,
        %get3A_458 = arith.constant 0 : i32
        %get3A_459 = arith.constant 0 : i32
        %get3A_460 = tpu.memref_slice %arg10[%scan3A_336, %get3A_458, %get3A_459] : memref<3x64x128xf32, #tpu.memory_space<vmem>> -> memref<1x64x128xf32, #tpu.memory_space<vmem>>
        %get3A_461 = tpu.memref_squeeze %get3A_460 : memref<1x64x128xf32, #tpu.memory_space<vmem>> -> memref<64x128xf32, #tpu.memory_space<vmem>>
        %get3A_462 = arith.index_cast %add3A_421 : i32 to index
        %get3A_463 = arith.constant 32 : index
        %get3A_464 = tpu.vector_load %get3A_461[%get3A_462, %get3A_463] {strides = array<i32>} : memref<64x128xf32, #tpu.memory_space<vmem>>, vector<16xf32>,
        %mul3A_465 = arith.mulf %get3A_457, %get3A_464 : vector<16xf32>
        %get3A_466 = arith.constant 0 : i32
        %get3A_467 = arith.constant 0 : i32
        %get3A_468 = tpu.memref_slice %arg9[%scan3A_335, %get3A_466, %get3A_467] : memref<3x64x128xf32, #tpu.memory_space<vmem>> -> memref<1x64x128xf32, #tpu.memory_space<vmem>>
        %get3A_469 = tpu.memref_squeeze %get3A_468 : memref<1x64x128xf32, #tpu.memory_space<vmem>> -> memref<64x128xf32, #tpu.memory_space<vmem>>
        %get3A_470 = arith.index_cast %add3A_421 : i32 to index
        %get3A_471 = arith.constant 48 : index
        %get3A_472 = tpu.vector_load %get3A_469[%get3A_470, %get3A_471] {strides = array<i32>} : memref<64x128xf32, #tpu.memory_space<vmem>>, vector<16xf32>,
        %get3A_473 = arith.constant 0 : i32
        %get3A_474 = arith.constant 0 : i32
        %get3A_475 = tpu.memref_slice %arg10[%scan3A_336, %get3A_473, %get3A_474] : memref<3x64x128xf32, #tpu.memory_space<vmem>> -> memref<1x64x128xf32, #tpu.memory_space<vmem>>
        %get3A_476 = tpu.memref_squeeze %get3A_475 : memref<1x64x128xf32, #tpu.memory_space<vmem>> -> memref<64x128xf32, #tpu.memory_space<vmem>>
        %get3A_477 = arith.index_cast %add3A_421 : i32 to index
        %get3A_478 = arith.constant 48 : index
        %get3A_479 = tpu.vector_load %get3A_476[%get3A_477, %get3A_478] {strides = array<i32>} : memref<64x128xf32, #tpu.memory_space<vmem>>, vector<16xf32>,
        %mul3A_480 = arith.mulf %get3A_472, %get3A_479 : vector<16xf32>
        %get3A_481 = arith.constant 0 : i32
        %get3A_482 = arith.constant 0 : i32
        %get3A_483 = tpu.memref_slice %arg9[%scan3A_335, %get3A_481, %get3A_482] : memref<3x64x128xf32, #tpu.memory_space<vmem>> -> memref<1x64x128xf32, #tpu.memory_space<vmem>>
        %get3A_484 = tpu.memref_squeeze %get3A_483 : memref<1x64x128xf32, #tpu.memory_space<vmem>> -> memref<64x128xf32, #tpu.memory_space<vmem>>
        %get3A_485 = arith.index_cast %add3A_421 : i32 to index
        %get3A_486 = arith.constant 64 : index
        %get3A_487 = tpu.vector_load %get3A_484[%get3A_485, %get3A_486] {strides = array<i32>} : memref<64x128xf32, #tpu.memory_space<vmem>>, vector<16xf32>,
        %get3A_488 = arith.constant 0 : i32
        %get3A_489 = arith.constant 0 : i32
        %get3A_490 = tpu.memref_slice %arg10[%scan3A_336, %get3A_488, %get3A_489] : memref<3x64x128xf32, #tpu.memory_space<vmem>> -> memref<1x64x128xf32, #tpu.memory_space<vmem>>
        %get3A_491 = tpu.memref_squeeze %get3A_490 : memref<1x64x128xf32, #tpu.memory_space<vmem>> -> memref<64x128xf32, #tpu.memory_space<vmem>>
        %get3A_492 = arith.index_cast %add3A_421 : i32 to index
        %get3A_493 = arith.constant 64 : index
        %get3A_494 = tpu.vector_load %get3A_491[%get3A_492, %get3A_493] {strides = array<i32>} : memref<64x128xf32, #tpu.memory_space<vmem>>, vector<16xf32>,
        %mul3A_495 = arith.mulf %get3A_487, %get3A_494 : vector<16xf32>
        %get3A_496 = arith.constant 0 : i32
        %get3A_497 = arith.constant 0 : i32
        %get3A_498 = tpu.memref_slice %arg9[%scan3A_335, %get3A_496, %get3A_497] : memref<3x64x128xf32, #tpu.memory_space<vmem>> -> memref<1x64x128xf32, #tpu.memory_space<vmem>>
        %get3A_499 = tpu.memref_squeeze %get3A_498 : memref<1x64x128xf32, #tpu.memory_space<vmem>> -> memref<64x128xf32, #tpu.memory_space<vmem>>
        %get3A_500 = arith.index_cast %add3A_421 : i32 to index
        %get3A_501 = arith.constant 80 : index
        %get3A_502 = tpu.vector_load %get3A_499[%get3A_500, %get3A_501] {strides = array<i32>} : memref<64x128xf32, #tpu.memory_space<vmem>>, vector<16xf32>,
        %get3A_503 = arith.constant 0 : i32
        %get3A_504 = arith.constant 0 : i32
        %get3A_505 = tpu.memref_slice %arg10[%scan3A_336, %get3A_503, %get3A_504] : memref<3x64x128xf32, #tpu.memory_space<vmem>> -> memref<1x64x128xf32, #tpu.memory_space<vmem>>
        %get3A_506 = tpu.memref_squeeze %get3A_505 : memref<1x64x128xf32, #tpu.memory_space<vmem>> -> memref<64x128xf32, #tpu.memory_space<vmem>>
        %get3A_507 = arith.index_cast %add3A_421 : i32 to index
        %get3A_508 = arith.constant 80 : index
        %get3A_509 = tpu.vector_load %get3A_506[%get3A_507, %get3A_508] {strides = array<i32>} : memref<64x128xf32, #tpu.memory_space<vmem>>, vector<16xf32>,
        %mul3A_510 = arith.mulf %get3A_502, %get3A_509 : vector<16xf32>
        %get3A_511 = arith.constant 0 : i32
        %get3A_512 = arith.constant 0 : i32
        %get3A_513 = tpu.memref_slice %arg9[%scan3A_335, %get3A_511, %get3A_512] : memref<3x64x128xf32, #tpu.memory_space<vmem>> -> memref<1x64x128xf32, #tpu.memory_space<vmem>>
        %get3A_514 = tpu.memref_squeeze %get3A_513 : memref<1x64x128xf32, #tpu.memory_space<vmem>> -> memref<64x128xf32, #tpu.memory_space<vmem>>
        %get3A_515 = arith.index_cast %add3A_421 : i32 to index
        %get3A_516 = arith.constant 96 : index
        %get3A_517 = tpu.vector_load %get3A_514[%get3A_515, %get3A_516] {strides = array<i32>} : memref<64x128xf32, #tpu.memory_space<vmem>>, vector<16xf32>,
        %get3A_518 = arith.constant 0 : i32
        %get3A_519 = arith.constant 0 : i32
        %get3A_520 = tpu.memref_slice %arg10[%scan3A_336, %get3A_518, %get3A_519] : memref<3x64x128xf32, #tpu.memory_space<vmem>> -> memref<1x64x128xf32, #tpu.memory_space<vmem>>
        %get3A_521 = tpu.memref_squeeze %get3A_520 : memref<1x64x128xf32, #tpu.memory_space<vmem>> -> memref<64x128xf32, #tpu.memory_space<vmem>>
        %get3A_522 = arith.index_cast %add3A_421 : i32 to index
        %get3A_523 = arith.constant 96 : index
        %get3A_524 = tpu.vector_load %get3A_521[%get3A_522, %get3A_523] {strides = array<i32>} : memref<64x128xf32, #tpu.memory_space<vmem>>, vector<16xf32>,
        %mul3A_525 = arith.mulf %get3A_517, %get3A_524 : vector<16xf32>
        %get3A_526 = arith.constant 0 : i32
        %get3A_527 = arith.constant 0 : i32
        %get3A_528 = tpu.memref_slice %arg9[%scan3A_335, %get3A_526, %get3A_527] : memref<3x64x128xf32, #tpu.memory_space<vmem>> -> memref<1x64x128xf32, #tpu.memory_space<vmem>>
        %get3A_529 = tpu.memref_squeeze %get3A_528 : memref<1x64x128xf32, #tpu.memory_space<vmem>> -> memref<64x128xf32, #tpu.memory_space<vmem>>
        %get3A_530 = arith.index_cast %add3A_421 : i32 to index
        %get3A_531 = arith.constant 112 : index
        %get3A_532 = tpu.vector_load %get3A_529[%get3A_530, %get3A_531] {strides = array<i32>} : memref<64x128xf32, #tpu.memory_space<vmem>>, vector<16xf32>,
        %get3A_533 = arith.constant 0 : i32
        %get3A_534 = arith.constant 0 : i32
        %get3A_535 = tpu.memref_slice %arg10[%scan3A_336, %get3A_533, %get3A_534] : memref<3x64x128xf32, #tpu.memory_space<vmem>> -> memref<1x64x128xf32, #tpu.memory_space<vmem>>
        %get3A_536 = tpu.memref_squeeze %get3A_535 : memref<1x64x128xf32, #tpu.memory_space<vmem>> -> memref<64x128xf32, #tpu.memory_space<vmem>>
        %get3A_537 = arith.index_cast %add3A_421 : i32 to index
        %get3A_538 = arith.constant 112 : index
        %get3A_539 = tpu.vector_load %get3A_536[%get3A_537, %get3A_538] {strides = array<i32>} : memref<64x128xf32, #tpu.memory_space<vmem>>, vector<16xf32>,
        %mul3A_540 = arith.mulf %get3A_532, %get3A_539 : vector<16xf32>
        %add3A_541 = arith.addf %mul3A_435, %mul3A_450 : vector<16xf32>
        %add3A_542 = arith.addf %mul3A_465, %mul3A_480 : vector<16xf32>
        %add3A_543 = arith.addf %mul3A_495, %mul3A_510 : vector<16xf32>
        %add3A_544 = arith.addf %mul3A_525, %mul3A_540 : vector<16xf32>
        %add3A_545 = arith.addf %add3A_541, %add3A_542 : vector<16xf32>
        %add3A_546 = arith.addf %add3A_543, %add3A_544 : vector<16xf32>
        %add3A_547 = arith.addf %add3A_545, %add3A_546 : vector<16xf32>
        %reduce_sum3A = arith.constant true
        %reduce_sum3A_548 = vector.broadcast %reduce_sum3A : i1 to vector<16xi1>
        %reduce_sum3A_549 = tpu.scan <sum>, %add3A_547 masked %reduce_sum3A_548 : vector<16xf32>, vector<16xi1> -> vector<16xf32>
        %reduce_sum3A_550 = vector.extract %reduce_sum3A_549[15] : f32 from vector<16xf32>
        %eq3A = vector.broadcast %scan3A_419 : i32 to vector<16xi32>
        %eq3A_551 = arith.cmpi eq, %iota3A, %eq3A : vector<16xi32>
        %broadcast_in_dim3A_552 = vector.broadcast %reduce_sum3A_550 : f32 to vector<16xf32>
        %select_n3A = arith.select %eq3A_551, %broadcast_in_dim3A_552, %scan3A_420 : vector<16xi1>, vector<16xf32>
        %scan3A_553 = arith.constant 1 : i32
        %scan3A_554 = arith.addi %scan3A_419, %scan3A_553 : i32
        %add3A_555 = arith.addi %mul3A_407, %scan3A_554 : i32
        %get3A_556 = arith.constant 0 : i32
        %get3A_557 = arith.constant 0 : i32
        %get3A_558 = tpu.memref_slice %arg9[%scan3A_335, %get3A_556, %get3A_557] : memref<3x64x128xf32, #tpu.memory_space<vmem>> -> memref<1x64x128xf32, #tpu.memory_space<vmem>>
        %get3A_559 = tpu.memref_squeeze %get3A_558 : memref<1x64x128xf32, #tpu.memory_space<vmem>> -> memref<64x128xf32, #tpu.memory_space<vmem>>
        %get3A_560 = arith.index_cast %add3A_555 : i32 to index
        %get3A_561 = arith.constant 0 : index
        %get3A_562 = tpu.vector_load %get3A_559[%get3A_560, %get3A_561] {strides = array<i32>} : memref<64x128xf32, #tpu.memory_space<vmem>>, vector<16xf32>,
        %get3A_563 = arith.constant 0 : i32
        %get3A_564 = arith.constant 0 : i32
        %get3A_565 = tpu.memref_slice %arg10[%scan3A_336, %get3A_563, %get3A_564] : memref<3x64x128xf32, #tpu.memory_space<vmem>> -> memref<1x64x128xf32, #tpu.memory_space<vmem>>
        %get3A_566 = tpu.memref_squeeze %get3A_565 : memref<1x64x128xf32, #tpu.memory_space<vmem>> -> memref<64x128xf32, #tpu.memory_space<vmem>>
        %get3A_567 = arith.index_cast %add3A_555 : i32 to index
        %get3A_568 = arith.constant 0 : index
        %get3A_569 = tpu.vector_load %get3A_566[%get3A_567, %get3A_568] {strides = array<i32>} : memref<64x128xf32, #tpu.memory_space<vmem>>, vector<16xf32>,
        %mul3A_570 = arith.mulf %get3A_562, %get3A_569 : vector<16xf32>
        %get3A_571 = arith.constant 0 : i32
        %get3A_572 = arith.constant 0 : i32
        %get3A_573 = tpu.memref_slice %arg9[%scan3A_335, %get3A_571, %get3A_572] : memref<3x64x128xf32, #tpu.memory_space<vmem>> -> memref<1x64x128xf32, #tpu.memory_space<vmem>>
        %get3A_574 = tpu.memref_squeeze %get3A_573 : memref<1x64x128xf32, #tpu.memory_space<vmem>> -> memref<64x128xf32, #tpu.memory_space<vmem>>
        %get3A_575 = arith.index_cast %add3A_555 : i32 to index
        %get3A_576 = arith.constant 16 : index
        %get3A_577 = tpu.vector_load %get3A_574[%get3A_575, %get3A_576] {strides = array<i32>} : memref<64x128xf32, #tpu.memory_space<vmem>>, vector<16xf32>,
        %get3A_578 = arith.constant 0 : i32
        %get3A_579 = arith.constant 0 : i32
        %get3A_580 = tpu.memref_slice %arg10[%scan3A_336, %get3A_578, %get3A_579] : memref<3x64x128xf32, #tpu.memory_space<vmem>> -> memref<1x64x128xf32, #tpu.memory_space<vmem>>
        %get3A_581 = tpu.memref_squeeze %get3A_580 : memref<1x64x128xf32, #tpu.memory_space<vmem>> -> memref<64x128xf32, #tpu.memory_space<vmem>>
        %get3A_582 = arith.index_cast %add3A_555 : i32 to index
        %get3A_583 = arith.constant 16 : index
        %get3A_584 = tpu.vector_load %get3A_581[%get3A_582, %get3A_583] {strides = array<i32>} : memref<64x128xf32, #tpu.memory_space<vmem>>, vector<16xf32>,
        %mul3A_585 = arith.mulf %get3A_577, %get3A_584 : vector<16xf32>
        %get3A_586 = arith.constant 0 : i32
        %get3A_587 = arith.constant 0 : i32
        %get3A_588 = tpu.memref_slice %arg9[%scan3A_335, %get3A_586, %get3A_587] : memref<3x64x128xf32, #tpu.memory_space<vmem>> -> memref<1x64x128xf32, #tpu.memory_space<vmem>>
        %get3A_589 = tpu.memref_squeeze %get3A_588 : memref<1x64x128xf32, #tpu.memory_space<vmem>> -> memref<64x128xf32, #tpu.memory_space<vmem>>
        %get3A_590 = arith.index_cast %add3A_555 : i32 to index
        %get3A_591 = arith.constant 32 : index
        %get3A_592 = tpu.vector_load %get3A_589[%get3A_590, %get3A_591] {strides = array<i32>} : memref<64x128xf32, #tpu.memory_space<vmem>>, vector<16xf32>,
        %get3A_593 = arith.constant 0 : i32
        %get3A_594 = arith.constant 0 : i32
        %get3A_595 = tpu.memref_slice %arg10[%scan3A_336, %get3A_593, %get3A_594] : memref<3x64x128xf32, #tpu.memory_space<vmem>> -> memref<1x64x128xf32, #tpu.memory_space<vmem>>
        %get3A_596 = tpu.memref_squeeze %get3A_595 : memref<1x64x128xf32, #tpu.memory_space<vmem>> -> memref<64x128xf32, #tpu.memory_space<vmem>>
        %get3A_597 = arith.index_cast %add3A_555 : i32 to index
        %get3A_598 = arith.constant 32 : index
        %get3A_599 = tpu.vector_load %get3A_596[%get3A_597, %get3A_598] {strides = array<i32>} : memref<64x128xf32, #tpu.memory_space<vmem>>, vector<16xf32>,
        %mul3A_600 = arith.mulf %get3A_592, %get3A_599 : vector<16xf32>
        %get3A_601 = arith.constant 0 : i32
        %get3A_602 = arith.constant 0 : i32
        %get3A_603 = tpu.memref_slice %arg9[%scan3A_335, %get3A_601, %get3A_602] : memref<3x64x128xf32, #tpu.memory_space<vmem>> -> memref<1x64x128xf32, #tpu.memory_space<vmem>>
        %get3A_604 = tpu.memref_squeeze %get3A_603 : memref<1x64x128xf32, #tpu.memory_space<vmem>> -> memref<64x128xf32, #tpu.memory_space<vmem>>
        %get3A_605 = arith.index_cast %add3A_555 : i32 to index
        %get3A_606 = arith.constant 48 : index
        %get3A_607 = tpu.vector_load %get3A_604[%get3A_605, %get3A_606] {strides = array<i32>} : memref<64x128xf32, #tpu.memory_space<vmem>>, vector<16xf32>,
        %get3A_608 = arith.constant 0 : i32
        %get3A_609 = arith.constant 0 : i32
        %get3A_610 = tpu.memref_slice %arg10[%scan3A_336, %get3A_608, %get3A_609] : memref<3x64x128xf32, #tpu.memory_space<vmem>> -> memref<1x64x128xf32, #tpu.memory_space<vmem>>
        %get3A_611 = tpu.memref_squeeze %get3A_610 : memref<1x64x128xf32, #tpu.memory_space<vmem>> -> memref<64x128xf32, #tpu.memory_space<vmem>>
        %get3A_612 = arith.index_cast %add3A_555 : i32 to index
        %get3A_613 = arith.constant 48 : index
        %get3A_614 = tpu.vector_load %get3A_611[%get3A_612, %get3A_613] {strides = array<i32>} : memref<64x128xf32, #tpu.memory_space<vmem>>, vector<16xf32>,
        %mul3A_615 = arith.mulf %get3A_607, %get3A_614 : vector<16xf32>
        %get3A_616 = arith.constant 0 : i32
        %get3A_617 = arith.constant 0 : i32
        %get3A_618 = tpu.memref_slice %arg9[%scan3A_335, %get3A_616, %get3A_617] : memref<3x64x128xf32, #tpu.memory_space<vmem>> -> memref<1x64x128xf32, #tpu.memory_space<vmem>>
        %get3A_619 = tpu.memref_squeeze %get3A_618 : memref<1x64x128xf32, #tpu.memory_space<vmem>> -> memref<64x128xf32, #tpu.memory_space<vmem>>
        %get3A_620 = arith.index_cast %add3A_555 : i32 to index
        %get3A_621 = arith.constant 64 : index
        %get3A_622 = tpu.vector_load %get3A_619[%get3A_620, %get3A_621] {strides = array<i32>} : memref<64x128xf32, #tpu.memory_space<vmem>>, vector<16xf32>,
        %get3A_623 = arith.constant 0 : i32
        %get3A_624 = arith.constant 0 : i32
        %get3A_625 = tpu.memref_slice %arg10[%scan3A_336, %get3A_623, %get3A_624] : memref<3x64x128xf32, #tpu.memory_space<vmem>> -> memref<1x64x128xf32, #tpu.memory_space<vmem>>
        %get3A_626 = tpu.memref_squeeze %get3A_625 : memref<1x64x128xf32, #tpu.memory_space<vmem>> -> memref<64x128xf32, #tpu.memory_space<vmem>>
        %get3A_627 = arith.index_cast %add3A_555 : i32 to index
        %get3A_628 = arith.constant 64 : index
        %get3A_629 = tpu.vector_load %get3A_626[%get3A_627, %get3A_628] {strides = array<i32>} : memref<64x128xf32, #tpu.memory_space<vmem>>, vector<16xf32>,
        %mul3A_630 = arith.mulf %get3A_622, %get3A_629 : vector<16xf32>
        %get3A_631 = arith.constant 0 : i32
        %get3A_632 = arith.constant 0 : i32
        %get3A_633 = tpu.memref_slice %arg9[%scan3A_335, %get3A_631, %get3A_632] : memref<3x64x128xf32, #tpu.memory_space<vmem>> -> memref<1x64x128xf32, #tpu.memory_space<vmem>>
        %get3A_634 = tpu.memref_squeeze %get3A_633 : memref<1x64x128xf32, #tpu.memory_space<vmem>> -> memref<64x128xf32, #tpu.memory_space<vmem>>
        %get3A_635 = arith.index_cast %add3A_555 : i32 to index
        %get3A_636 = arith.constant 80 : index
        %get3A_637 = tpu.vector_load %get3A_634[%get3A_635, %get3A_636] {strides = array<i32>} : memref<64x128xf32, #tpu.memory_space<vmem>>, vector<16xf32>,
        %get3A_638 = arith.constant 0 : i32
        %get3A_639 = arith.constant 0 : i32
        %get3A_640 = tpu.memref_slice %arg10[%scan3A_336, %get3A_638, %get3A_639] : memref<3x64x128xf32, #tpu.memory_space<vmem>> -> memref<1x64x128xf32, #tpu.memory_space<vmem>>
        %get3A_641 = tpu.memref_squeeze %get3A_640 : memref<1x64x128xf32, #tpu.memory_space<vmem>> -> memref<64x128xf32, #tpu.memory_space<vmem>>
        %get3A_642 = arith.index_cast %add3A_555 : i32 to index
        %get3A_643 = arith.constant 80 : index
        %get3A_644 = tpu.vector_load %get3A_641[%get3A_642, %get3A_643] {strides = array<i32>} : memref<64x128xf32, #tpu.memory_space<vmem>>, vector<16xf32>,
        %mul3A_645 = arith.mulf %get3A_637, %get3A_644 : vector<16xf32>
        %get3A_646 = arith.constant 0 : i32
        %get3A_647 = arith.constant 0 : i32
        %get3A_648 = tpu.memref_slice %arg9[%scan3A_335, %get3A_646, %get3A_647] : memref<3x64x128xf32, #tpu.memory_space<vmem>> -> memref<1x64x128xf32, #tpu.memory_space<vmem>>
        %get3A_649 = tpu.memref_squeeze %get3A_648 : memref<1x64x128xf32, #tpu.memory_space<vmem>> -> memref<64x128xf32, #tpu.memory_space<vmem>>
        %get3A_650 = arith.index_cast %add3A_555 : i32 to index
        %get3A_651 = arith.constant 96 : index
        %get3A_652 = tpu.vector_load %get3A_649[%get3A_650, %get3A_651] {strides = array<i32>} : memref<64x128xf32, #tpu.memory_space<vmem>>, vector<16xf32>,
        %get3A_653 = arith.constant 0 : i32
        %get3A_654 = arith.constant 0 : i32
        %get3A_655 = tpu.memref_slice %arg10[%scan3A_336, %get3A_653, %get3A_654] : memref<3x64x128xf32, #tpu.memory_space<vmem>> -> memref<1x64x128xf32, #tpu.memory_space<vmem>>
        %get3A_656 = tpu.memref_squeeze %get3A_655 : memref<1x64x128xf32, #tpu.memory_space<vmem>> -> memref<64x128xf32, #tpu.memory_space<vmem>>
        %get3A_657 = arith.index_cast %add3A_555 : i32 to index
        %get3A_658 = arith.constant 96 : index
        %get3A_659 = tpu.vector_load %get3A_656[%get3A_657, %get3A_658] {strides = array<i32>} : memref<64x128xf32, #tpu.memory_space<vmem>>, vector<16xf32>,
        %mul3A_660 = arith.mulf %get3A_652, %get3A_659 : vector<16xf32>
        %get3A_661 = arith.constant 0 : i32
        %get3A_662 = arith.constant 0 : i32
        %get3A_663 = tpu.memref_slice %arg9[%scan3A_335, %get3A_661, %get3A_662] : memref<3x64x128xf32, #tpu.memory_space<vmem>> -> memref<1x64x128xf32, #tpu.memory_space<vmem>>
        %get3A_664 = tpu.memref_squeeze %get3A_663 : memref<1x64x128xf32, #tpu.memory_space<vmem>> -> memref<64x128xf32, #tpu.memory_space<vmem>>
        %get3A_665 = arith.index_cast %add3A_555 : i32 to index
        %get3A_666 = arith.constant 112 : index
        %get3A_667 = tpu.vector_load %get3A_664[%get3A_665, %get3A_666] {strides = array<i32>} : memref<64x128xf32, #tpu.memory_space<vmem>>, vector<16xf32>,
        %get3A_668 = arith.constant 0 : i32
        %get3A_669 = arith.constant 0 : i32
        %get3A_670 = tpu.memref_slice %arg10[%scan3A_336, %get3A_668, %get3A_669] : memref<3x64x128xf32, #tpu.memory_space<vmem>> -> memref<1x64x128xf32, #tpu.memory_space<vmem>>
        %get3A_671 = tpu.memref_squeeze %get3A_670 : memref<1x64x128xf32, #tpu.memory_space<vmem>> -> memref<64x128xf32, #tpu.memory_space<vmem>>
        %get3A_672 = arith.index_cast %add3A_555 : i32 to index
        %get3A_673 = arith.constant 112 : index
        %get3A_674 = tpu.vector_load %get3A_671[%get3A_672, %get3A_673] {strides = array<i32>} : memref<64x128xf32, #tpu.memory_space<vmem>>, vector<16xf32>,
        %mul3A_675 = arith.mulf %get3A_667, %get3A_674 : vector<16xf32>
        %add3A_676 = arith.addf %mul3A_570, %mul3A_585 : vector<16xf32>
        %add3A_677 = arith.addf %mul3A_600, %mul3A_615 : vector<16xf32>
        %add3A_678 = arith.addf %mul3A_630, %mul3A_645 : vector<16xf32>
        %add3A_679 = arith.addf %mul3A_660, %mul3A_675 : vector<16xf32>
        %add3A_680 = arith.addf %add3A_676, %add3A_677 : vector<16xf32>
        %add3A_681 = arith.addf %add3A_678, %add3A_679 : vector<16xf32>
        %add3A_682 = arith.addf %add3A_680, %add3A_681 : vector<16xf32>
        %reduce_sum3A_683 = arith.constant true
        %reduce_sum3A_684 = vector.broadcast %reduce_sum3A_683 : i1 to vector<16xi1>
        %reduce_sum3A_685 = tpu.scan <sum>, %add3A_682 masked %reduce_sum3A_684 : vector<16xf32>, vector<16xi1> -> vector<16xf32>
        %reduce_sum3A_686 = vector.extract %reduce_sum3A_685[15] : f32 from vector<16xf32>
        %eq3A_687 = vector.broadcast %scan3A_554 : i32 to vector<16xi32>
        %eq3A_688 = arith.cmpi eq, %iota3A, %eq3A_687 : vector<16xi32>
        %broadcast_in_dim3A_689 = vector.broadcast %reduce_sum3A_686 : f32 to vector<16xf32>
        %select_n3A_690 = arith.select %eq3A_688, %broadcast_in_dim3A_689, %select_n3A : vector<16xi1>, vector<16xf32>
        scf.yield %select_n3A_690 : vector<16xf32>
      }
      %scan3A_414 = arith.constant 16 : i32
      %add3A_415 = arith.constant 320 : i32
      %add3A_416 = arith.addi %add3A_415, %mul3A_407 : i32
      %swap3A = arith.index_cast %add3A_416 : i32 to index
      %swap3A_417 = tpu.vector_load %arg11[%swap3A] {strides = array<i32>} : memref<512xf32, #tpu.memory_space<vmem>>, vector<16xf32>,
      tpu.vector_store %arg11[%swap3A], %scan3A_413 {strides = array<i32>} : memref<512xf32, #tpu.memory_space<vmem>>, vector<16xf32>,
      %scan3A_418 = arith.constant 0 : i32
      scf.yield %scan3A_418 : i32
    }
    %scan3A_343 = arith.constant 4 : i32
    %dma_wait3A_344 = arith.constant 0 : i32
    %dma_wait3A_345 = arith.constant 0 : i32
    %dma_wait3A_346 = arith.constant 0 : i32
    %dma_wait3A_347 = tpu.memref_slice %arg9[%dma_wait3A_344, %dma_wait3A_345, %dma_wait3A_346] : memref<3x64x128xf32, #tpu.memory_space<vmem>> -> memref<1x64x128xf32, #tpu.memory_space<vmem>>
    %dma_wait3A_348 = tpu.memref_squeeze %dma_wait3A_347 : memref<1x64x128xf32, #tpu.memory_space<vmem>> -> memref<64x128xf32, #tpu.memory_space<vmem>>
    %dma_wait3A_349 = arith.constant 384 : i32
    %dma_wait3A_350 = tpu.memref_slice %arg7[%dma_wait3A_349] : memref<512xi32, #tpu.memory_space<vmem>> -> memref<64xi32, #tpu.memory_space<vmem>>
    %dma_wait3A_351 = arith.constant 0 : i32
    %dma_wait3A_352 = arith.constant 0 : i32
    %dma_wait3A_353 = tpu.memref_slice %arg4[%dma_wait3A_351, %dma_wait3A_352] : memref<100000x128xf32, #tpu.memory_space<hbm>> -> memref<100000x128xf32, #tpu.memory_space<hbm>>
    tpu.wait_indirect_dma semaphore(%arg12 : memref<!tpu.dma_semaphore, #tpu.memory_space<semaphore_mem>>) src(%dma_wait3A_353 : memref<100000x128xf32, #tpu.memory_space<hbm>>) dst(%dma_wait3A_348 : memref<64x128xf32, #tpu.memory_space<vmem>>)
    %dma_wait3A_354 = arith.constant 0 : i32
    %dma_wait3A_355 = arith.constant 0 : i32
    %dma_wait3A_356 = arith.constant 0 : i32
    %dma_wait3A_357 = tpu.memref_slice %arg10[%dma_wait3A_354, %dma_wait3A_355, %dma_wait3A_356] : memref<3x64x128xf32, #tpu.memory_space<vmem>> -> memref<1x64x128xf32, #tpu.memory_space<vmem>>
    %dma_wait3A_358 = tpu.memref_squeeze %dma_wait3A_357 : memref<1x64x128xf32, #tpu.memory_space<vmem>> -> memref<64x128xf32, #tpu.memory_space<vmem>>
    %dma_wait3A_359 = arith.constant 384 : i32
    %dma_wait3A_360 = tpu.memref_slice %arg8[%dma_wait3A_359] : memref<512xi32, #tpu.memory_space<vmem>> -> memref<64xi32, #tpu.memory_space<vmem>>
    %dma_wait3A_361 = arith.constant 0 : i32
    %dma_wait3A_362 = arith.constant 0 : i32
    %dma_wait3A_363 = tpu.memref_slice %arg5[%dma_wait3A_361, %dma_wait3A_362] : memref<100000x128xf32, #tpu.memory_space<hbm>> -> memref<100000x128xf32, #tpu.memory_space<hbm>>
    tpu.wait_indirect_dma semaphore(%arg12 : memref<!tpu.dma_semaphore, #tpu.memory_space<semaphore_mem>>) src(%dma_wait3A_363 : memref<100000x128xf32, #tpu.memory_space<hbm>>) dst(%dma_wait3A_358 : memref<64x128xf32, #tpu.memory_space<vmem>>)
    %scan3A_364 = arith.constant 0 : i32
    %scan3A_365 = arith.constant 0 : i32
    %scan3A_366 = arith.constant 0 : i32
    %scan3A_367 = arith.constant 0 : i32
    %scan3A_368 = arith.constant 4 : i32
    %scan3A_369 = arith.addi %scan3A_367, %scan3A_368 : i32
    %scan3A_370 = arith.constant 1 : i32
    %scan3A_371 = scf.for %scan3A_404 = %scan3A_367 to %scan3A_369 step %scan3A_370 iter_args(%scan3A_405 = %scan3A_366) -> (i32)  : i32 {
      %mul3A_406 = arith.constant 16 : i32
      %mul3A_407 = arith.muli %scan3A_404, %mul3A_406 : i32
      %broadcast_in_dim3A = arith.constant 0.000000e+00 : f32
      %broadcast_in_dim3A_408 = vector.broadcast %broadcast_in_dim3A : f32 to vector<16xf32>
      %scan3A_409 = arith.constant 0 : i32
      %scan3A_410 = arith.constant 16 : i32
      %scan3A_411 = arith.addi %scan3A_409, %scan3A_410 : i32
      %scan3A_412 = arith.constant 2 : i32
      %scan3A_413 = scf.for %scan3A_419 = %scan3A_409 to %scan3A_411 step %scan3A_412 iter_args(%scan3A_420 = %broadcast_in_dim3A_408) -> (vector<16xf32>)  : i32 {
        %add3A_421 = arith.addi %mul3A_407, %scan3A_419 : i32
        %get3A = arith.constant 0 : i32
        %get3A_422 = arith.constant 0 : i32
        %get3A_423 = tpu.memref_slice %arg9[%scan3A_364, %get3A, %get3A_422] : memref<3x64x128xf32, #tpu.memory_space<vmem>> -> memref<1x64x128xf32, #tpu.memory_space<vmem>>
        %get3A_424 = tpu.memref_squeeze %get3A_423 : memref<1x64x128xf32, #tpu.memory_space<vmem>> -> memref<64x128xf32, #tpu.memory_space<vmem>>
        %get3A_425 = arith.index_cast %add3A_421 : i32 to index
        %get3A_426 = arith.constant 0 : index
        %get3A_427 = tpu.vector_load %get3A_424[%get3A_425, %get3A_426] {strides = array<i32>} : memref<64x128xf32, #tpu.memory_space<vmem>>, vector<16xf32>,
        %get3A_428 = arith.constant 0 : i32
        %get3A_429 = arith.constant 0 : i32
        %get3A_430 = tpu.memref_slice %arg10[%scan3A_365, %get3A_428, %get3A_429] : memref<3x64x128xf32, #tpu.memory_space<vmem>> -> memref<1x64x128xf32, #tpu.memory_space<vmem>>
        %get3A_431 = tpu.memref_squeeze %get3A_430 : memref<1x64x128xf32, #tpu.memory_space<vmem>> -> memref<64x128xf32, #tpu.memory_space<vmem>>
        %get3A_432 = arith.index_cast %add3A_421 : i32 to index
        %get3A_433 = arith.constant 0 : index
        %get3A_434 = tpu.vector_load %get3A_431[%get3A_432, %get3A_433] {strides = array<i32>} : memref<64x128xf32, #tpu.memory_space<vmem>>, vector<16xf32>,
        %mul3A_435 = arith.mulf %get3A_427, %get3A_434 : vector<16xf32>
        %get3A_436 = arith.constant 0 : i32
        %get3A_437 = arith.constant 0 : i32
        %get3A_438 = tpu.memref_slice %arg9[%scan3A_364, %get3A_436, %get3A_437] : memref<3x64x128xf32, #tpu.memory_space<vmem>> -> memref<1x64x128xf32, #tpu.memory_space<vmem>>
        %get3A_439 = tpu.memref_squeeze %get3A_438 : memref<1x64x128xf32, #tpu.memory_space<vmem>> -> memref<64x128xf32, #tpu.memory_space<vmem>>
        %get3A_440 = arith.index_cast %add3A_421 : i32 to index
        %get3A_441 = arith.constant 16 : index
        %get3A_442 = tpu.vector_load %get3A_439[%get3A_440, %get3A_441] {strides = array<i32>} : memref<64x128xf32, #tpu.memory_space<vmem>>, vector<16xf32>,
        %get3A_443 = arith.constant 0 : i32
        %get3A_444 = arith.constant 0 : i32
        %get3A_445 = tpu.memref_slice %arg10[%scan3A_365, %get3A_443, %get3A_444] : memref<3x64x128xf32, #tpu.memory_space<vmem>> -> memref<1x64x128xf32, #tpu.memory_space<vmem>>
        %get3A_446 = tpu.memref_squeeze %get3A_445 : memref<1x64x128xf32, #tpu.memory_space<vmem>> -> memref<64x128xf32, #tpu.memory_space<vmem>>
        %get3A_447 = arith.index_cast %add3A_421 : i32 to index
        %get3A_448 = arith.constant 16 : index
        %get3A_449 = tpu.vector_load %get3A_446[%get3A_447, %get3A_448] {strides = array<i32>} : memref<64x128xf32, #tpu.memory_space<vmem>>, vector<16xf32>,
        %mul3A_450 = arith.mulf %get3A_442, %get3A_449 : vector<16xf32>
        %get3A_451 = arith.constant 0 : i32
        %get3A_452 = arith.constant 0 : i32
        %get3A_453 = tpu.memref_slice %arg9[%scan3A_364, %get3A_451, %get3A_452] : memref<3x64x128xf32, #tpu.memory_space<vmem>> -> memref<1x64x128xf32, #tpu.memory_space<vmem>>
        %get3A_454 = tpu.memref_squeeze %get3A_453 : memref<1x64x128xf32, #tpu.memory_space<vmem>> -> memref<64x128xf32, #tpu.memory_space<vmem>>
        %get3A_455 = arith.index_cast %add3A_421 : i32 to index
        %get3A_456 = arith.constant 32 : index
        %get3A_457 = tpu.vector_load %get3A_454[%get3A_455, %get3A_456] {strides = array<i32>} : memref<64x128xf32, #tpu.memory_space<vmem>>, vector<16xf32>,
        %get3A_458 = arith.constant 0 : i32
        %get3A_459 = arith.constant 0 : i32
        %get3A_460 = tpu.memref_slice %arg10[%scan3A_365, %get3A_458, %get3A_459] : memref<3x64x128xf32, #tpu.memory_space<vmem>> -> memref<1x64x128xf32, #tpu.memory_space<vmem>>
        %get3A_461 = tpu.memref_squeeze %get3A_460 : memref<1x64x128xf32, #tpu.memory_space<vmem>> -> memref<64x128xf32, #tpu.memory_space<vmem>>
        %get3A_462 = arith.index_cast %add3A_421 : i32 to index
        %get3A_463 = arith.constant 32 : index
        %get3A_464 = tpu.vector_load %get3A_461[%get3A_462, %get3A_463] {strides = array<i32>} : memref<64x128xf32, #tpu.memory_space<vmem>>, vector<16xf32>,
        %mul3A_465 = arith.mulf %get3A_457, %get3A_464 : vector<16xf32>
        %get3A_466 = arith.constant 0 : i32
        %get3A_467 = arith.constant 0 : i32
        %get3A_468 = tpu.memref_slice %arg9[%scan3A_364, %get3A_466, %get3A_467] : memref<3x64x128xf32, #tpu.memory_space<vmem>> -> memref<1x64x128xf32, #tpu.memory_space<vmem>>
        %get3A_469 = tpu.memref_squeeze %get3A_468 : memref<1x64x128xf32, #tpu.memory_space<vmem>> -> memref<64x128xf32, #tpu.memory_space<vmem>>
        %get3A_470 = arith.index_cast %add3A_421 : i32 to index
        %get3A_471 = arith.constant 48 : index
        %get3A_472 = tpu.vector_load %get3A_469[%get3A_470, %get3A_471] {strides = array<i32>} : memref<64x128xf32, #tpu.memory_space<vmem>>, vector<16xf32>,
        %get3A_473 = arith.constant 0 : i32
        %get3A_474 = arith.constant 0 : i32
        %get3A_475 = tpu.memref_slice %arg10[%scan3A_365, %get3A_473, %get3A_474] : memref<3x64x128xf32, #tpu.memory_space<vmem>> -> memref<1x64x128xf32, #tpu.memory_space<vmem>>
        %get3A_476 = tpu.memref_squeeze %get3A_475 : memref<1x64x128xf32, #tpu.memory_space<vmem>> -> memref<64x128xf32, #tpu.memory_space<vmem>>
        %get3A_477 = arith.index_cast %add3A_421 : i32 to index
        %get3A_478 = arith.constant 48 : index
        %get3A_479 = tpu.vector_load %get3A_476[%get3A_477, %get3A_478] {strides = array<i32>} : memref<64x128xf32, #tpu.memory_space<vmem>>, vector<16xf32>,
        %mul3A_480 = arith.mulf %get3A_472, %get3A_479 : vector<16xf32>
        %get3A_481 = arith.constant 0 : i32
        %get3A_482 = arith.constant 0 : i32
        %get3A_483 = tpu.memref_slice %arg9[%scan3A_364, %get3A_481, %get3A_482] : memref<3x64x128xf32, #tpu.memory_space<vmem>> -> memref<1x64x128xf32, #tpu.memory_space<vmem>>
        %get3A_484 = tpu.memref_squeeze %get3A_483 : memref<1x64x128xf32, #tpu.memory_space<vmem>> -> memref<64x128xf32, #tpu.memory_space<vmem>>
        %get3A_485 = arith.index_cast %add3A_421 : i32 to index
        %get3A_486 = arith.constant 64 : index
        %get3A_487 = tpu.vector_load %get3A_484[%get3A_485, %get3A_486] {strides = array<i32>} : memref<64x128xf32, #tpu.memory_space<vmem>>, vector<16xf32>,
        %get3A_488 = arith.constant 0 : i32
        %get3A_489 = arith.constant 0 : i32
        %get3A_490 = tpu.memref_slice %arg10[%scan3A_365, %get3A_488, %get3A_489] : memref<3x64x128xf32, #tpu.memory_space<vmem>> -> memref<1x64x128xf32, #tpu.memory_space<vmem>>
        %get3A_491 = tpu.memref_squeeze %get3A_490 : memref<1x64x128xf32, #tpu.memory_space<vmem>> -> memref<64x128xf32, #tpu.memory_space<vmem>>
        %get3A_492 = arith.index_cast %add3A_421 : i32 to index
        %get3A_493 = arith.constant 64 : index
        %get3A_494 = tpu.vector_load %get3A_491[%get3A_492, %get3A_493] {strides = array<i32>} : memref<64x128xf32, #tpu.memory_space<vmem>>, vector<16xf32>,
        %mul3A_495 = arith.mulf %get3A_487, %get3A_494 : vector<16xf32>
        %get3A_496 = arith.constant 0 : i32
        %get3A_497 = arith.constant 0 : i32
        %get3A_498 = tpu.memref_slice %arg9[%scan3A_364, %get3A_496, %get3A_497] : memref<3x64x128xf32, #tpu.memory_space<vmem>> -> memref<1x64x128xf32, #tpu.memory_space<vmem>>
        %get3A_499 = tpu.memref_squeeze %get3A_498 : memref<1x64x128xf32, #tpu.memory_space<vmem>> -> memref<64x128xf32, #tpu.memory_space<vmem>>
        %get3A_500 = arith.index_cast %add3A_421 : i32 to index
        %get3A_501 = arith.constant 80 : index
        %get3A_502 = tpu.vector_load %get3A_499[%get3A_500, %get3A_501] {strides = array<i32>} : memref<64x128xf32, #tpu.memory_space<vmem>>, vector<16xf32>,
        %get3A_503 = arith.constant 0 : i32
        %get3A_504 = arith.constant 0 : i32
        %get3A_505 = tpu.memref_slice %arg10[%scan3A_365, %get3A_503, %get3A_504] : memref<3x64x128xf32, #tpu.memory_space<vmem>> -> memref<1x64x128xf32, #tpu.memory_space<vmem>>
        %get3A_506 = tpu.memref_squeeze %get3A_505 : memref<1x64x128xf32, #tpu.memory_space<vmem>> -> memref<64x128xf32, #tpu.memory_space<vmem>>
        %get3A_507 = arith.index_cast %add3A_421 : i32 to index
        %get3A_508 = arith.constant 80 : index
        %get3A_509 = tpu.vector_load %get3A_506[%get3A_507, %get3A_508] {strides = array<i32>} : memref<64x128xf32, #tpu.memory_space<vmem>>, vector<16xf32>,
        %mul3A_510 = arith.mulf %get3A_502, %get3A_509 : vector<16xf32>
        %get3A_511 = arith.constant 0 : i32
        %get3A_512 = arith.constant 0 : i32
        %get3A_513 = tpu.memref_slice %arg9[%scan3A_364, %get3A_511, %get3A_512] : memref<3x64x128xf32, #tpu.memory_space<vmem>> -> memref<1x64x128xf32, #tpu.memory_space<vmem>>
        %get3A_514 = tpu.memref_squeeze %get3A_513 : memref<1x64x128xf32, #tpu.memory_space<vmem>> -> memref<64x128xf32, #tpu.memory_space<vmem>>
        %get3A_515 = arith.index_cast %add3A_421 : i32 to index
        %get3A_516 = arith.constant 96 : index
        %get3A_517 = tpu.vector_load %get3A_514[%get3A_515, %get3A_516] {strides = array<i32>} : memref<64x128xf32, #tpu.memory_space<vmem>>, vector<16xf32>,
        %get3A_518 = arith.constant 0 : i32
        %get3A_519 = arith.constant 0 : i32
        %get3A_520 = tpu.memref_slice %arg10[%scan3A_365, %get3A_518, %get3A_519] : memref<3x64x128xf32, #tpu.memory_space<vmem>> -> memref<1x64x128xf32, #tpu.memory_space<vmem>>
        %get3A_521 = tpu.memref_squeeze %get3A_520 : memref<1x64x128xf32, #tpu.memory_space<vmem>> -> memref<64x128xf32, #tpu.memory_space<vmem>>
        %get3A_522 = arith.index_cast %add3A_421 : i32 to index
        %get3A_523 = arith.constant 96 : index
        %get3A_524 = tpu.vector_load %get3A_521[%get3A_522, %get3A_523] {strides = array<i32>} : memref<64x128xf32, #tpu.memory_space<vmem>>, vector<16xf32>,
        %mul3A_525 = arith.mulf %get3A_517, %get3A_524 : vector<16xf32>
        %get3A_526 = arith.constant 0 : i32
        %get3A_527 = arith.constant 0 : i32
        %get3A_528 = tpu.memref_slice %arg9[%scan3A_364, %get3A_526, %get3A_527] : memref<3x64x128xf32, #tpu.memory_space<vmem>> -> memref<1x64x128xf32, #tpu.memory_space<vmem>>
        %get3A_529 = tpu.memref_squeeze %get3A_528 : memref<1x64x128xf32, #tpu.memory_space<vmem>> -> memref<64x128xf32, #tpu.memory_space<vmem>>
        %get3A_530 = arith.index_cast %add3A_421 : i32 to index
        %get3A_531 = arith.constant 112 : index
        %get3A_532 = tpu.vector_load %get3A_529[%get3A_530, %get3A_531] {strides = array<i32>} : memref<64x128xf32, #tpu.memory_space<vmem>>, vector<16xf32>,
        %get3A_533 = arith.constant 0 : i32
        %get3A_534 = arith.constant 0 : i32
        %get3A_535 = tpu.memref_slice %arg10[%scan3A_365, %get3A_533, %get3A_534] : memref<3x64x128xf32, #tpu.memory_space<vmem>> -> memref<1x64x128xf32, #tpu.memory_space<vmem>>
        %get3A_536 = tpu.memref_squeeze %get3A_535 : memref<1x64x128xf32, #tpu.memory_space<vmem>> -> memref<64x128xf32, #tpu.memory_space<vmem>>
        %get3A_537 = arith.index_cast %add3A_421 : i32 to index
        %get3A_538 = arith.constant 112 : index
        %get3A_539 = tpu.vector_load %get3A_536[%get3A_537, %get3A_538] {strides = array<i32>} : memref<64x128xf32, #tpu.memory_space<vmem>>, vector<16xf32>,
        %mul3A_540 = arith.mulf %get3A_532, %get3A_539 : vector<16xf32>
        %add3A_541 = arith.addf %mul3A_435, %mul3A_450 : vector<16xf32>
        %add3A_542 = arith.addf %mul3A_465, %mul3A_480 : vector<16xf32>
        %add3A_543 = arith.addf %mul3A_495, %mul3A_510 : vector<16xf32>
        %add3A_544 = arith.addf %mul3A_525, %mul3A_540 : vector<16xf32>
        %add3A_545 = arith.addf %add3A_541, %add3A_542 : vector<16xf32>
        %add3A_546 = arith.addf %add3A_543, %add3A_544 : vector<16xf32>
        %add3A_547 = arith.addf %add3A_545, %add3A_546 : vector<16xf32>
        %reduce_sum3A = arith.constant true
        %reduce_sum3A_548 = vector.broadcast %reduce_sum3A : i1 to vector<16xi1>
        %reduce_sum3A_549 = tpu.scan <sum>, %add3A_547 masked %reduce_sum3A_548 : vector<16xf32>, vector<16xi1> -> vector<16xf32>
        %reduce_sum3A_550 = vector.extract %reduce_sum3A_549[15] : f32 from vector<16xf32>
        %eq3A = vector.broadcast %scan3A_419 : i32 to vector<16xi32>
        %eq3A_551 = arith.cmpi eq, %iota3A, %eq3A : vector<16xi32>
        %broadcast_in_dim3A_552 = vector.broadcast %reduce_sum3A_550 : f32 to vector<16xf32>
        %select_n3A = arith.select %eq3A_551, %broadcast_in_dim3A_552, %scan3A_420 : vector<16xi1>, vector<16xf32>
        %scan3A_553 = arith.constant 1 : i32
        %scan3A_554 = arith.addi %scan3A_419, %scan3A_553 : i32
        %add3A_555 = arith.addi %mul3A_407, %scan3A_554 : i32
        %get3A_556 = arith.constant 0 : i32
        %get3A_557 = arith.constant 0 : i32
        %get3A_558 = tpu.memref_slice %arg9[%scan3A_364, %get3A_556, %get3A_557] : memref<3x64x128xf32, #tpu.memory_space<vmem>> -> memref<1x64x128xf32, #tpu.memory_space<vmem>>
        %get3A_559 = tpu.memref_squeeze %get3A_558 : memref<1x64x128xf32, #tpu.memory_space<vmem>> -> memref<64x128xf32, #tpu.memory_space<vmem>>
        %get3A_560 = arith.index_cast %add3A_555 : i32 to index
        %get3A_561 = arith.constant 0 : index
        %get3A_562 = tpu.vector_load %get3A_559[%get3A_560, %get3A_561] {strides = array<i32>} : memref<64x128xf32, #tpu.memory_space<vmem>>, vector<16xf32>,
        %get3A_563 = arith.constant 0 : i32
        %get3A_564 = arith.constant 0 : i32
        %get3A_565 = tpu.memref_slice %arg10[%scan3A_365, %get3A_563, %get3A_564] : memref<3x64x128xf32, #tpu.memory_space<vmem>> -> memref<1x64x128xf32, #tpu.memory_space<vmem>>
        %get3A_566 = tpu.memref_squeeze %get3A_565 : memref<1x64x128xf32, #tpu.memory_space<vmem>> -> memref<64x128xf32, #tpu.memory_space<vmem>>
        %get3A_567 = arith.index_cast %add3A_555 : i32 to index
        %get3A_568 = arith.constant 0 : index
        %get3A_569 = tpu.vector_load %get3A_566[%get3A_567, %get3A_568] {strides = array<i32>} : memref<64x128xf32, #tpu.memory_space<vmem>>, vector<16xf32>,
        %mul3A_570 = arith.mulf %get3A_562, %get3A_569 : vector<16xf32>
        %get3A_571 = arith.constant 0 : i32
        %get3A_572 = arith.constant 0 : i32
        %get3A_573 = tpu.memref_slice %arg9[%scan3A_364, %get3A_571, %get3A_572] : memref<3x64x128xf32, #tpu.memory_space<vmem>> -> memref<1x64x128xf32, #tpu.memory_space<vmem>>
        %get3A_574 = tpu.memref_squeeze %get3A_573 : memref<1x64x128xf32, #tpu.memory_space<vmem>> -> memref<64x128xf32, #tpu.memory_space<vmem>>
        %get3A_575 = arith.index_cast %add3A_555 : i32 to index
        %get3A_576 = arith.constant 16 : index
        %get3A_577 = tpu.vector_load %get3A_574[%get3A_575, %get3A_576] {strides = array<i32>} : memref<64x128xf32, #tpu.memory_space<vmem>>, vector<16xf32>,
        %get3A_578 = arith.constant 0 : i32
        %get3A_579 = arith.constant 0 : i32
        %get3A_580 = tpu.memref_slice %arg10[%scan3A_365, %get3A_578, %get3A_579] : memref<3x64x128xf32, #tpu.memory_space<vmem>> -> memref<1x64x128xf32, #tpu.memory_space<vmem>>
        %get3A_581 = tpu.memref_squeeze %get3A_580 : memref<1x64x128xf32, #tpu.memory_space<vmem>> -> memref<64x128xf32, #tpu.memory_space<vmem>>
        %get3A_582 = arith.index_cast %add3A_555 : i32 to index
        %get3A_583 = arith.constant 16 : index
        %get3A_584 = tpu.vector_load %get3A_581[%get3A_582, %get3A_583] {strides = array<i32>} : memref<64x128xf32, #tpu.memory_space<vmem>>, vector<16xf32>,
        %mul3A_585 = arith.mulf %get3A_577, %get3A_584 : vector<16xf32>
        %get3A_586 = arith.constant 0 : i32
        %get3A_587 = arith.constant 0 : i32
        %get3A_588 = tpu.memref_slice %arg9[%scan3A_364, %get3A_586, %get3A_587] : memref<3x64x128xf32, #tpu.memory_space<vmem>> -> memref<1x64x128xf32, #tpu.memory_space<vmem>>
        %get3A_589 = tpu.memref_squeeze %get3A_588 : memref<1x64x128xf32, #tpu.memory_space<vmem>> -> memref<64x128xf32, #tpu.memory_space<vmem>>
        %get3A_590 = arith.index_cast %add3A_555 : i32 to index
        %get3A_591 = arith.constant 32 : index
        %get3A_592 = tpu.vector_load %get3A_589[%get3A_590, %get3A_591] {strides = array<i32>} : memref<64x128xf32, #tpu.memory_space<vmem>>, vector<16xf32>,
        %get3A_593 = arith.constant 0 : i32
        %get3A_594 = arith.constant 0 : i32
        %get3A_595 = tpu.memref_slice %arg10[%scan3A_365, %get3A_593, %get3A_594] : memref<3x64x128xf32, #tpu.memory_space<vmem>> -> memref<1x64x128xf32, #tpu.memory_space<vmem>>
        %get3A_596 = tpu.memref_squeeze %get3A_595 : memref<1x64x128xf32, #tpu.memory_space<vmem>> -> memref<64x128xf32, #tpu.memory_space<vmem>>
        %get3A_597 = arith.index_cast %add3A_555 : i32 to index
        %get3A_598 = arith.constant 32 : index
        %get3A_599 = tpu.vector_load %get3A_596[%get3A_597, %get3A_598] {strides = array<i32>} : memref<64x128xf32, #tpu.memory_space<vmem>>, vector<16xf32>,
        %mul3A_600 = arith.mulf %get3A_592, %get3A_599 : vector<16xf32>
        %get3A_601 = arith.constant 0 : i32
        %get3A_602 = arith.constant 0 : i32
        %get3A_603 = tpu.memref_slice %arg9[%scan3A_364, %get3A_601, %get3A_602] : memref<3x64x128xf32, #tpu.memory_space<vmem>> -> memref<1x64x128xf32, #tpu.memory_space<vmem>>
        %get3A_604 = tpu.memref_squeeze %get3A_603 : memref<1x64x128xf32, #tpu.memory_space<vmem>> -> memref<64x128xf32, #tpu.memory_space<vmem>>
        %get3A_605 = arith.index_cast %add3A_555 : i32 to index
        %get3A_606 = arith.constant 48 : index
        %get3A_607 = tpu.vector_load %get3A_604[%get3A_605, %get3A_606] {strides = array<i32>} : memref<64x128xf32, #tpu.memory_space<vmem>>, vector<16xf32>,
        %get3A_608 = arith.constant 0 : i32
        %get3A_609 = arith.constant 0 : i32
        %get3A_610 = tpu.memref_slice %arg10[%scan3A_365, %get3A_608, %get3A_609] : memref<3x64x128xf32, #tpu.memory_space<vmem>> -> memref<1x64x128xf32, #tpu.memory_space<vmem>>
        %get3A_611 = tpu.memref_squeeze %get3A_610 : memref<1x64x128xf32, #tpu.memory_space<vmem>> -> memref<64x128xf32, #tpu.memory_space<vmem>>
        %get3A_612 = arith.index_cast %add3A_555 : i32 to index
        %get3A_613 = arith.constant 48 : index
        %get3A_614 = tpu.vector_load %get3A_611[%get3A_612, %get3A_613] {strides = array<i32>} : memref<64x128xf32, #tpu.memory_space<vmem>>, vector<16xf32>,
        %mul3A_615 = arith.mulf %get3A_607, %get3A_614 : vector<16xf32>
        %get3A_616 = arith.constant 0 : i32
        %get3A_617 = arith.constant 0 : i32
        %get3A_618 = tpu.memref_slice %arg9[%scan3A_364, %get3A_616, %get3A_617] : memref<3x64x128xf32, #tpu.memory_space<vmem>> -> memref<1x64x128xf32, #tpu.memory_space<vmem>>
        %get3A_619 = tpu.memref_squeeze %get3A_618 : memref<1x64x128xf32, #tpu.memory_space<vmem>> -> memref<64x128xf32, #tpu.memory_space<vmem>>
        %get3A_620 = arith.index_cast %add3A_555 : i32 to index
        %get3A_621 = arith.constant 64 : index
        %get3A_622 = tpu.vector_load %get3A_619[%get3A_620, %get3A_621] {strides = array<i32>} : memref<64x128xf32, #tpu.memory_space<vmem>>, vector<16xf32>,
        %get3A_623 = arith.constant 0 : i32
        %get3A_624 = arith.constant 0 : i32
        %get3A_625 = tpu.memref_slice %arg10[%scan3A_365, %get3A_623, %get3A_624] : memref<3x64x128xf32, #tpu.memory_space<vmem>> -> memref<1x64x128xf32, #tpu.memory_space<vmem>>
        %get3A_626 = tpu.memref_squeeze %get3A_625 : memref<1x64x128xf32, #tpu.memory_space<vmem>> -> memref<64x128xf32, #tpu.memory_space<vmem>>
        %get3A_627 = arith.index_cast %add3A_555 : i32 to index
        %get3A_628 = arith.constant 64 : index
        %get3A_629 = tpu.vector_load %get3A_626[%get3A_627, %get3A_628] {strides = array<i32>} : memref<64x128xf32, #tpu.memory_space<vmem>>, vector<16xf32>,
        %mul3A_630 = arith.mulf %get3A_622, %get3A_629 : vector<16xf32>
        %get3A_631 = arith.constant 0 : i32
        %get3A_632 = arith.constant 0 : i32
        %get3A_633 = tpu.memref_slice %arg9[%scan3A_364, %get3A_631, %get3A_632] : memref<3x64x128xf32, #tpu.memory_space<vmem>> -> memref<1x64x128xf32, #tpu.memory_space<vmem>>
        %get3A_634 = tpu.memref_squeeze %get3A_633 : memref<1x64x128xf32, #tpu.memory_space<vmem>> -> memref<64x128xf32, #tpu.memory_space<vmem>>
        %get3A_635 = arith.index_cast %add3A_555 : i32 to index
        %get3A_636 = arith.constant 80 : index
        %get3A_637 = tpu.vector_load %get3A_634[%get3A_635, %get3A_636] {strides = array<i32>} : memref<64x128xf32, #tpu.memory_space<vmem>>, vector<16xf32>,
        %get3A_638 = arith.constant 0 : i32
        %get3A_639 = arith.constant 0 : i32
        %get3A_640 = tpu.memref_slice %arg10[%scan3A_365, %get3A_638, %get3A_639] : memref<3x64x128xf32, #tpu.memory_space<vmem>> -> memref<1x64x128xf32, #tpu.memory_space<vmem>>
        %get3A_641 = tpu.memref_squeeze %get3A_640 : memref<1x64x128xf32, #tpu.memory_space<vmem>> -> memref<64x128xf32, #tpu.memory_space<vmem>>
        %get3A_642 = arith.index_cast %add3A_555 : i32 to index
        %get3A_643 = arith.constant 80 : index
        %get3A_644 = tpu.vector_load %get3A_641[%get3A_642, %get3A_643] {strides = array<i32>} : memref<64x128xf32, #tpu.memory_space<vmem>>, vector<16xf32>,
        %mul3A_645 = arith.mulf %get3A_637, %get3A_644 : vector<16xf32>
        %get3A_646 = arith.constant 0 : i32
        %get3A_647 = arith.constant 0 : i32
        %get3A_648 = tpu.memref_slice %arg9[%scan3A_364, %get3A_646, %get3A_647] : memref<3x64x128xf32, #tpu.memory_space<vmem>> -> memref<1x64x128xf32, #tpu.memory_space<vmem>>
        %get3A_649 = tpu.memref_squeeze %get3A_648 : memref<1x64x128xf32, #tpu.memory_space<vmem>> -> memref<64x128xf32, #tpu.memory_space<vmem>>
        %get3A_650 = arith.index_cast %add3A_555 : i32 to index
        %get3A_651 = arith.constant 96 : index
        %get3A_652 = tpu.vector_load %get3A_649[%get3A_650, %get3A_651] {strides = array<i32>} : memref<64x128xf32, #tpu.memory_space<vmem>>, vector<16xf32>,
        %get3A_653 = arith.constant 0 : i32
        %get3A_654 = arith.constant 0 : i32
        %get3A_655 = tpu.memref_slice %arg10[%scan3A_365, %get3A_653, %get3A_654] : memref<3x64x128xf32, #tpu.memory_space<vmem>> -> memref<1x64x128xf32, #tpu.memory_space<vmem>>
        %get3A_656 = tpu.memref_squeeze %get3A_655 : memref<1x64x128xf32, #tpu.memory_space<vmem>> -> memref<64x128xf32, #tpu.memory_space<vmem>>
        %get3A_657 = arith.index_cast %add3A_555 : i32 to index
        %get3A_658 = arith.constant 96 : index
        %get3A_659 = tpu.vector_load %get3A_656[%get3A_657, %get3A_658] {strides = array<i32>} : memref<64x128xf32, #tpu.memory_space<vmem>>, vector<16xf32>,
        %mul3A_660 = arith.mulf %get3A_652, %get3A_659 : vector<16xf32>
        %get3A_661 = arith.constant 0 : i32
        %get3A_662 = arith.constant 0 : i32
        %get3A_663 = tpu.memref_slice %arg9[%scan3A_364, %get3A_661, %get3A_662] : memref<3x64x128xf32, #tpu.memory_space<vmem>> -> memref<1x64x128xf32, #tpu.memory_space<vmem>>
        %get3A_664 = tpu.memref_squeeze %get3A_663 : memref<1x64x128xf32, #tpu.memory_space<vmem>> -> memref<64x128xf32, #tpu.memory_space<vmem>>
        %get3A_665 = arith.index_cast %add3A_555 : i32 to index
        %get3A_666 = arith.constant 112 : index
        %get3A_667 = tpu.vector_load %get3A_664[%get3A_665, %get3A_666] {strides = array<i32>} : memref<64x128xf32, #tpu.memory_space<vmem>>, vector<16xf32>,
        %get3A_668 = arith.constant 0 : i32
        %get3A_669 = arith.constant 0 : i32
        %get3A_670 = tpu.memref_slice %arg10[%scan3A_365, %get3A_668, %get3A_669] : memref<3x64x128xf32, #tpu.memory_space<vmem>> -> memref<1x64x128xf32, #tpu.memory_space<vmem>>
        %get3A_671 = tpu.memref_squeeze %get3A_670 : memref<1x64x128xf32, #tpu.memory_space<vmem>> -> memref<64x128xf32, #tpu.memory_space<vmem>>
        %get3A_672 = arith.index_cast %add3A_555 : i32 to index
        %get3A_673 = arith.constant 112 : index
        %get3A_674 = tpu.vector_load %get3A_671[%get3A_672, %get3A_673] {strides = array<i32>} : memref<64x128xf32, #tpu.memory_space<vmem>>, vector<16xf32>,
        %mul3A_675 = arith.mulf %get3A_667, %get3A_674 : vector<16xf32>
        %add3A_676 = arith.addf %mul3A_570, %mul3A_585 : vector<16xf32>
        %add3A_677 = arith.addf %mul3A_600, %mul3A_615 : vector<16xf32>
        %add3A_678 = arith.addf %mul3A_630, %mul3A_645 : vector<16xf32>
        %add3A_679 = arith.addf %mul3A_660, %mul3A_675 : vector<16xf32>
        %add3A_680 = arith.addf %add3A_676, %add3A_677 : vector<16xf32>
        %add3A_681 = arith.addf %add3A_678, %add3A_679 : vector<16xf32>
        %add3A_682 = arith.addf %add3A_680, %add3A_681 : vector<16xf32>
        %reduce_sum3A_683 = arith.constant true
        %reduce_sum3A_684 = vector.broadcast %reduce_sum3A_683 : i1 to vector<16xi1>
        %reduce_sum3A_685 = tpu.scan <sum>, %add3A_682 masked %reduce_sum3A_684 : vector<16xf32>, vector<16xi1> -> vector<16xf32>
        %reduce_sum3A_686 = vector.extract %reduce_sum3A_685[15] : f32 from vector<16xf32>
        %eq3A_687 = vector.broadcast %scan3A_554 : i32 to vector<16xi32>
        %eq3A_688 = arith.cmpi eq, %iota3A, %eq3A_687 : vector<16xi32>
        %broadcast_in_dim3A_689 = vector.broadcast %reduce_sum3A_686 : f32 to vector<16xf32>
        %select_n3A_690 = arith.select %eq3A_688, %broadcast_in_dim3A_689, %select_n3A : vector<16xi1>, vector<16xf32>
        scf.yield %select_n3A_690 : vector<16xf32>
      }
      %scan3A_414 = arith.constant 16 : i32
      %add3A_415 = arith.constant 384 : i32
      %add3A_416 = arith.addi %add3A_415, %mul3A_407 : i32
      %swap3A = arith.index_cast %add3A_416 : i32 to index
      %swap3A_417 = tpu.vector_load %arg11[%swap3A] {strides = array<i32>} : memref<512xf32, #tpu.memory_space<vmem>>, vector<16xf32>,
      tpu.vector_store %arg11[%swap3A], %scan3A_413 {strides = array<i32>} : memref<512xf32, #tpu.memory_space<vmem>>, vector<16xf32>,
      %scan3A_418 = arith.constant 0 : i32
      scf.yield %scan3A_418 : i32
    }
    %scan3A_372 = arith.constant 4 : i32
    %dma_wait3A_373 = arith.constant 1 : i32
    %dma_wait3A_374 = arith.constant 0 : i32
    %dma_wait3A_375 = arith.constant 0 : i32
    %dma_wait3A_376 = tpu.memref_slice %arg9[%dma_wait3A_373, %dma_wait3A_374, %dma_wait3A_375] : memref<3x64x128xf32, #tpu.memory_space<vmem>> -> memref<1x64x128xf32, #tpu.memory_space<vmem>>
    %dma_wait3A_377 = tpu.memref_squeeze %dma_wait3A_376 : memref<1x64x128xf32, #tpu.memory_space<vmem>> -> memref<64x128xf32, #tpu.memory_space<vmem>>
    %dma_wait3A_378 = arith.constant 448 : i32
    %dma_wait3A_379 = tpu.memref_slice %arg7[%dma_wait3A_378] : memref<512xi32, #tpu.memory_space<vmem>> -> memref<64xi32, #tpu.memory_space<vmem>>
    %dma_wait3A_380 = arith.constant 0 : i32
    %dma_wait3A_381 = arith.constant 0 : i32
    %dma_wait3A_382 = tpu.memref_slice %arg4[%dma_wait3A_380, %dma_wait3A_381] : memref<100000x128xf32, #tpu.memory_space<hbm>> -> memref<100000x128xf32, #tpu.memory_space<hbm>>
    tpu.wait_indirect_dma semaphore(%arg13 : memref<!tpu.dma_semaphore, #tpu.memory_space<semaphore_mem>>) src(%dma_wait3A_382 : memref<100000x128xf32, #tpu.memory_space<hbm>>) dst(%dma_wait3A_377 : memref<64x128xf32, #tpu.memory_space<vmem>>)
    %dma_wait3A_383 = arith.constant 1 : i32
    %dma_wait3A_384 = arith.constant 0 : i32
    %dma_wait3A_385 = arith.constant 0 : i32
    %dma_wait3A_386 = tpu.memref_slice %arg10[%dma_wait3A_383, %dma_wait3A_384, %dma_wait3A_385] : memref<3x64x128xf32, #tpu.memory_space<vmem>> -> memref<1x64x128xf32, #tpu.memory_space<vmem>>
    %dma_wait3A_387 = tpu.memref_squeeze %dma_wait3A_386 : memref<1x64x128xf32, #tpu.memory_space<vmem>> -> memref<64x128xf32, #tpu.memory_space<vmem>>
    %dma_wait3A_388 = arith.constant 448 : i32
    %dma_wait3A_389 = tpu.memref_slice %arg8[%dma_wait3A_388] : memref<512xi32, #tpu.memory_space<vmem>> -> memref<64xi32, #tpu.memory_space<vmem>>
    %dma_wait3A_390 = arith.constant 0 : i32
    %dma_wait3A_391 = arith.constant 0 : i32
    %dma_wait3A_392 = tpu.memref_slice %arg5[%dma_wait3A_390, %dma_wait3A_391] : memref<100000x128xf32, #tpu.memory_space<hbm>> -> memref<100000x128xf32, #tpu.memory_space<hbm>>
    tpu.wait_indirect_dma semaphore(%arg13 : memref<!tpu.dma_semaphore, #tpu.memory_space<semaphore_mem>>) src(%dma_wait3A_392 : memref<100000x128xf32, #tpu.memory_space<hbm>>) dst(%dma_wait3A_387 : memref<64x128xf32, #tpu.memory_space<vmem>>)
    %scan3A_393 = arith.constant 1 : i32
    %scan3A_394 = arith.constant 1 : i32
    %scan3A_395 = arith.constant 0 : i32
    %scan3A_396 = arith.constant 0 : i32
    %scan3A_397 = arith.constant 4 : i32
    %scan3A_398 = arith.addi %scan3A_396, %scan3A_397 : i32
    %scan3A_399 = arith.constant 1 : i32
    %scan3A_400 = scf.for %scan3A_404 = %scan3A_396 to %scan3A_398 step %scan3A_399 iter_args(%scan3A_405 = %scan3A_395) -> (i32)  : i32 {
      %mul3A_406 = arith.constant 16 : i32
      %mul3A_407 = arith.muli %scan3A_404, %mul3A_406 : i32
      %broadcast_in_dim3A = arith.constant 0.000000e+00 : f32
      %broadcast_in_dim3A_408 = vector.broadcast %broadcast_in_dim3A : f32 to vector<16xf32>
      %scan3A_409 = arith.constant 0 : i32
      %scan3A_410 = arith.constant 16 : i32
      %scan3A_411 = arith.addi %scan3A_409, %scan3A_410 : i32
      %scan3A_412 = arith.constant 2 : i32
      %scan3A_413 = scf.for %scan3A_419 = %scan3A_409 to %scan3A_411 step %scan3A_412 iter_args(%scan3A_420 = %broadcast_in_dim3A_408) -> (vector<16xf32>)  : i32 {
        %add3A_421 = arith.addi %mul3A_407, %scan3A_419 : i32
        %get3A = arith.constant 0 : i32
        %get3A_422 = arith.constant 0 : i32
        %get3A_423 = tpu.memref_slice %arg9[%scan3A_393, %get3A, %get3A_422] : memref<3x64x128xf32, #tpu.memory_space<vmem>> -> memref<1x64x128xf32, #tpu.memory_space<vmem>>
        %get3A_424 = tpu.memref_squeeze %get3A_423 : memref<1x64x128xf32, #tpu.memory_space<vmem>> -> memref<64x128xf32, #tpu.memory_space<vmem>>
        %get3A_425 = arith.index_cast %add3A_421 : i32 to index
        %get3A_426 = arith.constant 0 : index
        %get3A_427 = tpu.vector_load %get3A_424[%get3A_425, %get3A_426] {strides = array<i32>} : memref<64x128xf32, #tpu.memory_space<vmem>>, vector<16xf32>,
        %get3A_428 = arith.constant 0 : i32
        %get3A_429 = arith.constant 0 : i32
        %get3A_430 = tpu.memref_slice %arg10[%scan3A_394, %get3A_428, %get3A_429] : memref<3x64x128xf32, #tpu.memory_space<vmem>> -> memref<1x64x128xf32, #tpu.memory_space<vmem>>
        %get3A_431 = tpu.memref_squeeze %get3A_430 : memref<1x64x128xf32, #tpu.memory_space<vmem>> -> memref<64x128xf32, #tpu.memory_space<vmem>>
        %get3A_432 = arith.index_cast %add3A_421 : i32 to index
        %get3A_433 = arith.constant 0 : index
        %get3A_434 = tpu.vector_load %get3A_431[%get3A_432, %get3A_433] {strides = array<i32>} : memref<64x128xf32, #tpu.memory_space<vmem>>, vector<16xf32>,
        %mul3A_435 = arith.mulf %get3A_427, %get3A_434 : vector<16xf32>
        %get3A_436 = arith.constant 0 : i32
        %get3A_437 = arith.constant 0 : i32
        %get3A_438 = tpu.memref_slice %arg9[%scan3A_393, %get3A_436, %get3A_437] : memref<3x64x128xf32, #tpu.memory_space<vmem>> -> memref<1x64x128xf32, #tpu.memory_space<vmem>>
        %get3A_439 = tpu.memref_squeeze %get3A_438 : memref<1x64x128xf32, #tpu.memory_space<vmem>> -> memref<64x128xf32, #tpu.memory_space<vmem>>
        %get3A_440 = arith.index_cast %add3A_421 : i32 to index
        %get3A_441 = arith.constant 16 : index
        %get3A_442 = tpu.vector_load %get3A_439[%get3A_440, %get3A_441] {strides = array<i32>} : memref<64x128xf32, #tpu.memory_space<vmem>>, vector<16xf32>,
        %get3A_443 = arith.constant 0 : i32
        %get3A_444 = arith.constant 0 : i32
        %get3A_445 = tpu.memref_slice %arg10[%scan3A_394, %get3A_443, %get3A_444] : memref<3x64x128xf32, #tpu.memory_space<vmem>> -> memref<1x64x128xf32, #tpu.memory_space<vmem>>
        %get3A_446 = tpu.memref_squeeze %get3A_445 : memref<1x64x128xf32, #tpu.memory_space<vmem>> -> memref<64x128xf32, #tpu.memory_space<vmem>>
        %get3A_447 = arith.index_cast %add3A_421 : i32 to index
        %get3A_448 = arith.constant 16 : index
        %get3A_449 = tpu.vector_load %get3A_446[%get3A_447, %get3A_448] {strides = array<i32>} : memref<64x128xf32, #tpu.memory_space<vmem>>, vector<16xf32>,
        %mul3A_450 = arith.mulf %get3A_442, %get3A_449 : vector<16xf32>
        %get3A_451 = arith.constant 0 : i32
        %get3A_452 = arith.constant 0 : i32
        %get3A_453 = tpu.memref_slice %arg9[%scan3A_393, %get3A_451, %get3A_452] : memref<3x64x128xf32, #tpu.memory_space<vmem>> -> memref<1x64x128xf32, #tpu.memory_space<vmem>>
        %get3A_454 = tpu.memref_squeeze %get3A_453 : memref<1x64x128xf32, #tpu.memory_space<vmem>> -> memref<64x128xf32, #tpu.memory_space<vmem>>
        %get3A_455 = arith.index_cast %add3A_421 : i32 to index
        %get3A_456 = arith.constant 32 : index
        %get3A_457 = tpu.vector_load %get3A_454[%get3A_455, %get3A_456] {strides = array<i32>} : memref<64x128xf32, #tpu.memory_space<vmem>>, vector<16xf32>,
        %get3A_458 = arith.constant 0 : i32
        %get3A_459 = arith.constant 0 : i32
        %get3A_460 = tpu.memref_slice %arg10[%scan3A_394, %get3A_458, %get3A_459] : memref<3x64x128xf32, #tpu.memory_space<vmem>> -> memref<1x64x128xf32, #tpu.memory_space<vmem>>
        %get3A_461 = tpu.memref_squeeze %get3A_460 : memref<1x64x128xf32, #tpu.memory_space<vmem>> -> memref<64x128xf32, #tpu.memory_space<vmem>>
        %get3A_462 = arith.index_cast %add3A_421 : i32 to index
        %get3A_463 = arith.constant 32 : index
        %get3A_464 = tpu.vector_load %get3A_461[%get3A_462, %get3A_463] {strides = array<i32>} : memref<64x128xf32, #tpu.memory_space<vmem>>, vector<16xf32>,
        %mul3A_465 = arith.mulf %get3A_457, %get3A_464 : vector<16xf32>
        %get3A_466 = arith.constant 0 : i32
        %get3A_467 = arith.constant 0 : i32
        %get3A_468 = tpu.memref_slice %arg9[%scan3A_393, %get3A_466, %get3A_467] : memref<3x64x128xf32, #tpu.memory_space<vmem>> -> memref<1x64x128xf32, #tpu.memory_space<vmem>>
        %get3A_469 = tpu.memref_squeeze %get3A_468 : memref<1x64x128xf32, #tpu.memory_space<vmem>> -> memref<64x128xf32, #tpu.memory_space<vmem>>
        %get3A_470 = arith.index_cast %add3A_421 : i32 to index
        %get3A_471 = arith.constant 48 : index
        %get3A_472 = tpu.vector_load %get3A_469[%get3A_470, %get3A_471] {strides = array<i32>} : memref<64x128xf32, #tpu.memory_space<vmem>>, vector<16xf32>,
        %get3A_473 = arith.constant 0 : i32
        %get3A_474 = arith.constant 0 : i32
        %get3A_475 = tpu.memref_slice %arg10[%scan3A_394, %get3A_473, %get3A_474] : memref<3x64x128xf32, #tpu.memory_space<vmem>> -> memref<1x64x128xf32, #tpu.memory_space<vmem>>
        %get3A_476 = tpu.memref_squeeze %get3A_475 : memref<1x64x128xf32, #tpu.memory_space<vmem>> -> memref<64x128xf32, #tpu.memory_space<vmem>>
        %get3A_477 = arith.index_cast %add3A_421 : i32 to index
        %get3A_478 = arith.constant 48 : index
        %get3A_479 = tpu.vector_load %get3A_476[%get3A_477, %get3A_478] {strides = array<i32>} : memref<64x128xf32, #tpu.memory_space<vmem>>, vector<16xf32>,
        %mul3A_480 = arith.mulf %get3A_472, %get3A_479 : vector<16xf32>
        %get3A_481 = arith.constant 0 : i32
        %get3A_482 = arith.constant 0 : i32
        %get3A_483 = tpu.memref_slice %arg9[%scan3A_393, %get3A_481, %get3A_482] : memref<3x64x128xf32, #tpu.memory_space<vmem>> -> memref<1x64x128xf32, #tpu.memory_space<vmem>>
        %get3A_484 = tpu.memref_squeeze %get3A_483 : memref<1x64x128xf32, #tpu.memory_space<vmem>> -> memref<64x128xf32, #tpu.memory_space<vmem>>
        %get3A_485 = arith.index_cast %add3A_421 : i32 to index
        %get3A_486 = arith.constant 64 : index
        %get3A_487 = tpu.vector_load %get3A_484[%get3A_485, %get3A_486] {strides = array<i32>} : memref<64x128xf32, #tpu.memory_space<vmem>>, vector<16xf32>,
        %get3A_488 = arith.constant 0 : i32
        %get3A_489 = arith.constant 0 : i32
        %get3A_490 = tpu.memref_slice %arg10[%scan3A_394, %get3A_488, %get3A_489] : memref<3x64x128xf32, #tpu.memory_space<vmem>> -> memref<1x64x128xf32, #tpu.memory_space<vmem>>
        %get3A_491 = tpu.memref_squeeze %get3A_490 : memref<1x64x128xf32, #tpu.memory_space<vmem>> -> memref<64x128xf32, #tpu.memory_space<vmem>>
        %get3A_492 = arith.index_cast %add3A_421 : i32 to index
        %get3A_493 = arith.constant 64 : index
        %get3A_494 = tpu.vector_load %get3A_491[%get3A_492, %get3A_493] {strides = array<i32>} : memref<64x128xf32, #tpu.memory_space<vmem>>, vector<16xf32>,
        %mul3A_495 = arith.mulf %get3A_487, %get3A_494 : vector<16xf32>
        %get3A_496 = arith.constant 0 : i32
        %get3A_497 = arith.constant 0 : i32
        %get3A_498 = tpu.memref_slice %arg9[%scan3A_393, %get3A_496, %get3A_497] : memref<3x64x128xf32, #tpu.memory_space<vmem>> -> memref<1x64x128xf32, #tpu.memory_space<vmem>>
        %get3A_499 = tpu.memref_squeeze %get3A_498 : memref<1x64x128xf32, #tpu.memory_space<vmem>> -> memref<64x128xf32, #tpu.memory_space<vmem>>
        %get3A_500 = arith.index_cast %add3A_421 : i32 to index
        %get3A_501 = arith.constant 80 : index
        %get3A_502 = tpu.vector_load %get3A_499[%get3A_500, %get3A_501] {strides = array<i32>} : memref<64x128xf32, #tpu.memory_space<vmem>>, vector<16xf32>,
        %get3A_503 = arith.constant 0 : i32
        %get3A_504 = arith.constant 0 : i32
        %get3A_505 = tpu.memref_slice %arg10[%scan3A_394, %get3A_503, %get3A_504] : memref<3x64x128xf32, #tpu.memory_space<vmem>> -> memref<1x64x128xf32, #tpu.memory_space<vmem>>
        %get3A_506 = tpu.memref_squeeze %get3A_505 : memref<1x64x128xf32, #tpu.memory_space<vmem>> -> memref<64x128xf32, #tpu.memory_space<vmem>>
        %get3A_507 = arith.index_cast %add3A_421 : i32 to index
        %get3A_508 = arith.constant 80 : index
        %get3A_509 = tpu.vector_load %get3A_506[%get3A_507, %get3A_508] {strides = array<i32>} : memref<64x128xf32, #tpu.memory_space<vmem>>, vector<16xf32>,
        %mul3A_510 = arith.mulf %get3A_502, %get3A_509 : vector<16xf32>
        %get3A_511 = arith.constant 0 : i32
        %get3A_512 = arith.constant 0 : i32
        %get3A_513 = tpu.memref_slice %arg9[%scan3A_393, %get3A_511, %get3A_512] : memref<3x64x128xf32, #tpu.memory_space<vmem>> -> memref<1x64x128xf32, #tpu.memory_space<vmem>>
        %get3A_514 = tpu.memref_squeeze %get3A_513 : memref<1x64x128xf32, #tpu.memory_space<vmem>> -> memref<64x128xf32, #tpu.memory_space<vmem>>
        %get3A_515 = arith.index_cast %add3A_421 : i32 to index
        %get3A_516 = arith.constant 96 : index
        %get3A_517 = tpu.vector_load %get3A_514[%get3A_515, %get3A_516] {strides = array<i32>} : memref<64x128xf32, #tpu.memory_space<vmem>>, vector<16xf32>,
        %get3A_518 = arith.constant 0 : i32
        %get3A_519 = arith.constant 0 : i32
        %get3A_520 = tpu.memref_slice %arg10[%scan3A_394, %get3A_518, %get3A_519] : memref<3x64x128xf32, #tpu.memory_space<vmem>> -> memref<1x64x128xf32, #tpu.memory_space<vmem>>
        %get3A_521 = tpu.memref_squeeze %get3A_520 : memref<1x64x128xf32, #tpu.memory_space<vmem>> -> memref<64x128xf32, #tpu.memory_space<vmem>>
        %get3A_522 = arith.index_cast %add3A_421 : i32 to index
        %get3A_523 = arith.constant 96 : index
        %get3A_524 = tpu.vector_load %get3A_521[%get3A_522, %get3A_523] {strides = array<i32>} : memref<64x128xf32, #tpu.memory_space<vmem>>, vector<16xf32>,
        %mul3A_525 = arith.mulf %get3A_517, %get3A_524 : vector<16xf32>
        %get3A_526 = arith.constant 0 : i32
        %get3A_527 = arith.constant 0 : i32
        %get3A_528 = tpu.memref_slice %arg9[%scan3A_393, %get3A_526, %get3A_527] : memref<3x64x128xf32, #tpu.memory_space<vmem>> -> memref<1x64x128xf32, #tpu.memory_space<vmem>>
        %get3A_529 = tpu.memref_squeeze %get3A_528 : memref<1x64x128xf32, #tpu.memory_space<vmem>> -> memref<64x128xf32, #tpu.memory_space<vmem>>
        %get3A_530 = arith.index_cast %add3A_421 : i32 to index
        %get3A_531 = arith.constant 112 : index
        %get3A_532 = tpu.vector_load %get3A_529[%get3A_530, %get3A_531] {strides = array<i32>} : memref<64x128xf32, #tpu.memory_space<vmem>>, vector<16xf32>,
        %get3A_533 = arith.constant 0 : i32
        %get3A_534 = arith.constant 0 : i32
        %get3A_535 = tpu.memref_slice %arg10[%scan3A_394, %get3A_533, %get3A_534] : memref<3x64x128xf32, #tpu.memory_space<vmem>> -> memref<1x64x128xf32, #tpu.memory_space<vmem>>
        %get3A_536 = tpu.memref_squeeze %get3A_535 : memref<1x64x128xf32, #tpu.memory_space<vmem>> -> memref<64x128xf32, #tpu.memory_space<vmem>>
        %get3A_537 = arith.index_cast %add3A_421 : i32 to index
        %get3A_538 = arith.constant 112 : index
        %get3A_539 = tpu.vector_load %get3A_536[%get3A_537, %get3A_538] {strides = array<i32>} : memref<64x128xf32, #tpu.memory_space<vmem>>, vector<16xf32>,
        %mul3A_540 = arith.mulf %get3A_532, %get3A_539 : vector<16xf32>
        %add3A_541 = arith.addf %mul3A_435, %mul3A_450 : vector<16xf32>
        %add3A_542 = arith.addf %mul3A_465, %mul3A_480 : vector<16xf32>
        %add3A_543 = arith.addf %mul3A_495, %mul3A_510 : vector<16xf32>
        %add3A_544 = arith.addf %mul3A_525, %mul3A_540 : vector<16xf32>
        %add3A_545 = arith.addf %add3A_541, %add3A_542 : vector<16xf32>
        %add3A_546 = arith.addf %add3A_543, %add3A_544 : vector<16xf32>
        %add3A_547 = arith.addf %add3A_545, %add3A_546 : vector<16xf32>
        %reduce_sum3A = arith.constant true
        %reduce_sum3A_548 = vector.broadcast %reduce_sum3A : i1 to vector<16xi1>
        %reduce_sum3A_549 = tpu.scan <sum>, %add3A_547 masked %reduce_sum3A_548 : vector<16xf32>, vector<16xi1> -> vector<16xf32>
        %reduce_sum3A_550 = vector.extract %reduce_sum3A_549[15] : f32 from vector<16xf32>
        %eq3A = vector.broadcast %scan3A_419 : i32 to vector<16xi32>
        %eq3A_551 = arith.cmpi eq, %iota3A, %eq3A : vector<16xi32>
        %broadcast_in_dim3A_552 = vector.broadcast %reduce_sum3A_550 : f32 to vector<16xf32>
        %select_n3A = arith.select %eq3A_551, %broadcast_in_dim3A_552, %scan3A_420 : vector<16xi1>, vector<16xf32>
        %scan3A_553 = arith.constant 1 : i32
        %scan3A_554 = arith.addi %scan3A_419, %scan3A_553 : i32
        %add3A_555 = arith.addi %mul3A_407, %scan3A_554 : i32
        %get3A_556 = arith.constant 0 : i32
        %get3A_557 = arith.constant 0 : i32
        %get3A_558 = tpu.memref_slice %arg9[%scan3A_393, %get3A_556, %get3A_557] : memref<3x64x128xf32, #tpu.memory_space<vmem>> -> memref<1x64x128xf32, #tpu.memory_space<vmem>>
        %get3A_559 = tpu.memref_squeeze %get3A_558 : memref<1x64x128xf32, #tpu.memory_space<vmem>> -> memref<64x128xf32, #tpu.memory_space<vmem>>
        %get3A_560 = arith.index_cast %add3A_555 : i32 to index
        %get3A_561 = arith.constant 0 : index
        %get3A_562 = tpu.vector_load %get3A_559[%get3A_560, %get3A_561] {strides = array<i32>} : memref<64x128xf32, #tpu.memory_space<vmem>>, vector<16xf32>,
        %get3A_563 = arith.constant 0 : i32
        %get3A_564 = arith.constant 0 : i32
        %get3A_565 = tpu.memref_slice %arg10[%scan3A_394, %get3A_563, %get3A_564] : memref<3x64x128xf32, #tpu.memory_space<vmem>> -> memref<1x64x128xf32, #tpu.memory_space<vmem>>
        %get3A_566 = tpu.memref_squeeze %get3A_565 : memref<1x64x128xf32, #tpu.memory_space<vmem>> -> memref<64x128xf32, #tpu.memory_space<vmem>>
        %get3A_567 = arith.index_cast %add3A_555 : i32 to index
        %get3A_568 = arith.constant 0 : index
        %get3A_569 = tpu.vector_load %get3A_566[%get3A_567, %get3A_568] {strides = array<i32>} : memref<64x128xf32, #tpu.memory_space<vmem>>, vector<16xf32>,
        %mul3A_570 = arith.mulf %get3A_562, %get3A_569 : vector<16xf32>
        %get3A_571 = arith.constant 0 : i32
        %get3A_572 = arith.constant 0 : i32
        %get3A_573 = tpu.memref_slice %arg9[%scan3A_393, %get3A_571, %get3A_572] : memref<3x64x128xf32, #tpu.memory_space<vmem>> -> memref<1x64x128xf32, #tpu.memory_space<vmem>>
        %get3A_574 = tpu.memref_squeeze %get3A_573 : memref<1x64x128xf32, #tpu.memory_space<vmem>> -> memref<64x128xf32, #tpu.memory_space<vmem>>
        %get3A_575 = arith.index_cast %add3A_555 : i32 to index
        %get3A_576 = arith.constant 16 : index
        %get3A_577 = tpu.vector_load %get3A_574[%get3A_575, %get3A_576] {strides = array<i32>} : memref<64x128xf32, #tpu.memory_space<vmem>>, vector<16xf32>,
        %get3A_578 = arith.constant 0 : i32
        %get3A_579 = arith.constant 0 : i32
        %get3A_580 = tpu.memref_slice %arg10[%scan3A_394, %get3A_578, %get3A_579] : memref<3x64x128xf32, #tpu.memory_space<vmem>> -> memref<1x64x128xf32, #tpu.memory_space<vmem>>
        %get3A_581 = tpu.memref_squeeze %get3A_580 : memref<1x64x128xf32, #tpu.memory_space<vmem>> -> memref<64x128xf32, #tpu.memory_space<vmem>>
        %get3A_582 = arith.index_cast %add3A_555 : i32 to index
        %get3A_583 = arith.constant 16 : index
        %get3A_584 = tpu.vector_load %get3A_581[%get3A_582, %get3A_583] {strides = array<i32>} : memref<64x128xf32, #tpu.memory_space<vmem>>, vector<16xf32>,
        %mul3A_585 = arith.mulf %get3A_577, %get3A_584 : vector<16xf32>
        %get3A_586 = arith.constant 0 : i32
        %get3A_587 = arith.constant 0 : i32
        %get3A_588 = tpu.memref_slice %arg9[%scan3A_393, %get3A_586, %get3A_587] : memref<3x64x128xf32, #tpu.memory_space<vmem>> -> memref<1x64x128xf32, #tpu.memory_space<vmem>>
        %get3A_589 = tpu.memref_squeeze %get3A_588 : memref<1x64x128xf32, #tpu.memory_space<vmem>> -> memref<64x128xf32, #tpu.memory_space<vmem>>
        %get3A_590 = arith.index_cast %add3A_555 : i32 to index
        %get3A_591 = arith.constant 32 : index
        %get3A_592 = tpu.vector_load %get3A_589[%get3A_590, %get3A_591] {strides = array<i32>} : memref<64x128xf32, #tpu.memory_space<vmem>>, vector<16xf32>,
        %get3A_593 = arith.constant 0 : i32
        %get3A_594 = arith.constant 0 : i32
        %get3A_595 = tpu.memref_slice %arg10[%scan3A_394, %get3A_593, %get3A_594] : memref<3x64x128xf32, #tpu.memory_space<vmem>> -> memref<1x64x128xf32, #tpu.memory_space<vmem>>
        %get3A_596 = tpu.memref_squeeze %get3A_595 : memref<1x64x128xf32, #tpu.memory_space<vmem>> -> memref<64x128xf32, #tpu.memory_space<vmem>>
        %get3A_597 = arith.index_cast %add3A_555 : i32 to index
        %get3A_598 = arith.constant 32 : index
        %get3A_599 = tpu.vector_load %get3A_596[%get3A_597, %get3A_598] {strides = array<i32>} : memref<64x128xf32, #tpu.memory_space<vmem>>, vector<16xf32>,
        %mul3A_600 = arith.mulf %get3A_592, %get3A_599 : vector<16xf32>
        %get3A_601 = arith.constant 0 : i32
        %get3A_602 = arith.constant 0 : i32
        %get3A_603 = tpu.memref_slice %arg9[%scan3A_393, %get3A_601, %get3A_602] : memref<3x64x128xf32, #tpu.memory_space<vmem>> -> memref<1x64x128xf32, #tpu.memory_space<vmem>>
        %get3A_604 = tpu.memref_squeeze %get3A_603 : memref<1x64x128xf32, #tpu.memory_space<vmem>> -> memref<64x128xf32, #tpu.memory_space<vmem>>
        %get3A_605 = arith.index_cast %add3A_555 : i32 to index
        %get3A_606 = arith.constant 48 : index
        %get3A_607 = tpu.vector_load %get3A_604[%get3A_605, %get3A_606] {strides = array<i32>} : memref<64x128xf32, #tpu.memory_space<vmem>>, vector<16xf32>,
        %get3A_608 = arith.constant 0 : i32
        %get3A_609 = arith.constant 0 : i32
        %get3A_610 = tpu.memref_slice %arg10[%scan3A_394, %get3A_608, %get3A_609] : memref<3x64x128xf32, #tpu.memory_space<vmem>> -> memref<1x64x128xf32, #tpu.memory_space<vmem>>
        %get3A_611 = tpu.memref_squeeze %get3A_610 : memref<1x64x128xf32, #tpu.memory_space<vmem>> -> memref<64x128xf32, #tpu.memory_space<vmem>>
        %get3A_612 = arith.index_cast %add3A_555 : i32 to index
        %get3A_613 = arith.constant 48 : index
        %get3A_614 = tpu.vector_load %get3A_611[%get3A_612, %get3A_613] {strides = array<i32>} : memref<64x128xf32, #tpu.memory_space<vmem>>, vector<16xf32>,
        %mul3A_615 = arith.mulf %get3A_607, %get3A_614 : vector<16xf32>
        %get3A_616 = arith.constant 0 : i32
        %get3A_617 = arith.constant 0 : i32
        %get3A_618 = tpu.memref_slice %arg9[%scan3A_393, %get3A_616, %get3A_617] : memref<3x64x128xf32, #tpu.memory_space<vmem>> -> memref<1x64x128xf32, #tpu.memory_space<vmem>>
        %get3A_619 = tpu.memref_squeeze %get3A_618 : memref<1x64x128xf32, #tpu.memory_space<vmem>> -> memref<64x128xf32, #tpu.memory_space<vmem>>
        %get3A_620 = arith.index_cast %add3A_555 : i32 to index
        %get3A_621 = arith.constant 64 : index
        %get3A_622 = tpu.vector_load %get3A_619[%get3A_620, %get3A_621] {strides = array<i32>} : memref<64x128xf32, #tpu.memory_space<vmem>>, vector<16xf32>,
        %get3A_623 = arith.constant 0 : i32
        %get3A_624 = arith.constant 0 : i32
        %get3A_625 = tpu.memref_slice %arg10[%scan3A_394, %get3A_623, %get3A_624] : memref<3x64x128xf32, #tpu.memory_space<vmem>> -> memref<1x64x128xf32, #tpu.memory_space<vmem>>
        %get3A_626 = tpu.memref_squeeze %get3A_625 : memref<1x64x128xf32, #tpu.memory_space<vmem>> -> memref<64x128xf32, #tpu.memory_space<vmem>>
        %get3A_627 = arith.index_cast %add3A_555 : i32 to index
        %get3A_628 = arith.constant 64 : index
        %get3A_629 = tpu.vector_load %get3A_626[%get3A_627, %get3A_628] {strides = array<i32>} : memref<64x128xf32, #tpu.memory_space<vmem>>, vector<16xf32>,
        %mul3A_630 = arith.mulf %get3A_622, %get3A_629 : vector<16xf32>
        %get3A_631 = arith.constant 0 : i32
        %get3A_632 = arith.constant 0 : i32
        %get3A_633 = tpu.memref_slice %arg9[%scan3A_393, %get3A_631, %get3A_632] : memref<3x64x128xf32, #tpu.memory_space<vmem>> -> memref<1x64x128xf32, #tpu.memory_space<vmem>>
        %get3A_634 = tpu.memref_squeeze %get3A_633 : memref<1x64x128xf32, #tpu.memory_space<vmem>> -> memref<64x128xf32, #tpu.memory_space<vmem>>
        %get3A_635 = arith.index_cast %add3A_555 : i32 to index
        %get3A_636 = arith.constant 80 : index
        %get3A_637 = tpu.vector_load %get3A_634[%get3A_635, %get3A_636] {strides = array<i32>} : memref<64x128xf32, #tpu.memory_space<vmem>>, vector<16xf32>,
        %get3A_638 = arith.constant 0 : i32
        %get3A_639 = arith.constant 0 : i32
        %get3A_640 = tpu.memref_slice %arg10[%scan3A_394, %get3A_638, %get3A_639] : memref<3x64x128xf32, #tpu.memory_space<vmem>> -> memref<1x64x128xf32, #tpu.memory_space<vmem>>
        %get3A_641 = tpu.memref_squeeze %get3A_640 : memref<1x64x128xf32, #tpu.memory_space<vmem>> -> memref<64x128xf32, #tpu.memory_space<vmem>>
        %get3A_642 = arith.index_cast %add3A_555 : i32 to index
        %get3A_643 = arith.constant 80 : index
        %get3A_644 = tpu.vector_load %get3A_641[%get3A_642, %get3A_643] {strides = array<i32>} : memref<64x128xf32, #tpu.memory_space<vmem>>, vector<16xf32>,
        %mul3A_645 = arith.mulf %get3A_637, %get3A_644 : vector<16xf32>
        %get3A_646 = arith.constant 0 : i32
        %get3A_647 = arith.constant 0 : i32
        %get3A_648 = tpu.memref_slice %arg9[%scan3A_393, %get3A_646, %get3A_647] : memref<3x64x128xf32, #tpu.memory_space<vmem>> -> memref<1x64x128xf32, #tpu.memory_space<vmem>>
        %get3A_649 = tpu.memref_squeeze %get3A_648 : memref<1x64x128xf32, #tpu.memory_space<vmem>> -> memref<64x128xf32, #tpu.memory_space<vmem>>
        %get3A_650 = arith.index_cast %add3A_555 : i32 to index
        %get3A_651 = arith.constant 96 : index
        %get3A_652 = tpu.vector_load %get3A_649[%get3A_650, %get3A_651] {strides = array<i32>} : memref<64x128xf32, #tpu.memory_space<vmem>>, vector<16xf32>,
        %get3A_653 = arith.constant 0 : i32
        %get3A_654 = arith.constant 0 : i32
        %get3A_655 = tpu.memref_slice %arg10[%scan3A_394, %get3A_653, %get3A_654] : memref<3x64x128xf32, #tpu.memory_space<vmem>> -> memref<1x64x128xf32, #tpu.memory_space<vmem>>
        %get3A_656 = tpu.memref_squeeze %get3A_655 : memref<1x64x128xf32, #tpu.memory_space<vmem>> -> memref<64x128xf32, #tpu.memory_space<vmem>>
        %get3A_657 = arith.index_cast %add3A_555 : i32 to index
        %get3A_658 = arith.constant 96 : index
        %get3A_659 = tpu.vector_load %get3A_656[%get3A_657, %get3A_658] {strides = array<i32>} : memref<64x128xf32, #tpu.memory_space<vmem>>, vector<16xf32>,
        %mul3A_660 = arith.mulf %get3A_652, %get3A_659 : vector<16xf32>
        %get3A_661 = arith.constant 0 : i32
        %get3A_662 = arith.constant 0 : i32
        %get3A_663 = tpu.memref_slice %arg9[%scan3A_393, %get3A_661, %get3A_662] : memref<3x64x128xf32, #tpu.memory_space<vmem>> -> memref<1x64x128xf32, #tpu.memory_space<vmem>>
        %get3A_664 = tpu.memref_squeeze %get3A_663 : memref<1x64x128xf32, #tpu.memory_space<vmem>> -> memref<64x128xf32, #tpu.memory_space<vmem>>
        %get3A_665 = arith.index_cast %add3A_555 : i32 to index
        %get3A_666 = arith.constant 112 : index
        %get3A_667 = tpu.vector_load %get3A_664[%get3A_665, %get3A_666] {strides = array<i32>} : memref<64x128xf32, #tpu.memory_space<vmem>>, vector<16xf32>,
        %get3A_668 = arith.constant 0 : i32
        %get3A_669 = arith.constant 0 : i32
        %get3A_670 = tpu.memref_slice %arg10[%scan3A_394, %get3A_668, %get3A_669] : memref<3x64x128xf32, #tpu.memory_space<vmem>> -> memref<1x64x128xf32, #tpu.memory_space<vmem>>
        %get3A_671 = tpu.memref_squeeze %get3A_670 : memref<1x64x128xf32, #tpu.memory_space<vmem>> -> memref<64x128xf32, #tpu.memory_space<vmem>>
        %get3A_672 = arith.index_cast %add3A_555 : i32 to index
        %get3A_673 = arith.constant 112 : index
        %get3A_674 = tpu.vector_load %get3A_671[%get3A_672, %get3A_673] {strides = array<i32>} : memref<64x128xf32, #tpu.memory_space<vmem>>, vector<16xf32>,
        %mul3A_675 = arith.mulf %get3A_667, %get3A_674 : vector<16xf32>
        %add3A_676 = arith.addf %mul3A_570, %mul3A_585 : vector<16xf32>
        %add3A_677 = arith.addf %mul3A_600, %mul3A_615 : vector<16xf32>
        %add3A_678 = arith.addf %mul3A_630, %mul3A_645 : vector<16xf32>
        %add3A_679 = arith.addf %mul3A_660, %mul3A_675 : vector<16xf32>
        %add3A_680 = arith.addf %add3A_676, %add3A_677 : vector<16xf32>
        %add3A_681 = arith.addf %add3A_678, %add3A_679 : vector<16xf32>
        %add3A_682 = arith.addf %add3A_680, %add3A_681 : vector<16xf32>
        %reduce_sum3A_683 = arith.constant true
        %reduce_sum3A_684 = vector.broadcast %reduce_sum3A_683 : i1 to vector<16xi1>
        %reduce_sum3A_685 = tpu.scan <sum>, %add3A_682 masked %reduce_sum3A_684 : vector<16xf32>, vector<16xi1> -> vector<16xf32>
        %reduce_sum3A_686 = vector.extract %reduce_sum3A_685[15] : f32 from vector<16xf32>
        %eq3A_687 = vector.broadcast %scan3A_554 : i32 to vector<16xi32>
        %eq3A_688 = arith.cmpi eq, %iota3A, %eq3A_687 : vector<16xi32>
        %broadcast_in_dim3A_689 = vector.broadcast %reduce_sum3A_686 : f32 to vector<16xf32>
        %select_n3A_690 = arith.select %eq3A_688, %broadcast_in_dim3A_689, %select_n3A : vector<16xi1>, vector<16xf32>
        scf.yield %select_n3A_690 : vector<16xf32>
      }
      %scan3A_414 = arith.constant 16 : i32
      %add3A_415 = arith.constant 448 : i32
      %add3A_416 = arith.addi %add3A_415, %mul3A_407 : i32
      %swap3A = arith.index_cast %add3A_416 : i32 to index
      %swap3A_417 = tpu.vector_load %arg11[%swap3A] {strides = array<i32>} : memref<512xf32, #tpu.memory_space<vmem>>, vector<16xf32>,
      tpu.vector_store %arg11[%swap3A], %scan3A_413 {strides = array<i32>} : memref<512xf32, #tpu.memory_space<vmem>>, vector<16xf32>,
      %scan3A_418 = arith.constant 0 : i32
      scf.yield %scan3A_418 : i32
    }
    %scan3A_401 = arith.constant 4 : i32
    %mul3A_402 = arith.constant 512 : i32
    %mul3A_403 = arith.muli %add3A, %mul3A_402 : i32
    "tpu.region"() ({
      %run_scoped3A = tpu.sem_alloc : memref<!tpu.dma_semaphore, #tpu.memory_space<semaphore_mem>>
      %dma_start3A_404 = tpu.memref_slice %arg6[%mul3A_403] : memref<16384xf32, #tpu.memory_space<hbm>> -> memref<512xf32, #tpu.memory_space<hbm>>
      %dma_start3A_405 = tpu.memref_slice %arg6[%mul3A_403] : memref<16384xf32, #tpu.memory_space<hbm>> -> memref<512xf32, #tpu.memory_space<hbm>>
      tpu.enqueue_dma source(%arg11 : memref<512xf32, #tpu.memory_space<vmem>>) target(%dma_start3A_405 : memref<512xf32, #tpu.memory_space<hbm>>) target_semaphore(%run_scoped3A : memref<!tpu.dma_semaphore, #tpu.memory_space<semaphore_mem>>)
      %dma_wait3A_406 = tpu.memref_slice %arg6[%mul3A_403] : memref<16384xf32, #tpu.memory_space<hbm>> -> memref<512xf32, #tpu.memory_space<hbm>>
      %dma_wait3A_407 = tpu.memref_slice %arg6[%mul3A_403] : memref<16384xf32, #tpu.memory_space<hbm>> -> memref<512xf32, #tpu.memory_space<hbm>>
      tpu.wait_dma2 semaphore(%run_scoped3A : memref<!tpu.dma_semaphore, #tpu.memory_space<semaphore_mem>>) src(%arg11 : memref<512xf32, #tpu.memory_space<vmem>>) dst(%dma_wait3A_407 : memref<512xf32, #tpu.memory_space<hbm>>)
      tpu.yield
    }) : () -> ()
    return
  }
}

</mosaic_0001>

<sc_bundles>
// kernel: kernel.3.cloned.1.call-start
scs
__scs_entry_jumppad:
0x0: {  	(pc) =	sbr.rel $0x88, $3  }
0x1: {  	(tag) =	ssettag $0x0;
	lr =	simm.s32 $0x1  }
0x2: {  	[smem:$0x3F9D] =	sst lr;
	_ =	strace $0xD0000000  }
0x3: {  	_ = 	snop  }
0x4: {  	_ = 	snop  }
0x5: {  	_ = 	snop  }
0x6: {  	_ = 	snop  }
0x7: {  	_ = 	snop  }
__scs_overlays_trampoline_lowered:
0x8: {  	[smem:$0x3FAC] =	sst s0  }
0x9: {  	[smem:$0x3FAD] =	sst s1  }
0xa: {  	[smem:$0x3FAE] =	sst s2  }
0xb: {  	[smem:$0x3FAF] =	sst s3  }
0xc: {  	[smem:$0x3FB0] =	sst s4  }
0xd: {  	[smem:$0x3FB1] =	sst s5  }
0xe: {  	[smem:$0x3FB2] =	sst s6  }
0xf: {  	[smem:$0x3FB3] =	sst s7  }
0x10: {  	[smem:$0x3FB4] =	sst s8  }
0x11: {  	[smem:$0x3FB5] =	sst s9;
	s0 =	simm.s32 @!p0 $0x0  }
0x12: {  	s1 =	sld [smem:$0x3F9B];
	s0 =	simm.s32 @p0 $0x1  }
0x13: {  	[smem:$0x3FB6] =	sst s0;
	s0 =	simm.s32 @!p1 $0x0  }
0x14: {  	s2 =	sld [smem:$0x3F9A];
	s0 =	simm.s32 @p1 $0x1  }
0x15: {  	[smem:$0x3FB7] =	sst s0;
	s0 =	simm.s32 @!p2 $0x0  }
0x16: {  	s3 =	sld [smem:$0x3FDB];
	s0 =	simm.s32 @p2 $0x1  }
0x17: {  	s4 =	simm.s32 $0x1BF5;
	[smem:$0x3FB9] =	sst s0  }
0x18: {  	s0 =	sld [smem:$0x3F9C];
	_ =	swait.ge [sflag:s4], $0x0  }
0x19: {  	s7 =	sld [smem:$0x3F9D]  }
0x1a: {  	s8 =	sadd.s32 $0xFFFFE003, lr  }
0x1b: {  	s9 =	sadd.s32 $0xFFFFFEF7, lr;
	s5 =	simm.s32 $0xFFFFFFFF;
	p2 =	slt.u32 s8, $0xFFFFF086  }
0x1c: {  	p1 =	slt.u32 s9, $0xF7A;
	s5 =	simm.s32 @!p2 $0x0  }
0x1d: {  	s5 =	simm.s32 @p1 $0x1;
	p0 =	seq.s32 s7, s2  }
0x1e: {  	s7 =	smul.u32 @!p0 $0xF7A, s2;
	p2 =	seq.s32 @!p0 s5, $0x0  }
0x1f: {  	s9 =	smul.u32 $0xF7A, s1;
	s8 =	simm.s32 @!p0 $0x1BF5;
	p2 =	por !p2, p0  }
0x20: {  	[sflag:s8] =	ssyncset.s32 @!p0 $0xFFFFF086;
	s6 =	sadd.s32 @!p0 s3, s7;
	s7 =	simm.s32 @!p0 $0x108  }
0x21: {  	s3 =	sadd.s32 s3, s9;
	s6 =	sadd.s32 @!p0 $0x88, s6;
	s7 =	simm.s32 @p2 $0x1082  }
0x22: {  	[simem:s7], [sflag:s8] =	dma.local @!p0 [hbm:s6], $0xF7A  }
0x23: {  	s9 =	sor.u32 $0xD0000000, s2;
	s6 =	simm.s32 $0x108;
	_ =	swait.ge @!p0 [sflag:s8], $0x0  }
0x24: {  	s3 =	sadd.s32 $0x88, s3;
	s6 =	simm.s32 @!p1 $0x1082;
	[sflag:s4] =	ssyncset.s32 $0xFFFFF086  }
0x25: {  	[simem:s6], [sflag:s4] =	dma.local [hbm:s3], $0xF7A  }
0x26: {  	[smem:$0x3F9D] =	sst s1;
	(tag) =	ssettag s2;
	_ =	strace s9  }
0x27: {  	s1 =	sld [smem:$0x3FAD]  }
0x28: {  	s2 =	sld [smem:$0x3FAE]  }
0x29: {  	s4 =	sld [smem:$0x3FB0]  }
0x2a: {  	p0 =	seq.s32 s5, $0x0;
	s5 =	sld [smem:$0x3FB1]  }
0x2b: {  	s6 =	sld [smem:$0x3FB2]  }
0x2c: {  	s7 =	sld [smem:$0x3FB3]  }
0x2d: {  	s3 =	simm.s32 $0x108;
	s8 =	sld [smem:$0x3FB4]  }
0x2e: {  	s3 =	simm.s32 @!p0 $0x1082;
	s9 =	sld [smem:$0x3FB5]  }
0x2f: {  	lr =	sadd.s32 s0, s3;
	s0 =	sld [smem:$0x3FAC]  }
0x30: {  	s3 =	sld [smem:$0x3FAF]  }
0x31: {  	[smem:$0x3FB8] =	sst s10  }
0x32: {  	s10 =	sld [smem:$0x3FB6];
	_ =	sdelay $0x3  }
0x33: {  	p0 =	seq.s32 s10, $0x1;
	s10 =	sld [smem:$0x3FB8];
	_ =	sdelay $0x3  }
0x34: {  	[smem:$0x3FB8] =	sst s10  }
0x35: {  	s10 =	sld [smem:$0x3FB7];
	_ =	sdelay $0x3  }
0x36: {  	p1 =	seq.s32 s10, $0x1;
	s10 =	sld [smem:$0x3FB8];
	_ =	sdelay $0x3  }
0x37: {  	[smem:$0x3FB8] =	sst s10  }
0x38: {  	s10 =	sld [smem:$0x3FB9]  }
0x39: {  	_ = 	snop;
	(pc) =	sbr.ind lr, $3  }
0x3a: {  	_ = 	snop  }
0x3b: {  	_ = 	snop  }
0x3c: {  	p2 =	seq.s32 s10, $0x1;
	s10 =	sld [smem:$0x3FB8]  }
0x3d: {  	_ =	shalt  }
0x3e: {  	_ =	shalt  }
0x3f: {  	_ =	shalt  }
0x40: {  	_ =	shalt  }
0x41: {  	_ =	shalt  }
0x42: {  	_ =	shalt  }
0x43: {  	_ =	shalt  }
0x44: {  	_ =	shalt  }
0x45: {  	_ =	shalt  }
0x46: {  	_ =	shalt  }
0x47: {  	_ =	shalt  }
0x48: {  	_ =	shalt  }
0x49: {  	_ =	shalt  }
0x4a: {  	_ =	shalt  }
0x4b: {  	_ =	shalt  }
0x4c: {  	_ =	shalt  }
0x4d: {  	_ =	shalt  }
0x4e: {  	_ =	shalt  }
0x4f: {  	_ =	shalt  }
0x50: {  	_ =	shalt  }
0x51: {  	_ =	shalt  }
0x52: {  	_ =	shalt  }
0x53: {  	_ =	shalt  }
0x54: {  	_ =	shalt  }
0x55: {  	_ =	shalt  }
0x56: {  	_ =	shalt  }
0x57: {  	_ =	shalt  }
0x58: {  	_ =	shalt  }
0x59: {  	_ =	shalt  }
0x5a: {  	_ =	shalt  }
0x5b: {  	_ =	shalt  }
0x5c: {  	_ =	shalt  }
0x5d: {  	_ =	shalt  }
0x5e: {  	_ =	shalt  }
0x5f: {  	_ =	shalt  }
0x60: {  	_ =	shalt  }
0x61: {  	_ =	shalt  }
0x62: {  	_ =	shalt  }
0x63: {  	_ =	shalt  }
0x64: {  	_ =	shalt  }
0x65: {  	_ =	shalt  }
0x66: {  	_ =	shalt  }
0x67: {  	_ =	shalt  }
0x68: {  	_ =	shalt  }
0x69: {  	_ =	shalt  }
0x6a: {  	_ =	shalt  }
0x6b: {  	_ =	shalt  }
0x6c: {  	_ =	shalt  }
0x6d: {  	_ =	shalt  }
0x6e: {  	_ =	shalt  }
0x6f: {  	_ =	shalt  }
0x70: {  	_ =	shalt  }
0x71: {  	_ =	shalt  }
0x72: {  	_ =	shalt  }
0x73: {  	_ =	shalt  }
0x74: {  	_ =	shalt  }
0x75: {  	_ =	shalt  }
0x76: {  	_ =	shalt  }
0x77: {  	_ =	shalt  }
0x78: {  	_ =	shalt  }
0x79: {  	_ =	shalt  }
0x7a: {  	_ =	shalt  }
0x7b: {  	_ =	shalt  }
0x7c: {  	_ =	shalt  }
0x7d: {  	_ =	shalt  }
0x7e: {  	_ =	shalt  }
0x7f: {  	_ =	shalt  }
0x80: {  	_ =	shalt  }
0x81: {  	_ =	shalt  }
0x82: {  	_ =	shalt  }
0x83: {  	_ =	shalt  }
0x84: {  	_ =	shalt  }
0x85: {  	_ =	shalt  }
0x86: {  	_ =	shalt  }
0x87: {  	_ =	shalt  }
.Lfunc_end0:
.L_simem_size_0:
called_computation_lowered:
.L_overlay_start_0:
0x88: {  	s2 =	sld [smem:$0x3FD9]  }
0x89: {  	s3 =	sld [smem:$0x3FFE];
	_ =	sdelay $0x1  }
0x8a: {  	s1 =	srdreg.scid  }
0x8b: {  	s0 =	sand.u32 $0x1, s1  }
0x8c: {  	s18 =	sshll.u32 s0, $0xA;
	s2 =	sadd.s32 s3, s2  }
0x8d: {  	s2 =	sadd.s32 s2, s18  }
0x8e: {  	[smem:$0x3FC4] =	sst s2  }
0x8f: {  	_ = 	snop  }
0x90: {  	s2 =	sld [smem:$0x3FC9]  }
0x91: {  	s19 =	sld [smem:$0x3FC8]  }
0x92: {  	s4 =	sld [smem:$0x3FC7]  }
0x93: {  	s5 =	sld [smem:$0x3FC6]  }
0x94: {  	s6 =	sld [smem:$0x3FD0];
	(tm) =	ssettm $0x1  }
0x95: {  	s7 =	sld [smem:$0x3FFB];
	_ =	sdelay $0x3  }
0x96: {  	_ =	strace s7  }
0x97: {  	s7 =	sld [smem:$0x3FFC];
	_ =	sdelay $0x3  }
0x98: {  	_ =	strace s7  }
0x99: {  	s7 =	sld [smem:$0x3FFD];
	_ =	sdelay $0x3  }
0x9a: {  	_ =	strace s7  }
0x9b: {  	_ =	strace $0x8FFFFFFF  }
0x9c: {  	s20 =	sld [smem:$0x3FDB];
	_ =	sdelay $0x1  }
0x9d: {  	s8 =	simm.s32 $_scs_section_size  }
0x9e: {  	s9 =	simm.s32 $_size__tile_overlayer_lowered;
	s10 =	simm.s32 $_tile_overlayer_lowered  }
0x9f: {  	s23 =	simm.s32 $0x1BFF;
	s22 =	sshll.u32 s10, $0x1;
	s7 =	sadd.s32 s8, s20  }
0xa0: {  	s11 =	simm.s32 $0x0;
	s21 =	sshll.u32 s9, $0x1;
	s9 =	sadd.s32 s22, s7  }
0xa1: {  	[timem:s11], [sflag:s23] =	dma.local [hbm:s9], s21  }
0xa2: {  	_ =	swait.ge [sflag:s23], s21  }
0xa3: {  	s8 =	ssub.s32 $0x0, s21;
	[sflag:s23] =	ssyncset.done $0x0  }
0xa4: {  	[sflag:s23] =	ssyncadd.s32 s8;
	_ =	sdelay $0x1  }
0xa5: {  	s24 =	simm.s32 $0x1B8B  }
0xa6: {  	_ =	swait.ge [sflag:s24], $0x1  }
0xa7: {  	[sflag:s24] =	ssyncset.done $0x0  }
0xa8: {  	s25 =	simm.s32 $0x1B8E;
	[sflag:s24] =	ssyncadd.s32 $0xFFFFFFFF  }
0xa9: {  	s26 =	simm.s32 $execute0_lowered;
	[smem:$0x3FD2] =	sst s25  }
0xaa: {  	s8 =	sshll.u32 s26, $0x1;
	_ =	strace $0x80000046;
	[dreg:$0x1] =	wrdreg $0xFFFFFFFF  }
0xab: {  	s28 =	simm.s32 $_size_execute0_lowered;
	s7 =	sadd.s32 s7, s8;
	[dreg:$0x0] =	wrdreg $0x0  }
0xac: {  	s8 =	sshll.u32 s28, $0x1;
	[dreg:$0x2] =	wrdreg s7  }
0xad: {  	[dreg:$0x3] =	wrdreg s8  }
0xae: {  	[dreg:$0x4] =	wrdreg $0xC0  }
0xaf: {  	_ =	task [dreg:s11], $0x5FFFF  }
0xb0: {  	[dreg:$0x1] =	wrdreg $0xFFFFFFFF  }
0xb1: {  	[dreg:$0x0] =	wrdreg $0x60  }
0xb2: {  	[dreg:$0x2] =	wrdreg s2  }
0xb3: {  	[dreg:$0x3] =	wrdreg s19  }
0xb4: {  	[dreg:$0x4] =	wrdreg s4  }
0xb5: {  	[dreg:$0x5] =	wrdreg s5  }
0xb6: {  	[dreg:$0x6] =	wrdreg s6  }
0xb7: {  	[dreg:$0x7] =	wrdreg $0x9  }
0xb8: {  	_ =	task.clear_ibuf [dreg:s11], $0x8FFFF;
	_ =	strace $0x90000046  }
0xb9: {  	s29 =	simm.s32 $0x9;
	_ =	strace $0x80000048  }
0xba: {  	_ =	swait.ge [sflag:s29], $0x1  }
0xbb: {  	[sflag:s29] =	ssyncadd.s32 $0xFFFFFFFF  }
0xbc: {  	_ =	strace $0x90000048  }
0xbd: {  	_ =	sfence  }
0xbe: {  	s30 =	sld [smem:$0x0];
	_ =	sdelay $0x2  }
0xbf: {  	s31 =	sshll.u32 s1, $0xD;
	s1 =	sshrl.u32 s1, $0x2  }
0xc0: {  	s3 =	sand.u32 $0x4000, s31;
	s1 =	sadd.s32 s1, s30  }
0xc1: {  	s0 =	sor.u32 s3, s0;
	s1 =	sshll.u32 s1, $0x11  }
0xc2: {  	s0 =	sor.u32 s1, s0  }
0xc3: {  	s0 =	sadd.s32 $0x8F2B, s0  }
0xc4: {  	[sflag:s0] =	ssyncadd.remote.s32 $0x1  }
0xc5: {  	_ =	sfence.sel $0xFFFF  }
0xc6: {  	[dreg:$0x0] =	wrdreg $0xFFFFFFFF;
	(pc) =	sbr.abs _section_cstart, $3  }
0xc7: {  	[dreg:$0x1] =	wrdreg $0xFFFFFFFF  }
0xc8: {  	_ =	task.clear_ibuf [dreg:s11], $0x2FFFF;
	_ =	strace $0x9FFFFFFF  }
0xc9: {  	(tm) =	ssettm $0x7FFFFFFF  }
tec
execute0_lowered:
.L_overlay_start_1:
0x0: {  	(tag) =	ssettag $0x1  }
0x1: {  	s0 =	rddreg [dreg:$0x0]  }
0x2: {  	s3 =	rddreg [dreg:$0x1]  }
0x3: {  	s1 =	rddreg [dreg:$0x2]  }
0x4: {  	s2 =	rddreg [dreg:$0x3]  }
0x5: {  	s7 =	rddreg [dreg:$0x4];
	s5 =	srdreg.scid  }
0x6: {  	s4 =	simm.s32 $0x0;
	s8 =	stileid.u32;
	s10 =	simm.s32 $0x1  }
0x7: {  	s11 =	simm.s32 $0x2;
	s12 =	simm.s32 $0x40;
	s13 =	simm.s32 $0x400  }
0x8: {  	s14 =	simm.s32 $0x6400;
	s15 =	simm.s32 $0x2400;
	s17 =	simm.s32 $0x8400  }
0x9: {  	s19 =	simm.s32 $0x4400;
	s21 =	simm.s32 $0xA400;
	s26 =	simm.s32 $0x3  }
0xa: {  	s16 =	simm.s32 $0xC400;
	s18 =	simm.s32 $0x4;
	s5 =	sand.u32 $0x1, s5  }
0xb: {  	s20 =	simm.s32 $0x0;
	s8 =	sshll.u32 s8, $0x7;
	s6 =	ssub.s32 $0x2, s5  }
0xc: {  	[smem:$0x7FF] =	sst s4;
	s5 =	sshll.u32 s5, $0x6;
	s9 =	sshrl.u32 s6, $0x1  }
0xd: {  	_ =	strace $0x80000047;
	s8 =	sor.u32 s5, s8;
	s9 =	ssub.s32 s6, s9  }
0xe: {  	s5 =	sadd.s32 s0, s8;
	s6 =	sadd.s32 s3, s8;
	s7 =	sadd.s32 s7, s8  }
0xf: {  	v0 =	vlaneseq.u32;
	s3 =	simm.s32 $0x3C0;
	s8 =	smax.u32 s9, $0x1;
	s9 =	simm.s32 $0x200  }
.LBB2_1:
0x10: {  	[tilespmem:s4], [sflag:$0x1] =	stream.linear.gather [hbm4b:s5+s4], $0x200, $0x38;
	[tilespmem:$0xC600] =	vst v63  }
0x11: {  	_ = 	snop  }
0x12: {  	[tilespmem:s9], [sflag:$0x2] =	stream.linear.gather [hbm4b:s6+s4], $0x200, $0x38;
	[tilespmem:$0xC600] =	vst v63  }
0x13: {  	_ =	swait.ge [sflag:s10], $0x200  }
0x14: {  	[sflag:s10] =	ssyncset.done $0x0  }
0x15: {  	[sflag:s10] =	ssyncadd.s32 $0xFFFFFE00  }
0x16: {  	_ =	swait.ge [sflag:s11], $0x200  }
0x17: {  	[sflag:s11] =	ssyncset.done $0x0  }
0x18: {  	[sflag:s11] =	ssyncadd.s32 $0xFFFFFE00  }
0x19: {  	[tilespmem:s13], [sflag:$0x1] =	stream.indirect.gather [hbm4b:s1+s12], $0x80, s4, s12, $0xb8;
	[tilespmem:$0xC600] =	vst v63  }
0x1a: {  	_ = 	snop  }
0x1b: {  	[tilespmem:s14], [sflag:$0x1] =	stream.indirect.gather [hbm4b:s2+s12], $0x80, s9, s12, $0xb8;
	[tilespmem:$0xC600] =	vst v63  }
0x1c: {  	_ = 	snop  }
0x1d: {  	[tilespmem:s15], [sflag:$0x2] =	stream.indirect.gather [hbm4b:s1+s12], $0x80, s12, s12, $0xb8;
	[tilespmem:$0xC600] =	vst v63  }
0x1e: {  	s0 =	simm.s32 $0x240  }
0x1f: {  	[tilespmem:s17], [sflag:$0x2] =	stream.indirect.gather [hbm4b:s2+s12], $0x80, s0, s12, $0xb8;
	[tilespmem:$0xC600] =	vst v63  }
0x20: {  	s30 =	simm.s32 $0x80  }
0x21: {  	[tilespmem:s19], [sflag:$0x3] =	stream.indirect.gather [hbm4b:s1+s12], $0x80, s30, s12, $0xb8;
	[tilespmem:$0xC600] =	vst v63  }
0x22: {  	s31 =	simm.s32 $0x280  }
0x23: {  	[tilespmem:s21], [sflag:$0x3] =	stream.indirect.gather [hbm4b:s2+s12], $0x80, s31, s12, $0xb8;
	[tilespmem:$0xC600] =	vst v63  }
0x24: {  	_ =	swait.ge [sflag:s10], $0x2000  }
0x25: {  	[sflag:s10] =	ssyncset.done $0x0  }
0x26: {  	[sflag:s10] =	ssyncadd.s32 $0xFFFFE000  }
0x27: {  	_ =	swait.ge [sflag:s10], $0x2000  }
0x28: {  	s22 =	simm.s32 $0x6480;
	[sflag:s10] =	ssyncset.done $0x0  }
0x29: {  	s23 =	simm.s32 $0x480;
	s24 =	simm.s32 $0x0;
	[sflag:s10] =	ssyncadd.s32 $0xFFFFE000  }
.LBB2_2:
0x2a: {  	v1 =	vld [tilespmem:s23+$0x0]  }
0x2b: {  	v11 =	vld [tilespmem:s22+$0x0]  }
0x2c: {  	v14 =	vld [tilespmem:s23+$0x10]  }
0x2d: {  	v15 =	vld [tilespmem:s22+$0x10]  }
0x2e: {  	v17 =	vld [tilespmem:s23+$0x20]  }
0x2f: {  	v18 =	vld [tilespmem:s22+$0x20]  }
0x30: {  	v19 =	vld [tilespmem:s23+$0x30]  }
0x31: {  	v20 =	vld [tilespmem:s22+$0x30]  }
0x32: {  	v21 =	vld [tilespmem:s23+$0x40]  }
0x33: {  	v22 =	vld [tilespmem:s22+$0x40]  }
0x34: {  	v23 =	vld [tilespmem:s23+$0x50]  }
0x35: {  	v24 =	vld [tilespmem:s22+$0x50]  }
0x36: {  	v25 =	vld [tilespmem:s23+$0x60]  }
0x37: {  	v26 =	vld [tilespmem:s22+$0x60]  }
0x38: {  	v27 =	vld [tilespmem:s23+$0x70]  }
0x39: {  	v28 =	vld [tilespmem:s22+$0x70]  }
0x3a: {  	v29 =	vld [tilespmem:s23+$0xFFFFFF80]  }
0x3b: {  	v30 =	vld [tilespmem:s22+$0xFFFFFF80]  }
0x3c: {  	v2 =	vld [tilespmem:s23+$0xFFFFFF90]  }
0x3d: {  	v3 =	vld [tilespmem:s22+$0xFFFFFF90]  }
0x3e: {  	v4 =	vld [tilespmem:s23+$0xFFFFFFA0]  }
0x3f: {  	v6 =	vld [tilespmem:s22+$0xFFFFFFA0]  }
0x40: {  	v5 =	vld [tilespmem:s23+$0xFFFFFFB0]  }
0x41: {  	v7 =	vld [tilespmem:s22+$0xFFFFFFB0]  }
0x42: {  	v8 =	vld [tilespmem:s23+$0xFFFFFFC0]  }
0x43: {  	v9 =	vld [tilespmem:s22+$0xFFFFFFC0]  }
0x44: {  	v10 =	vld [tilespmem:s23+$0xFFFFFFD0]  }
0x45: {  	v12 =	vld [tilespmem:s22+$0xFFFFFFD0];
	v13 =	vmul.f32 v11, v1  }
0x46: {  	v11 =	vld [tilespmem:s23+$0xFFFFFFE0];
	v16 =	vmul.f32 v15, v14;
	v17 =	vmul.f32 v18, v17  }
0x47: {  	v14 =	vld [tilespmem:s22+$0xFFFFFFE0];
	v19 =	vmul.f32 v20, v19;
	v18 =	vmul.f32 v22, v21  }
0x48: {  	s25 =	sshll.u32 s24, $0x4;
	s28 =	simm.s32 $0x0;
	v15 =	vld [tilespmem:s23+$0xFFFFFFF0];
	v21 =	vmul.f32 v24, v23;
	v22 =	vmul.f32 v26, v25  }
0x49: {  	s29 =	sadd.s32 $0x100, s23;
	s30 =	simm.s32 $0x2;
	s31 =	smov.u32 s22;
	v1 =	vimm.f32 $0.0e+00;
	v20 =	vmul.f32 v30, v29;
	v23 =	vld [tilespmem:s22+$0xFFFFFFF0];
	v24 =	vmul.f32 v28, v27  }
.LBB2_3:
0x4a: {  	v25 =	vld [tilespmem:s29+$0x0];
	p0 =	slt.u32 s30, $0xE;
	v2 =	vmul.f32 v3, v2;
	v3 =	vmul.f32 v6, v4;
	s31 =	sadd.s32 $0x100, s31  }
0x4b: {  	v4 =	vmul.f32 v7, v5;
	v5 =	vmul.f32 v9, v8;
	v26 =	vld [tilespmem:s31+$0x0]  }
0x4c: {  	v6 =	vmul.f32 v12, v10;
	v7 =	vadd.f32 v16, v13;
	v8 =	vadd.f32 v19, v17;
	v27 =	vld [tilespmem:s29+$0x10]  }
0x4d: {  	v10 =	vadd.f32 v21, v18;
	v9 =	vmul.f32 v14, v11;
	v11 =	vadd.f32 v24, v22;
	v16 =	vld [tilespmem:s31+$0x10]  }
0x4e: {  	v2 =	vadd.f32 v2, v20;
	v3 =	vadd.f32 v4, v3;
	v14 =	vld [tilespmem:s29+$0x20];
	v12 =	vmul.f32 v23, v15  }
0x4f: {  	v4 =	vadd.f32 v8, v7;
	v7 =	vadd.f32 v11, v10;
	v15 =	vld [tilespmem:s31+$0x20]  }
0x50: {  	v5 =	vadd.f32 v6, v5;
	v18 =	vld [tilespmem:s29+$0x30];
	v6 =	vadd.f32 v12, v9  }
0x51: {  	v4 =	vadd.f32 v7, v4;
	v19 =	vld [tilespmem:s31+$0x30]  }
0x52: {  	v2 =	vadd.f32 v3, v2;
	v20 =	vld [tilespmem:s29+$0x40];
	v3 =	vadd.f32 v6, v5  }
0x53: {  	v21 =	vld [tilespmem:s31+$0x40];
	(xrf2) =	vadd.scan.msk.f32 $0xffff, v4  }
0x54: {  	v22 =	vld [tilespmem:s29+$0x50];
	v2 =	vadd.f32 v3, v2  }
0x55: {  	v23 =	vld [tilespmem:s31+$0x50]  }
0x56: {  	v24 =	vld [tilespmem:s29+$0x60];
	(xrf2) =	vadd.scan.msk.f32 $0xffff, v2  }
0x57: {  	v28 =	vld [tilespmem:s31+$0x60]  }
0x58: {  	v29 =	vld [tilespmem:s29+$0x70]  }
0x59: {  	v30 =	vld [tilespmem:s31+$0x70]  }
0x5a: {  	v31 =	vld [tilespmem:s29+$0xFFFFFF80]  }
0x5b: {  	v32 =	vld [tilespmem:s31+$0xFFFFFF80]  }
0x5c: {  	v2 =	vld [tilespmem:s29+$0xFFFFFF90]  }
0x5d: {  	v3 =	vld [tilespmem:s31+$0xFFFFFF90];
	v9, _, _ =	vpop (xrf2)  }
0x5e: {  	v4 =	vld [tilespmem:s29+$0xFFFFFFA0]  }
0x5f: {  	v6 =	vld [tilespmem:s31+$0xFFFFFFA0]  }
0x60: {  	v5 =	vld [tilespmem:s29+$0xFFFFFFB0];
	v8, _, _ =	vpop (xrf2)  }
0x61: {  	s0 =	sadd.s32 $0x1, s28;
	v10 =	vmov s28;
	s28 =	smov.u32 s30;
	v7 =	vld [tilespmem:s31+$0xFFFFFFB0];
	v11 =	vbroadcast v8, $0xF  }
0x62: {  	vm0 =	veq.s32 v10, v0;
	v10 =	vmov s0;
	v12 =	vbroadcast v9, $0xF;
	v8 =	vld [tilespmem:s29+$0xFFFFFFC0]  }
0x63: {  	v9 =	vld [tilespmem:s31+$0xFFFFFFC0];
	v1 =	vsel vm0, v11, v1;
	vm0 =	veq.s32 v10, v0  }
0x64: {  	v10 =	vld [tilespmem:s29+$0xFFFFFFD0];
	v1 =	vsel vm0, v12, v1  }
.Ltmp0:
0x65: {  	v13 =	vmul.f32 v26, v25;
	v12 =	vld [tilespmem:s31+$0xFFFFFFD0];
	(pc) =	sbr.rel @p0 .LBB2_3-.Ltmp0, $4  }
0x66: {  	v16 =	vmul.f32 v16, v27;
	v17 =	vmul.f32 v15, v14;
	v11 =	vld [tilespmem:s29+$0xFFFFFFE0]  }
0x67: {  	v19 =	vmul.f32 v19, v18;
	v18 =	vmul.f32 v21, v20;
	v14 =	vld [tilespmem:s31+$0xFFFFFFE0]  }
0x68: {  	v21 =	vmul.f32 v23, v22;
	v22 =	vmul.f32 v28, v24;
	v15 =	vld [tilespmem:s29+$0xFFFFFFF0]  }
0x69: {  	s30 =	sadd.s32 $0x2, s30;
	v24 =	vmul.f32 v30, v29;
	v20 =	vmul.f32 v32, v31;
	s29 =	sadd.s32 $0x100, s29;
	v23 =	vld [tilespmem:s31+$0xFFFFFFF0]  }
0x6a: {  	_ = 	snop  }
0x6b: {  	v2 =	vmul.f32 v3, v2;
	v3 =	vmul.f32 v6, v4  }
0x6c: {  	v48 =	vmul.f32 v7, v5;
	v49 =	vmul.f32 v9, v8;
	v51 =	vadd.f32 v16, v13  }
0x6d: {  	v50 =	vmul.f32 v12, v10;
	v52 =	vadd.f32 v19, v17;
	v54 =	vadd.f32 v21, v18  }
0x6e: {  	v55 =	vadd.f32 v24, v22;
	v53 =	vmul.f32 v14, v11;
	v56 =	vmul.f32 v23, v15  }
0x6f: {  	v2 =	vadd.f32 v2, v20;
	v3 =	vadd.f32 v48, v3  }
0x70: {  	v57 =	vadd.f32 v50, v49;
	v58 =	vadd.f32 v56, v53  }
0x71: {  	v59 =	vadd.f32 v52, v51;
	v60 =	vadd.f32 v55, v54  }
0x72: {  	v2 =	vadd.f32 v3, v2;
	v3 =	vadd.f32 v58, v57  }
0x73: {  	v61 =	vadd.f32 v60, v59  }
0x74: {  	v2 =	vadd.f32 v3, v2  }
0x75: {  	(xrf2) =	vadd.scan.msk.f32 $0xffff, v61  }
0x76: {  	(xrf2) =	vadd.scan.msk.f32 $0xffff, v2;
	_ =	sdelay $0x8  }
0x77: {  	s24 =	sadd.s32 $0x1, s24;
	v2, _, _ =	vpop (xrf2)  }
0x78: {  	p0 =	sne.s32 s24, $0x4;
	v3, _, _ =	vpop (xrf2)  }
.Ltmp1:
0x79: {  	v62 =	vmov s28;
	s0 =	sadd.s32 $0x1, s28;
	v3 =	vbroadcast v3, $0xF;
	(pc) =	sbr.rel @p0 .LBB2_2-.Ltmp1, $4  }
0x7a: {  	vm0 =	veq.s32 v62, v0;
	v63 =	vmov s0;
	v2 =	vbroadcast v2, $0xF  }
0x7b: {  	vm15 =	veq.s32 v63, v0;
	v1 =	vsel vm0, v3, v1  }
0x7c: {  	v1 =	vsel vm15, v2, v1  }
0x7d: {  	s22 =	sadd.s32 $0x800, s22;
	s23 =	sadd.s32 $0x800, s23;
	[tilespmem:s25+$0xC400] =	vst v1  }
0x7e: {  	s0 =	simm.s32 $0xC0  }
0x7f: {  	[tilespmem:s13], [sflag:$0x1] =	stream.indirect.gather [hbm4b:s1+s12], $0x80, s0, s12, $0xb8;
	[tilespmem:$0xC600] =	vst v63  }
0x80: {  	s30 =	simm.s32 $0x2C0  }
0x81: {  	[tilespmem:s14], [sflag:$0x1] =	stream.indirect.gather [hbm4b:s2+s12], $0x80, s30, s12, $0xb8;
	[tilespmem:$0xC600] =	vst v63  }
0x82: {  	_ =	swait.ge [sflag:s11], $0x2000  }
0x83: {  	[sflag:s11] =	ssyncset.done $0x0  }
0x84: {  	[sflag:s11] =	ssyncadd.s32 $0xFFFFE000  }
0x85: {  	_ =	swait.ge [sflag:s11], $0x2000  }
0x86: {  	s22 =	simm.s32 $0x0;
	[sflag:s11] =	ssyncset.done $0x0  }
0x87: {  	s23 =	simm.s32 $0x24F0;
	s31 =	simm.s32 $0x84F0;
	[sflag:s11] =	ssyncadd.s32 $0xFFFFE000  }
.LBB2_6:
0x88: {  	v1 =	vld [tilespmem:s23+$0xFFFFFF90]  }
0x89: {  	v11 =	vld [tilespmem:s31+$0xFFFFFF90]  }
0x8a: {  	v14 =	vld [tilespmem:s23+$0xFFFFFFA0]  }
0x8b: {  	v15 =	vld [tilespmem:s31+$0xFFFFFFA0]  }
0x8c: {  	v17 =	vld [tilespmem:s23+$0xFFFFFFB0]  }
0x8d: {  	v18 =	vld [tilespmem:s31+$0xFFFFFFB0]  }
0x8e: {  	v19 =	vld [tilespmem:s23+$0xFFFFFFC0]  }
0x8f: {  	v20 =	vld [tilespmem:s31+$0xFFFFFFC0]  }
0x90: {  	v21 =	vld [tilespmem:s23+$0xFFFFFFD0]  }
0x91: {  	v22 =	vld [tilespmem:s31+$0xFFFFFFD0]  }
0x92: {  	v23 =	vld [tilespmem:s23+$0xFFFFFFE0]  }
0x93: {  	v24 =	vld [tilespmem:s31+$0xFFFFFFE0]  }
0x94: {  	v25 =	vld [tilespmem:s23+$0xFFFFFFF0]  }
0x95: {  	v26 =	vld [tilespmem:s31+$0xFFFFFFF0]  }
0x96: {  	v27 =	vld [tilespmem:s23+$0x0]  }
0x97: {  	v28 =	vld [tilespmem:s31+$0x0]  }
0x98: {  	v29 =	vld [tilespmem:s23+$0xFFFFFF10]  }
0x99: {  	v30 =	vld [tilespmem:s31+$0xFFFFFF10]  }
0x9a: {  	v2 =	vld [tilespmem:s23+$0xFFFFFF20]  }
0x9b: {  	v3 =	vld [tilespmem:s31+$0xFFFFFF20]  }
0x9c: {  	v4 =	vld [tilespmem:s23+$0xFFFFFF30]  }
0x9d: {  	v6 =	vld [tilespmem:s31+$0xFFFFFF30]  }
0x9e: {  	v5 =	vld [tilespmem:s23+$0xFFFFFF40]  }
0x9f: {  	v7 =	vld [tilespmem:s31+$0xFFFFFF40]  }
0xa0: {  	v8 =	vld [tilespmem:s23+$0xFFFFFF50]  }
0xa1: {  	v9 =	vld [tilespmem:s31+$0xFFFFFF50]  }
0xa2: {  	v10 =	vld [tilespmem:s23+$0xFFFFFF60]  }
0xa3: {  	v12 =	vld [tilespmem:s31+$0xFFFFFF60];
	v13 =	vmul.f32 v11, v1  }
0xa4: {  	v11 =	vld [tilespmem:s23+$0xFFFFFF70];
	v16 =	vmul.f32 v15, v14;
	v17 =	vmul.f32 v18, v17  }
0xa5: {  	v14 =	vld [tilespmem:s31+$0xFFFFFF70];
	v19 =	vmul.f32 v20, v19;
	v18 =	vmul.f32 v22, v21  }
0xa6: {  	s25 =	sshll.u32 s22, $0x4;
	s29 =	sadd.s32 $0x100, s23;
	v15 =	vld [tilespmem:s23+$0xFFFFFF80];
	v21 =	vmul.f32 v24, v23;
	v22 =	vmul.f32 v26, v25  }
0xa7: {  	s30 =	simm.s32 $0x2;
	s24 =	smov.u32 s31;
	s28 =	simm.s32 $0x0;
	v1 =	vimm.f32 $0.0e+00;
	v20 =	vmul.f32 v30, v29;
	v23 =	vld [tilespmem:s31+$0xFFFFFF80];
	v24 =	vmul.f32 v28, v27  }
.LBB2_7:
0xa8: {  	v25 =	vld [tilespmem:s29+$0xFFFFFF90];
	p0 =	slt.u32 s30, $0xE;
	v2 =	vmul.f32 v3, v2;
	v3 =	vmul.f32 v6, v4;
	s24 =	sadd.s32 $0x100, s24  }
0xa9: {  	v4 =	vmul.f32 v7, v5;
	v5 =	vmul.f32 v9, v8;
	v26 =	vld [tilespmem:s24+$0xFFFFFF90]  }
0xaa: {  	v6 =	vmul.f32 v12, v10;
	v7 =	vadd.f32 v16, v13;
	v8 =	vadd.f32 v19, v17;
	v27 =	vld [tilespmem:s29+$0xFFFFFFA0]  }
0xab: {  	v10 =	vadd.f32 v21, v18;
	v9 =	vmul.f32 v14, v11;
	v11 =	vadd.f32 v24, v22;
	v16 =	vld [tilespmem:s24+$0xFFFFFFA0]  }
0xac: {  	v2 =	vadd.f32 v2, v20;
	v3 =	vadd.f32 v4, v3;
	v14 =	vld [tilespmem:s29+$0xFFFFFFB0];
	v12 =	vmul.f32 v23, v15  }
0xad: {  	v4 =	vadd.f32 v8, v7;
	v7 =	vadd.f32 v11, v10;
	v15 =	vld [tilespmem:s24+$0xFFFFFFB0]  }
0xae: {  	v5 =	vadd.f32 v6, v5;
	v18 =	vld [tilespmem:s29+$0xFFFFFFC0];
	v6 =	vadd.f32 v12, v9  }
0xaf: {  	v4 =	vadd.f32 v7, v4;
	v19 =	vld [tilespmem:s24+$0xFFFFFFC0]  }
0xb0: {  	v2 =	vadd.f32 v3, v2;
	v20 =	vld [tilespmem:s29+$0xFFFFFFD0];
	v3 =	vadd.f32 v6, v5  }
0xb1: {  	v21 =	vld [tilespmem:s24+$0xFFFFFFD0];
	(xrf2) =	vadd.scan.msk.f32 $0xffff, v4  }
0xb2: {  	v22 =	vld [tilespmem:s29+$0xFFFFFFE0];
	v2 =	vadd.f32 v3, v2  }
0xb3: {  	v23 =	vld [tilespmem:s24+$0xFFFFFFE0]  }
0xb4: {  	v24 =	vld [tilespmem:s29+$0xFFFFFFF0];
	(xrf2) =	vadd.scan.msk.f32 $0xffff, v2  }
0xb5: {  	v28 =	vld [tilespmem:s24+$0xFFFFFFF0]  }
0xb6: {  	v29 =	vld [tilespmem:s29+$0x0]  }
0xb7: {  	v30 =	vld [tilespmem:s24+$0x0]  }
0xb8: {  	v31 =	vld [tilespmem:s29+$0xFFFFFF10]  }
0xb9: {  	v32 =	vld [tilespmem:s24+$0xFFFFFF10]  }
0xba: {  	v2 =	vld [tilespmem:s29+$0xFFFFFF20]  }
0xbb: {  	v3 =	vld [tilespmem:s24+$0xFFFFFF20];
	v9, _, _ =	vpop (xrf2)  }
0xbc: {  	v4 =	vld [tilespmem:s29+$0xFFFFFF30]  }
0xbd: {  	v6 =	vld [tilespmem:s24+$0xFFFFFF30]  }
0xbe: {  	v5 =	vld [tilespmem:s29+$0xFFFFFF40];
	v8, _, _ =	vpop (xrf2)  }
0xbf: {  	s0 =	sadd.s32 $0x1, s28;
	v10 =	vmov s28;
	s28 =	smov.u32 s30;
	v7 =	vld [tilespmem:s24+$0xFFFFFF40];
	v11 =	vbroadcast v8, $0xF  }
0xc0: {  	vm0 =	veq.s32 v10, v0;
	v10 =	vmov s0;
	v12 =	vbroadcast v9, $0xF;
	v8 =	vld [tilespmem:s29+$0xFFFFFF50]  }
0xc1: {  	v9 =	vld [tilespmem:s24+$0xFFFFFF50];
	v1 =	vsel vm0, v11, v1;
	vm0 =	veq.s32 v10, v0  }
0xc2: {  	v10 =	vld [tilespmem:s29+$0xFFFFFF60];
	v1 =	vsel vm0, v12, v1  }
.Ltmp2:
0xc3: {  	v13 =	vmul.f32 v26, v25;
	v12 =	vld [tilespmem:s24+$0xFFFFFF60];
	(pc) =	sbr.rel @p0 .LBB2_7-.Ltmp2, $4  }
0xc4: {  	v16 =	vmul.f32 v16, v27;
	v17 =	vmul.f32 v15, v14;
	v11 =	vld [tilespmem:s29+$0xFFFFFF70]  }
0xc5: {  	v19 =	vmul.f32 v19, v18;
	v18 =	vmul.f32 v21, v20;
	v14 =	vld [tilespmem:s24+$0xFFFFFF70]  }
0xc6: {  	v21 =	vmul.f32 v23, v22;
	v22 =	vmul.f32 v28, v24;
	v15 =	vld [tilespmem:s29+$0xFFFFFF80]  }
0xc7: {  	s30 =	sadd.s32 $0x2, s30;
	v24 =	vmul.f32 v30, v29;
	v20 =	vmul.f32 v32, v31;
	s29 =	sadd.s32 $0x100, s29;
	v23 =	vld [tilespmem:s24+$0xFFFFFF80]  }
0xc8: {  	_ = 	snop  }
0xc9: {  	v2 =	vmul.f32 v3, v2;
	v3 =	vmul.f32 v6, v4  }
0xca: {  	v48 =	vmul.f32 v7, v5;
	v49 =	vmul.f32 v9, v8;
	v51 =	vadd.f32 v16, v13  }
0xcb: {  	v50 =	vmul.f32 v12, v10;
	v52 =	vadd.f32 v19, v17;
	v54 =	vadd.f32 v21, v18  }
0xcc: {  	v55 =	vadd.f32 v24, v22;
	v53 =	vmul.f32 v14, v11;
	v56 =	vmul.f32 v23, v15  }
0xcd: {  	v2 =	vadd.f32 v2, v20;
	v3 =	vadd.f32 v48, v3  }
0xce: {  	v57 =	vadd.f32 v50, v49;
	v58 =	vadd.f32 v56, v53  }
0xcf: {  	v59 =	vadd.f32 v52, v51;
	v60 =	vadd.f32 v55, v54  }
0xd0: {  	v2 =	vadd.f32 v3, v2;
	v3 =	vadd.f32 v58, v57  }
0xd1: {  	v61 =	vadd.f32 v60, v59  }
0xd2: {  	v2 =	vadd.f32 v3, v2  }
0xd3: {  	(xrf2) =	vadd.scan.msk.f32 $0xffff, v61  }
0xd4: {  	(xrf2) =	vadd.scan.msk.f32 $0xffff, v2;
	_ =	sdelay $0x8  }
0xd5: {  	s22 =	sadd.s32 $0x1, s22;
	v2, _, _ =	vpop (xrf2)  }
0xd6: {  	p0 =	sne.s32 s22, $0x4;
	v3, _, _ =	vpop (xrf2)  }
.Ltmp3:
0xd7: {  	v62 =	vmov s28;
	s0 =	sadd.s32 $0x1, s28;
	v3 =	vbroadcast v3, $0xF;
	(pc) =	sbr.rel @p0 .LBB2_6-.Ltmp3, $4  }
0xd8: {  	vm0 =	veq.s32 v62, v0;
	v63 =	vmov s0;
	v2 =	vbroadcast v2, $0xF  }
0xd9: {  	vm15 =	veq.s32 v63, v0;
	v1 =	vsel vm0, v3, v1  }
0xda: {  	v1 =	vsel vm15, v2, v1  }
0xdb: {  	s23 =	sadd.s32 $0x800, s23;
	s31 =	sadd.s32 $0x800, s31;
	[tilespmem:s25+$0xC440] =	vst v1  }
0xdc: {  	s0 =	simm.s32 $0x100  }
0xdd: {  	[tilespmem:s15], [sflag:$0x2] =	stream.indirect.gather [hbm4b:s1+s12], $0x80, s0, s12, $0xb8;
	[tilespmem:$0xC600] =	vst v63  }
0xde: {  	s31 =	simm.s32 $0x300  }
0xdf: {  	[tilespmem:s17], [sflag:$0x2] =	stream.indirect.gather [hbm4b:s2+s12], $0x80, s31, s12, $0xb8;
	[tilespmem:$0xC600] =	vst v63  }
0xe0: {  	_ =	swait.ge [sflag:s26], $0x2000  }
0xe1: {  	[sflag:s26] =	ssyncset.done $0x0  }
0xe2: {  	[sflag:s26] =	ssyncadd.s32 $0xFFFFE000  }
0xe3: {  	_ =	swait.ge [sflag:s26], $0x2000  }
0xe4: {  	[sflag:s26] =	ssyncset.done $0x0  }
0xe5: {  	s22 =	simm.s32 $0x0;
	s23 =	simm.s32 $0x0;
	[sflag:s26] =	ssyncadd.s32 $0xFFFFE000  }
.LBB2_10:
0xe6: {  	s25 =	sshra.s32 s22, $0x2  }
0xe7: {  	v1 =	vld [tilespmem:s25+$0x4480]  }
0xe8: {  	v15 =	vld [tilespmem:s25+$0xA480]  }
0xe9: {  	v18 =	vld [tilespmem:s25+$0x4490]  }
0xea: {  	v19 =	vld [tilespmem:s25+$0xA490]  }
0xeb: {  	v20 =	vld [tilespmem:s25+$0x44A0]  }
0xec: {  	v21 =	vld [tilespmem:s25+$0xA4A0]  }
0xed: {  	v22 =	vld [tilespmem:s25+$0x44B0]  }
0xee: {  	v23 =	vld [tilespmem:s25+$0xA4B0]  }
0xef: {  	v24 =	vld [tilespmem:s25+$0x44C0]  }
0xf0: {  	v25 =	vld [tilespmem:s25+$0xA4C0]  }
0xf1: {  	v26 =	vld [tilespmem:s25+$0x44D0]  }
0xf2: {  	v27 =	vld [tilespmem:s25+$0xA4D0]  }
0xf3: {  	v28 =	vld [tilespmem:s25+$0x44E0]  }
0xf4: {  	v29 =	vld [tilespmem:s25+$0xA4E0]  }
0xf5: {  	v2 =	vld [tilespmem:s25+$0x44F0]  }
0xf6: {  	v3 =	vld [tilespmem:s25+$0xA4F0]  }
0xf7: {  	v5 =	vld [tilespmem:s25+$0x4400]  }
0xf8: {  	v8 =	vld [tilespmem:s25+$0xA400]  }
0xf9: {  	v4 =	vld [tilespmem:s25+$0x4410]  }
0xfa: {  	v6 =	vld [tilespmem:s25+$0xA410]  }
0xfb: {  	v7 =	vld [tilespmem:s25+$0x4420]  }
0xfc: {  	v10 =	vld [tilespmem:s25+$0xA420]  }
0xfd: {  	v9 =	vld [tilespmem:s25+$0x4430]  }
0xfe: {  	v11 =	vld [tilespmem:s25+$0xA430]  }
0xff: {  	v12 =	vld [tilespmem:s25+$0x4440]  }
0x100: {  	v13 =	vld [tilespmem:s25+$0xA440]  }
0x101: {  	v14 =	vld [tilespmem:s25+$0x4450]  }
0x102: {  	v16 =	vld [tilespmem:s25+$0xA450];
	v17 =	vmul.f32 v15, v1  }
0x103: {  	v15 =	vld [tilespmem:s25+$0x4460];
	v18 =	vmul.f32 v19, v18;
	v19 =	vmul.f32 v21, v20  }
0x104: {  	s24 =	sshll.u32 s23, $0x4;
	v20 =	vld [tilespmem:s25+$0xA460];
	v23 =	vmul.f32 v23, v22;
	v22 =	vmul.f32 v25, v24  }
0x105: {  	s29 =	sadd.s32 $0x400, s22;
	s30 =	simm.s32 $0x2;
	s28 =	simm.s32 $0x0;
	v1 =	vimm.f32 $0.0e+00;
	v21 =	vld [tilespmem:s25+$0x4470];
	v24 =	vmul.f32 v27, v26;
	v25 =	vmul.f32 v29, v28  }
.LBB2_11:
0x106: {  	p0 =	slt.u32 s30, $0xE;
	v5 =	vmul.f32 v8, v5;
	v8 =	vld [tilespmem:s25+$0xA470];
	s25 =	sshra.s32 s29, $0x2;
	v2 =	vmul.f32 v3, v2  }
0x107: {  	v3 =	vmul.f32 v6, v4;
	v4 =	vmul.f32 v10, v7;
	v26 =	vld [tilespmem:s25+$0x4480]  }
0x108: {  	v6 =	vmul.f32 v11, v9;
	v7 =	vmul.f32 v13, v12;
	v27 =	vld [tilespmem:s25+$0xA480]  }
0x109: {  	v10 =	vadd.f32 v18, v17;
	v11 =	vadd.f32 v23, v19;
	v9 =	vmul.f32 v16, v14;
	v28 =	vld [tilespmem:s25+$0x4490]  }
0x10a: {  	v13 =	vadd.f32 v24, v22;
	v2 =	vadd.f32 v2, v25;
	v12 =	vmul.f32 v20, v15;
	v18 =	vld [tilespmem:s25+$0xA490]  }
0x10b: {  	v3 =	vadd.f32 v3, v5;
	v4 =	vadd.f32 v6, v4;
	v19 =	vld [tilespmem:s25+$0x44A0];
	v8 =	vmul.f32 v8, v21  }
0x10c: {  	v5 =	vadd.f32 v11, v10;
	v2 =	vadd.f32 v2, v13;
	v20 =	vld [tilespmem:s25+$0xA4A0]  }
0x10d: {  	v6 =	vadd.f32 v9, v7;
	v21 =	vld [tilespmem:s25+$0x44B0];
	v7 =	vadd.f32 v8, v12  }
0x10e: {  	v2 =	vadd.f32 v2, v5;
	v22 =	vld [tilespmem:s25+$0xA4B0]  }
0x10f: {  	v3 =	vadd.f32 v4, v3;
	v24 =	vld [tilespmem:s25+$0x44C0];
	v4 =	vadd.f32 v7, v6  }
0x110: {  	v25 =	vld [tilespmem:s25+$0xA4C0];
	(xrf2) =	vadd.scan.msk.f32 $0xffff, v2  }
0x111: {  	v29 =	vld [tilespmem:s25+$0x44D0];
	v2 =	vadd.f32 v4, v3  }
0x112: {  	v30 =	vld [tilespmem:s25+$0xA4D0]  }
0x113: {  	v31 =	vld [tilespmem:s25+$0x44E0];
	(xrf2) =	vadd.scan.msk.f32 $0xffff, v2  }
0x114: {  	v32 =	vld [tilespmem:s25+$0xA4E0]  }
0x115: {  	v2 =	vld [tilespmem:s25+$0x44F0]  }
0x116: {  	v3 =	vld [tilespmem:s25+$0xA4F0]  }
0x117: {  	v5 =	vld [tilespmem:s25+$0x4400]  }
0x118: {  	v8 =	vld [tilespmem:s25+$0xA400]  }
0x119: {  	v4 =	vld [tilespmem:s25+$0x4410]  }
0x11a: {  	v6 =	vld [tilespmem:s25+$0xA410];
	v13, _, _ =	vpop (xrf2)  }
0x11b: {  	v7 =	vld [tilespmem:s25+$0x4420]  }
0x11c: {  	v10 =	vld [tilespmem:s25+$0xA420]  }
0x11d: {  	v9 =	vld [tilespmem:s25+$0x4430];
	v12, _, _ =	vpop (xrf2)  }
0x11e: {  	s0 =	sadd.s32 $0x1, s28;
	v14 =	vmov s28;
	s28 =	smov.u32 s30;
	v11 =	vld [tilespmem:s25+$0xA430];
	v15 =	vbroadcast v12, $0xF  }
0x11f: {  	vm0 =	veq.s32 v14, v0;
	v14 =	vmov s0;
	v16 =	vbroadcast v13, $0xF;
	v12 =	vld [tilespmem:s25+$0x4440]  }
0x120: {  	v13 =	vld [tilespmem:s25+$0xA440];
	v1 =	vsel vm0, v15, v1;
	vm0 =	veq.s32 v14, v0  }
.Ltmp4:
0x121: {  	v14 =	vld [tilespmem:s25+$0x4450];
	v1 =	vsel vm0, v16, v1;
	(pc) =	sbr.rel @p0 .LBB2_11-.Ltmp4, $4  }
0x122: {  	v17 =	vmul.f32 v27, v26;
	v16 =	vld [tilespmem:s25+$0xA450]  }
0x123: {  	v18 =	vmul.f32 v18, v28;
	v19 =	vmul.f32 v20, v19;
	v15 =	vld [tilespmem:s25+$0x4460]  }
0x124: {  	v23 =	vmul.f32 v22, v21;
	v22 =	vmul.f32 v25, v24;
	v20 =	vld [tilespmem:s25+$0xA460]  }
0x125: {  	s29 =	sadd.s32 $0x400, s29;
	s30 =	sadd.s32 $0x2, s30;
	v24 =	vmul.f32 v30, v29;
	v25 =	vmul.f32 v32, v31;
	v21 =	vld [tilespmem:s25+$0x4470]  }
0x126: {  	v49 =	vld [tilespmem:s25+$0xA470]  }
0x127: {  	v5 =	vmul.f32 v8, v5;
	v2 =	vmul.f32 v3, v2  }
0x128: {  	v3 =	vmul.f32 v6, v4;
	v50 =	vmul.f32 v10, v7  }
0x129: {  	v51 =	vmul.f32 v11, v9;
	v52 =	vmul.f32 v13, v12;
	v54 =	vadd.f32 v18, v17  }
0x12a: {  	v55 =	vadd.f32 v23, v19;
	v53 =	vmul.f32 v16, v14;
	v57 =	vadd.f32 v24, v22  }
0x12b: {  	v2 =	vadd.f32 v2, v25;
	v56 =	vmul.f32 v20, v15;
	v8 =	vmul.f32 v49, v21  }
0x12c: {  	v3 =	vadd.f32 v3, v5;
	v4 =	vadd.f32 v51, v50  }
0x12d: {  	v58 =	vadd.f32 v53, v52;
	v59 =	vadd.f32 v8, v56  }
0x12e: {  	v60 =	vadd.f32 v55, v54;
	v2 =	vadd.f32 v2, v57  }
0x12f: {  	v3 =	vadd.f32 v4, v3;
	v61 =	vadd.f32 v59, v58  }
0x130: {  	v2 =	vadd.f32 v2, v60  }
0x131: {  	v3 =	vadd.f32 v61, v3  }
0x132: {  	(xrf2) =	vadd.scan.msk.f32 $0xffff, v2  }
0x133: {  	(xrf2) =	vadd.scan.msk.f32 $0xffff, v3;
	_ =	sdelay $0x8  }
0x134: {  	s23 =	sadd.s32 $0x1, s23;
	v2, _, _ =	vpop (xrf2)  }
0x135: {  	p0 =	sne.s32 s23, $0x4;
	v3, _, _ =	vpop (xrf2)  }
.Ltmp5:
0x136: {  	v62 =	vmov s28;
	s0 =	sadd.s32 $0x1, s28;
	v3 =	vbroadcast v3, $0xF;
	(pc) =	sbr.rel @p0 .LBB2_10-.Ltmp5, $4  }
0x137: {  	vm0 =	veq.s32 v62, v0;
	v63 =	vmov s0;
	v2 =	vbroadcast v2, $0xF  }
0x138: {  	vm15 =	veq.s32 v63, v0;
	v1 =	vsel vm0, v3, v1  }
0x139: {  	v1 =	vsel vm15, v2, v1  }
0x13a: {  	s22 =	sadd.s32 $0x2000, s22;
	[tilespmem:s24+$0xC480] =	vst v1  }
0x13b: {  	s0 =	simm.s32 $0x140  }
0x13c: {  	[tilespmem:s19], [sflag:$0x3] =	stream.indirect.gather [hbm4b:s1+s12], $0x80, s0, s12, $0xb8;
	[tilespmem:$0xC600] =	vst v63  }
0x13d: {  	s31 =	simm.s32 $0x340  }
0x13e: {  	[tilespmem:s21], [sflag:$0x3] =	stream.indirect.gather [hbm4b:s2+s12], $0x80, s31, s12, $0xb8;
	[tilespmem:$0xC600] =	vst v63  }
0x13f: {  	_ =	swait.ge [sflag:s10], $0x2000  }
0x140: {  	[sflag:s10] =	ssyncset.done $0x0  }
0x141: {  	[sflag:s10] =	ssyncadd.s32 $0xFFFFE000  }
0x142: {  	_ =	swait.ge [sflag:s10], $0x2000  }
0x143: {  	s22 =	simm.s32 $0x0;
	[sflag:s10] =	ssyncset.done $0x0  }
0x144: {  	s23 =	simm.s32 $0x6480;
	s24 =	simm.s32 $0x480;
	[sflag:s10] =	ssyncadd.s32 $0xFFFFE000  }
.LBB2_14:
0x145: {  	v1 =	vld [tilespmem:s24+$0x0]  }
0x146: {  	v11 =	vld [tilespmem:s23+$0x0]  }
0x147: {  	v14 =	vld [tilespmem:s24+$0x10]  }
0x148: {  	v15 =	vld [tilespmem:s23+$0x10]  }
0x149: {  	v17 =	vld [tilespmem:s24+$0x20]  }
0x14a: {  	v18 =	vld [tilespmem:s23+$0x20]  }
0x14b: {  	v19 =	vld [tilespmem:s24+$0x30]  }
0x14c: {  	v20 =	vld [tilespmem:s23+$0x30]  }
0x14d: {  	v21 =	vld [tilespmem:s24+$0x40]  }
0x14e: {  	v22 =	vld [tilespmem:s23+$0x40]  }
0x14f: {  	v23 =	vld [tilespmem:s24+$0x50]  }
0x150: {  	v24 =	vld [tilespmem:s23+$0x50]  }
0x151: {  	v25 =	vld [tilespmem:s24+$0x60]  }
0x152: {  	v26 =	vld [tilespmem:s23+$0x60]  }
0x153: {  	v27 =	vld [tilespmem:s24+$0x70]  }
0x154: {  	v28 =	vld [tilespmem:s23+$0x70]  }
0x155: {  	v29 =	vld [tilespmem:s24+$0xFFFFFF80]  }
0x156: {  	v30 =	vld [tilespmem:s23+$0xFFFFFF80]  }
0x157: {  	v2 =	vld [tilespmem:s24+$0xFFFFFF90]  }
0x158: {  	v3 =	vld [tilespmem:s23+$0xFFFFFF90]  }
0x159: {  	v4 =	vld [tilespmem:s24+$0xFFFFFFA0]  }
0x15a: {  	v6 =	vld [tilespmem:s23+$0xFFFFFFA0]  }
0x15b: {  	v5 =	vld [tilespmem:s24+$0xFFFFFFB0]  }
0x15c: {  	v7 =	vld [tilespmem:s23+$0xFFFFFFB0]  }
0x15d: {  	v8 =	vld [tilespmem:s24+$0xFFFFFFC0]  }
0x15e: {  	v9 =	vld [tilespmem:s23+$0xFFFFFFC0]  }
0x15f: {  	v10 =	vld [tilespmem:s24+$0xFFFFFFD0]  }
0x160: {  	v12 =	vld [tilespmem:s23+$0xFFFFFFD0];
	v13 =	vmul.f32 v11, v1  }
0x161: {  	v11 =	vld [tilespmem:s24+$0xFFFFFFE0];
	v16 =	vmul.f32 v15, v14;
	v17 =	vmul.f32 v18, v17  }
0x162: {  	v14 =	vld [tilespmem:s23+$0xFFFFFFE0];
	v19 =	vmul.f32 v20, v19;
	v18 =	vmul.f32 v22, v21  }
0x163: {  	s25 =	sshll.u32 s22, $0x4;
	s29 =	sadd.s32 $0x100, s24;
	v15 =	vld [tilespmem:s24+$0xFFFFFFF0];
	v21 =	vmul.f32 v24, v23;
	v22 =	vmul.f32 v26, v25  }
0x164: {  	s30 =	simm.s32 $0x2;
	s31 =	smov.u32 s23;
	s28 =	simm.s32 $0x0;
	v1 =	vimm.f32 $0.0e+00;
	v20 =	vmul.f32 v30, v29;
	v23 =	vld [tilespmem:s23+$0xFFFFFFF0];
	v24 =	vmul.f32 v28, v27  }
.LBB2_15:
0x165: {  	v25 =	vld [tilespmem:s29+$0x0];
	p0 =	slt.u32 s30, $0xE;
	v2 =	vmul.f32 v3, v2;
	v3 =	vmul.f32 v6, v4;
	s31 =	sadd.s32 $0x100, s31  }
0x166: {  	v4 =	vmul.f32 v7, v5;
	v5 =	vmul.f32 v9, v8;
	v26 =	vld [tilespmem:s31+$0x0]  }
0x167: {  	v6 =	vmul.f32 v12, v10;
	v7 =	vadd.f32 v16, v13;
	v8 =	vadd.f32 v19, v17;
	v27 =	vld [tilespmem:s29+$0x10]  }
0x168: {  	v10 =	vadd.f32 v21, v18;
	v9 =	vmul.f32 v14, v11;
	v11 =	vadd.f32 v24, v22;
	v16 =	vld [tilespmem:s31+$0x10]  }
0x169: {  	v2 =	vadd.f32 v2, v20;
	v3 =	vadd.f32 v4, v3;
	v14 =	vld [tilespmem:s29+$0x20];
	v12 =	vmul.f32 v23, v15  }
0x16a: {  	v4 =	vadd.f32 v8, v7;
	v7 =	vadd.f32 v11, v10;
	v15 =	vld [tilespmem:s31+$0x20]  }
0x16b: {  	v5 =	vadd.f32 v6, v5;
	v18 =	vld [tilespmem:s29+$0x30];
	v6 =	vadd.f32 v12, v9  }
0x16c: {  	v4 =	vadd.f32 v7, v4;
	v19 =	vld [tilespmem:s31+$0x30]  }
0x16d: {  	v2 =	vadd.f32 v3, v2;
	v20 =	vld [tilespmem:s29+$0x40];
	v3 =	vadd.f32 v6, v5  }
0x16e: {  	v21 =	vld [tilespmem:s31+$0x40];
	(xrf2) =	vadd.scan.msk.f32 $0xffff, v4  }
0x16f: {  	v22 =	vld [tilespmem:s29+$0x50];
	v2 =	vadd.f32 v3, v2  }
0x170: {  	v23 =	vld [tilespmem:s31+$0x50]  }
0x171: {  	v24 =	vld [tilespmem:s29+$0x60];
	(xrf2) =	vadd.scan.msk.f32 $0xffff, v2  }
0x172: {  	v28 =	vld [tilespmem:s31+$0x60]  }
0x173: {  	v29 =	vld [tilespmem:s29+$0x70]  }
0x174: {  	v30 =	vld [tilespmem:s31+$0x70]  }
0x175: {  	v31 =	vld [tilespmem:s29+$0xFFFFFF80]  }
0x176: {  	v32 =	vld [tilespmem:s31+$0xFFFFFF80]  }
0x177: {  	v2 =	vld [tilespmem:s29+$0xFFFFFF90]  }
0x178: {  	v3 =	vld [tilespmem:s31+$0xFFFFFF90];
	v9, _, _ =	vpop (xrf2)  }
0x179: {  	v4 =	vld [tilespmem:s29+$0xFFFFFFA0]  }
0x17a: {  	v6 =	vld [tilespmem:s31+$0xFFFFFFA0]  }
0x17b: {  	v5 =	vld [tilespmem:s29+$0xFFFFFFB0];
	v8, _, _ =	vpop (xrf2)  }
0x17c: {  	s0 =	sadd.s32 $0x1, s28;
	v10 =	vmov s28;
	s28 =	smov.u32 s30;
	v7 =	vld [tilespmem:s31+$0xFFFFFFB0];
	v11 =	vbroadcast v8, $0xF  }
0x17d: {  	vm0 =	veq.s32 v10, v0;
	v10 =	vmov s0;
	v12 =	vbroadcast v9, $0xF;
	v8 =	vld [tilespmem:s29+$0xFFFFFFC0]  }
0x17e: {  	v9 =	vld [tilespmem:s31+$0xFFFFFFC0];
	v1 =	vsel vm0, v11, v1;
	vm0 =	veq.s32 v10, v0  }
0x17f: {  	v10 =	vld [tilespmem:s29+$0xFFFFFFD0];
	v1 =	vsel vm0, v12, v1  }
.Ltmp6:
0x180: {  	v13 =	vmul.f32 v26, v25;
	v12 =	vld [tilespmem:s31+$0xFFFFFFD0];
	(pc) =	sbr.rel @p0 .LBB2_15-.Ltmp6, $4  }
0x181: {  	v16 =	vmul.f32 v16, v27;
	v17 =	vmul.f32 v15, v14;
	v11 =	vld [tilespmem:s29+$0xFFFFFFE0]  }
0x182: {  	v19 =	vmul.f32 v19, v18;
	v18 =	vmul.f32 v21, v20;
	v14 =	vld [tilespmem:s31+$0xFFFFFFE0]  }
0x183: {  	v21 =	vmul.f32 v23, v22;
	v22 =	vmul.f32 v28, v24;
	v15 =	vld [tilespmem:s29+$0xFFFFFFF0]  }
0x184: {  	s30 =	sadd.s32 $0x2, s30;
	v24 =	vmul.f32 v30, v29;
	v20 =	vmul.f32 v32, v31;
	s29 =	sadd.s32 $0x100, s29;
	v23 =	vld [tilespmem:s31+$0xFFFFFFF0]  }
0x185: {  	_ = 	snop  }
0x186: {  	v2 =	vmul.f32 v3, v2;
	v3 =	vmul.f32 v6, v4  }
0x187: {  	v48 =	vmul.f32 v7, v5;
	v49 =	vmul.f32 v9, v8;
	v51 =	vadd.f32 v16, v13  }
0x188: {  	v50 =	vmul.f32 v12, v10;
	v52 =	vadd.f32 v19, v17;
	v54 =	vadd.f32 v21, v18  }
0x189: {  	v55 =	vadd.f32 v24, v22;
	v53 =	vmul.f32 v14, v11;
	v56 =	vmul.f32 v23, v15  }
0x18a: {  	v2 =	vadd.f32 v2, v20;
	v3 =	vadd.f32 v48, v3  }
0x18b: {  	v57 =	vadd.f32 v50, v49;
	v58 =	vadd.f32 v56, v53  }
0x18c: {  	v59 =	vadd.f32 v52, v51;
	v60 =	vadd.f32 v55, v54  }
0x18d: {  	v2 =	vadd.f32 v3, v2;
	v3 =	vadd.f32 v58, v57  }
0x18e: {  	v61 =	vadd.f32 v60, v59  }
0x18f: {  	v2 =	vadd.f32 v3, v2  }
0x190: {  	(xrf2) =	vadd.scan.msk.f32 $0xffff, v61  }
0x191: {  	(xrf2) =	vadd.scan.msk.f32 $0xffff, v2;
	_ =	sdelay $0x8  }
0x192: {  	s22 =	sadd.s32 $0x1, s22;
	v2, _, _ =	vpop (xrf2)  }
0x193: {  	p0 =	sne.s32 s22, $0x4;
	v3, _, _ =	vpop (xrf2)  }
.Ltmp7:
0x194: {  	v62 =	vmov s28;
	s0 =	sadd.s32 $0x1, s28;
	v3 =	vbroadcast v3, $0xF;
	(pc) =	sbr.rel @p0 .LBB2_14-.Ltmp7, $4  }
0x195: {  	vm0 =	veq.s32 v62, v0;
	v63 =	vmov s0;
	v2 =	vbroadcast v2, $0xF  }
0x196: {  	vm15 =	veq.s32 v63, v0;
	v1 =	vsel vm0, v3, v1  }
0x197: {  	v1 =	vsel vm15, v2, v1  }
0x198: {  	s23 =	sadd.s32 $0x800, s23;
	s24 =	sadd.s32 $0x800, s24;
	[tilespmem:s25+$0xC4C0] =	vst v1  }
0x199: {  	s0 =	simm.s32 $0x180  }
0x19a: {  	[tilespmem:s13], [sflag:$0x1] =	stream.indirect.gather [hbm4b:s1+s12], $0x80, s0, s12, $0xb8;
	[tilespmem:$0xC600] =	vst v63  }
0x19b: {  	s31 =	simm.s32 $0x380  }
0x19c: {  	[tilespmem:s14], [sflag:$0x1] =	stream.indirect.gather [hbm4b:s2+s12], $0x80, s31, s12, $0xb8;
	[tilespmem:$0xC600] =	vst v63  }
0x19d: {  	_ =	swait.ge [sflag:s11], $0x2000  }
0x19e: {  	[sflag:s11] =	ssyncset.done $0x0  }
0x19f: {  	[sflag:s11] =	ssyncadd.s32 $0xFFFFE000  }
0x1a0: {  	_ =	swait.ge [sflag:s11], $0x2000  }
0x1a1: {  	s22 =	simm.s32 $0x0;
	[sflag:s11] =	ssyncset.done $0x0  }
0x1a2: {  	s23 =	simm.s32 $0x24F0;
	s24 =	simm.s32 $0x84F0;
	[sflag:s11] =	ssyncadd.s32 $0xFFFFE000  }
.LBB2_18:
0x1a3: {  	v1 =	vld [tilespmem:s23+$0xFFFFFF90]  }
0x1a4: {  	v11 =	vld [tilespmem:s24+$0xFFFFFF90]  }
0x1a5: {  	v14 =	vld [tilespmem:s23+$0xFFFFFFA0]  }
0x1a6: {  	v15 =	vld [tilespmem:s24+$0xFFFFFFA0]  }
0x1a7: {  	v17 =	vld [tilespmem:s23+$0xFFFFFFB0]  }
0x1a8: {  	v18 =	vld [tilespmem:s24+$0xFFFFFFB0]  }
0x1a9: {  	v19 =	vld [tilespmem:s23+$0xFFFFFFC0]  }
0x1aa: {  	v20 =	vld [tilespmem:s24+$0xFFFFFFC0]  }
0x1ab: {  	v21 =	vld [tilespmem:s23+$0xFFFFFFD0]  }
0x1ac: {  	v22 =	vld [tilespmem:s24+$0xFFFFFFD0]  }
0x1ad: {  	v23 =	vld [tilespmem:s23+$0xFFFFFFE0]  }
0x1ae: {  	v24 =	vld [tilespmem:s24+$0xFFFFFFE0]  }
0x1af: {  	v25 =	vld [tilespmem:s23+$0xFFFFFFF0]  }
0x1b0: {  	v26 =	vld [tilespmem:s24+$0xFFFFFFF0]  }
0x1b1: {  	v27 =	vld [tilespmem:s23+$0x0]  }
0x1b2: {  	v28 =	vld [tilespmem:s24+$0x0]  }
0x1b3: {  	v29 =	vld [tilespmem:s23+$0xFFFFFF10]  }
0x1b4: {  	v30 =	vld [tilespmem:s24+$0xFFFFFF10]  }
0x1b5: {  	v2 =	vld [tilespmem:s23+$0xFFFFFF20]  }
0x1b6: {  	v3 =	vld [tilespmem:s24+$0xFFFFFF20]  }
0x1b7: {  	v4 =	vld [tilespmem:s23+$0xFFFFFF30]  }
0x1b8: {  	v6 =	vld [tilespmem:s24+$0xFFFFFF30]  }
0x1b9: {  	v5 =	vld [tilespmem:s23+$0xFFFFFF40]  }
0x1ba: {  	v7 =	vld [tilespmem:s24+$0xFFFFFF40]  }
0x1bb: {  	v8 =	vld [tilespmem:s23+$0xFFFFFF50]  }
0x1bc: {  	v9 =	vld [tilespmem:s24+$0xFFFFFF50]  }
0x1bd: {  	v10 =	vld [tilespmem:s23+$0xFFFFFF60]  }
0x1be: {  	v12 =	vld [tilespmem:s24+$0xFFFFFF60];
	v13 =	vmul.f32 v11, v1  }
0x1bf: {  	v11 =	vld [tilespmem:s23+$0xFFFFFF70];
	v16 =	vmul.f32 v15, v14;
	v17 =	vmul.f32 v18, v17  }
0x1c0: {  	v14 =	vld [tilespmem:s24+$0xFFFFFF70];
	v19 =	vmul.f32 v20, v19;
	v18 =	vmul.f32 v22, v21  }
0x1c1: {  	s25 =	sshll.u32 s22, $0x4;
	s29 =	sadd.s32 $0x100, s23;
	v15 =	vld [tilespmem:s23+$0xFFFFFF80];
	v21 =	vmul.f32 v24, v23;
	v22 =	vmul.f32 v26, v25  }
0x1c2: {  	s30 =	simm.s32 $0x2;
	s31 =	smov.u32 s24;
	s28 =	simm.s32 $0x0;
	v1 =	vimm.f32 $0.0e+00;
	v20 =	vmul.f32 v30, v29;
	v23 =	vld [tilespmem:s24+$0xFFFFFF80];
	v24 =	vmul.f32 v28, v27  }
.LBB2_19:
0x1c3: {  	v25 =	vld [tilespmem:s29+$0xFFFFFF90];
	p0 =	slt.u32 s30, $0xE;
	v2 =	vmul.f32 v3, v2;
	v3 =	vmul.f32 v6, v4;
	s31 =	sadd.s32 $0x100, s31  }
0x1c4: {  	v4 =	vmul.f32 v7, v5;
	v5 =	vmul.f32 v9, v8;
	v26 =	vld [tilespmem:s31+$0xFFFFFF90]  }
0x1c5: {  	v6 =	vmul.f32 v12, v10;
	v7 =	vadd.f32 v16, v13;
	v8 =	vadd.f32 v19, v17;
	v27 =	vld [tilespmem:s29+$0xFFFFFFA0]  }
0x1c6: {  	v10 =	vadd.f32 v21, v18;
	v9 =	vmul.f32 v14, v11;
	v11 =	vadd.f32 v24, v22;
	v16 =	vld [tilespmem:s31+$0xFFFFFFA0]  }
0x1c7: {  	v2 =	vadd.f32 v2, v20;
	v3 =	vadd.f32 v4, v3;
	v14 =	vld [tilespmem:s29+$0xFFFFFFB0];
	v12 =	vmul.f32 v23, v15  }
0x1c8: {  	v4 =	vadd.f32 v8, v7;
	v7 =	vadd.f32 v11, v10;
	v15 =	vld [tilespmem:s31+$0xFFFFFFB0]  }
0x1c9: {  	v5 =	vadd.f32 v6, v5;
	v18 =	vld [tilespmem:s29+$0xFFFFFFC0];
	v6 =	vadd.f32 v12, v9  }
0x1ca: {  	v4 =	vadd.f32 v7, v4;
	v19 =	vld [tilespmem:s31+$0xFFFFFFC0]  }
0x1cb: {  	v2 =	vadd.f32 v3, v2;
	v20 =	vld [tilespmem:s29+$0xFFFFFFD0];
	v3 =	vadd.f32 v6, v5  }
0x1cc: {  	v21 =	vld [tilespmem:s31+$0xFFFFFFD0];
	(xrf2) =	vadd.scan.msk.f32 $0xffff, v4  }
0x1cd: {  	v22 =	vld [tilespmem:s29+$0xFFFFFFE0];
	v2 =	vadd.f32 v3, v2  }
0x1ce: {  	v23 =	vld [tilespmem:s31+$0xFFFFFFE0]  }
0x1cf: {  	v24 =	vld [tilespmem:s29+$0xFFFFFFF0];
	(xrf2) =	vadd.scan.msk.f32 $0xffff, v2  }
0x1d0: {  	v28 =	vld [tilespmem:s31+$0xFFFFFFF0]  }
0x1d1: {  	v29 =	vld [tilespmem:s29+$0x0]  }
0x1d2: {  	v30 =	vld [tilespmem:s31+$0x0]  }
0x1d3: {  	v31 =	vld [tilespmem:s29+$0xFFFFFF10]  }
0x1d4: {  	v32 =	vld [tilespmem:s31+$0xFFFFFF10]  }
0x1d5: {  	v2 =	vld [tilespmem:s29+$0xFFFFFF20]  }
0x1d6: {  	v3 =	vld [tilespmem:s31+$0xFFFFFF20];
	v9, _, _ =	vpop (xrf2)  }
0x1d7: {  	v4 =	vld [tilespmem:s29+$0xFFFFFF30]  }
0x1d8: {  	v6 =	vld [tilespmem:s31+$0xFFFFFF30]  }
0x1d9: {  	v5 =	vld [tilespmem:s29+$0xFFFFFF40];
	v8, _, _ =	vpop (xrf2)  }
0x1da: {  	s0 =	sadd.s32 $0x1, s28;
	v10 =	vmov s28;
	s28 =	smov.u32 s30;
	v7 =	vld [tilespmem:s31+$0xFFFFFF40];
	v11 =	vbroadcast v8, $0xF  }
0x1db: {  	vm0 =	veq.s32 v10, v0;
	v10 =	vmov s0;
	v12 =	vbroadcast v9, $0xF;
	v8 =	vld [tilespmem:s29+$0xFFFFFF50]  }
0x1dc: {  	v9 =	vld [tilespmem:s31+$0xFFFFFF50];
	v1 =	vsel vm0, v11, v1;
	vm0 =	veq.s32 v10, v0  }
0x1dd: {  	v10 =	vld [tilespmem:s29+$0xFFFFFF60];
	v1 =	vsel vm0, v12, v1  }
.Ltmp8:
0x1de: {  	v13 =	vmul.f32 v26, v25;
	v12 =	vld [tilespmem:s31+$0xFFFFFF60];
	(pc) =	sbr.rel @p0 .LBB2_19-.Ltmp8, $4  }
0x1df: {  	v16 =	vmul.f32 v16, v27;
	v17 =	vmul.f32 v15, v14;
	v11 =	vld [tilespmem:s29+$0xFFFFFF70]  }
0x1e0: {  	v19 =	vmul.f32 v19, v18;
	v18 =	vmul.f32 v21, v20;
	v14 =	vld [tilespmem:s31+$0xFFFFFF70]  }
0x1e1: {  	v21 =	vmul.f32 v23, v22;
	v22 =	vmul.f32 v28, v24;
	v15 =	vld [tilespmem:s29+$0xFFFFFF80]  }
0x1e2: {  	s30 =	sadd.s32 $0x2, s30;
	v24 =	vmul.f32 v30, v29;
	v20 =	vmul.f32 v32, v31;
	s29 =	sadd.s32 $0x100, s29;
	v23 =	vld [tilespmem:s31+$0xFFFFFF80]  }
0x1e3: {  	_ = 	snop  }
0x1e4: {  	v2 =	vmul.f32 v3, v2;
	v3 =	vmul.f32 v6, v4  }
0x1e5: {  	v48 =	vmul.f32 v7, v5;
	v49 =	vmul.f32 v9, v8;
	v51 =	vadd.f32 v16, v13  }
0x1e6: {  	v50 =	vmul.f32 v12, v10;
	v52 =	vadd.f32 v19, v17;
	v54 =	vadd.f32 v21, v18  }
0x1e7: {  	v55 =	vadd.f32 v24, v22;
	v53 =	vmul.f32 v14, v11;
	v56 =	vmul.f32 v23, v15  }
0x1e8: {  	v2 =	vadd.f32 v2, v20;
	v3 =	vadd.f32 v48, v3  }
0x1e9: {  	v57 =	vadd.f32 v50, v49;
	v58 =	vadd.f32 v56, v53  }
0x1ea: {  	v59 =	vadd.f32 v52, v51;
	v60 =	vadd.f32 v55, v54  }
0x1eb: {  	v2 =	vadd.f32 v3, v2;
	v3 =	vadd.f32 v58, v57  }
0x1ec: {  	v61 =	vadd.f32 v60, v59  }
0x1ed: {  	v2 =	vadd.f32 v3, v2  }
0x1ee: {  	(xrf2) =	vadd.scan.msk.f32 $0xffff, v61  }
0x1ef: {  	(xrf2) =	vadd.scan.msk.f32 $0xffff, v2;
	_ =	sdelay $0x8  }
0x1f0: {  	s22 =	sadd.s32 $0x1, s22;
	v2, _, _ =	vpop (xrf2)  }
0x1f1: {  	p0 =	sne.s32 s22, $0x4;
	v3, _, _ =	vpop (xrf2)  }
.Ltmp9:
0x1f2: {  	v62 =	vmov s28;
	s0 =	sadd.s32 $0x1, s28;
	v3 =	vbroadcast v3, $0xF;
	(pc) =	sbr.rel @p0 .LBB2_18-.Ltmp9, $4  }
0x1f3: {  	vm0 =	veq.s32 v62, v0;
	v63 =	vmov s0;
	v2 =	vbroadcast v2, $0xF  }
0x1f4: {  	vm15 =	veq.s32 v63, v0;
	v1 =	vsel vm0, v3, v1  }
0x1f5: {  	v1 =	vsel vm15, v2, v1  }
0x1f6: {  	s23 =	sadd.s32 $0x800, s23;
	s24 =	sadd.s32 $0x800, s24;
	[tilespmem:s25+$0xC500] =	vst v1  }
0x1f7: {  	s0 =	simm.s32 $0x1C0  }
0x1f8: {  	[tilespmem:s15], [sflag:$0x2] =	stream.indirect.gather [hbm4b:s1+s12], $0x80, s0, s12, $0xb8;
	[tilespmem:$0xC600] =	vst v63  }
0x1f9: {  	_ = 	snop  }
0x1fa: {  	[tilespmem:s17], [sflag:$0x2] =	stream.indirect.gather [hbm4b:s2+s12], $0x80, s3, s12, $0xb8;
	[tilespmem:$0xC600] =	vst v63  }
0x1fb: {  	_ =	swait.ge [sflag:s26], $0x2000  }
0x1fc: {  	[sflag:s26] =	ssyncset.done $0x0  }
0x1fd: {  	[sflag:s26] =	ssyncadd.s32 $0xFFFFE000  }
0x1fe: {  	_ =	swait.ge [sflag:s26], $0x2000  }
0x1ff: {  	[sflag:s26] =	ssyncset.done $0x0  }
0x200: {  	s22 =	simm.s32 $0x0;
	s23 =	simm.s32 $0x0;
	[sflag:s26] =	ssyncadd.s32 $0xFFFFE000  }
.LBB2_22:
0x201: {  	s25 =	sshra.s32 s22, $0x2  }
0x202: {  	v1 =	vld [tilespmem:s25+$0x4480]  }
0x203: {  	v15 =	vld [tilespmem:s25+$0xA480]  }
0x204: {  	v18 =	vld [tilespmem:s25+$0x4490]  }
0x205: {  	v19 =	vld [tilespmem:s25+$0xA490]  }
0x206: {  	v20 =	vld [tilespmem:s25+$0x44A0]  }
0x207: {  	v21 =	vld [tilespmem:s25+$0xA4A0]  }
0x208: {  	v22 =	vld [tilespmem:s25+$0x44B0]  }
0x209: {  	v23 =	vld [tilespmem:s25+$0xA4B0]  }
0x20a: {  	v24 =	vld [tilespmem:s25+$0x44C0]  }
0x20b: {  	v25 =	vld [tilespmem:s25+$0xA4C0]  }
0x20c: {  	v26 =	vld [tilespmem:s25+$0x44D0]  }
0x20d: {  	v27 =	vld [tilespmem:s25+$0xA4D0]  }
0x20e: {  	v28 =	vld [tilespmem:s25+$0x44E0]  }
0x20f: {  	v29 =	vld [tilespmem:s25+$0xA4E0]  }
0x210: {  	v2 =	vld [tilespmem:s25+$0x44F0]  }
0x211: {  	v3 =	vld [tilespmem:s25+$0xA4F0]  }
0x212: {  	v5 =	vld [tilespmem:s25+$0x4400]  }
0x213: {  	v8 =	vld [tilespmem:s25+$0xA400]  }
0x214: {  	v4 =	vld [tilespmem:s25+$0x4410]  }
0x215: {  	v6 =	vld [tilespmem:s25+$0xA410]  }
0x216: {  	v7 =	vld [tilespmem:s25+$0x4420]  }
0x217: {  	v10 =	vld [tilespmem:s25+$0xA420]  }
0x218: {  	v9 =	vld [tilespmem:s25+$0x4430]  }
0x219: {  	v11 =	vld [tilespmem:s25+$0xA430]  }
0x21a: {  	v12 =	vld [tilespmem:s25+$0x4440]  }
0x21b: {  	v13 =	vld [tilespmem:s25+$0xA440]  }
0x21c: {  	v14 =	vld [tilespmem:s25+$0x4450]  }
0x21d: {  	v16 =	vld [tilespmem:s25+$0xA450];
	v17 =	vmul.f32 v15, v1  }
0x21e: {  	v15 =	vld [tilespmem:s25+$0x4460];
	v18 =	vmul.f32 v19, v18;
	v19 =	vmul.f32 v21, v20  }
0x21f: {  	s24 =	sshll.u32 s23, $0x4;
	v20 =	vld [tilespmem:s25+$0xA460];
	v23 =	vmul.f32 v23, v22;
	v22 =	vmul.f32 v25, v24  }
0x220: {  	s29 =	sadd.s32 $0x400, s22;
	s30 =	simm.s32 $0x2;
	s28 =	simm.s32 $0x0;
	v1 =	vimm.f32 $0.0e+00;
	v21 =	vld [tilespmem:s25+$0x4470];
	v24 =	vmul.f32 v27, v26;
	v25 =	vmul.f32 v29, v28  }
.LBB2_23:
0x221: {  	p0 =	slt.u32 s30, $0xE;
	v5 =	vmul.f32 v8, v5;
	v8 =	vld [tilespmem:s25+$0xA470];
	s25 =	sshra.s32 s29, $0x2;
	v2 =	vmul.f32 v3, v2  }
0x222: {  	v3 =	vmul.f32 v6, v4;
	v4 =	vmul.f32 v10, v7;
	v26 =	vld [tilespmem:s25+$0x4480]  }
0x223: {  	v6 =	vmul.f32 v11, v9;
	v7 =	vmul.f32 v13, v12;
	v27 =	vld [tilespmem:s25+$0xA480]  }
0x224: {  	v10 =	vadd.f32 v18, v17;
	v11 =	vadd.f32 v23, v19;
	v9 =	vmul.f32 v16, v14;
	v28 =	vld [tilespmem:s25+$0x4490]  }
0x225: {  	v13 =	vadd.f32 v24, v22;
	v2 =	vadd.f32 v2, v25;
	v12 =	vmul.f32 v20, v15;
	v18 =	vld [tilespmem:s25+$0xA490]  }
0x226: {  	v3 =	vadd.f32 v3, v5;
	v4 =	vadd.f32 v6, v4;
	v19 =	vld [tilespmem:s25+$0x44A0];
	v8 =	vmul.f32 v8, v21  }
0x227: {  	v5 =	vadd.f32 v11, v10;
	v2 =	vadd.f32 v2, v13;
	v20 =	vld [tilespmem:s25+$0xA4A0]  }
0x228: {  	v6 =	vadd.f32 v9, v7;
	v21 =	vld [tilespmem:s25+$0x44B0];
	v7 =	vadd.f32 v8, v12  }
0x229: {  	v2 =	vadd.f32 v2, v5;
	v22 =	vld [tilespmem:s25+$0xA4B0]  }
0x22a: {  	v3 =	vadd.f32 v4, v3;
	v24 =	vld [tilespmem:s25+$0x44C0];
	v4 =	vadd.f32 v7, v6  }
0x22b: {  	v25 =	vld [tilespmem:s25+$0xA4C0];
	(xrf2) =	vadd.scan.msk.f32 $0xffff, v2  }
0x22c: {  	v29 =	vld [tilespmem:s25+$0x44D0];
	v2 =	vadd.f32 v4, v3  }
0x22d: {  	v30 =	vld [tilespmem:s25+$0xA4D0]  }
0x22e: {  	v31 =	vld [tilespmem:s25+$0x44E0];
	(xrf2) =	vadd.scan.msk.f32 $0xffff, v2  }
0x22f: {  	v32 =	vld [tilespmem:s25+$0xA4E0]  }
0x230: {  	v2 =	vld [tilespmem:s25+$0x44F0]  }
0x231: {  	v3 =	vld [tilespmem:s25+$0xA4F0]  }
0x232: {  	v5 =	vld [tilespmem:s25+$0x4400]  }
0x233: {  	v8 =	vld [tilespmem:s25+$0xA400]  }
0x234: {  	v4 =	vld [tilespmem:s25+$0x4410]  }
0x235: {  	v6 =	vld [tilespmem:s25+$0xA410];
	v13, _, _ =	vpop (xrf2)  }
0x236: {  	v7 =	vld [tilespmem:s25+$0x4420]  }
0x237: {  	v10 =	vld [tilespmem:s25+$0xA420]  }
0x238: {  	v9 =	vld [tilespmem:s25+$0x4430];
	v12, _, _ =	vpop (xrf2)  }
0x239: {  	s0 =	sadd.s32 $0x1, s28;
	v14 =	vmov s28;
	s28 =	smov.u32 s30;
	v11 =	vld [tilespmem:s25+$0xA430];
	v15 =	vbroadcast v12, $0xF  }
0x23a: {  	vm0 =	veq.s32 v14, v0;
	v14 =	vmov s0;
	v16 =	vbroadcast v13, $0xF;
	v12 =	vld [tilespmem:s25+$0x4440]  }
0x23b: {  	v13 =	vld [tilespmem:s25+$0xA440];
	v1 =	vsel vm0, v15, v1;
	vm0 =	veq.s32 v14, v0  }
.Ltmp10:
0x23c: {  	v14 =	vld [tilespmem:s25+$0x4450];
	v1 =	vsel vm0, v16, v1;
	(pc) =	sbr.rel @p0 .LBB2_23-.Ltmp10, $4  }
0x23d: {  	v17 =	vmul.f32 v27, v26;
	v16 =	vld [tilespmem:s25+$0xA450]  }
0x23e: {  	v18 =	vmul.f32 v18, v28;
	v19 =	vmul.f32 v20, v19;
	v15 =	vld [tilespmem:s25+$0x4460]  }
0x23f: {  	v23 =	vmul.f32 v22, v21;
	v22 =	vmul.f32 v25, v24;
	v20 =	vld [tilespmem:s25+$0xA460]  }
0x240: {  	s29 =	sadd.s32 $0x400, s29;
	s30 =	sadd.s32 $0x2, s30;
	v24 =	vmul.f32 v30, v29;
	v25 =	vmul.f32 v32, v31;
	v21 =	vld [tilespmem:s25+$0x4470]  }
0x241: {  	v49 =	vld [tilespmem:s25+$0xA470]  }
0x242: {  	v5 =	vmul.f32 v8, v5;
	v2 =	vmul.f32 v3, v2  }
0x243: {  	v3 =	vmul.f32 v6, v4;
	v50 =	vmul.f32 v10, v7  }
0x244: {  	v51 =	vmul.f32 v11, v9;
	v52 =	vmul.f32 v13, v12;
	v54 =	vadd.f32 v18, v17  }
0x245: {  	v55 =	vadd.f32 v23, v19;
	v53 =	vmul.f32 v16, v14;
	v57 =	vadd.f32 v24, v22  }
0x246: {  	v2 =	vadd.f32 v2, v25;
	v56 =	vmul.f32 v20, v15;
	v8 =	vmul.f32 v49, v21  }
0x247: {  	v3 =	vadd.f32 v3, v5;
	v4 =	vadd.f32 v51, v50  }
0x248: {  	v58 =	vadd.f32 v53, v52;
	v59 =	vadd.f32 v8, v56  }
0x249: {  	v60 =	vadd.f32 v55, v54;
	v2 =	vadd.f32 v2, v57  }
0x24a: {  	v3 =	vadd.f32 v4, v3;
	v61 =	vadd.f32 v59, v58  }
0x24b: {  	v2 =	vadd.f32 v2, v60  }
0x24c: {  	v3 =	vadd.f32 v61, v3  }
0x24d: {  	(xrf2) =	vadd.scan.msk.f32 $0xffff, v2  }
0x24e: {  	(xrf2) =	vadd.scan.msk.f32 $0xffff, v3;
	_ =	sdelay $0x8  }
0x24f: {  	s23 =	sadd.s32 $0x1, s23;
	v2, _, _ =	vpop (xrf2)  }
0x250: {  	p0 =	sne.s32 s23, $0x4;
	v3, _, _ =	vpop (xrf2)  }
.Ltmp11:
0x251: {  	v62 =	vmov s28;
	s0 =	sadd.s32 $0x1, s28;
	v3 =	vbroadcast v3, $0xF;
	(pc) =	sbr.rel @p0 .LBB2_22-.Ltmp11, $4  }
0x252: {  	vm0 =	veq.s32 v62, v0;
	v63 =	vmov s0;
	v2 =	vbroadcast v2, $0xF  }
0x253: {  	vm15 =	veq.s32 v63, v0;
	v1 =	vsel vm0, v3, v1  }
0x254: {  	v1 =	vsel vm15, v2, v1  }
0x255: {  	s22 =	sadd.s32 $0x2000, s22;
	[tilespmem:s24+$0xC540] =	vst v1  }
0x256: {  	_ =	swait.ge [sflag:s10], $0x2000  }
0x257: {  	[sflag:s10] =	ssyncset.done $0x0  }
0x258: {  	[sflag:s10] =	ssyncadd.s32 $0xFFFFE000  }
0x259: {  	_ =	swait.ge [sflag:s10], $0x2000  }
0x25a: {  	s22 =	simm.s32 $0x0;
	[sflag:s10] =	ssyncset.done $0x0  }
0x25b: {  	s23 =	simm.s32 $0x6480;
	s24 =	simm.s32 $0x480;
	[sflag:s10] =	ssyncadd.s32 $0xFFFFE000  }
.LBB2_26:
0x25c: {  	v1 =	vld [tilespmem:s24+$0x0]  }
0x25d: {  	v11 =	vld [tilespmem:s23+$0x0]  }
0x25e: {  	v14 =	vld [tilespmem:s24+$0x10]  }
0x25f: {  	v15 =	vld [tilespmem:s23+$0x10]  }
0x260: {  	v17 =	vld [tilespmem:s24+$0x20]  }
0x261: {  	v18 =	vld [tilespmem:s23+$0x20]  }
0x262: {  	v19 =	vld [tilespmem:s24+$0x30]  }
0x263: {  	v20 =	vld [tilespmem:s23+$0x30]  }
0x264: {  	v21 =	vld [tilespmem:s24+$0x40]  }
0x265: {  	v22 =	vld [tilespmem:s23+$0x40]  }
0x266: {  	v23 =	vld [tilespmem:s24+$0x50]  }
0x267: {  	v24 =	vld [tilespmem:s23+$0x50]  }
0x268: {  	v25 =	vld [tilespmem:s24+$0x60]  }
0x269: {  	v26 =	vld [tilespmem:s23+$0x60]  }
0x26a: {  	v27 =	vld [tilespmem:s24+$0x70]  }
0x26b: {  	v28 =	vld [tilespmem:s23+$0x70]  }
0x26c: {  	v29 =	vld [tilespmem:s24+$0xFFFFFF80]  }
0x26d: {  	v30 =	vld [tilespmem:s23+$0xFFFFFF80]  }
0x26e: {  	v2 =	vld [tilespmem:s24+$0xFFFFFF90]  }
0x26f: {  	v3 =	vld [tilespmem:s23+$0xFFFFFF90]  }
0x270: {  	v4 =	vld [tilespmem:s24+$0xFFFFFFA0]  }
0x271: {  	v6 =	vld [tilespmem:s23+$0xFFFFFFA0]  }
0x272: {  	v5 =	vld [tilespmem:s24+$0xFFFFFFB0]  }
0x273: {  	v7 =	vld [tilespmem:s23+$0xFFFFFFB0]  }
0x274: {  	v8 =	vld [tilespmem:s24+$0xFFFFFFC0]  }
0x275: {  	v9 =	vld [tilespmem:s23+$0xFFFFFFC0]  }
0x276: {  	v10 =	vld [tilespmem:s24+$0xFFFFFFD0]  }
0x277: {  	v12 =	vld [tilespmem:s23+$0xFFFFFFD0];
	v13 =	vmul.f32 v11, v1  }
0x278: {  	v11 =	vld [tilespmem:s24+$0xFFFFFFE0];
	v16 =	vmul.f32 v15, v14;
	v17 =	vmul.f32 v18, v17  }
0x279: {  	v14 =	vld [tilespmem:s23+$0xFFFFFFE0];
	v19 =	vmul.f32 v20, v19;
	v18 =	vmul.f32 v22, v21  }
0x27a: {  	s25 =	sshll.u32 s22, $0x4;
	s29 =	sadd.s32 $0x100, s24;
	v15 =	vld [tilespmem:s24+$0xFFFFFFF0];
	v21 =	vmul.f32 v24, v23;
	v22 =	vmul.f32 v26, v25  }
0x27b: {  	s30 =	simm.s32 $0x2;
	s31 =	smov.u32 s23;
	s28 =	simm.s32 $0x0;
	v1 =	vimm.f32 $0.0e+00;
	v20 =	vmul.f32 v30, v29;
	v23 =	vld [tilespmem:s23+$0xFFFFFFF0];
	v24 =	vmul.f32 v28, v27  }
.LBB2_27:
0x27c: {  	v25 =	vld [tilespmem:s29+$0x0];
	p0 =	slt.u32 s30, $0xE;
	v2 =	vmul.f32 v3, v2;
	v3 =	vmul.f32 v6, v4;
	s31 =	sadd.s32 $0x100, s31  }
0x27d: {  	v4 =	vmul.f32 v7, v5;
	v5 =	vmul.f32 v9, v8;
	v26 =	vld [tilespmem:s31+$0x0]  }
0x27e: {  	v6 =	vmul.f32 v12, v10;
	v7 =	vadd.f32 v16, v13;
	v8 =	vadd.f32 v19, v17;
	v27 =	vld [tilespmem:s29+$0x10]  }
0x27f: {  	v10 =	vadd.f32 v21, v18;
	v9 =	vmul.f32 v14, v11;
	v11 =	vadd.f32 v24, v22;
	v16 =	vld [tilespmem:s31+$0x10]  }
0x280: {  	v2 =	vadd.f32 v2, v20;
	v3 =	vadd.f32 v4, v3;
	v14 =	vld [tilespmem:s29+$0x20];
	v12 =	vmul.f32 v23, v15  }
0x281: {  	v4 =	vadd.f32 v8, v7;
	v7 =	vadd.f32 v11, v10;
	v15 =	vld [tilespmem:s31+$0x20]  }
0x282: {  	v5 =	vadd.f32 v6, v5;
	v18 =	vld [tilespmem:s29+$0x30];
	v6 =	vadd.f32 v12, v9  }
0x283: {  	v4 =	vadd.f32 v7, v4;
	v19 =	vld [tilespmem:s31+$0x30]  }
0x284: {  	v2 =	vadd.f32 v3, v2;
	v20 =	vld [tilespmem:s29+$0x40];
	v3 =	vadd.f32 v6, v5  }
0x285: {  	v21 =	vld [tilespmem:s31+$0x40];
	(xrf2) =	vadd.scan.msk.f32 $0xffff, v4  }
0x286: {  	v22 =	vld [tilespmem:s29+$0x50];
	v2 =	vadd.f32 v3, v2  }
0x287: {  	v23 =	vld [tilespmem:s31+$0x50]  }
0x288: {  	v24 =	vld [tilespmem:s29+$0x60];
	(xrf2) =	vadd.scan.msk.f32 $0xffff, v2  }
0x289: {  	v28 =	vld [tilespmem:s31+$0x60]  }
0x28a: {  	v29 =	vld [tilespmem:s29+$0x70]  }
0x28b: {  	v30 =	vld [tilespmem:s31+$0x70]  }
0x28c: {  	v31 =	vld [tilespmem:s29+$0xFFFFFF80]  }
0x28d: {  	v32 =	vld [tilespmem:s31+$0xFFFFFF80]  }
0x28e: {  	v2 =	vld [tilespmem:s29+$0xFFFFFF90]  }
0x28f: {  	v3 =	vld [tilespmem:s31+$0xFFFFFF90];
	v9, _, _ =	vpop (xrf2)  }
0x290: {  	v4 =	vld [tilespmem:s29+$0xFFFFFFA0]  }
0x291: {  	v6 =	vld [tilespmem:s31+$0xFFFFFFA0]  }
0x292: {  	v5 =	vld [tilespmem:s29+$0xFFFFFFB0];
	v8, _, _ =	vpop (xrf2)  }
0x293: {  	s0 =	sadd.s32 $0x1, s28;
	v10 =	vmov s28;
	s28 =	smov.u32 s30;
	v7 =	vld [tilespmem:s31+$0xFFFFFFB0];
	v11 =	vbroadcast v8, $0xF  }
0x294: {  	vm0 =	veq.s32 v10, v0;
	v10 =	vmov s0;
	v12 =	vbroadcast v9, $0xF;
	v8 =	vld [tilespmem:s29+$0xFFFFFFC0]  }
0x295: {  	v9 =	vld [tilespmem:s31+$0xFFFFFFC0];
	v1 =	vsel vm0, v11, v1;
	vm0 =	veq.s32 v10, v0  }
0x296: {  	v10 =	vld [tilespmem:s29+$0xFFFFFFD0];
	v1 =	vsel vm0, v12, v1  }
.Ltmp12:
0x297: {  	v13 =	vmul.f32 v26, v25;
	v12 =	vld [tilespmem:s31+$0xFFFFFFD0];
	(pc) =	sbr.rel @p0 .LBB2_27-.Ltmp12, $4  }
0x298: {  	v16 =	vmul.f32 v16, v27;
	v17 =	vmul.f32 v15, v14;
	v11 =	vld [tilespmem:s29+$0xFFFFFFE0]  }
0x299: {  	v19 =	vmul.f32 v19, v18;
	v18 =	vmul.f32 v21, v20;
	v14 =	vld [tilespmem:s31+$0xFFFFFFE0]  }
0x29a: {  	v21 =	vmul.f32 v23, v22;
	v22 =	vmul.f32 v28, v24;
	v15 =	vld [tilespmem:s29+$0xFFFFFFF0]  }
0x29b: {  	s30 =	sadd.s32 $0x2, s30;
	v24 =	vmul.f32 v30, v29;
	v20 =	vmul.f32 v32, v31;
	s29 =	sadd.s32 $0x100, s29;
	v23 =	vld [tilespmem:s31+$0xFFFFFFF0]  }
0x29c: {  	_ = 	snop  }
0x29d: {  	v2 =	vmul.f32 v3, v2;
	v3 =	vmul.f32 v6, v4  }
0x29e: {  	v48 =	vmul.f32 v7, v5;
	v49 =	vmul.f32 v9, v8;
	v51 =	vadd.f32 v16, v13  }
0x29f: {  	v50 =	vmul.f32 v12, v10;
	v52 =	vadd.f32 v19, v17;
	v54 =	vadd.f32 v21, v18  }
0x2a0: {  	v55 =	vadd.f32 v24, v22;
	v53 =	vmul.f32 v14, v11;
	v56 =	vmul.f32 v23, v15  }
0x2a1: {  	v2 =	vadd.f32 v2, v20;
	v3 =	vadd.f32 v48, v3  }
0x2a2: {  	v57 =	vadd.f32 v50, v49;
	v58 =	vadd.f32 v56, v53  }
0x2a3: {  	v59 =	vadd.f32 v52, v51;
	v60 =	vadd.f32 v55, v54  }
0x2a4: {  	v2 =	vadd.f32 v3, v2;
	v3 =	vadd.f32 v58, v57  }
0x2a5: {  	v61 =	vadd.f32 v60, v59  }
0x2a6: {  	v2 =	vadd.f32 v3, v2  }
0x2a7: {  	(xrf2) =	vadd.scan.msk.f32 $0xffff, v61  }
0x2a8: {  	(xrf2) =	vadd.scan.msk.f32 $0xffff, v2;
	_ =	sdelay $0x8  }
0x2a9: {  	s22 =	sadd.s32 $0x1, s22;
	v2, _, _ =	vpop (xrf2)  }
0x2aa: {  	p0 =	sne.s32 s22, $0x4;
	v3, _, _ =	vpop (xrf2)  }
.Ltmp13:
0x2ab: {  	v62 =	vmov s28;
	s0 =	sadd.s32 $0x1, s28;
	v3 =	vbroadcast v3, $0xF;
	(pc) =	sbr.rel @p0 .LBB2_26-.Ltmp13, $4  }
0x2ac: {  	vm0 =	veq.s32 v62, v0;
	v63 =	vmov s0;
	v2 =	vbroadcast v2, $0xF  }
0x2ad: {  	vm15 =	veq.s32 v63, v0;
	v1 =	vsel vm0, v3, v1  }
0x2ae: {  	v1 =	vsel vm15, v2, v1  }
0x2af: {  	s23 =	sadd.s32 $0x800, s23;
	s24 =	sadd.s32 $0x800, s24;
	[tilespmem:s25+$0xC580] =	vst v1  }
0x2b0: {  	_ =	swait.ge [sflag:s11], $0x2000  }
0x2b1: {  	[sflag:s11] =	ssyncset.done $0x0  }
0x2b2: {  	[sflag:s11] =	ssyncadd.s32 $0xFFFFE000  }
0x2b3: {  	_ =	swait.ge [sflag:s11], $0x2000  }
0x2b4: {  	s22 =	simm.s32 $0x0;
	[sflag:s11] =	ssyncset.done $0x0  }
0x2b5: {  	s23 =	simm.s32 $0x24F0;
	s24 =	simm.s32 $0x84F0;
	[sflag:s11] =	ssyncadd.s32 $0xFFFFE000  }
.LBB2_30:
0x2b6: {  	v1 =	vld [tilespmem:s23+$0xFFFFFF90]  }
0x2b7: {  	v11 =	vld [tilespmem:s24+$0xFFFFFF90]  }
0x2b8: {  	v14 =	vld [tilespmem:s23+$0xFFFFFFA0]  }
0x2b9: {  	v15 =	vld [tilespmem:s24+$0xFFFFFFA0]  }
0x2ba: {  	v17 =	vld [tilespmem:s23+$0xFFFFFFB0]  }
0x2bb: {  	v18 =	vld [tilespmem:s24+$0xFFFFFFB0]  }
0x2bc: {  	v19 =	vld [tilespmem:s23+$0xFFFFFFC0]  }
0x2bd: {  	v20 =	vld [tilespmem:s24+$0xFFFFFFC0]  }
0x2be: {  	v21 =	vld [tilespmem:s23+$0xFFFFFFD0]  }
0x2bf: {  	v22 =	vld [tilespmem:s24+$0xFFFFFFD0]  }
0x2c0: {  	v23 =	vld [tilespmem:s23+$0xFFFFFFE0]  }
0x2c1: {  	v24 =	vld [tilespmem:s24+$0xFFFFFFE0]  }
0x2c2: {  	v25 =	vld [tilespmem:s23+$0xFFFFFFF0]  }
0x2c3: {  	v26 =	vld [tilespmem:s24+$0xFFFFFFF0]  }
0x2c4: {  	v27 =	vld [tilespmem:s23+$0x0]  }
0x2c5: {  	v28 =	vld [tilespmem:s24+$0x0]  }
0x2c6: {  	v29 =	vld [tilespmem:s23+$0xFFFFFF10]  }
0x2c7: {  	v30 =	vld [tilespmem:s24+$0xFFFFFF10]  }
0x2c8: {  	v2 =	vld [tilespmem:s23+$0xFFFFFF20]  }
0x2c9: {  	v3 =	vld [tilespmem:s24+$0xFFFFFF20]  }
0x2ca: {  	v4 =	vld [tilespmem:s23+$0xFFFFFF30]  }
0x2cb: {  	v6 =	vld [tilespmem:s24+$0xFFFFFF30]  }
0x2cc: {  	v5 =	vld [tilespmem:s23+$0xFFFFFF40]  }
0x2cd: {  	v7 =	vld [tilespmem:s24+$0xFFFFFF40]  }
0x2ce: {  	v8 =	vld [tilespmem:s23+$0xFFFFFF50]  }
0x2cf: {  	v9 =	vld [tilespmem:s24+$0xFFFFFF50]  }
0x2d0: {  	v10 =	vld [tilespmem:s23+$0xFFFFFF60]  }
0x2d1: {  	v12 =	vld [tilespmem:s24+$0xFFFFFF60];
	v13 =	vmul.f32 v11, v1  }
0x2d2: {  	v11 =	vld [tilespmem:s23+$0xFFFFFF70];
	v16 =	vmul.f32 v15, v14;
	v17 =	vmul.f32 v18, v17  }
0x2d3: {  	v14 =	vld [tilespmem:s24+$0xFFFFFF70];
	v19 =	vmul.f32 v20, v19;
	v18 =	vmul.f32 v22, v21  }
0x2d4: {  	s25 =	sshll.u32 s22, $0x4;
	s29 =	sadd.s32 $0x100, s23;
	v15 =	vld [tilespmem:s23+$0xFFFFFF80];
	v21 =	vmul.f32 v24, v23;
	v22 =	vmul.f32 v26, v25  }
0x2d5: {  	s30 =	simm.s32 $0x2;
	s31 =	smov.u32 s24;
	s28 =	simm.s32 $0x0;
	v1 =	vimm.f32 $0.0e+00;
	v20 =	vmul.f32 v30, v29;
	v23 =	vld [tilespmem:s24+$0xFFFFFF80];
	v24 =	vmul.f32 v28, v27  }
.LBB2_31:
0x2d6: {  	v25 =	vld [tilespmem:s29+$0xFFFFFF90];
	p0 =	slt.u32 s30, $0xE;
	v2 =	vmul.f32 v3, v2;
	v3 =	vmul.f32 v6, v4;
	s31 =	sadd.s32 $0x100, s31  }
0x2d7: {  	v4 =	vmul.f32 v7, v5;
	v5 =	vmul.f32 v9, v8;
	v26 =	vld [tilespmem:s31+$0xFFFFFF90]  }
0x2d8: {  	v6 =	vmul.f32 v12, v10;
	v7 =	vadd.f32 v16, v13;
	v8 =	vadd.f32 v19, v17;
	v27 =	vld [tilespmem:s29+$0xFFFFFFA0]  }
0x2d9: {  	v10 =	vadd.f32 v21, v18;
	v9 =	vmul.f32 v14, v11;
	v11 =	vadd.f32 v24, v22;
	v16 =	vld [tilespmem:s31+$0xFFFFFFA0]  }
0x2da: {  	v2 =	vadd.f32 v2, v20;
	v3 =	vadd.f32 v4, v3;
	v14 =	vld [tilespmem:s29+$0xFFFFFFB0];
	v12 =	vmul.f32 v23, v15  }
0x2db: {  	v4 =	vadd.f32 v8, v7;
	v7 =	vadd.f32 v11, v10;
	v15 =	vld [tilespmem:s31+$0xFFFFFFB0]  }
0x2dc: {  	v5 =	vadd.f32 v6, v5;
	v18 =	vld [tilespmem:s29+$0xFFFFFFC0];
	v6 =	vadd.f32 v12, v9  }
0x2dd: {  	v4 =	vadd.f32 v7, v4;
	v19 =	vld [tilespmem:s31+$0xFFFFFFC0]  }
0x2de: {  	v2 =	vadd.f32 v3, v2;
	v20 =	vld [tilespmem:s29+$0xFFFFFFD0];
	v3 =	vadd.f32 v6, v5  }
0x2df: {  	v21 =	vld [tilespmem:s31+$0xFFFFFFD0];
	(xrf2) =	vadd.scan.msk.f32 $0xffff, v4  }
0x2e0: {  	v22 =	vld [tilespmem:s29+$0xFFFFFFE0];
	v2 =	vadd.f32 v3, v2  }
0x2e1: {  	v23 =	vld [tilespmem:s31+$0xFFFFFFE0]  }
0x2e2: {  	v24 =	vld [tilespmem:s29+$0xFFFFFFF0];
	(xrf2) =	vadd.scan.msk.f32 $0xffff, v2  }
0x2e3: {  	v28 =	vld [tilespmem:s31+$0xFFFFFFF0]  }
0x2e4: {  	v29 =	vld [tilespmem:s29+$0x0]  }
0x2e5: {  	v30 =	vld [tilespmem:s31+$0x0]  }
0x2e6: {  	v31 =	vld [tilespmem:s29+$0xFFFFFF10]  }
0x2e7: {  	v32 =	vld [tilespmem:s31+$0xFFFFFF10]  }
0x2e8: {  	v2 =	vld [tilespmem:s29+$0xFFFFFF20]  }
0x2e9: {  	v3 =	vld [tilespmem:s31+$0xFFFFFF20];
	v9, _, _ =	vpop (xrf2)  }
0x2ea: {  	v4 =	vld [tilespmem:s29+$0xFFFFFF30]  }
0x2eb: {  	v6 =	vld [tilespmem:s31+$0xFFFFFF30]  }
0x2ec: {  	v5 =	vld [tilespmem:s29+$0xFFFFFF40];
	v8, _, _ =	vpop (xrf2)  }
0x2ed: {  	s0 =	sadd.s32 $0x1, s28;
	v10 =	vmov s28;
	s28 =	smov.u32 s30;
	v7 =	vld [tilespmem:s31+$0xFFFFFF40];
	v11 =	vbroadcast v8, $0xF  }
0x2ee: {  	vm0 =	veq.s32 v10, v0;
	v10 =	vmov s0;
	v12 =	vbroadcast v9, $0xF;
	v8 =	vld [tilespmem:s29+$0xFFFFFF50]  }
0x2ef: {  	v9 =	vld [tilespmem:s31+$0xFFFFFF50];
	v1 =	vsel vm0, v11, v1;
	vm0 =	veq.s32 v10, v0  }
0x2f0: {  	v10 =	vld [tilespmem:s29+$0xFFFFFF60];
	v1 =	vsel vm0, v12, v1  }
.Ltmp14:
0x2f1: {  	v13 =	vmul.f32 v26, v25;
	v12 =	vld [tilespmem:s31+$0xFFFFFF60];
	(pc) =	sbr.rel @p0 .LBB2_31-.Ltmp14, $4  }
0x2f2: {  	v16 =	vmul.f32 v16, v27;
	v17 =	vmul.f32 v15, v14;
	v11 =	vld [tilespmem:s29+$0xFFFFFF70]  }
0x2f3: {  	v19 =	vmul.f32 v19, v18;
	v18 =	vmul.f32 v21, v20;
	v14 =	vld [tilespmem:s31+$0xFFFFFF70]  }
0x2f4: {  	v21 =	vmul.f32 v23, v22;
	v22 =	vmul.f32 v28, v24;
	v15 =	vld [tilespmem:s29+$0xFFFFFF80]  }
0x2f5: {  	s30 =	sadd.s32 $0x2, s30;
	v24 =	vmul.f32 v30, v29;
	v20 =	vmul.f32 v32, v31;
	s29 =	sadd.s32 $0x100, s29;
	v23 =	vld [tilespmem:s31+$0xFFFFFF80]  }
0x2f6: {  	_ = 	snop  }
0x2f7: {  	v2 =	vmul.f32 v3, v2;
	v3 =	vmul.f32 v6, v4  }
0x2f8: {  	v48 =	vmul.f32 v7, v5;
	v49 =	vmul.f32 v9, v8;
	v51 =	vadd.f32 v16, v13  }
0x2f9: {  	v50 =	vmul.f32 v12, v10;
	v52 =	vadd.f32 v19, v17;
	v54 =	vadd.f32 v21, v18  }
0x2fa: {  	v55 =	vadd.f32 v24, v22;
	v53 =	vmul.f32 v14, v11;
	v56 =	vmul.f32 v23, v15  }
0x2fb: {  	v2 =	vadd.f32 v2, v20;
	v3 =	vadd.f32 v48, v3  }
0x2fc: {  	v57 =	vadd.f32 v50, v49;
	v58 =	vadd.f32 v56, v53  }
0x2fd: {  	v59 =	vadd.f32 v52, v51;
	v60 =	vadd.f32 v55, v54  }
0x2fe: {  	v2 =	vadd.f32 v3, v2;
	v3 =	vadd.f32 v58, v57  }
0x2ff: {  	v61 =	vadd.f32 v60, v59  }
0x300: {  	v2 =	vadd.f32 v3, v2  }
0x301: {  	(xrf2) =	vadd.scan.msk.f32 $0xffff, v61  }
0x302: {  	(xrf2) =	vadd.scan.msk.f32 $0xffff, v2;
	_ =	sdelay $0x8  }
0x303: {  	s22 =	sadd.s32 $0x1, s22;
	v2, _, _ =	vpop (xrf2)  }
0x304: {  	p0 =	sne.s32 s22, $0x4;
	v3, _, _ =	vpop (xrf2)  }
.Ltmp15:
0x305: {  	v62 =	vmov s28;
	s0 =	sadd.s32 $0x1, s28;
	v3 =	vbroadcast v3, $0xF;
	(pc) =	sbr.rel @p0 .LBB2_30-.Ltmp15, $4  }
0x306: {  	vm0 =	veq.s32 v62, v0;
	v63 =	vmov s0;
	v2 =	vbroadcast v2, $0xF  }
0x307: {  	vm15 =	veq.s32 v63, v0;
	v1 =	vsel vm0, v3, v1  }
0x308: {  	v1 =	vsel vm15, v2, v1  }
0x309: {  	s23 =	sadd.s32 $0x800, s23;
	s24 =	sadd.s32 $0x800, s24;
	[tilespmem:s25+$0xC5C0] =	vst v1  }
0x30a: {  	s20 =	sadd.s32 $0x1, s20  }
0x30b: {  	p0 =	sne.s32 s20, s8  }
.Ltmp16:
0x30c: {  	_ = 	snop;
	(pc) =	sbr.rel @p0 .LBB2_1-.Ltmp16, $4  }
0x30d: {  	[hbm4b:s7+s4] =	stream.linear.scatter [tilespmem:s16], [sflag:$0x4], $0x200, $0x38;
	[tilespmem:$0xC600] =	vst v63  }
0x30e: {  	_ =	swait.ge [sflag:s18], $0x200  }
0x30f: {  	[sflag:s18] =	ssyncset.done $0x0  }
0x310: {  	[sflag:s18] =	ssyncadd.s32 $0xFFFFFE00  }
0x311: {  	_ =	sfence.sel $0x180000  }
0x312: {  	[bflag:$0x0] =	sbarrier.arrive $0xFFFF  }
0x313: {  	_ =	strace $0x90000047  }
0x314: {  	s0 =	stileid.u32;
	[bflag:$0x2] =	sbarrier.arrive $0xFFFF  }
0x315: {  	p0 =	sne.s32 s0, $0x0;
	s0 =	rddreg [dreg:$0x5]  }
0x316: {  	s0 =	sadd.s32 @!p0 $0x100000, s0  }
0x317: {  	[sflag:s0] =	ssyncadd.tile.s32 @!p0 $0x1;
	_ =	shalt  }
.Lfunc_end2:
_tile_overlayer_lowered:
.L_overlay_start_2:
0x318: {  	(tag) =	ssettag $0x2  }
0x319: {  	s0 =	rddreg [dreg:$0x0];
	s2 =	stileid.u32  }
0x31a: {  	s1 =	rddreg [dreg:$0x1];
	p0 =	sne.s32 s2, $0x0  }
0x31b: {  	s3 =	rddreg [dreg:$0x2];
	[bflag:$0x3] =	sbarrier.arrive $0xFFFF;
	s2 =	simm.s32 @!p0 $0x1C04  }
0x31c: {  	[timem:s3], [sflag:s2] =	dma.local @!p0 [hbm:s0], s1  }
0x31d: {  	s0 =	simm.s32 @!p0 $0x4  }
0x31e: {  	_ =	swait.ge @!p0 [sflag:s0], s1  }
0x31f: {  	s1 =	ssub.s32 @!p0 $0x0, s1;
	[sflag:s0] =	ssyncset.done @!p0 $0x0  }
0x320: {  	[sflag:s0] =	ssyncadd.s32 @!p0 s1  }
0x321: {  	[bflag:$0x3] =	sbarrier.arrive $0xFFFF  }
0x322: {  	_ =	shalt  }

</sc_bundles>
